<compile_context>
chip_gen: v7x
topology: tpu7x:2x2x1
jax: 0.10.2.dev20260603
libtpu: 0.0.44.dev20260713+nightly
codegen_flags: <defaults>
</compile_context>

<pallas_src>
import functools

import jax
import jax.numpy as jnp
from jax import lax
from jax.experimental import pallas as pl
from jax.experimental.pallas import tpu as pltpu
from jax.experimental.pallas import tpu_sc as plsc

_B = 4096
_L = 200
_D = 128
_E = 8
_FFN = 512
_OUT = 2

_NC = 2
_NS = 16
_NW = _NC * _NS
_TPW = _B // _NW
_C0 = 104
_C1 = 96

_NBUF = 3


def _pool_body(x_hbm, emb_hbm, out_hbm, ids_v, rows_a, rows_b, out_v,
               sem_a, sem_b):
    wid = lax.axis_index("s") * _NC + lax.axis_index("c")
    tok0 = wid * _TPW
    pltpu.sync_copy(x_hbm.at[pl.ds(tok0 * _L, _TPW * _L)], ids_v)

    def copies(i, s):
        base = i * _L
        return (
            pltpu.make_async_copy(emb_hbm.at[ids_v.at[pl.ds(base, _C0)]],
                                  rows_a[s], sem_a[s]),
            pltpu.make_async_copy(
                emb_hbm.at[ids_v.at[pl.ds(base + _C0, _C1)]],
                rows_b[s], sem_b[s]),
        )

    def issue(i, s):
        ca, cb = copies(i, s)
        ca.start()
        cb.start()

    def acc_rows(rows_ref, n, accs):
        def rbody(r, accs):
            for u in range(4):
                accs = tuple(accs[d] + rows_ref[r * 4 + u, pl.ds(d * 16, 16)]
                             for d in range(8))
            return accs
        return lax.fori_loop(0, n // 4, rbody, accs)

    for s in range(_NBUF):
        issue(s, s)

    def consume(i, s):
        ca, cb = copies(i, s)
        ca.wait()
        accs = tuple(jnp.zeros((16,), jnp.float32) for _ in range(8))
        accs = acc_rows(rows_a[s], _C0, accs)
        cb.wait()
        accs = acc_rows(rows_b[s], _C1, accs)
        scale = jnp.float32(1.0 / _L)
        for d in range(8):
            out_v[i, pl.ds(d * 16, 16)] = accs[d] * scale

    def token_body(j, carry):
        for s in range(_NBUF):
            i = j * _NBUF + s
            consume(i, s)

            @pl.when(i + _NBUF < _TPW)
            def _():
                issue(i + _NBUF, s)
        return carry

    _full = _TPW // _NBUF
    lax.fori_loop(0, _full, token_body, 0)
    for s in range(_TPW % _NBUF):
        consume(_full * _NBUF + s, s)
    pltpu.sync_copy(out_v, out_hbm.at[pl.ds(tok0, _TPW)])


@functools.cache
def _pool():
    return pl.kernel(
        _pool_body,
        out_type=jax.ShapeDtypeStruct((_B, _D), jnp.float32),
        mesh=plsc.VectorSubcoreMesh(core_axis_name="c", subcore_axis_name="s",
                                    num_cores=_NC, num_subcores=_NS),
        scratch_types=[
            pltpu.VMEM((_TPW * _L,), jnp.int32),
            [pltpu.VMEM((_C0, _D), jnp.float32) for _ in range(_NBUF)],
            [pltpu.VMEM((_C1, _D), jnp.float32) for _ in range(_NBUF)],
            pltpu.VMEM((_TPW, _D), jnp.float32),
            [pltpu.SemaphoreType.DMA for _ in range(_NBUF)],
            [pltpu.SemaphoreType.DMA for _ in range(_NBUF)],
        ],
    )


_BLK = 2048


def _moe_body(emb_ref, wg_ref, w1_ref, b1_ref, w2_ref, b2_ref, wfc_ref,
              bfc_ref, out_ref):
    e = emb_ref[...]
    logits = jnp.dot(e, wg_ref[...], preferred_element_type=jnp.float32)
    m = jnp.max(logits, axis=-1, keepdims=True)
    gate = 1.0 / jnp.sum(jnp.exp(logits - m), axis=-1, keepdims=True)
    lane = lax.broadcasted_iota(jnp.int32, logits.shape, 1)
    top1 = jnp.min(jnp.where(logits == m, lane, _E), axis=-1, keepdims=True)
    wfc = wfc_ref[...]
    b2fc = jnp.dot(b2_ref[...], wfc, preferred_element_type=jnp.float32)
    e16 = e.astype(jnp.bfloat16)
    acc = jnp.zeros((e.shape[0], _OUT), jnp.float32)
    for ei in range(_E):
        h = jnp.maximum(
            jnp.dot(e16, w1_ref[ei].astype(jnp.bfloat16),
                    preferred_element_type=jnp.float32)
            + b1_ref[ei], 0.0)
        w2fc = jnp.dot(w2_ref[ei], wfc, preferred_element_type=jnp.float32)
        t = jnp.dot(h.astype(jnp.bfloat16), w2fc.astype(jnp.bfloat16),
                    preferred_element_type=jnp.float32) \
            + b2fc[ei:ei + 1, :]
        acc = acc + jnp.where(top1 == ei, t, 0.0)
    y = gate * acc + bfc_ref[...]
    my = jnp.max(y, axis=-1, keepdims=True)
    lse = my + jnp.log(jnp.sum(jnp.exp(y - my), axis=-1, keepdims=True))
    out_ref[...] = y - lse


def _moe(embedded, W_g, W1, b1, W2, b2, W_fc, b_fc, interpret=False):
    return pl.pallas_call(
        _moe_body,
        grid=(_B // _BLK,),
        in_specs=[
            pl.BlockSpec((_BLK, _D), lambda i: (i, 0)),
            pl.BlockSpec((_D, _E), lambda i: (0, 0)),
            pl.BlockSpec((_E, _D, _FFN), lambda i: (0, 0, 0)),
            pl.BlockSpec((_E, 1, _FFN), lambda i: (0, 0, 0)),
            pl.BlockSpec((_E, _FFN, _D), lambda i: (0, 0, 0)),
            pl.BlockSpec((_E, _D), lambda i: (0, 0)),
            pl.BlockSpec((_D, _OUT), lambda i: (0, 0)),
            pl.BlockSpec((1, _OUT), lambda i: (0, 0)),
        ],
        out_specs=pl.BlockSpec((_BLK, _OUT), lambda i: (i, 0)),
        out_shape=jax.ShapeDtypeStruct((_B, _OUT), jnp.float32),
        compiler_params=pltpu.CompilerParams(
            dimension_semantics=("parallel",)),
        interpret=interpret,
    )(embedded, W_g, W1, b1.reshape(_E, 1, _FFN), W2,
      b2, W_fc, b_fc.reshape(1, _OUT))


def kernel(x, emb, W_g, W1, b1, W2, b2, W_fc, b_fc):
    x_flat = x.reshape(-1).astype(jnp.int32)
    embedded = _pool()(x_flat, emb)
    return _moe(embedded, W_g, W1, b1, W2, b2, W_fc, b_fc)

# --- scband reference (transcript-rebuilt; emitter-appended) ---
"""Pipeline reference for scband-sentiment-classification-mo-e-14611478741706 (READ-ONLY COPY).

The authoritative reference and input builder live on the scoring server;
editing this copy changes nothing except your own understanding.
"""

import jax, jax.numpy as jnp
import numpy as np

VOCAB = 100000
D = 128        # embedding_dim == hidden_size
E = 8          # num_experts
FFN = 512      # expert MLP hidden (4x)
OUT = 2        # output_dim
B = 4096       # batch
L = 200        # sequence length


def setup_inputs(seed: int = 0) -> dict:
    key = jax.random.key(seed)
    ks = jax.random.split(key, 8)
    x = jax.random.randint(ks[0], (B, L), 0, VOCAB)
    emb = jax.random.normal(ks[1], (VOCAB, D), dtype=jnp.float32) * 0.02
    emb = emb.at[0].set(0.0)  # padding_idx=0
    W_g = jax.random.normal(ks[2], (D, E), dtype=jnp.float32) * 0.02
    W1 = jax.random.normal(ks[3], (E, D, FFN), dtype=jnp.float32) * 0.02
    b1 = jnp.zeros((E, FFN), dtype=jnp.float32)
    W2 = jax.random.normal(ks[4], (E, FFN, D), dtype=jnp.float32) * 0.02
    b2 = jnp.zeros((E, D), dtype=jnp.float32)
    W_fc = jax.random.normal(ks[5], (D, OUT), dtype=jnp.float32) * 0.02
    b_fc = jnp.zeros((OUT,), dtype=jnp.float32)
    return {"x": x, "emb": emb, "W_g": W_g, "W1": W1, "b1": b1,
            "W2": W2, "b2": b2, "W_fc": W_fc, "b_fc": b_fc}


def reference(x, emb, W_g, W1, b1, W2, b2, W_fc, b_fc):
    # embedding lookup + mean over sequence dim
    embedded = jnp.take(emb, x, axis=0).mean(axis=1)  # [B, D]
    # top-1 gating (deepspeed MoE default k=1, min_capacity=0 -> no drops)
    logits = embedded @ W_g                   # [B, E]
    probs = jax.nn.softmax(logits, axis=-1)
    top1 = jnp.argmax(probs, axis=-1)         # [B]
    gate = jnp.max(probs, axis=-1)            # [B]
    disp = jax.nn.one_hot(top1, E, dtype=embedded.dtype)  # [B, E]
    # dispatch tokens to experts
    xin = jnp.einsum('be,bd->ebd', disp, embedded)         # [E, B, D]
    h = jax.nn.relu(jnp.einsum('ebd,edf->ebf', xin, W1) + b1[:, None, :])
    oe = jnp.einsum('ebf,efd->ebd', h, W2) + b2[:, None, :]
    # combine, scaled by gate value
    moe_out = jnp.einsum('be,ebd->bd', disp * gate[:, None], oe)  # [B, D]
    y = moe_out @ W_fc + b_fc
    return jax.nn.log_softmax(y, axis=1)

if __name__ == "__main__":
    import jax
    _d = setup_inputs()
    print(jax.jit(kernel)(*tuple(_d.values())))

</pallas_src>

<mosaic_0001>
#map = affine_map<(d0, d1) -> (0)>
#map1 = affine_map<(d0, d1) -> (0, 0)>
module attributes {stable_mosaic.version = 14 : i64} {
  func.func @_pool_body(%arg0: i32, %arg1: i32, %arg2: memref<819200xi32, #tpu.memory_space<hbm>>, %arg3: memref<100000x128xf32, #tpu.memory_space<hbm>>, %arg4: memref<4096x128xf32, #tpu.memory_space<hbm>>, %arg5: memref<25600xi32, #tpu.memory_space<vmem>>, %arg6: memref<104x128xf32, #tpu.memory_space<vmem>>, %arg7: memref<104x128xf32, #tpu.memory_space<vmem>>, %arg8: memref<104x128xf32, #tpu.memory_space<vmem>>, %arg9: memref<96x128xf32, #tpu.memory_space<vmem>>, %arg10: memref<96x128xf32, #tpu.memory_space<vmem>>, %arg11: memref<96x128xf32, #tpu.memory_space<vmem>>, %arg12: memref<128x128xf32, #tpu.memory_space<vmem>>, %arg13: memref<!tpu.dma_semaphore, #tpu.memory_space<semaphore_mem>>, %arg14: memref<!tpu.dma_semaphore, #tpu.memory_space<semaphore_mem>>, %arg15: memref<!tpu.dma_semaphore, #tpu.memory_space<semaphore_mem>>, %arg16: memref<!tpu.dma_semaphore, #tpu.memory_space<semaphore_mem>>, %arg17: memref<!tpu.dma_semaphore, #tpu.memory_space<semaphore_mem>>, %arg18: memref<!tpu.dma_semaphore, #tpu.memory_space<semaphore_mem>>) attributes {dimension_semantics = [#tpu.dimension_semantics<core_parallel>, #tpu.dimension_semantics<subcore_parallel>], iteration_bounds = array<i64: 2, 16>, scalar_prefetch = 0 : i64, scratch_operands = 14 : i64, tpu.core_type = #tpu.core_type<sc_vector_subcore>, window_params = [{transform_indices = #map}, {transform_indices = #map1}, {transform_indices = #map1}]} {
    %mul3A = arith.constant 2 : i32
    %mul3A_0 = arith.muli %arg1, %mul3A : i32
    %add3A = arith.addi %mul3A_0, %arg0 : i32
    %mul3A_1 = arith.constant 128 : i32
    %mul3A_2 = arith.muli %add3A, %mul3A_1 : i32
    %mul3A_3 = arith.constant 200 : i32
    %mul3A_4 = arith.muli %mul3A_2, %mul3A_3 : i32
    "tpu.region"() ({
      %run_scoped3A = tpu.sem_alloc : memref<!tpu.dma_semaphore, #tpu.memory_space<semaphore_mem>>
      %dma_start3A_256 = tpu.memref_slice %arg2[%mul3A_4] : memref<819200xi32, #tpu.memory_space<hbm>> -> memref<25600xi32, #tpu.memory_space<hbm>>
      %dma_start3A_257 = tpu.memref_slice %arg2[%mul3A_4] : memref<819200xi32, #tpu.memory_space<hbm>> -> memref<25600xi32, #tpu.memory_space<hbm>>
      tpu.enqueue_dma source(%dma_start3A_257 : memref<25600xi32, #tpu.memory_space<hbm>>) target(%arg5 : memref<25600xi32, #tpu.memory_space<vmem>>) target_semaphore(%run_scoped3A : memref<!tpu.dma_semaphore, #tpu.memory_space<semaphore_mem>>)
      %dma_wait3A_258 = tpu.memref_slice %arg2[%mul3A_4] : memref<819200xi32, #tpu.memory_space<hbm>> -> memref<25600xi32, #tpu.memory_space<hbm>>
      %dma_wait3A_259 = tpu.memref_slice %arg2[%mul3A_4] : memref<819200xi32, #tpu.memory_space<hbm>> -> memref<25600xi32, #tpu.memory_space<hbm>>
      tpu.wait_dma2 semaphore(%run_scoped3A : memref<!tpu.dma_semaphore, #tpu.memory_space<semaphore_mem>>) src(%dma_wait3A_259 : memref<25600xi32, #tpu.memory_space<hbm>>) dst(%arg5 : memref<25600xi32, #tpu.memory_space<vmem>>)
      tpu.yield
    }) : () -> ()
    %dma_start3A = arith.constant 0 : i32
    %dma_start3A_5 = tpu.memref_slice %arg5[%dma_start3A] : memref<25600xi32, #tpu.memory_space<vmem>> -> memref<104xi32, #tpu.memory_space<vmem>>
    %dma_start3A_6 = arith.constant 0 : i32
    %dma_start3A_7 = arith.constant 0 : i32
    %dma_start3A_8 = tpu.memref_slice %arg3[%dma_start3A_6, %dma_start3A_7] : memref<100000x128xf32, #tpu.memory_space<hbm>> -> memref<100000x128xf32, #tpu.memory_space<hbm>>
    tpu.enqueue_indirect_dma source(%dma_start3A_8 : memref<100000x128xf32, #tpu.memory_space<hbm>>) target(%arg6 : memref<104x128xf32, #tpu.memory_space<vmem>>) offsets(%dma_start3A_5 : memref<104xi32, #tpu.memory_space<vmem>>) semaphore(%arg13 : memref<!tpu.dma_semaphore, #tpu.memory_space<semaphore_mem>>)
    %dma_start3A_9 = arith.constant 104 : i32
    %dma_start3A_10 = tpu.memref_slice %arg5[%dma_start3A_9] : memref<25600xi32, #tpu.memory_space<vmem>> -> memref<96xi32, #tpu.memory_space<vmem>>
    %dma_start3A_11 = arith.constant 0 : i32
    %dma_start3A_12 = arith.constant 0 : i32
    %dma_start3A_13 = tpu.memref_slice %arg3[%dma_start3A_11, %dma_start3A_12] : memref<100000x128xf32, #tpu.memory_space<hbm>> -> memref<100000x128xf32, #tpu.memory_space<hbm>>
    tpu.enqueue_indirect_dma source(%dma_start3A_13 : memref<100000x128xf32, #tpu.memory_space<hbm>>) target(%arg9 : memref<96x128xf32, #tpu.memory_space<vmem>>) offsets(%dma_start3A_10 : memref<96xi32, #tpu.memory_space<vmem>>) semaphore(%arg16 : memref<!tpu.dma_semaphore, #tpu.memory_space<semaphore_mem>>)
    %dma_start3A_14 = arith.constant 200 : i32
    %dma_start3A_15 = tpu.memref_slice %arg5[%dma_start3A_14] : memref<25600xi32, #tpu.memory_space<vmem>> -> memref<104xi32, #tpu.memory_space<vmem>>
    %dma_start3A_16 = arith.constant 0 : i32
    %dma_start3A_17 = arith.constant 0 : i32
    %dma_start3A_18 = tpu.memref_slice %arg3[%dma_start3A_16, %dma_start3A_17] : memref<100000x128xf32, #tpu.memory_space<hbm>> -> memref<100000x128xf32, #tpu.memory_space<hbm>>
    tpu.enqueue_indirect_dma source(%dma_start3A_18 : memref<100000x128xf32, #tpu.memory_space<hbm>>) target(%arg7 : memref<104x128xf32, #tpu.memory_space<vmem>>) offsets(%dma_start3A_15 : memref<104xi32, #tpu.memory_space<vmem>>) semaphore(%arg14 : memref<!tpu.dma_semaphore, #tpu.memory_space<semaphore_mem>>)
    %dma_start3A_19 = arith.constant 304 : i32
    %dma_start3A_20 = tpu.memref_slice %arg5[%dma_start3A_19] : memref<25600xi32, #tpu.memory_space<vmem>> -> memref<96xi32, #tpu.memory_space<vmem>>
    %dma_start3A_21 = arith.constant 0 : i32
    %dma_start3A_22 = arith.constant 0 : i32
    %dma_start3A_23 = tpu.memref_slice %arg3[%dma_start3A_21, %dma_start3A_22] : memref<100000x128xf32, #tpu.memory_space<hbm>> -> memref<100000x128xf32, #tpu.memory_space<hbm>>
    tpu.enqueue_indirect_dma source(%dma_start3A_23 : memref<100000x128xf32, #tpu.memory_space<hbm>>) target(%arg10 : memref<96x128xf32, #tpu.memory_space<vmem>>) offsets(%dma_start3A_20 : memref<96xi32, #tpu.memory_space<vmem>>) semaphore(%arg17 : memref<!tpu.dma_semaphore, #tpu.memory_space<semaphore_mem>>)
    %dma_start3A_24 = arith.constant 400 : i32
    %dma_start3A_25 = tpu.memref_slice %arg5[%dma_start3A_24] : memref<25600xi32, #tpu.memory_space<vmem>> -> memref<104xi32, #tpu.memory_space<vmem>>
    %dma_start3A_26 = arith.constant 0 : i32
    %dma_start3A_27 = arith.constant 0 : i32
    %dma_start3A_28 = tpu.memref_slice %arg3[%dma_start3A_26, %dma_start3A_27] : memref<100000x128xf32, #tpu.memory_space<hbm>> -> memref<100000x128xf32, #tpu.memory_space<hbm>>
    tpu.enqueue_indirect_dma source(%dma_start3A_28 : memref<100000x128xf32, #tpu.memory_space<hbm>>) target(%arg8 : memref<104x128xf32, #tpu.memory_space<vmem>>) offsets(%dma_start3A_25 : memref<104xi32, #tpu.memory_space<vmem>>) semaphore(%arg15 : memref<!tpu.dma_semaphore, #tpu.memory_space<semaphore_mem>>)
    %dma_start3A_29 = arith.constant 504 : i32
    %dma_start3A_30 = tpu.memref_slice %arg5[%dma_start3A_29] : memref<25600xi32, #tpu.memory_space<vmem>> -> memref<96xi32, #tpu.memory_space<vmem>>
    %dma_start3A_31 = arith.constant 0 : i32
    %dma_start3A_32 = arith.constant 0 : i32
    %dma_start3A_33 = tpu.memref_slice %arg3[%dma_start3A_31, %dma_start3A_32] : memref<100000x128xf32, #tpu.memory_space<hbm>> -> memref<100000x128xf32, #tpu.memory_space<hbm>>
    tpu.enqueue_indirect_dma source(%dma_start3A_33 : memref<100000x128xf32, #tpu.memory_space<hbm>>) target(%arg11 : memref<96x128xf32, #tpu.memory_space<vmem>>) offsets(%dma_start3A_30 : memref<96xi32, #tpu.memory_space<vmem>>) semaphore(%arg18 : memref<!tpu.dma_semaphore, #tpu.memory_space<semaphore_mem>>)
    %scan3A = arith.constant 0 : i32
    %scan3A_34 = arith.constant 0 : i32
    %scan3A_35 = arith.constant 42 : i32
    %scan3A_36 = arith.addi %scan3A_34, %scan3A_35 : i32
    %scan3A_37 = arith.constant 1 : i32
    scf.for %scan3A_256 = %scan3A_34 to %scan3A_36 step %scan3A_37  : i32 {
      %mul3A_257 = arith.constant 3 : i32
      %mul3A_258 = arith.muli %scan3A_256, %mul3A_257 : i32
      %add3A_259 = arith.constant 0 : i32
      %add3A_260 = arith.addi %mul3A_258, %add3A_259 : i32
      %mul3A_261 = arith.constant 200 : i32
      %mul3A_262 = arith.muli %add3A_260, %mul3A_261 : i32
      %add3A_263 = arith.constant 104 : i32
      %add3A_264 = arith.addi %mul3A_262, %add3A_263 : i32
      %dma_wait3A_265 = tpu.memref_slice %arg5[%mul3A_262] : memref<25600xi32, #tpu.memory_space<vmem>> -> memref<104xi32, #tpu.memory_space<vmem>>
      %dma_wait3A_266 = arith.constant 0 : i32
      %dma_wait3A_267 = arith.constant 0 : i32
      %dma_wait3A_268 = tpu.memref_slice %arg3[%dma_wait3A_266, %dma_wait3A_267] : memref<100000x128xf32, #tpu.memory_space<hbm>> -> memref<100000x128xf32, #tpu.memory_space<hbm>>
      tpu.wait_indirect_dma semaphore(%arg13 : memref<!tpu.dma_semaphore, #tpu.memory_space<semaphore_mem>>) src(%dma_wait3A_268 : memref<100000x128xf32, #tpu.memory_space<hbm>>) dst(%arg6 : memref<104x128xf32, #tpu.memory_space<vmem>>)
      %broadcast_in_dim3A_269 = arith.constant 0.000000e+00 : f32
      %broadcast_in_dim3A_270 = vector.broadcast %broadcast_in_dim3A_269 : f32 to vector<16xf32>
      %broadcast_in_dim3A_271 = arith.constant 0.000000e+00 : f32
      %broadcast_in_dim3A_272 = vector.broadcast %broadcast_in_dim3A_271 : f32 to vector<16xf32>
      %broadcast_in_dim3A_273 = arith.constant 0.000000e+00 : f32
      %broadcast_in_dim3A_274 = vector.broadcast %broadcast_in_dim3A_273 : f32 to vector<16xf32>
      %broadcast_in_dim3A_275 = arith.constant 0.000000e+00 : f32
      %broadcast_in_dim3A_276 = vector.broadcast %broadcast_in_dim3A_275 : f32 to vector<16xf32>
      %broadcast_in_dim3A_277 = arith.constant 0.000000e+00 : f32
      %broadcast_in_dim3A_278 = vector.broadcast %broadcast_in_dim3A_277 : f32 to vector<16xf32>
      %broadcast_in_dim3A_279 = arith.constant 0.000000e+00 : f32
      %broadcast_in_dim3A_280 = vector.broadcast %broadcast_in_dim3A_279 : f32 to vector<16xf32>
      %broadcast_in_dim3A_281 = arith.constant 0.000000e+00 : f32
      %broadcast_in_dim3A_282 = vector.broadcast %broadcast_in_dim3A_281 : f32 to vector<16xf32>
      %broadcast_in_dim3A_283 = arith.constant 0.000000e+00 : f32
      %broadcast_in_dim3A_284 = vector.broadcast %broadcast_in_dim3A_283 : f32 to vector<16xf32>
      %scan3A_285 = arith.constant 0 : i32
      %scan3A_286 = arith.constant 26 : i32
      %scan3A_287 = arith.addi %scan3A_285, %scan3A_286 : i32
      %scan3A_288 = arith.constant 1 : i32
      %scan3A_289:8 = scf.for %scan3A_599 = %scan3A_285 to %scan3A_287 step %scan3A_288 iter_args(%scan3A_600 = %broadcast_in_dim3A_270, %scan3A_601 = %broadcast_in_dim3A_272, %scan3A_602 = %broadcast_in_dim3A_274, %scan3A_603 = %broadcast_in_dim3A_276, %scan3A_604 = %broadcast_in_dim3A_278, %scan3A_605 = %broadcast_in_dim3A_280, %scan3A_606 = %broadcast_in_dim3A_282, %scan3A_607 = %broadcast_in_dim3A_284) -> (vector<16xf32>, vector<16xf32>, vector<16xf32>, vector<16xf32>, vector<16xf32>, vector<16xf32>, vector<16xf32>, vector<16xf32>)  : i32 {
        %mul3A_608 = arith.constant 4 : i32
        %mul3A_609 = arith.muli %scan3A_599, %mul3A_608 : i32
        %add3A_610 = arith.constant 0 : i32
        %add3A_611 = arith.addi %mul3A_609, %add3A_610 : i32
        %get3A = arith.index_cast %add3A_611 : i32 to index
        %get3A_612 = arith.constant 0 : index
        %get3A_613 = tpu.vector_load %arg6[%get3A, %get3A_612] {strides = array<i32>} : memref<104x128xf32, #tpu.memory_space<vmem>>, vector<1x16xf32>,
        %get3A_614 = vector.shape_cast %get3A_613 : vector<1x16xf32> to vector<16xf32>
        %add3A_615 = arith.addf %scan3A_600, %get3A_614 : vector<16xf32>
        %mul3A_616 = arith.constant 4 : i32
        %mul3A_617 = arith.muli %scan3A_599, %mul3A_616 : i32
        %add3A_618 = arith.constant 0 : i32
        %add3A_619 = arith.addi %mul3A_617, %add3A_618 : i32
        %get3A_620 = arith.index_cast %add3A_619 : i32 to index
        %get3A_621 = arith.constant 16 : index
        %get3A_622 = tpu.vector_load %arg6[%get3A_620, %get3A_621] {strides = array<i32>} : memref<104x128xf32, #tpu.memory_space<vmem>>, vector<1x16xf32>,
        %get3A_623 = vector.shape_cast %get3A_622 : vector<1x16xf32> to vector<16xf32>
        %add3A_624 = arith.addf %scan3A_601, %get3A_623 : vector<16xf32>
        %mul3A_625 = arith.constant 4 : i32
        %mul3A_626 = arith.muli %scan3A_599, %mul3A_625 : i32
        %add3A_627 = arith.constant 0 : i32
        %add3A_628 = arith.addi %mul3A_626, %add3A_627 : i32
        %get3A_629 = arith.index_cast %add3A_628 : i32 to index
        %get3A_630 = arith.constant 32 : index
        %get3A_631 = tpu.vector_load %arg6[%get3A_629, %get3A_630] {strides = array<i32>} : memref<104x128xf32, #tpu.memory_space<vmem>>, vector<1x16xf32>,
        %get3A_632 = vector.shape_cast %get3A_631 : vector<1x16xf32> to vector<16xf32>
        %add3A_633 = arith.addf %scan3A_602, %get3A_632 : vector<16xf32>
        %mul3A_634 = arith.constant 4 : i32
        %mul3A_635 = arith.muli %scan3A_599, %mul3A_634 : i32
        %add3A_636 = arith.constant 0 : i32
        %add3A_637 = arith.addi %mul3A_635, %add3A_636 : i32
        %get3A_638 = arith.index_cast %add3A_637 : i32 to index
        %get3A_639 = arith.constant 48 : index
        %get3A_640 = tpu.vector_load %arg6[%get3A_638, %get3A_639] {strides = array<i32>} : memref<104x128xf32, #tpu.memory_space<vmem>>, vector<1x16xf32>,
        %get3A_641 = vector.shape_cast %get3A_640 : vector<1x16xf32> to vector<16xf32>
        %add3A_642 = arith.addf %scan3A_603, %get3A_641 : vector<16xf32>
        %mul3A_643 = arith.constant 4 : i32
        %mul3A_644 = arith.muli %scan3A_599, %mul3A_643 : i32
        %add3A_645 = arith.constant 0 : i32
        %add3A_646 = arith.addi %mul3A_644, %add3A_645 : i32
        %get3A_647 = arith.index_cast %add3A_646 : i32 to index
        %get3A_648 = arith.constant 64 : index
        %get3A_649 = tpu.vector_load %arg6[%get3A_647, %get3A_648] {strides = array<i32>} : memref<104x128xf32, #tpu.memory_space<vmem>>, vector<1x16xf32>,
        %get3A_650 = vector.shape_cast %get3A_649 : vector<1x16xf32> to vector<16xf32>
        %add3A_651 = arith.addf %scan3A_604, %get3A_650 : vector<16xf32>
        %mul3A_652 = arith.constant 4 : i32
        %mul3A_653 = arith.muli %scan3A_599, %mul3A_652 : i32
        %add3A_654 = arith.constant 0 : i32
        %add3A_655 = arith.addi %mul3A_653, %add3A_654 : i32
        %get3A_656 = arith.index_cast %add3A_655 : i32 to index
        %get3A_657 = arith.constant 80 : index
        %get3A_658 = tpu.vector_load %arg6[%get3A_656, %get3A_657] {strides = array<i32>} : memref<104x128xf32, #tpu.memory_space<vmem>>, vector<1x16xf32>,
        %get3A_659 = vector.shape_cast %get3A_658 : vector<1x16xf32> to vector<16xf32>
        %add3A_660 = arith.addf %scan3A_605, %get3A_659 : vector<16xf32>
        %mul3A_661 = arith.constant 4 : i32
        %mul3A_662 = arith.muli %scan3A_599, %mul3A_661 : i32
        %add3A_663 = arith.constant 0 : i32
        %add3A_664 = arith.addi %mul3A_662, %add3A_663 : i32
        %get3A_665 = arith.index_cast %add3A_664 : i32 to index
        %get3A_666 = arith.constant 96 : index
        %get3A_667 = tpu.vector_load %arg6[%get3A_665, %get3A_666] {strides = array<i32>} : memref<104x128xf32, #tpu.memory_space<vmem>>, vector<1x16xf32>,
        %get3A_668 = vector.shape_cast %get3A_667 : vector<1x16xf32> to vector<16xf32>
        %add3A_669 = arith.addf %scan3A_606, %get3A_668 : vector<16xf32>
        %mul3A_670 = arith.constant 4 : i32
        %mul3A_671 = arith.muli %scan3A_599, %mul3A_670 : i32
        %add3A_672 = arith.constant 0 : i32
        %add3A_673 = arith.addi %mul3A_671, %add3A_672 : i32
        %get3A_674 = arith.index_cast %add3A_673 : i32 to index
        %get3A_675 = arith.constant 112 : index
        %get3A_676 = tpu.vector_load %arg6[%get3A_674, %get3A_675] {strides = array<i32>} : memref<104x128xf32, #tpu.memory_space<vmem>>, vector<1x16xf32>,
        %get3A_677 = vector.shape_cast %get3A_676 : vector<1x16xf32> to vector<16xf32>
        %add3A_678 = arith.addf %scan3A_607, %get3A_677 : vector<16xf32>
        %mul3A_679 = arith.constant 4 : i32
        %mul3A_680 = arith.muli %scan3A_599, %mul3A_679 : i32
        %add3A_681 = arith.constant 1 : i32
        %add3A_682 = arith.addi %mul3A_680, %add3A_681 : i32
        %get3A_683 = arith.index_cast %add3A_682 : i32 to index
        %get3A_684 = arith.constant 0 : index
        %get3A_685 = tpu.vector_load %arg6[%get3A_683, %get3A_684] {strides = array<i32>} : memref<104x128xf32, #tpu.memory_space<vmem>>, vector<1x16xf32>,
        %get3A_686 = vector.shape_cast %get3A_685 : vector<1x16xf32> to vector<16xf32>
        %add3A_687 = arith.addf %add3A_615, %get3A_686 : vector<16xf32>
        %mul3A_688 = arith.constant 4 : i32
        %mul3A_689 = arith.muli %scan3A_599, %mul3A_688 : i32
        %add3A_690 = arith.constant 1 : i32
        %add3A_691 = arith.addi %mul3A_689, %add3A_690 : i32
        %get3A_692 = arith.index_cast %add3A_691 : i32 to index
        %get3A_693 = arith.constant 16 : index
        %get3A_694 = tpu.vector_load %arg6[%get3A_692, %get3A_693] {strides = array<i32>} : memref<104x128xf32, #tpu.memory_space<vmem>>, vector<1x16xf32>,
        %get3A_695 = vector.shape_cast %get3A_694 : vector<1x16xf32> to vector<16xf32>
        %add3A_696 = arith.addf %add3A_624, %get3A_695 : vector<16xf32>
        %mul3A_697 = arith.constant 4 : i32
        %mul3A_698 = arith.muli %scan3A_599, %mul3A_697 : i32
        %add3A_699 = arith.constant 1 : i32
        %add3A_700 = arith.addi %mul3A_698, %add3A_699 : i32
        %get3A_701 = arith.index_cast %add3A_700 : i32 to index
        %get3A_702 = arith.constant 32 : index
        %get3A_703 = tpu.vector_load %arg6[%get3A_701, %get3A_702] {strides = array<i32>} : memref<104x128xf32, #tpu.memory_space<vmem>>, vector<1x16xf32>,
        %get3A_704 = vector.shape_cast %get3A_703 : vector<1x16xf32> to vector<16xf32>
        %add3A_705 = arith.addf %add3A_633, %get3A_704 : vector<16xf32>
        %mul3A_706 = arith.constant 4 : i32
        %mul3A_707 = arith.muli %scan3A_599, %mul3A_706 : i32
        %add3A_708 = arith.constant 1 : i32
        %add3A_709 = arith.addi %mul3A_707, %add3A_708 : i32
        %get3A_710 = arith.index_cast %add3A_709 : i32 to index
        %get3A_711 = arith.constant 48 : index
        %get3A_712 = tpu.vector_load %arg6[%get3A_710, %get3A_711] {strides = array<i32>} : memref<104x128xf32, #tpu.memory_space<vmem>>, vector<1x16xf32>,
        %get3A_713 = vector.shape_cast %get3A_712 : vector<1x16xf32> to vector<16xf32>
        %add3A_714 = arith.addf %add3A_642, %get3A_713 : vector<16xf32>
        %mul3A_715 = arith.constant 4 : i32
        %mul3A_716 = arith.muli %scan3A_599, %mul3A_715 : i32
        %add3A_717 = arith.constant 1 : i32
        %add3A_718 = arith.addi %mul3A_716, %add3A_717 : i32
        %get3A_719 = arith.index_cast %add3A_718 : i32 to index
        %get3A_720 = arith.constant 64 : index
        %get3A_721 = tpu.vector_load %arg6[%get3A_719, %get3A_720] {strides = array<i32>} : memref<104x128xf32, #tpu.memory_space<vmem>>, vector<1x16xf32>,
        %get3A_722 = vector.shape_cast %get3A_721 : vector<1x16xf32> to vector<16xf32>
        %add3A_723 = arith.addf %add3A_651, %get3A_722 : vector<16xf32>
        %mul3A_724 = arith.constant 4 : i32
        %mul3A_725 = arith.muli %scan3A_599, %mul3A_724 : i32
        %add3A_726 = arith.constant 1 : i32
        %add3A_727 = arith.addi %mul3A_725, %add3A_726 : i32
        %get3A_728 = arith.index_cast %add3A_727 : i32 to index
        %get3A_729 = arith.constant 80 : index
        %get3A_730 = tpu.vector_load %arg6[%get3A_728, %get3A_729] {strides = array<i32>} : memref<104x128xf32, #tpu.memory_space<vmem>>, vector<1x16xf32>,
        %get3A_731 = vector.shape_cast %get3A_730 : vector<1x16xf32> to vector<16xf32>
        %add3A_732 = arith.addf %add3A_660, %get3A_731 : vector<16xf32>
        %mul3A_733 = arith.constant 4 : i32
        %mul3A_734 = arith.muli %scan3A_599, %mul3A_733 : i32
        %add3A_735 = arith.constant 1 : i32
        %add3A_736 = arith.addi %mul3A_734, %add3A_735 : i32
        %get3A_737 = arith.index_cast %add3A_736 : i32 to index
        %get3A_738 = arith.constant 96 : index
        %get3A_739 = tpu.vector_load %arg6[%get3A_737, %get3A_738] {strides = array<i32>} : memref<104x128xf32, #tpu.memory_space<vmem>>, vector<1x16xf32>,
        %get3A_740 = vector.shape_cast %get3A_739 : vector<1x16xf32> to vector<16xf32>
        %add3A_741 = arith.addf %add3A_669, %get3A_740 : vector<16xf32>
        %mul3A_742 = arith.constant 4 : i32
        %mul3A_743 = arith.muli %scan3A_599, %mul3A_742 : i32
        %add3A_744 = arith.constant 1 : i32
        %add3A_745 = arith.addi %mul3A_743, %add3A_744 : i32
        %get3A_746 = arith.index_cast %add3A_745 : i32 to index
        %get3A_747 = arith.constant 112 : index
        %get3A_748 = tpu.vector_load %arg6[%get3A_746, %get3A_747] {strides = array<i32>} : memref<104x128xf32, #tpu.memory_space<vmem>>, vector<1x16xf32>,
        %get3A_749 = vector.shape_cast %get3A_748 : vector<1x16xf32> to vector<16xf32>
        %add3A_750 = arith.addf %add3A_678, %get3A_749 : vector<16xf32>
        %mul3A_751 = arith.constant 4 : i32
        %mul3A_752 = arith.muli %scan3A_599, %mul3A_751 : i32
        %add3A_753 = arith.constant 2 : i32
        %add3A_754 = arith.addi %mul3A_752, %add3A_753 : i32
        %get3A_755 = arith.index_cast %add3A_754 : i32 to index
        %get3A_756 = arith.constant 0 : index
        %get3A_757 = tpu.vector_load %arg6[%get3A_755, %get3A_756] {strides = array<i32>} : memref<104x128xf32, #tpu.memory_space<vmem>>, vector<1x16xf32>,
        %get3A_758 = vector.shape_cast %get3A_757 : vector<1x16xf32> to vector<16xf32>
        %add3A_759 = arith.addf %add3A_687, %get3A_758 : vector<16xf32>
        %mul3A_760 = arith.constant 4 : i32
        %mul3A_761 = arith.muli %scan3A_599, %mul3A_760 : i32
        %add3A_762 = arith.constant 2 : i32
        %add3A_763 = arith.addi %mul3A_761, %add3A_762 : i32
        %get3A_764 = arith.index_cast %add3A_763 : i32 to index
        %get3A_765 = arith.constant 16 : index
        %get3A_766 = tpu.vector_load %arg6[%get3A_764, %get3A_765] {strides = array<i32>} : memref<104x128xf32, #tpu.memory_space<vmem>>, vector<1x16xf32>,
        %get3A_767 = vector.shape_cast %get3A_766 : vector<1x16xf32> to vector<16xf32>
        %add3A_768 = arith.addf %add3A_696, %get3A_767 : vector<16xf32>
        %mul3A_769 = arith.constant 4 : i32
        %mul3A_770 = arith.muli %scan3A_599, %mul3A_769 : i32
        %add3A_771 = arith.constant 2 : i32
        %add3A_772 = arith.addi %mul3A_770, %add3A_771 : i32
        %get3A_773 = arith.index_cast %add3A_772 : i32 to index
        %get3A_774 = arith.constant 32 : index
        %get3A_775 = tpu.vector_load %arg6[%get3A_773, %get3A_774] {strides = array<i32>} : memref<104x128xf32, #tpu.memory_space<vmem>>, vector<1x16xf32>,
        %get3A_776 = vector.shape_cast %get3A_775 : vector<1x16xf32> to vector<16xf32>
        %add3A_777 = arith.addf %add3A_705, %get3A_776 : vector<16xf32>
        %mul3A_778 = arith.constant 4 : i32
        %mul3A_779 = arith.muli %scan3A_599, %mul3A_778 : i32
        %add3A_780 = arith.constant 2 : i32
        %add3A_781 = arith.addi %mul3A_779, %add3A_780 : i32
        %get3A_782 = arith.index_cast %add3A_781 : i32 to index
        %get3A_783 = arith.constant 48 : index
        %get3A_784 = tpu.vector_load %arg6[%get3A_782, %get3A_783] {strides = array<i32>} : memref<104x128xf32, #tpu.memory_space<vmem>>, vector<1x16xf32>,
        %get3A_785 = vector.shape_cast %get3A_784 : vector<1x16xf32> to vector<16xf32>
        %add3A_786 = arith.addf %add3A_714, %get3A_785 : vector<16xf32>
        %mul3A_787 = arith.constant 4 : i32
        %mul3A_788 = arith.muli %scan3A_599, %mul3A_787 : i32
        %add3A_789 = arith.constant 2 : i32
        %add3A_790 = arith.addi %mul3A_788, %add3A_789 : i32
        %get3A_791 = arith.index_cast %add3A_790 : i32 to index
        %get3A_792 = arith.constant 64 : index
        %get3A_793 = tpu.vector_load %arg6[%get3A_791, %get3A_792] {strides = array<i32>} : memref<104x128xf32, #tpu.memory_space<vmem>>, vector<1x16xf32>,
        %get3A_794 = vector.shape_cast %get3A_793 : vector<1x16xf32> to vector<16xf32>
        %add3A_795 = arith.addf %add3A_723, %get3A_794 : vector<16xf32>
        %mul3A_796 = arith.constant 4 : i32
        %mul3A_797 = arith.muli %scan3A_599, %mul3A_796 : i32
        %add3A_798 = arith.constant 2 : i32
        %add3A_799 = arith.addi %mul3A_797, %add3A_798 : i32
        %get3A_800 = arith.index_cast %add3A_799 : i32 to index
        %get3A_801 = arith.constant 80 : index
        %get3A_802 = tpu.vector_load %arg6[%get3A_800, %get3A_801] {strides = array<i32>} : memref<104x128xf32, #tpu.memory_space<vmem>>, vector<1x16xf32>,
        %get3A_803 = vector.shape_cast %get3A_802 : vector<1x16xf32> to vector<16xf32>
        %add3A_804 = arith.addf %add3A_732, %get3A_803 : vector<16xf32>
        %mul3A_805 = arith.constant 4 : i32
        %mul3A_806 = arith.muli %scan3A_599, %mul3A_805 : i32
        %add3A_807 = arith.constant 2 : i32
        %add3A_808 = arith.addi %mul3A_806, %add3A_807 : i32
        %get3A_809 = arith.index_cast %add3A_808 : i32 to index
        %get3A_810 = arith.constant 96 : index
        %get3A_811 = tpu.vector_load %arg6[%get3A_809, %get3A_810] {strides = array<i32>} : memref<104x128xf32, #tpu.memory_space<vmem>>, vector<1x16xf32>,
        %get3A_812 = vector.shape_cast %get3A_811 : vector<1x16xf32> to vector<16xf32>
        %add3A_813 = arith.addf %add3A_741, %get3A_812 : vector<16xf32>
        %mul3A_814 = arith.constant 4 : i32
        %mul3A_815 = arith.muli %scan3A_599, %mul3A_814 : i32
        %add3A_816 = arith.constant 2 : i32
        %add3A_817 = arith.addi %mul3A_815, %add3A_816 : i32
        %get3A_818 = arith.index_cast %add3A_817 : i32 to index
        %get3A_819 = arith.constant 112 : index
        %get3A_820 = tpu.vector_load %arg6[%get3A_818, %get3A_819] {strides = array<i32>} : memref<104x128xf32, #tpu.memory_space<vmem>>, vector<1x16xf32>,
        %get3A_821 = vector.shape_cast %get3A_820 : vector<1x16xf32> to vector<16xf32>
        %add3A_822 = arith.addf %add3A_750, %get3A_821 : vector<16xf32>
        %mul3A_823 = arith.constant 4 : i32
        %mul3A_824 = arith.muli %scan3A_599, %mul3A_823 : i32
        %add3A_825 = arith.constant 3 : i32
        %add3A_826 = arith.addi %mul3A_824, %add3A_825 : i32
        %get3A_827 = arith.index_cast %add3A_826 : i32 to index
        %get3A_828 = arith.constant 0 : index
        %get3A_829 = tpu.vector_load %arg6[%get3A_827, %get3A_828] {strides = array<i32>} : memref<104x128xf32, #tpu.memory_space<vmem>>, vector<1x16xf32>,
        %get3A_830 = vector.shape_cast %get3A_829 : vector<1x16xf32> to vector<16xf32>
        %add3A_831 = arith.addf %add3A_759, %get3A_830 : vector<16xf32>
        %mul3A_832 = arith.constant 4 : i32
        %mul3A_833 = arith.muli %scan3A_599, %mul3A_832 : i32
        %add3A_834 = arith.constant 3 : i32
        %add3A_835 = arith.addi %mul3A_833, %add3A_834 : i32
        %get3A_836 = arith.index_cast %add3A_835 : i32 to index
        %get3A_837 = arith.constant 16 : index
        %get3A_838 = tpu.vector_load %arg6[%get3A_836, %get3A_837] {strides = array<i32>} : memref<104x128xf32, #tpu.memory_space<vmem>>, vector<1x16xf32>,
        %get3A_839 = vector.shape_cast %get3A_838 : vector<1x16xf32> to vector<16xf32>
        %add3A_840 = arith.addf %add3A_768, %get3A_839 : vector<16xf32>
        %mul3A_841 = arith.constant 4 : i32
        %mul3A_842 = arith.muli %scan3A_599, %mul3A_841 : i32
        %add3A_843 = arith.constant 3 : i32
        %add3A_844 = arith.addi %mul3A_842, %add3A_843 : i32
        %get3A_845 = arith.index_cast %add3A_844 : i32 to index
        %get3A_846 = arith.constant 32 : index
        %get3A_847 = tpu.vector_load %arg6[%get3A_845, %get3A_846] {strides = array<i32>} : memref<104x128xf32, #tpu.memory_space<vmem>>, vector<1x16xf32>,
        %get3A_848 = vector.shape_cast %get3A_847 : vector<1x16xf32> to vector<16xf32>
        %add3A_849 = arith.addf %add3A_777, %get3A_848 : vector<16xf32>
        %mul3A_850 = arith.constant 4 : i32
        %mul3A_851 = arith.muli %scan3A_599, %mul3A_850 : i32
        %add3A_852 = arith.constant 3 : i32
        %add3A_853 = arith.addi %mul3A_851, %add3A_852 : i32
        %get3A_854 = arith.index_cast %add3A_853 : i32 to index
        %get3A_855 = arith.constant 48 : index
        %get3A_856 = tpu.vector_load %arg6[%get3A_854, %get3A_855] {strides = array<i32>} : memref<104x128xf32, #tpu.memory_space<vmem>>, vector<1x16xf32>,
        %get3A_857 = vector.shape_cast %get3A_856 : vector<1x16xf32> to vector<16xf32>
        %add3A_858 = arith.addf %add3A_786, %get3A_857 : vector<16xf32>
        %mul3A_859 = arith.constant 4 : i32
        %mul3A_860 = arith.muli %scan3A_599, %mul3A_859 : i32
        %add3A_861 = arith.constant 3 : i32
        %add3A_862 = arith.addi %mul3A_860, %add3A_861 : i32
        %get3A_863 = arith.index_cast %add3A_862 : i32 to index
        %get3A_864 = arith.constant 64 : index
        %get3A_865 = tpu.vector_load %arg6[%get3A_863, %get3A_864] {strides = array<i32>} : memref<104x128xf32, #tpu.memory_space<vmem>>, vector<1x16xf32>,
        %get3A_866 = vector.shape_cast %get3A_865 : vector<1x16xf32> to vector<16xf32>
        %add3A_867 = arith.addf %add3A_795, %get3A_866 : vector<16xf32>
        %mul3A_868 = arith.constant 4 : i32
        %mul3A_869 = arith.muli %scan3A_599, %mul3A_868 : i32
        %add3A_870 = arith.constant 3 : i32
        %add3A_871 = arith.addi %mul3A_869, %add3A_870 : i32
        %get3A_872 = arith.index_cast %add3A_871 : i32 to index
        %get3A_873 = arith.constant 80 : index
        %get3A_874 = tpu.vector_load %arg6[%get3A_872, %get3A_873] {strides = array<i32>} : memref<104x128xf32, #tpu.memory_space<vmem>>, vector<1x16xf32>,
        %get3A_875 = vector.shape_cast %get3A_874 : vector<1x16xf32> to vector<16xf32>
        %add3A_876 = arith.addf %add3A_804, %get3A_875 : vector<16xf32>
        %mul3A_877 = arith.constant 4 : i32
        %mul3A_878 = arith.muli %scan3A_599, %mul3A_877 : i32
        %add3A_879 = arith.constant 3 : i32
        %add3A_880 = arith.addi %mul3A_878, %add3A_879 : i32
        %get3A_881 = arith.index_cast %add3A_880 : i32 to index
        %get3A_882 = arith.constant 96 : index
        %get3A_883 = tpu.vector_load %arg6[%get3A_881, %get3A_882] {strides = array<i32>} : memref<104x128xf32, #tpu.memory_space<vmem>>, vector<1x16xf32>,
        %get3A_884 = vector.shape_cast %get3A_883 : vector<1x16xf32> to vector<16xf32>
        %add3A_885 = arith.addf %add3A_813, %get3A_884 : vector<16xf32>
        %mul3A_886 = arith.constant 4 : i32
        %mul3A_887 = arith.muli %scan3A_599, %mul3A_886 : i32
        %add3A_888 = arith.constant 3 : i32
        %add3A_889 = arith.addi %mul3A_887, %add3A_888 : i32
        %get3A_890 = arith.index_cast %add3A_889 : i32 to index
        %get3A_891 = arith.constant 112 : index
        %get3A_892 = tpu.vector_load %arg6[%get3A_890, %get3A_891] {strides = array<i32>} : memref<104x128xf32, #tpu.memory_space<vmem>>, vector<1x16xf32>,
        %get3A_893 = vector.shape_cast %get3A_892 : vector<1x16xf32> to vector<16xf32>
        %add3A_894 = arith.addf %add3A_822, %get3A_893 : vector<16xf32>
        scf.yield %add3A_831, %add3A_840, %add3A_849, %add3A_858, %add3A_867, %add3A_876, %add3A_885, %add3A_894 : vector<16xf32>, vector<16xf32>, vector<16xf32>, vector<16xf32>, vector<16xf32>, vector<16xf32>, vector<16xf32>, vector<16xf32>
      }
      %scan3A_290 = arith.constant 26 : i32
      %dma_wait3A_291 = tpu.memref_slice %arg5[%add3A_264] : memref<25600xi32, #tpu.memory_space<vmem>> -> memref<96xi32, #tpu.memory_space<vmem>>
      %dma_wait3A_292 = arith.constant 0 : i32
      %dma_wait3A_293 = arith.constant 0 : i32
      %dma_wait3A_294 = tpu.memref_slice %arg3[%dma_wait3A_292, %dma_wait3A_293] : memref<100000x128xf32, #tpu.memory_space<hbm>> -> memref<100000x128xf32, #tpu.memory_space<hbm>>
      tpu.wait_indirect_dma semaphore(%arg16 : memref<!tpu.dma_semaphore, #tpu.memory_space<semaphore_mem>>) src(%dma_wait3A_294 : memref<100000x128xf32, #tpu.memory_space<hbm>>) dst(%arg9 : memref<96x128xf32, #tpu.memory_space<vmem>>)
      %scan3A_295 = arith.constant 0 : i32
      %scan3A_296 = arith.constant 24 : i32
      %scan3A_297 = arith.addi %scan3A_295, %scan3A_296 : i32
      %scan3A_298 = arith.constant 1 : i32
      %scan3A_299:8 = scf.for %scan3A_599 = %scan3A_295 to %scan3A_297 step %scan3A_298 iter_args(%scan3A_600 = %scan3A_289#0, %scan3A_601 = %scan3A_289#1, %scan3A_602 = %scan3A_289#2, %scan3A_603 = %scan3A_289#3, %scan3A_604 = %scan3A_289#4, %scan3A_605 = %scan3A_289#5, %scan3A_606 = %scan3A_289#6, %scan3A_607 = %scan3A_289#7) -> (vector<16xf32>, vector<16xf32>, vector<16xf32>, vector<16xf32>, vector<16xf32>, vector<16xf32>, vector<16xf32>, vector<16xf32>)  : i32 {
        %mul3A_608 = arith.constant 4 : i32
        %mul3A_609 = arith.muli %scan3A_599, %mul3A_608 : i32
        %add3A_610 = arith.constant 0 : i32
        %add3A_611 = arith.addi %mul3A_609, %add3A_610 : i32
        %get3A = arith.index_cast %add3A_611 : i32 to index
        %get3A_612 = arith.constant 0 : index
        %get3A_613 = tpu.vector_load %arg9[%get3A, %get3A_612] {strides = array<i32>} : memref<96x128xf32, #tpu.memory_space<vmem>>, vector<1x16xf32>,
        %get3A_614 = vector.shape_cast %get3A_613 : vector<1x16xf32> to vector<16xf32>
        %add3A_615 = arith.addf %scan3A_600, %get3A_614 : vector<16xf32>
        %mul3A_616 = arith.constant 4 : i32
        %mul3A_617 = arith.muli %scan3A_599, %mul3A_616 : i32
        %add3A_618 = arith.constant 0 : i32
        %add3A_619 = arith.addi %mul3A_617, %add3A_618 : i32
        %get3A_620 = arith.index_cast %add3A_619 : i32 to index
        %get3A_621 = arith.constant 16 : index
        %get3A_622 = tpu.vector_load %arg9[%get3A_620, %get3A_621] {strides = array<i32>} : memref<96x128xf32, #tpu.memory_space<vmem>>, vector<1x16xf32>,
        %get3A_623 = vector.shape_cast %get3A_622 : vector<1x16xf32> to vector<16xf32>
        %add3A_624 = arith.addf %scan3A_601, %get3A_623 : vector<16xf32>
        %mul3A_625 = arith.constant 4 : i32
        %mul3A_626 = arith.muli %scan3A_599, %mul3A_625 : i32
        %add3A_627 = arith.constant 0 : i32
        %add3A_628 = arith.addi %mul3A_626, %add3A_627 : i32
        %get3A_629 = arith.index_cast %add3A_628 : i32 to index
        %get3A_630 = arith.constant 32 : index
        %get3A_631 = tpu.vector_load %arg9[%get3A_629, %get3A_630] {strides = array<i32>} : memref<96x128xf32, #tpu.memory_space<vmem>>, vector<1x16xf32>,
        %get3A_632 = vector.shape_cast %get3A_631 : vector<1x16xf32> to vector<16xf32>
        %add3A_633 = arith.addf %scan3A_602, %get3A_632 : vector<16xf32>
        %mul3A_634 = arith.constant 4 : i32
        %mul3A_635 = arith.muli %scan3A_599, %mul3A_634 : i32
        %add3A_636 = arith.constant 0 : i32
        %add3A_637 = arith.addi %mul3A_635, %add3A_636 : i32
        %get3A_638 = arith.index_cast %add3A_637 : i32 to index
        %get3A_639 = arith.constant 48 : index
        %get3A_640 = tpu.vector_load %arg9[%get3A_638, %get3A_639] {strides = array<i32>} : memref<96x128xf32, #tpu.memory_space<vmem>>, vector<1x16xf32>,
        %get3A_641 = vector.shape_cast %get3A_640 : vector<1x16xf32> to vector<16xf32>
        %add3A_642 = arith.addf %scan3A_603, %get3A_641 : vector<16xf32>
        %mul3A_643 = arith.constant 4 : i32
        %mul3A_644 = arith.muli %scan3A_599, %mul3A_643 : i32
        %add3A_645 = arith.constant 0 : i32
        %add3A_646 = arith.addi %mul3A_644, %add3A_645 : i32
        %get3A_647 = arith.index_cast %add3A_646 : i32 to index
        %get3A_648 = arith.constant 64 : index
        %get3A_649 = tpu.vector_load %arg9[%get3A_647, %get3A_648] {strides = array<i32>} : memref<96x128xf32, #tpu.memory_space<vmem>>, vector<1x16xf32>,
        %get3A_650 = vector.shape_cast %get3A_649 : vector<1x16xf32> to vector<16xf32>
        %add3A_651 = arith.addf %scan3A_604, %get3A_650 : vector<16xf32>
        %mul3A_652 = arith.constant 4 : i32
        %mul3A_653 = arith.muli %scan3A_599, %mul3A_652 : i32
        %add3A_654 = arith.constant 0 : i32
        %add3A_655 = arith.addi %mul3A_653, %add3A_654 : i32
        %get3A_656 = arith.index_cast %add3A_655 : i32 to index
        %get3A_657 = arith.constant 80 : index
        %get3A_658 = tpu.vector_load %arg9[%get3A_656, %get3A_657] {strides = array<i32>} : memref<96x128xf32, #tpu.memory_space<vmem>>, vector<1x16xf32>,
        %get3A_659 = vector.shape_cast %get3A_658 : vector<1x16xf32> to vector<16xf32>
        %add3A_660 = arith.addf %scan3A_605, %get3A_659 : vector<16xf32>
        %mul3A_661 = arith.constant 4 : i32
        %mul3A_662 = arith.muli %scan3A_599, %mul3A_661 : i32
        %add3A_663 = arith.constant 0 : i32
        %add3A_664 = arith.addi %mul3A_662, %add3A_663 : i32
        %get3A_665 = arith.index_cast %add3A_664 : i32 to index
        %get3A_666 = arith.constant 96 : index
        %get3A_667 = tpu.vector_load %arg9[%get3A_665, %get3A_666] {strides = array<i32>} : memref<96x128xf32, #tpu.memory_space<vmem>>, vector<1x16xf32>,
        %get3A_668 = vector.shape_cast %get3A_667 : vector<1x16xf32> to vector<16xf32>
        %add3A_669 = arith.addf %scan3A_606, %get3A_668 : vector<16xf32>
        %mul3A_670 = arith.constant 4 : i32
        %mul3A_671 = arith.muli %scan3A_599, %mul3A_670 : i32
        %add3A_672 = arith.constant 0 : i32
        %add3A_673 = arith.addi %mul3A_671, %add3A_672 : i32
        %get3A_674 = arith.index_cast %add3A_673 : i32 to index
        %get3A_675 = arith.constant 112 : index
        %get3A_676 = tpu.vector_load %arg9[%get3A_674, %get3A_675] {strides = array<i32>} : memref<96x128xf32, #tpu.memory_space<vmem>>, vector<1x16xf32>,
        %get3A_677 = vector.shape_cast %get3A_676 : vector<1x16xf32> to vector<16xf32>
        %add3A_678 = arith.addf %scan3A_607, %get3A_677 : vector<16xf32>
        %mul3A_679 = arith.constant 4 : i32
        %mul3A_680 = arith.muli %scan3A_599, %mul3A_679 : i32
        %add3A_681 = arith.constant 1 : i32
        %add3A_682 = arith.addi %mul3A_680, %add3A_681 : i32
        %get3A_683 = arith.index_cast %add3A_682 : i32 to index
        %get3A_684 = arith.constant 0 : index
        %get3A_685 = tpu.vector_load %arg9[%get3A_683, %get3A_684] {strides = array<i32>} : memref<96x128xf32, #tpu.memory_space<vmem>>, vector<1x16xf32>,
        %get3A_686 = vector.shape_cast %get3A_685 : vector<1x16xf32> to vector<16xf32>
        %add3A_687 = arith.addf %add3A_615, %get3A_686 : vector<16xf32>
        %mul3A_688 = arith.constant 4 : i32
        %mul3A_689 = arith.muli %scan3A_599, %mul3A_688 : i32
        %add3A_690 = arith.constant 1 : i32
        %add3A_691 = arith.addi %mul3A_689, %add3A_690 : i32
        %get3A_692 = arith.index_cast %add3A_691 : i32 to index
        %get3A_693 = arith.constant 16 : index
        %get3A_694 = tpu.vector_load %arg9[%get3A_692, %get3A_693] {strides = array<i32>} : memref<96x128xf32, #tpu.memory_space<vmem>>, vector<1x16xf32>,
        %get3A_695 = vector.shape_cast %get3A_694 : vector<1x16xf32> to vector<16xf32>
        %add3A_696 = arith.addf %add3A_624, %get3A_695 : vector<16xf32>
        %mul3A_697 = arith.constant 4 : i32
        %mul3A_698 = arith.muli %scan3A_599, %mul3A_697 : i32
        %add3A_699 = arith.constant 1 : i32
        %add3A_700 = arith.addi %mul3A_698, %add3A_699 : i32
        %get3A_701 = arith.index_cast %add3A_700 : i32 to index
        %get3A_702 = arith.constant 32 : index
        %get3A_703 = tpu.vector_load %arg9[%get3A_701, %get3A_702] {strides = array<i32>} : memref<96x128xf32, #tpu.memory_space<vmem>>, vector<1x16xf32>,
        %get3A_704 = vector.shape_cast %get3A_703 : vector<1x16xf32> to vector<16xf32>
        %add3A_705 = arith.addf %add3A_633, %get3A_704 : vector<16xf32>
        %mul3A_706 = arith.constant 4 : i32
        %mul3A_707 = arith.muli %scan3A_599, %mul3A_706 : i32
        %add3A_708 = arith.constant 1 : i32
        %add3A_709 = arith.addi %mul3A_707, %add3A_708 : i32
        %get3A_710 = arith.index_cast %add3A_709 : i32 to index
        %get3A_711 = arith.constant 48 : index
        %get3A_712 = tpu.vector_load %arg9[%get3A_710, %get3A_711] {strides = array<i32>} : memref<96x128xf32, #tpu.memory_space<vmem>>, vector<1x16xf32>,
        %get3A_713 = vector.shape_cast %get3A_712 : vector<1x16xf32> to vector<16xf32>
        %add3A_714 = arith.addf %add3A_642, %get3A_713 : vector<16xf32>
        %mul3A_715 = arith.constant 4 : i32
        %mul3A_716 = arith.muli %scan3A_599, %mul3A_715 : i32
        %add3A_717 = arith.constant 1 : i32
        %add3A_718 = arith.addi %mul3A_716, %add3A_717 : i32
        %get3A_719 = arith.index_cast %add3A_718 : i32 to index
        %get3A_720 = arith.constant 64 : index
        %get3A_721 = tpu.vector_load %arg9[%get3A_719, %get3A_720] {strides = array<i32>} : memref<96x128xf32, #tpu.memory_space<vmem>>, vector<1x16xf32>,
        %get3A_722 = vector.shape_cast %get3A_721 : vector<1x16xf32> to vector<16xf32>
        %add3A_723 = arith.addf %add3A_651, %get3A_722 : vector<16xf32>
        %mul3A_724 = arith.constant 4 : i32
        %mul3A_725 = arith.muli %scan3A_599, %mul3A_724 : i32
        %add3A_726 = arith.constant 1 : i32
        %add3A_727 = arith.addi %mul3A_725, %add3A_726 : i32
        %get3A_728 = arith.index_cast %add3A_727 : i32 to index
        %get3A_729 = arith.constant 80 : index
        %get3A_730 = tpu.vector_load %arg9[%get3A_728, %get3A_729] {strides = array<i32>} : memref<96x128xf32, #tpu.memory_space<vmem>>, vector<1x16xf32>,
        %get3A_731 = vector.shape_cast %get3A_730 : vector<1x16xf32> to vector<16xf32>
        %add3A_732 = arith.addf %add3A_660, %get3A_731 : vector<16xf32>
        %mul3A_733 = arith.constant 4 : i32
        %mul3A_734 = arith.muli %scan3A_599, %mul3A_733 : i32
        %add3A_735 = arith.constant 1 : i32
        %add3A_736 = arith.addi %mul3A_734, %add3A_735 : i32
        %get3A_737 = arith.index_cast %add3A_736 : i32 to index
        %get3A_738 = arith.constant 96 : index
        %get3A_739 = tpu.vector_load %arg9[%get3A_737, %get3A_738] {strides = array<i32>} : memref<96x128xf32, #tpu.memory_space<vmem>>, vector<1x16xf32>,
        %get3A_740 = vector.shape_cast %get3A_739 : vector<1x16xf32> to vector<16xf32>
        %add3A_741 = arith.addf %add3A_669, %get3A_740 : vector<16xf32>
        %mul3A_742 = arith.constant 4 : i32
        %mul3A_743 = arith.muli %scan3A_599, %mul3A_742 : i32
        %add3A_744 = arith.constant 1 : i32
        %add3A_745 = arith.addi %mul3A_743, %add3A_744 : i32
        %get3A_746 = arith.index_cast %add3A_745 : i32 to index
        %get3A_747 = arith.constant 112 : index
        %get3A_748 = tpu.vector_load %arg9[%get3A_746, %get3A_747] {strides = array<i32>} : memref<96x128xf32, #tpu.memory_space<vmem>>, vector<1x16xf32>,
        %get3A_749 = vector.shape_cast %get3A_748 : vector<1x16xf32> to vector<16xf32>
        %add3A_750 = arith.addf %add3A_678, %get3A_749 : vector<16xf32>
        %mul3A_751 = arith.constant 4 : i32
        %mul3A_752 = arith.muli %scan3A_599, %mul3A_751 : i32
        %add3A_753 = arith.constant 2 : i32
        %add3A_754 = arith.addi %mul3A_752, %add3A_753 : i32
        %get3A_755 = arith.index_cast %add3A_754 : i32 to index
        %get3A_756 = arith.constant 0 : index
        %get3A_757 = tpu.vector_load %arg9[%get3A_755, %get3A_756] {strides = array<i32>} : memref<96x128xf32, #tpu.memory_space<vmem>>, vector<1x16xf32>,
        %get3A_758 = vector.shape_cast %get3A_757 : vector<1x16xf32> to vector<16xf32>
        %add3A_759 = arith.addf %add3A_687, %get3A_758 : vector<16xf32>
        %mul3A_760 = arith.constant 4 : i32
        %mul3A_761 = arith.muli %scan3A_599, %mul3A_760 : i32
        %add3A_762 = arith.constant 2 : i32
        %add3A_763 = arith.addi %mul3A_761, %add3A_762 : i32
        %get3A_764 = arith.index_cast %add3A_763 : i32 to index
        %get3A_765 = arith.constant 16 : index
        %get3A_766 = tpu.vector_load %arg9[%get3A_764, %get3A_765] {strides = array<i32>} : memref<96x128xf32, #tpu.memory_space<vmem>>, vector<1x16xf32>,
        %get3A_767 = vector.shape_cast %get3A_766 : vector<1x16xf32> to vector<16xf32>
        %add3A_768 = arith.addf %add3A_696, %get3A_767 : vector<16xf32>
        %mul3A_769 = arith.constant 4 : i32
        %mul3A_770 = arith.muli %scan3A_599, %mul3A_769 : i32
        %add3A_771 = arith.constant 2 : i32
        %add3A_772 = arith.addi %mul3A_770, %add3A_771 : i32
        %get3A_773 = arith.index_cast %add3A_772 : i32 to index
        %get3A_774 = arith.constant 32 : index
        %get3A_775 = tpu.vector_load %arg9[%get3A_773, %get3A_774] {strides = array<i32>} : memref<96x128xf32, #tpu.memory_space<vmem>>, vector<1x16xf32>,
        %get3A_776 = vector.shape_cast %get3A_775 : vector<1x16xf32> to vector<16xf32>
        %add3A_777 = arith.addf %add3A_705, %get3A_776 : vector<16xf32>
        %mul3A_778 = arith.constant 4 : i32
        %mul3A_779 = arith.muli %scan3A_599, %mul3A_778 : i32
        %add3A_780 = arith.constant 2 : i32
        %add3A_781 = arith.addi %mul3A_779, %add3A_780 : i32
        %get3A_782 = arith.index_cast %add3A_781 : i32 to index
        %get3A_783 = arith.constant 48 : index
        %get3A_784 = tpu.vector_load %arg9[%get3A_782, %get3A_783] {strides = array<i32>} : memref<96x128xf32, #tpu.memory_space<vmem>>, vector<1x16xf32>,
        %get3A_785 = vector.shape_cast %get3A_784 : vector<1x16xf32> to vector<16xf32>
        %add3A_786 = arith.addf %add3A_714, %get3A_785 : vector<16xf32>
        %mul3A_787 = arith.constant 4 : i32
        %mul3A_788 = arith.muli %scan3A_599, %mul3A_787 : i32
        %add3A_789 = arith.constant 2 : i32
        %add3A_790 = arith.addi %mul3A_788, %add3A_789 : i32
        %get3A_791 = arith.index_cast %add3A_790 : i32 to index
        %get3A_792 = arith.constant 64 : index
        %get3A_793 = tpu.vector_load %arg9[%get3A_791, %get3A_792] {strides = array<i32>} : memref<96x128xf32, #tpu.memory_space<vmem>>, vector<1x16xf32>,
        %get3A_794 = vector.shape_cast %get3A_793 : vector<1x16xf32> to vector<16xf32>
        %add3A_795 = arith.addf %add3A_723, %get3A_794 : vector<16xf32>
        %mul3A_796 = arith.constant 4 : i32
        %mul3A_797 = arith.muli %scan3A_599, %mul3A_796 : i32
        %add3A_798 = arith.constant 2 : i32
        %add3A_799 = arith.addi %mul3A_797, %add3A_798 : i32
        %get3A_800 = arith.index_cast %add3A_799 : i32 to index
        %get3A_801 = arith.constant 80 : index
        %get3A_802 = tpu.vector_load %arg9[%get3A_800, %get3A_801] {strides = array<i32>} : memref<96x128xf32, #tpu.memory_space<vmem>>, vector<1x16xf32>,
        %get3A_803 = vector.shape_cast %get3A_802 : vector<1x16xf32> to vector<16xf32>
        %add3A_804 = arith.addf %add3A_732, %get3A_803 : vector<16xf32>
        %mul3A_805 = arith.constant 4 : i32
        %mul3A_806 = arith.muli %scan3A_599, %mul3A_805 : i32
        %add3A_807 = arith.constant 2 : i32
        %add3A_808 = arith.addi %mul3A_806, %add3A_807 : i32
        %get3A_809 = arith.index_cast %add3A_808 : i32 to index
        %get3A_810 = arith.constant 96 : index
        %get3A_811 = tpu.vector_load %arg9[%get3A_809, %get3A_810] {strides = array<i32>} : memref<96x128xf32, #tpu.memory_space<vmem>>, vector<1x16xf32>,
        %get3A_812 = vector.shape_cast %get3A_811 : vector<1x16xf32> to vector<16xf32>
        %add3A_813 = arith.addf %add3A_741, %get3A_812 : vector<16xf32>
        %mul3A_814 = arith.constant 4 : i32
        %mul3A_815 = arith.muli %scan3A_599, %mul3A_814 : i32
        %add3A_816 = arith.constant 2 : i32
        %add3A_817 = arith.addi %mul3A_815, %add3A_816 : i32
        %get3A_818 = arith.index_cast %add3A_817 : i32 to index
        %get3A_819 = arith.constant 112 : index
        %get3A_820 = tpu.vector_load %arg9[%get3A_818, %get3A_819] {strides = array<i32>} : memref<96x128xf32, #tpu.memory_space<vmem>>, vector<1x16xf32>,
        %get3A_821 = vector.shape_cast %get3A_820 : vector<1x16xf32> to vector<16xf32>
        %add3A_822 = arith.addf %add3A_750, %get3A_821 : vector<16xf32>
        %mul3A_823 = arith.constant 4 : i32
        %mul3A_824 = arith.muli %scan3A_599, %mul3A_823 : i32
        %add3A_825 = arith.constant 3 : i32
        %add3A_826 = arith.addi %mul3A_824, %add3A_825 : i32
        %get3A_827 = arith.index_cast %add3A_826 : i32 to index
        %get3A_828 = arith.constant 0 : index
        %get3A_829 = tpu.vector_load %arg9[%get3A_827, %get3A_828] {strides = array<i32>} : memref<96x128xf32, #tpu.memory_space<vmem>>, vector<1x16xf32>,
        %get3A_830 = vector.shape_cast %get3A_829 : vector<1x16xf32> to vector<16xf32>
        %add3A_831 = arith.addf %add3A_759, %get3A_830 : vector<16xf32>
        %mul3A_832 = arith.constant 4 : i32
        %mul3A_833 = arith.muli %scan3A_599, %mul3A_832 : i32
        %add3A_834 = arith.constant 3 : i32
        %add3A_835 = arith.addi %mul3A_833, %add3A_834 : i32
        %get3A_836 = arith.index_cast %add3A_835 : i32 to index
        %get3A_837 = arith.constant 16 : index
        %get3A_838 = tpu.vector_load %arg9[%get3A_836, %get3A_837] {strides = array<i32>} : memref<96x128xf32, #tpu.memory_space<vmem>>, vector<1x16xf32>,
        %get3A_839 = vector.shape_cast %get3A_838 : vector<1x16xf32> to vector<16xf32>
        %add3A_840 = arith.addf %add3A_768, %get3A_839 : vector<16xf32>
        %mul3A_841 = arith.constant 4 : i32
        %mul3A_842 = arith.muli %scan3A_599, %mul3A_841 : i32
        %add3A_843 = arith.constant 3 : i32
        %add3A_844 = arith.addi %mul3A_842, %add3A_843 : i32
        %get3A_845 = arith.index_cast %add3A_844 : i32 to index
        %get3A_846 = arith.constant 32 : index
        %get3A_847 = tpu.vector_load %arg9[%get3A_845, %get3A_846] {strides = array<i32>} : memref<96x128xf32, #tpu.memory_space<vmem>>, vector<1x16xf32>,
        %get3A_848 = vector.shape_cast %get3A_847 : vector<1x16xf32> to vector<16xf32>
        %add3A_849 = arith.addf %add3A_777, %get3A_848 : vector<16xf32>
        %mul3A_850 = arith.constant 4 : i32
        %mul3A_851 = arith.muli %scan3A_599, %mul3A_850 : i32
        %add3A_852 = arith.constant 3 : i32
        %add3A_853 = arith.addi %mul3A_851, %add3A_852 : i32
        %get3A_854 = arith.index_cast %add3A_853 : i32 to index
        %get3A_855 = arith.constant 48 : index
        %get3A_856 = tpu.vector_load %arg9[%get3A_854, %get3A_855] {strides = array<i32>} : memref<96x128xf32, #tpu.memory_space<vmem>>, vector<1x16xf32>,
        %get3A_857 = vector.shape_cast %get3A_856 : vector<1x16xf32> to vector<16xf32>
        %add3A_858 = arith.addf %add3A_786, %get3A_857 : vector<16xf32>
        %mul3A_859 = arith.constant 4 : i32
        %mul3A_860 = arith.muli %scan3A_599, %mul3A_859 : i32
        %add3A_861 = arith.constant 3 : i32
        %add3A_862 = arith.addi %mul3A_860, %add3A_861 : i32
        %get3A_863 = arith.index_cast %add3A_862 : i32 to index
        %get3A_864 = arith.constant 64 : index
        %get3A_865 = tpu.vector_load %arg9[%get3A_863, %get3A_864] {strides = array<i32>} : memref<96x128xf32, #tpu.memory_space<vmem>>, vector<1x16xf32>,
        %get3A_866 = vector.shape_cast %get3A_865 : vector<1x16xf32> to vector<16xf32>
        %add3A_867 = arith.addf %add3A_795, %get3A_866 : vector<16xf32>
        %mul3A_868 = arith.constant 4 : i32
        %mul3A_869 = arith.muli %scan3A_599, %mul3A_868 : i32
        %add3A_870 = arith.constant 3 : i32
        %add3A_871 = arith.addi %mul3A_869, %add3A_870 : i32
        %get3A_872 = arith.index_cast %add3A_871 : i32 to index
        %get3A_873 = arith.constant 80 : index
        %get3A_874 = tpu.vector_load %arg9[%get3A_872, %get3A_873] {strides = array<i32>} : memref<96x128xf32, #tpu.memory_space<vmem>>, vector<1x16xf32>,
        %get3A_875 = vector.shape_cast %get3A_874 : vector<1x16xf32> to vector<16xf32>
        %add3A_876 = arith.addf %add3A_804, %get3A_875 : vector<16xf32>
        %mul3A_877 = arith.constant 4 : i32
        %mul3A_878 = arith.muli %scan3A_599, %mul3A_877 : i32
        %add3A_879 = arith.constant 3 : i32
        %add3A_880 = arith.addi %mul3A_878, %add3A_879 : i32
        %get3A_881 = arith.index_cast %add3A_880 : i32 to index
        %get3A_882 = arith.constant 96 : index
        %get3A_883 = tpu.vector_load %arg9[%get3A_881, %get3A_882] {strides = array<i32>} : memref<96x128xf32, #tpu.memory_space<vmem>>, vector<1x16xf32>,
        %get3A_884 = vector.shape_cast %get3A_883 : vector<1x16xf32> to vector<16xf32>
        %add3A_885 = arith.addf %add3A_813, %get3A_884 : vector<16xf32>
        %mul3A_886 = arith.constant 4 : i32
        %mul3A_887 = arith.muli %scan3A_599, %mul3A_886 : i32
        %add3A_888 = arith.constant 3 : i32
        %add3A_889 = arith.addi %mul3A_887, %add3A_888 : i32
        %get3A_890 = arith.index_cast %add3A_889 : i32 to index
        %get3A_891 = arith.constant 112 : index
        %get3A_892 = tpu.vector_load %arg9[%get3A_890, %get3A_891] {strides = array<i32>} : memref<96x128xf32, #tpu.memory_space<vmem>>, vector<1x16xf32>,
        %get3A_893 = vector.shape_cast %get3A_892 : vector<1x16xf32> to vector<16xf32>
        %add3A_894 = arith.addf %add3A_822, %get3A_893 : vector<16xf32>
        scf.yield %add3A_831, %add3A_840, %add3A_849, %add3A_858, %add3A_867, %add3A_876, %add3A_885, %add3A_894 : vector<16xf32>, vector<16xf32>, vector<16xf32>, vector<16xf32>, vector<16xf32>, vector<16xf32>, vector<16xf32>, vector<16xf32>
      }
      %scan3A_300 = arith.constant 24 : i32
      %mul3A_301 = arith.constant 5.000000e-03 : f32
      %mul3A_302 = vector.broadcast %mul3A_301 : f32 to vector<16xf32>
      %mul3A_303 = arith.mulf %scan3A_299#0, %mul3A_302 : vector<16xf32>
      %swap3A_304 = arith.index_cast %add3A_260 : i32 to index
      %swap3A_305 = arith.constant 0 : index
      %swap3A_306 = tpu.vector_load %arg12[%swap3A_304, %swap3A_305] {strides = array<i32>} : memref<128x128xf32, #tpu.memory_space<vmem>>, vector<1x16xf32>,
      %swap3A_307 = vector.shape_cast %swap3A_306 : vector<1x16xf32> to vector<16xf32>
      %swap3A_308 = vector.shape_cast %mul3A_303 : vector<16xf32> to vector<1x16xf32>
      tpu.vector_store %arg12[%swap3A_304, %swap3A_305], %swap3A_308 {strides = array<i32>} : memref<128x128xf32, #tpu.memory_space<vmem>>, vector<1x16xf32>,
      %mul3A_309 = arith.constant 5.000000e-03 : f32
      %mul3A_310 = vector.broadcast %mul3A_309 : f32 to vector<16xf32>
      %mul3A_311 = arith.mulf %scan3A_299#1, %mul3A_310 : vector<16xf32>
      %swap3A_312 = arith.index_cast %add3A_260 : i32 to index
      %swap3A_313 = arith.constant 16 : index
      %swap3A_314 = tpu.vector_load %arg12[%swap3A_312, %swap3A_313] {strides = array<i32>} : memref<128x128xf32, #tpu.memory_space<vmem>>, vector<1x16xf32>,
      %swap3A_315 = vector.shape_cast %swap3A_314 : vector<1x16xf32> to vector<16xf32>
      %swap3A_316 = vector.shape_cast %mul3A_311 : vector<16xf32> to vector<1x16xf32>
      tpu.vector_store %arg12[%swap3A_312, %swap3A_313], %swap3A_316 {strides = array<i32>} : memref<128x128xf32, #tpu.memory_space<vmem>>, vector<1x16xf32>,
      %mul3A_317 = arith.constant 5.000000e-03 : f32
      %mul3A_318 = vector.broadcast %mul3A_317 : f32 to vector<16xf32>
      %mul3A_319 = arith.mulf %scan3A_299#2, %mul3A_318 : vector<16xf32>
      %swap3A_320 = arith.index_cast %add3A_260 : i32 to index
      %swap3A_321 = arith.constant 32 : index
      %swap3A_322 = tpu.vector_load %arg12[%swap3A_320, %swap3A_321] {strides = array<i32>} : memref<128x128xf32, #tpu.memory_space<vmem>>, vector<1x16xf32>,
      %swap3A_323 = vector.shape_cast %swap3A_322 : vector<1x16xf32> to vector<16xf32>
      %swap3A_324 = vector.shape_cast %mul3A_319 : vector<16xf32> to vector<1x16xf32>
      tpu.vector_store %arg12[%swap3A_320, %swap3A_321], %swap3A_324 {strides = array<i32>} : memref<128x128xf32, #tpu.memory_space<vmem>>, vector<1x16xf32>,
      %mul3A_325 = arith.constant 5.000000e-03 : f32
      %mul3A_326 = vector.broadcast %mul3A_325 : f32 to vector<16xf32>
      %mul3A_327 = arith.mulf %scan3A_299#3, %mul3A_326 : vector<16xf32>
      %swap3A_328 = arith.index_cast %add3A_260 : i32 to index
      %swap3A_329 = arith.constant 48 : index
      %swap3A_330 = tpu.vector_load %arg12[%swap3A_328, %swap3A_329] {strides = array<i32>} : memref<128x128xf32, #tpu.memory_space<vmem>>, vector<1x16xf32>,
      %swap3A_331 = vector.shape_cast %swap3A_330 : vector<1x16xf32> to vector<16xf32>
      %swap3A_332 = vector.shape_cast %mul3A_327 : vector<16xf32> to vector<1x16xf32>
      tpu.vector_store %arg12[%swap3A_328, %swap3A_329], %swap3A_332 {strides = array<i32>} : memref<128x128xf32, #tpu.memory_space<vmem>>, vector<1x16xf32>,
      %mul3A_333 = arith.constant 5.000000e-03 : f32
      %mul3A_334 = vector.broadcast %mul3A_333 : f32 to vector<16xf32>
      %mul3A_335 = arith.mulf %scan3A_299#4, %mul3A_334 : vector<16xf32>
      %swap3A_336 = arith.index_cast %add3A_260 : i32 to index
      %swap3A_337 = arith.constant 64 : index
      %swap3A_338 = tpu.vector_load %arg12[%swap3A_336, %swap3A_337] {strides = array<i32>} : memref<128x128xf32, #tpu.memory_space<vmem>>, vector<1x16xf32>,
      %swap3A_339 = vector.shape_cast %swap3A_338 : vector<1x16xf32> to vector<16xf32>
      %swap3A_340 = vector.shape_cast %mul3A_335 : vector<16xf32> to vector<1x16xf32>
      tpu.vector_store %arg12[%swap3A_336, %swap3A_337], %swap3A_340 {strides = array<i32>} : memref<128x128xf32, #tpu.memory_space<vmem>>, vector<1x16xf32>,
      %mul3A_341 = arith.constant 5.000000e-03 : f32
      %mul3A_342 = vector.broadcast %mul3A_341 : f32 to vector<16xf32>
      %mul3A_343 = arith.mulf %scan3A_299#5, %mul3A_342 : vector<16xf32>
      %swap3A_344 = arith.index_cast %add3A_260 : i32 to index
      %swap3A_345 = arith.constant 80 : index
      %swap3A_346 = tpu.vector_load %arg12[%swap3A_344, %swap3A_345] {strides = array<i32>} : memref<128x128xf32, #tpu.memory_space<vmem>>, vector<1x16xf32>,
      %swap3A_347 = vector.shape_cast %swap3A_346 : vector<1x16xf32> to vector<16xf32>
      %swap3A_348 = vector.shape_cast %mul3A_343 : vector<16xf32> to vector<1x16xf32>
      tpu.vector_store %arg12[%swap3A_344, %swap3A_345], %swap3A_348 {strides = array<i32>} : memref<128x128xf32, #tpu.memory_space<vmem>>, vector<1x16xf32>,
      %mul3A_349 = arith.constant 5.000000e-03 : f32
      %mul3A_350 = vector.broadcast %mul3A_349 : f32 to vector<16xf32>
      %mul3A_351 = arith.mulf %scan3A_299#6, %mul3A_350 : vector<16xf32>
      %swap3A_352 = arith.index_cast %add3A_260 : i32 to index
      %swap3A_353 = arith.constant 96 : index
      %swap3A_354 = tpu.vector_load %arg12[%swap3A_352, %swap3A_353] {strides = array<i32>} : memref<128x128xf32, #tpu.memory_space<vmem>>, vector<1x16xf32>,
      %swap3A_355 = vector.shape_cast %swap3A_354 : vector<1x16xf32> to vector<16xf32>
      %swap3A_356 = vector.shape_cast %mul3A_351 : vector<16xf32> to vector<1x16xf32>
      tpu.vector_store %arg12[%swap3A_352, %swap3A_353], %swap3A_356 {strides = array<i32>} : memref<128x128xf32, #tpu.memory_space<vmem>>, vector<1x16xf32>,
      %mul3A_357 = arith.constant 5.000000e-03 : f32
      %mul3A_358 = vector.broadcast %mul3A_357 : f32 to vector<16xf32>
      %mul3A_359 = arith.mulf %scan3A_299#7, %mul3A_358 : vector<16xf32>
      %swap3A_360 = arith.index_cast %add3A_260 : i32 to index
      %swap3A_361 = arith.constant 112 : index
      %swap3A_362 = tpu.vector_load %arg12[%swap3A_360, %swap3A_361] {strides = array<i32>} : memref<128x128xf32, #tpu.memory_space<vmem>>, vector<1x16xf32>,
      %swap3A_363 = vector.shape_cast %swap3A_362 : vector<1x16xf32> to vector<16xf32>
      %swap3A_364 = vector.shape_cast %mul3A_359 : vector<16xf32> to vector<1x16xf32>
      tpu.vector_store %arg12[%swap3A_360, %swap3A_361], %swap3A_364 {strides = array<i32>} : memref<128x128xf32, #tpu.memory_space<vmem>>, vector<1x16xf32>,
      %add3A_365 = arith.constant 3 : i32
      %add3A_366 = arith.addi %add3A_260, %add3A_365 : i32
      %lt3A = arith.constant 128 : i32
      %lt3A_367 = arith.cmpi slt, %add3A_366, %lt3A : i32
      %convert_element_type3A = arith.extui %lt3A_367 : i1 to i32
      %cond3A = arith.constant 0 : i32
      %cond3A_368 = arith.cmpi ne, %convert_element_type3A, %cond3A : i32
      scf.if %cond3A_368 {
        %add3A_599 = arith.constant 3 : i32
        %add3A_600 = arith.addi %add3A_260, %add3A_599 : i32
        %mul3A_601 = arith.constant 200 : i32
        %mul3A_602 = arith.muli %add3A_600, %mul3A_601 : i32
        %add3A_603 = arith.constant 104 : i32
        %add3A_604 = arith.addi %mul3A_602, %add3A_603 : i32
        %dma_start3A_605 = tpu.memref_slice %arg5[%mul3A_602] : memref<25600xi32, #tpu.memory_space<vmem>> -> memref<104xi32, #tpu.memory_space<vmem>>
        %dma_start3A_606 = arith.constant 0 : i32
        %dma_start3A_607 = arith.constant 0 : i32
        %dma_start3A_608 = tpu.memref_slice %arg3[%dma_start3A_606, %dma_start3A_607] : memref<100000x128xf32, #tpu.memory_space<hbm>> -> memref<100000x128xf32, #tpu.memory_space<hbm>>
        tpu.enqueue_indirect_dma source(%dma_start3A_608 : memref<100000x128xf32, #tpu.memory_space<hbm>>) target(%arg6 : memref<104x128xf32, #tpu.memory_space<vmem>>) offsets(%dma_start3A_605 : memref<104xi32, #tpu.memory_space<vmem>>) semaphore(%arg13 : memref<!tpu.dma_semaphore, #tpu.memory_space<semaphore_mem>>)
        %dma_start3A_609 = tpu.memref_slice %arg5[%add3A_604] : memref<25600xi32, #tpu.memory_space<vmem>> -> memref<96xi32, #tpu.memory_space<vmem>>
        %dma_start3A_610 = arith.constant 0 : i32
        %dma_start3A_611 = arith.constant 0 : i32
        %dma_start3A_612 = tpu.memref_slice %arg3[%dma_start3A_610, %dma_start3A_611] : memref<100000x128xf32, #tpu.memory_space<hbm>> -> memref<100000x128xf32, #tpu.memory_space<hbm>>
        tpu.enqueue_indirect_dma source(%dma_start3A_612 : memref<100000x128xf32, #tpu.memory_space<hbm>>) target(%arg9 : memref<96x128xf32, #tpu.memory_space<vmem>>) offsets(%dma_start3A_609 : memref<96xi32, #tpu.memory_space<vmem>>) semaphore(%arg16 : memref<!tpu.dma_semaphore, #tpu.memory_space<semaphore_mem>>)
      } else {
      }
      %mul3A_369 = arith.constant 3 : i32
      %mul3A_370 = arith.muli %scan3A_256, %mul3A_369 : i32
      %add3A_371 = arith.constant 1 : i32
      %add3A_372 = arith.addi %mul3A_370, %add3A_371 : i32
      %mul3A_373 = arith.constant 200 : i32
      %mul3A_374 = arith.muli %add3A_372, %mul3A_373 : i32
      %add3A_375 = arith.constant 104 : i32
      %add3A_376 = arith.addi %mul3A_374, %add3A_375 : i32
      %dma_wait3A_377 = tpu.memref_slice %arg5[%mul3A_374] : memref<25600xi32, #tpu.memory_space<vmem>> -> memref<104xi32, #tpu.memory_space<vmem>>
      %dma_wait3A_378 = arith.constant 0 : i32
      %dma_wait3A_379 = arith.constant 0 : i32
      %dma_wait3A_380 = tpu.memref_slice %arg3[%dma_wait3A_378, %dma_wait3A_379] : memref<100000x128xf32, #tpu.memory_space<hbm>> -> memref<100000x128xf32, #tpu.memory_space<hbm>>
      tpu.wait_indirect_dma semaphore(%arg14 : memref<!tpu.dma_semaphore, #tpu.memory_space<semaphore_mem>>) src(%dma_wait3A_380 : memref<100000x128xf32, #tpu.memory_space<hbm>>) dst(%arg7 : memref<104x128xf32, #tpu.memory_space<vmem>>)
      %broadcast_in_dim3A_381 = arith.constant 0.000000e+00 : f32
      %broadcast_in_dim3A_382 = vector.broadcast %broadcast_in_dim3A_381 : f32 to vector<16xf32>
      %broadcast_in_dim3A_383 = arith.constant 0.000000e+00 : f32
      %broadcast_in_dim3A_384 = vector.broadcast %broadcast_in_dim3A_383 : f32 to vector<16xf32>
      %broadcast_in_dim3A_385 = arith.constant 0.000000e+00 : f32
      %broadcast_in_dim3A_386 = vector.broadcast %broadcast_in_dim3A_385 : f32 to vector<16xf32>
      %broadcast_in_dim3A_387 = arith.constant 0.000000e+00 : f32
      %broadcast_in_dim3A_388 = vector.broadcast %broadcast_in_dim3A_387 : f32 to vector<16xf32>
      %broadcast_in_dim3A_389 = arith.constant 0.000000e+00 : f32
      %broadcast_in_dim3A_390 = vector.broadcast %broadcast_in_dim3A_389 : f32 to vector<16xf32>
      %broadcast_in_dim3A_391 = arith.constant 0.000000e+00 : f32
      %broadcast_in_dim3A_392 = vector.broadcast %broadcast_in_dim3A_391 : f32 to vector<16xf32>
      %broadcast_in_dim3A_393 = arith.constant 0.000000e+00 : f32
      %broadcast_in_dim3A_394 = vector.broadcast %broadcast_in_dim3A_393 : f32 to vector<16xf32>
      %broadcast_in_dim3A_395 = arith.constant 0.000000e+00 : f32
      %broadcast_in_dim3A_396 = vector.broadcast %broadcast_in_dim3A_395 : f32 to vector<16xf32>
      %scan3A_397 = arith.constant 0 : i32
      %scan3A_398 = arith.constant 26 : i32
      %scan3A_399 = arith.addi %scan3A_397, %scan3A_398 : i32
      %scan3A_400 = arith.constant 1 : i32
      %scan3A_401:8 = scf.for %scan3A_599 = %scan3A_397 to %scan3A_399 step %scan3A_400 iter_args(%scan3A_600 = %broadcast_in_dim3A_382, %scan3A_601 = %broadcast_in_dim3A_384, %scan3A_602 = %broadcast_in_dim3A_386, %scan3A_603 = %broadcast_in_dim3A_388, %scan3A_604 = %broadcast_in_dim3A_390, %scan3A_605 = %broadcast_in_dim3A_392, %scan3A_606 = %broadcast_in_dim3A_394, %scan3A_607 = %broadcast_in_dim3A_396) -> (vector<16xf32>, vector<16xf32>, vector<16xf32>, vector<16xf32>, vector<16xf32>, vector<16xf32>, vector<16xf32>, vector<16xf32>)  : i32 {
        %mul3A_608 = arith.constant 4 : i32
        %mul3A_609 = arith.muli %scan3A_599, %mul3A_608 : i32
        %add3A_610 = arith.constant 0 : i32
        %add3A_611 = arith.addi %mul3A_609, %add3A_610 : i32
        %get3A = arith.index_cast %add3A_611 : i32 to index
        %get3A_612 = arith.constant 0 : index
        %get3A_613 = tpu.vector_load %arg7[%get3A, %get3A_612] {strides = array<i32>} : memref<104x128xf32, #tpu.memory_space<vmem>>, vector<1x16xf32>,
        %get3A_614 = vector.shape_cast %get3A_613 : vector<1x16xf32> to vector<16xf32>
        %add3A_615 = arith.addf %scan3A_600, %get3A_614 : vector<16xf32>
        %mul3A_616 = arith.constant 4 : i32
        %mul3A_617 = arith.muli %scan3A_599, %mul3A_616 : i32
        %add3A_618 = arith.constant 0 : i32
        %add3A_619 = arith.addi %mul3A_617, %add3A_618 : i32
        %get3A_620 = arith.index_cast %add3A_619 : i32 to index
        %get3A_621 = arith.constant 16 : index
        %get3A_622 = tpu.vector_load %arg7[%get3A_620, %get3A_621] {strides = array<i32>} : memref<104x128xf32, #tpu.memory_space<vmem>>, vector<1x16xf32>,
        %get3A_623 = vector.shape_cast %get3A_622 : vector<1x16xf32> to vector<16xf32>
        %add3A_624 = arith.addf %scan3A_601, %get3A_623 : vector<16xf32>
        %mul3A_625 = arith.constant 4 : i32
        %mul3A_626 = arith.muli %scan3A_599, %mul3A_625 : i32
        %add3A_627 = arith.constant 0 : i32
        %add3A_628 = arith.addi %mul3A_626, %add3A_627 : i32
        %get3A_629 = arith.index_cast %add3A_628 : i32 to index
        %get3A_630 = arith.constant 32 : index
        %get3A_631 = tpu.vector_load %arg7[%get3A_629, %get3A_630] {strides = array<i32>} : memref<104x128xf32, #tpu.memory_space<vmem>>, vector<1x16xf32>,
        %get3A_632 = vector.shape_cast %get3A_631 : vector<1x16xf32> to vector<16xf32>
        %add3A_633 = arith.addf %scan3A_602, %get3A_632 : vector<16xf32>
        %mul3A_634 = arith.constant 4 : i32
        %mul3A_635 = arith.muli %scan3A_599, %mul3A_634 : i32
        %add3A_636 = arith.constant 0 : i32
        %add3A_637 = arith.addi %mul3A_635, %add3A_636 : i32
        %get3A_638 = arith.index_cast %add3A_637 : i32 to index
        %get3A_639 = arith.constant 48 : index
        %get3A_640 = tpu.vector_load %arg7[%get3A_638, %get3A_639] {strides = array<i32>} : memref<104x128xf32, #tpu.memory_space<vmem>>, vector<1x16xf32>,
        %get3A_641 = vector.shape_cast %get3A_640 : vector<1x16xf32> to vector<16xf32>
        %add3A_642 = arith.addf %scan3A_603, %get3A_641 : vector<16xf32>
        %mul3A_643 = arith.constant 4 : i32
        %mul3A_644 = arith.muli %scan3A_599, %mul3A_643 : i32
        %add3A_645 = arith.constant 0 : i32
        %add3A_646 = arith.addi %mul3A_644, %add3A_645 : i32
        %get3A_647 = arith.index_cast %add3A_646 : i32 to index
        %get3A_648 = arith.constant 64 : index
        %get3A_649 = tpu.vector_load %arg7[%get3A_647, %get3A_648] {strides = array<i32>} : memref<104x128xf32, #tpu.memory_space<vmem>>, vector<1x16xf32>,
        %get3A_650 = vector.shape_cast %get3A_649 : vector<1x16xf32> to vector<16xf32>
        %add3A_651 = arith.addf %scan3A_604, %get3A_650 : vector<16xf32>
        %mul3A_652 = arith.constant 4 : i32
        %mul3A_653 = arith.muli %scan3A_599, %mul3A_652 : i32
        %add3A_654 = arith.constant 0 : i32
        %add3A_655 = arith.addi %mul3A_653, %add3A_654 : i32
        %get3A_656 = arith.index_cast %add3A_655 : i32 to index
        %get3A_657 = arith.constant 80 : index
        %get3A_658 = tpu.vector_load %arg7[%get3A_656, %get3A_657] {strides = array<i32>} : memref<104x128xf32, #tpu.memory_space<vmem>>, vector<1x16xf32>,
        %get3A_659 = vector.shape_cast %get3A_658 : vector<1x16xf32> to vector<16xf32>
        %add3A_660 = arith.addf %scan3A_605, %get3A_659 : vector<16xf32>
        %mul3A_661 = arith.constant 4 : i32
        %mul3A_662 = arith.muli %scan3A_599, %mul3A_661 : i32
        %add3A_663 = arith.constant 0 : i32
        %add3A_664 = arith.addi %mul3A_662, %add3A_663 : i32
        %get3A_665 = arith.index_cast %add3A_664 : i32 to index
        %get3A_666 = arith.constant 96 : index
        %get3A_667 = tpu.vector_load %arg7[%get3A_665, %get3A_666] {strides = array<i32>} : memref<104x128xf32, #tpu.memory_space<vmem>>, vector<1x16xf32>,
        %get3A_668 = vector.shape_cast %get3A_667 : vector<1x16xf32> to vector<16xf32>
        %add3A_669 = arith.addf %scan3A_606, %get3A_668 : vector<16xf32>
        %mul3A_670 = arith.constant 4 : i32
        %mul3A_671 = arith.muli %scan3A_599, %mul3A_670 : i32
        %add3A_672 = arith.constant 0 : i32
        %add3A_673 = arith.addi %mul3A_671, %add3A_672 : i32
        %get3A_674 = arith.index_cast %add3A_673 : i32 to index
        %get3A_675 = arith.constant 112 : index
        %get3A_676 = tpu.vector_load %arg7[%get3A_674, %get3A_675] {strides = array<i32>} : memref<104x128xf32, #tpu.memory_space<vmem>>, vector<1x16xf32>,
        %get3A_677 = vector.shape_cast %get3A_676 : vector<1x16xf32> to vector<16xf32>
        %add3A_678 = arith.addf %scan3A_607, %get3A_677 : vector<16xf32>
        %mul3A_679 = arith.constant 4 : i32
        %mul3A_680 = arith.muli %scan3A_599, %mul3A_679 : i32
        %add3A_681 = arith.constant 1 : i32
        %add3A_682 = arith.addi %mul3A_680, %add3A_681 : i32
        %get3A_683 = arith.index_cast %add3A_682 : i32 to index
        %get3A_684 = arith.constant 0 : index
        %get3A_685 = tpu.vector_load %arg7[%get3A_683, %get3A_684] {strides = array<i32>} : memref<104x128xf32, #tpu.memory_space<vmem>>, vector<1x16xf32>,
        %get3A_686 = vector.shape_cast %get3A_685 : vector<1x16xf32> to vector<16xf32>
        %add3A_687 = arith.addf %add3A_615, %get3A_686 : vector<16xf32>
        %mul3A_688 = arith.constant 4 : i32
        %mul3A_689 = arith.muli %scan3A_599, %mul3A_688 : i32
        %add3A_690 = arith.constant 1 : i32
        %add3A_691 = arith.addi %mul3A_689, %add3A_690 : i32
        %get3A_692 = arith.index_cast %add3A_691 : i32 to index
        %get3A_693 = arith.constant 16 : index
        %get3A_694 = tpu.vector_load %arg7[%get3A_692, %get3A_693] {strides = array<i32>} : memref<104x128xf32, #tpu.memory_space<vmem>>, vector<1x16xf32>,
        %get3A_695 = vector.shape_cast %get3A_694 : vector<1x16xf32> to vector<16xf32>
        %add3A_696 = arith.addf %add3A_624, %get3A_695 : vector<16xf32>
        %mul3A_697 = arith.constant 4 : i32
        %mul3A_698 = arith.muli %scan3A_599, %mul3A_697 : i32
        %add3A_699 = arith.constant 1 : i32
        %add3A_700 = arith.addi %mul3A_698, %add3A_699 : i32
        %get3A_701 = arith.index_cast %add3A_700 : i32 to index
        %get3A_702 = arith.constant 32 : index
        %get3A_703 = tpu.vector_load %arg7[%get3A_701, %get3A_702] {strides = array<i32>} : memref<104x128xf32, #tpu.memory_space<vmem>>, vector<1x16xf32>,
        %get3A_704 = vector.shape_cast %get3A_703 : vector<1x16xf32> to vector<16xf32>
        %add3A_705 = arith.addf %add3A_633, %get3A_704 : vector<16xf32>
        %mul3A_706 = arith.constant 4 : i32
        %mul3A_707 = arith.muli %scan3A_599, %mul3A_706 : i32
        %add3A_708 = arith.constant 1 : i32
        %add3A_709 = arith.addi %mul3A_707, %add3A_708 : i32
        %get3A_710 = arith.index_cast %add3A_709 : i32 to index
        %get3A_711 = arith.constant 48 : index
        %get3A_712 = tpu.vector_load %arg7[%get3A_710, %get3A_711] {strides = array<i32>} : memref<104x128xf32, #tpu.memory_space<vmem>>, vector<1x16xf32>,
        %get3A_713 = vector.shape_cast %get3A_712 : vector<1x16xf32> to vector<16xf32>
        %add3A_714 = arith.addf %add3A_642, %get3A_713 : vector<16xf32>
        %mul3A_715 = arith.constant 4 : i32
        %mul3A_716 = arith.muli %scan3A_599, %mul3A_715 : i32
        %add3A_717 = arith.constant 1 : i32
        %add3A_718 = arith.addi %mul3A_716, %add3A_717 : i32
        %get3A_719 = arith.index_cast %add3A_718 : i32 to index
        %get3A_720 = arith.constant 64 : index
        %get3A_721 = tpu.vector_load %arg7[%get3A_719, %get3A_720] {strides = array<i32>} : memref<104x128xf32, #tpu.memory_space<vmem>>, vector<1x16xf32>,
        %get3A_722 = vector.shape_cast %get3A_721 : vector<1x16xf32> to vector<16xf32>
        %add3A_723 = arith.addf %add3A_651, %get3A_722 : vector<16xf32>
        %mul3A_724 = arith.constant 4 : i32
        %mul3A_725 = arith.muli %scan3A_599, %mul3A_724 : i32
        %add3A_726 = arith.constant 1 : i32
        %add3A_727 = arith.addi %mul3A_725, %add3A_726 : i32
        %get3A_728 = arith.index_cast %add3A_727 : i32 to index
        %get3A_729 = arith.constant 80 : index
        %get3A_730 = tpu.vector_load %arg7[%get3A_728, %get3A_729] {strides = array<i32>} : memref<104x128xf32, #tpu.memory_space<vmem>>, vector<1x16xf32>,
        %get3A_731 = vector.shape_cast %get3A_730 : vector<1x16xf32> to vector<16xf32>
        %add3A_732 = arith.addf %add3A_660, %get3A_731 : vector<16xf32>
        %mul3A_733 = arith.constant 4 : i32
        %mul3A_734 = arith.muli %scan3A_599, %mul3A_733 : i32
        %add3A_735 = arith.constant 1 : i32
        %add3A_736 = arith.addi %mul3A_734, %add3A_735 : i32
        %get3A_737 = arith.index_cast %add3A_736 : i32 to index
        %get3A_738 = arith.constant 96 : index
        %get3A_739 = tpu.vector_load %arg7[%get3A_737, %get3A_738] {strides = array<i32>} : memref<104x128xf32, #tpu.memory_space<vmem>>, vector<1x16xf32>,
        %get3A_740 = vector.shape_cast %get3A_739 : vector<1x16xf32> to vector<16xf32>
        %add3A_741 = arith.addf %add3A_669, %get3A_740 : vector<16xf32>
        %mul3A_742 = arith.constant 4 : i32
        %mul3A_743 = arith.muli %scan3A_599, %mul3A_742 : i32
        %add3A_744 = arith.constant 1 : i32
        %add3A_745 = arith.addi %mul3A_743, %add3A_744 : i32
        %get3A_746 = arith.index_cast %add3A_745 : i32 to index
        %get3A_747 = arith.constant 112 : index
        %get3A_748 = tpu.vector_load %arg7[%get3A_746, %get3A_747] {strides = array<i32>} : memref<104x128xf32, #tpu.memory_space<vmem>>, vector<1x16xf32>,
        %get3A_749 = vector.shape_cast %get3A_748 : vector<1x16xf32> to vector<16xf32>
        %add3A_750 = arith.addf %add3A_678, %get3A_749 : vector<16xf32>
        %mul3A_751 = arith.constant 4 : i32
        %mul3A_752 = arith.muli %scan3A_599, %mul3A_751 : i32
        %add3A_753 = arith.constant 2 : i32
        %add3A_754 = arith.addi %mul3A_752, %add3A_753 : i32
        %get3A_755 = arith.index_cast %add3A_754 : i32 to index
        %get3A_756 = arith.constant 0 : index
        %get3A_757 = tpu.vector_load %arg7[%get3A_755, %get3A_756] {strides = array<i32>} : memref<104x128xf32, #tpu.memory_space<vmem>>, vector<1x16xf32>,
        %get3A_758 = vector.shape_cast %get3A_757 : vector<1x16xf32> to vector<16xf32>
        %add3A_759 = arith.addf %add3A_687, %get3A_758 : vector<16xf32>
        %mul3A_760 = arith.constant 4 : i32
        %mul3A_761 = arith.muli %scan3A_599, %mul3A_760 : i32
        %add3A_762 = arith.constant 2 : i32
        %add3A_763 = arith.addi %mul3A_761, %add3A_762 : i32
        %get3A_764 = arith.index_cast %add3A_763 : i32 to index
        %get3A_765 = arith.constant 16 : index
        %get3A_766 = tpu.vector_load %arg7[%get3A_764, %get3A_765] {strides = array<i32>} : memref<104x128xf32, #tpu.memory_space<vmem>>, vector<1x16xf32>,
        %get3A_767 = vector.shape_cast %get3A_766 : vector<1x16xf32> to vector<16xf32>
        %add3A_768 = arith.addf %add3A_696, %get3A_767 : vector<16xf32>
        %mul3A_769 = arith.constant 4 : i32
        %mul3A_770 = arith.muli %scan3A_599, %mul3A_769 : i32
        %add3A_771 = arith.constant 2 : i32
        %add3A_772 = arith.addi %mul3A_770, %add3A_771 : i32
        %get3A_773 = arith.index_cast %add3A_772 : i32 to index
        %get3A_774 = arith.constant 32 : index
        %get3A_775 = tpu.vector_load %arg7[%get3A_773, %get3A_774] {strides = array<i32>} : memref<104x128xf32, #tpu.memory_space<vmem>>, vector<1x16xf32>,
        %get3A_776 = vector.shape_cast %get3A_775 : vector<1x16xf32> to vector<16xf32>
        %add3A_777 = arith.addf %add3A_705, %get3A_776 : vector<16xf32>
        %mul3A_778 = arith.constant 4 : i32
        %mul3A_779 = arith.muli %scan3A_599, %mul3A_778 : i32
        %add3A_780 = arith.constant 2 : i32
        %add3A_781 = arith.addi %mul3A_779, %add3A_780 : i32
        %get3A_782 = arith.index_cast %add3A_781 : i32 to index
        %get3A_783 = arith.constant 48 : index
        %get3A_784 = tpu.vector_load %arg7[%get3A_782, %get3A_783] {strides = array<i32>} : memref<104x128xf32, #tpu.memory_space<vmem>>, vector<1x16xf32>,
        %get3A_785 = vector.shape_cast %get3A_784 : vector<1x16xf32> to vector<16xf32>
        %add3A_786 = arith.addf %add3A_714, %get3A_785 : vector<16xf32>
        %mul3A_787 = arith.constant 4 : i32
        %mul3A_788 = arith.muli %scan3A_599, %mul3A_787 : i32
        %add3A_789 = arith.constant 2 : i32
        %add3A_790 = arith.addi %mul3A_788, %add3A_789 : i32
        %get3A_791 = arith.index_cast %add3A_790 : i32 to index
        %get3A_792 = arith.constant 64 : index
        %get3A_793 = tpu.vector_load %arg7[%get3A_791, %get3A_792] {strides = array<i32>} : memref<104x128xf32, #tpu.memory_space<vmem>>, vector<1x16xf32>,
        %get3A_794 = vector.shape_cast %get3A_793 : vector<1x16xf32> to vector<16xf32>
        %add3A_795 = arith.addf %add3A_723, %get3A_794 : vector<16xf32>
        %mul3A_796 = arith.constant 4 : i32
        %mul3A_797 = arith.muli %scan3A_599, %mul3A_796 : i32
        %add3A_798 = arith.constant 2 : i32
        %add3A_799 = arith.addi %mul3A_797, %add3A_798 : i32
        %get3A_800 = arith.index_cast %add3A_799 : i32 to index
        %get3A_801 = arith.constant 80 : index
        %get3A_802 = tpu.vector_load %arg7[%get3A_800, %get3A_801] {strides = array<i32>} : memref<104x128xf32, #tpu.memory_space<vmem>>, vector<1x16xf32>,
        %get3A_803 = vector.shape_cast %get3A_802 : vector<1x16xf32> to vector<16xf32>
        %add3A_804 = arith.addf %add3A_732, %get3A_803 : vector<16xf32>
        %mul3A_805 = arith.constant 4 : i32
        %mul3A_806 = arith.muli %scan3A_599, %mul3A_805 : i32
        %add3A_807 = arith.constant 2 : i32
        %add3A_808 = arith.addi %mul3A_806, %add3A_807 : i32
        %get3A_809 = arith.index_cast %add3A_808 : i32 to index
        %get3A_810 = arith.constant 96 : index
        %get3A_811 = tpu.vector_load %arg7[%get3A_809, %get3A_810] {strides = array<i32>} : memref<104x128xf32, #tpu.memory_space<vmem>>, vector<1x16xf32>,
        %get3A_812 = vector.shape_cast %get3A_811 : vector<1x16xf32> to vector<16xf32>
        %add3A_813 = arith.addf %add3A_741, %get3A_812 : vector<16xf32>
        %mul3A_814 = arith.constant 4 : i32
        %mul3A_815 = arith.muli %scan3A_599, %mul3A_814 : i32
        %add3A_816 = arith.constant 2 : i32
        %add3A_817 = arith.addi %mul3A_815, %add3A_816 : i32
        %get3A_818 = arith.index_cast %add3A_817 : i32 to index
        %get3A_819 = arith.constant 112 : index
        %get3A_820 = tpu.vector_load %arg7[%get3A_818, %get3A_819] {strides = array<i32>} : memref<104x128xf32, #tpu.memory_space<vmem>>, vector<1x16xf32>,
        %get3A_821 = vector.shape_cast %get3A_820 : vector<1x16xf32> to vector<16xf32>
        %add3A_822 = arith.addf %add3A_750, %get3A_821 : vector<16xf32>
        %mul3A_823 = arith.constant 4 : i32
        %mul3A_824 = arith.muli %scan3A_599, %mul3A_823 : i32
        %add3A_825 = arith.constant 3 : i32
        %add3A_826 = arith.addi %mul3A_824, %add3A_825 : i32
        %get3A_827 = arith.index_cast %add3A_826 : i32 to index
        %get3A_828 = arith.constant 0 : index
        %get3A_829 = tpu.vector_load %arg7[%get3A_827, %get3A_828] {strides = array<i32>} : memref<104x128xf32, #tpu.memory_space<vmem>>, vector<1x16xf32>,
        %get3A_830 = vector.shape_cast %get3A_829 : vector<1x16xf32> to vector<16xf32>
        %add3A_831 = arith.addf %add3A_759, %get3A_830 : vector<16xf32>
        %mul3A_832 = arith.constant 4 : i32
        %mul3A_833 = arith.muli %scan3A_599, %mul3A_832 : i32
        %add3A_834 = arith.constant 3 : i32
        %add3A_835 = arith.addi %mul3A_833, %add3A_834 : i32
        %get3A_836 = arith.index_cast %add3A_835 : i32 to index
        %get3A_837 = arith.constant 16 : index
        %get3A_838 = tpu.vector_load %arg7[%get3A_836, %get3A_837] {strides = array<i32>} : memref<104x128xf32, #tpu.memory_space<vmem>>, vector<1x16xf32>,
        %get3A_839 = vector.shape_cast %get3A_838 : vector<1x16xf32> to vector<16xf32>
        %add3A_840 = arith.addf %add3A_768, %get3A_839 : vector<16xf32>
        %mul3A_841 = arith.constant 4 : i32
        %mul3A_842 = arith.muli %scan3A_599, %mul3A_841 : i32
        %add3A_843 = arith.constant 3 : i32
        %add3A_844 = arith.addi %mul3A_842, %add3A_843 : i32
        %get3A_845 = arith.index_cast %add3A_844 : i32 to index
        %get3A_846 = arith.constant 32 : index
        %get3A_847 = tpu.vector_load %arg7[%get3A_845, %get3A_846] {strides = array<i32>} : memref<104x128xf32, #tpu.memory_space<vmem>>, vector<1x16xf32>,
        %get3A_848 = vector.shape_cast %get3A_847 : vector<1x16xf32> to vector<16xf32>
        %add3A_849 = arith.addf %add3A_777, %get3A_848 : vector<16xf32>
        %mul3A_850 = arith.constant 4 : i32
        %mul3A_851 = arith.muli %scan3A_599, %mul3A_850 : i32
        %add3A_852 = arith.constant 3 : i32
        %add3A_853 = arith.addi %mul3A_851, %add3A_852 : i32
        %get3A_854 = arith.index_cast %add3A_853 : i32 to index
        %get3A_855 = arith.constant 48 : index
        %get3A_856 = tpu.vector_load %arg7[%get3A_854, %get3A_855] {strides = array<i32>} : memref<104x128xf32, #tpu.memory_space<vmem>>, vector<1x16xf32>,
        %get3A_857 = vector.shape_cast %get3A_856 : vector<1x16xf32> to vector<16xf32>
        %add3A_858 = arith.addf %add3A_786, %get3A_857 : vector<16xf32>
        %mul3A_859 = arith.constant 4 : i32
        %mul3A_860 = arith.muli %scan3A_599, %mul3A_859 : i32
        %add3A_861 = arith.constant 3 : i32
        %add3A_862 = arith.addi %mul3A_860, %add3A_861 : i32
        %get3A_863 = arith.index_cast %add3A_862 : i32 to index
        %get3A_864 = arith.constant 64 : index
        %get3A_865 = tpu.vector_load %arg7[%get3A_863, %get3A_864] {strides = array<i32>} : memref<104x128xf32, #tpu.memory_space<vmem>>, vector<1x16xf32>,
        %get3A_866 = vector.shape_cast %get3A_865 : vector<1x16xf32> to vector<16xf32>
        %add3A_867 = arith.addf %add3A_795, %get3A_866 : vector<16xf32>
        %mul3A_868 = arith.constant 4 : i32
        %mul3A_869 = arith.muli %scan3A_599, %mul3A_868 : i32
        %add3A_870 = arith.constant 3 : i32
        %add3A_871 = arith.addi %mul3A_869, %add3A_870 : i32
        %get3A_872 = arith.index_cast %add3A_871 : i32 to index
        %get3A_873 = arith.constant 80 : index
        %get3A_874 = tpu.vector_load %arg7[%get3A_872, %get3A_873] {strides = array<i32>} : memref<104x128xf32, #tpu.memory_space<vmem>>, vector<1x16xf32>,
        %get3A_875 = vector.shape_cast %get3A_874 : vector<1x16xf32> to vector<16xf32>
        %add3A_876 = arith.addf %add3A_804, %get3A_875 : vector<16xf32>
        %mul3A_877 = arith.constant 4 : i32
        %mul3A_878 = arith.muli %scan3A_599, %mul3A_877 : i32
        %add3A_879 = arith.constant 3 : i32
        %add3A_880 = arith.addi %mul3A_878, %add3A_879 : i32
        %get3A_881 = arith.index_cast %add3A_880 : i32 to index
        %get3A_882 = arith.constant 96 : index
        %get3A_883 = tpu.vector_load %arg7[%get3A_881, %get3A_882] {strides = array<i32>} : memref<104x128xf32, #tpu.memory_space<vmem>>, vector<1x16xf32>,
        %get3A_884 = vector.shape_cast %get3A_883 : vector<1x16xf32> to vector<16xf32>
        %add3A_885 = arith.addf %add3A_813, %get3A_884 : vector<16xf32>
        %mul3A_886 = arith.constant 4 : i32
        %mul3A_887 = arith.muli %scan3A_599, %mul3A_886 : i32
        %add3A_888 = arith.constant 3 : i32
        %add3A_889 = arith.addi %mul3A_887, %add3A_888 : i32
        %get3A_890 = arith.index_cast %add3A_889 : i32 to index
        %get3A_891 = arith.constant 112 : index
        %get3A_892 = tpu.vector_load %arg7[%get3A_890, %get3A_891] {strides = array<i32>} : memref<104x128xf32, #tpu.memory_space<vmem>>, vector<1x16xf32>,
        %get3A_893 = vector.shape_cast %get3A_892 : vector<1x16xf32> to vector<16xf32>
        %add3A_894 = arith.addf %add3A_822, %get3A_893 : vector<16xf32>
        scf.yield %add3A_831, %add3A_840, %add3A_849, %add3A_858, %add3A_867, %add3A_876, %add3A_885, %add3A_894 : vector<16xf32>, vector<16xf32>, vector<16xf32>, vector<16xf32>, vector<16xf32>, vector<16xf32>, vector<16xf32>, vector<16xf32>
      }
      %scan3A_402 = arith.constant 26 : i32
      %dma_wait3A_403 = tpu.memref_slice %arg5[%add3A_376] : memref<25600xi32, #tpu.memory_space<vmem>> -> memref<96xi32, #tpu.memory_space<vmem>>
      %dma_wait3A_404 = arith.constant 0 : i32
      %dma_wait3A_405 = arith.constant 0 : i32
      %dma_wait3A_406 = tpu.memref_slice %arg3[%dma_wait3A_404, %dma_wait3A_405] : memref<100000x128xf32, #tpu.memory_space<hbm>> -> memref<100000x128xf32, #tpu.memory_space<hbm>>
      tpu.wait_indirect_dma semaphore(%arg17 : memref<!tpu.dma_semaphore, #tpu.memory_space<semaphore_mem>>) src(%dma_wait3A_406 : memref<100000x128xf32, #tpu.memory_space<hbm>>) dst(%arg10 : memref<96x128xf32, #tpu.memory_space<vmem>>)
      %scan3A_407 = arith.constant 0 : i32
      %scan3A_408 = arith.constant 24 : i32
      %scan3A_409 = arith.addi %scan3A_407, %scan3A_408 : i32
      %scan3A_410 = arith.constant 1 : i32
      %scan3A_411:8 = scf.for %scan3A_599 = %scan3A_407 to %scan3A_409 step %scan3A_410 iter_args(%scan3A_600 = %scan3A_401#0, %scan3A_601 = %scan3A_401#1, %scan3A_602 = %scan3A_401#2, %scan3A_603 = %scan3A_401#3, %scan3A_604 = %scan3A_401#4, %scan3A_605 = %scan3A_401#5, %scan3A_606 = %scan3A_401#6, %scan3A_607 = %scan3A_401#7) -> (vector<16xf32>, vector<16xf32>, vector<16xf32>, vector<16xf32>, vector<16xf32>, vector<16xf32>, vector<16xf32>, vector<16xf32>)  : i32 {
        %mul3A_608 = arith.constant 4 : i32
        %mul3A_609 = arith.muli %scan3A_599, %mul3A_608 : i32
        %add3A_610 = arith.constant 0 : i32
        %add3A_611 = arith.addi %mul3A_609, %add3A_610 : i32
        %get3A = arith.index_cast %add3A_611 : i32 to index
        %get3A_612 = arith.constant 0 : index
        %get3A_613 = tpu.vector_load %arg10[%get3A, %get3A_612] {strides = array<i32>} : memref<96x128xf32, #tpu.memory_space<vmem>>, vector<1x16xf32>,
        %get3A_614 = vector.shape_cast %get3A_613 : vector<1x16xf32> to vector<16xf32>
        %add3A_615 = arith.addf %scan3A_600, %get3A_614 : vector<16xf32>
        %mul3A_616 = arith.constant 4 : i32
        %mul3A_617 = arith.muli %scan3A_599, %mul3A_616 : i32
        %add3A_618 = arith.constant 0 : i32
        %add3A_619 = arith.addi %mul3A_617, %add3A_618 : i32
        %get3A_620 = arith.index_cast %add3A_619 : i32 to index
        %get3A_621 = arith.constant 16 : index
        %get3A_622 = tpu.vector_load %arg10[%get3A_620, %get3A_621] {strides = array<i32>} : memref<96x128xf32, #tpu.memory_space<vmem>>, vector<1x16xf32>,
        %get3A_623 = vector.shape_cast %get3A_622 : vector<1x16xf32> to vector<16xf32>
        %add3A_624 = arith.addf %scan3A_601, %get3A_623 : vector<16xf32>
        %mul3A_625 = arith.constant 4 : i32
        %mul3A_626 = arith.muli %scan3A_599, %mul3A_625 : i32
        %add3A_627 = arith.constant 0 : i32
        %add3A_628 = arith.addi %mul3A_626, %add3A_627 : i32
        %get3A_629 = arith.index_cast %add3A_628 : i32 to index
        %get3A_630 = arith.constant 32 : index
        %get3A_631 = tpu.vector_load %arg10[%get3A_629, %get3A_630] {strides = array<i32>} : memref<96x128xf32, #tpu.memory_space<vmem>>, vector<1x16xf32>,
        %get3A_632 = vector.shape_cast %get3A_631 : vector<1x16xf32> to vector<16xf32>
        %add3A_633 = arith.addf %scan3A_602, %get3A_632 : vector<16xf32>
        %mul3A_634 = arith.constant 4 : i32
        %mul3A_635 = arith.muli %scan3A_599, %mul3A_634 : i32
        %add3A_636 = arith.constant 0 : i32
        %add3A_637 = arith.addi %mul3A_635, %add3A_636 : i32
        %get3A_638 = arith.index_cast %add3A_637 : i32 to index
        %get3A_639 = arith.constant 48 : index
        %get3A_640 = tpu.vector_load %arg10[%get3A_638, %get3A_639] {strides = array<i32>} : memref<96x128xf32, #tpu.memory_space<vmem>>, vector<1x16xf32>,
        %get3A_641 = vector.shape_cast %get3A_640 : vector<1x16xf32> to vector<16xf32>
        %add3A_642 = arith.addf %scan3A_603, %get3A_641 : vector<16xf32>
        %mul3A_643 = arith.constant 4 : i32
        %mul3A_644 = arith.muli %scan3A_599, %mul3A_643 : i32
        %add3A_645 = arith.constant 0 : i32
        %add3A_646 = arith.addi %mul3A_644, %add3A_645 : i32
        %get3A_647 = arith.index_cast %add3A_646 : i32 to index
        %get3A_648 = arith.constant 64 : index
        %get3A_649 = tpu.vector_load %arg10[%get3A_647, %get3A_648] {strides = array<i32>} : memref<96x128xf32, #tpu.memory_space<vmem>>, vector<1x16xf32>,
        %get3A_650 = vector.shape_cast %get3A_649 : vector<1x16xf32> to vector<16xf32>
        %add3A_651 = arith.addf %scan3A_604, %get3A_650 : vector<16xf32>
        %mul3A_652 = arith.constant 4 : i32
        %mul3A_653 = arith.muli %scan3A_599, %mul3A_652 : i32
        %add3A_654 = arith.constant 0 : i32
        %add3A_655 = arith.addi %mul3A_653, %add3A_654 : i32
        %get3A_656 = arith.index_cast %add3A_655 : i32 to index
        %get3A_657 = arith.constant 80 : index
        %get3A_658 = tpu.vector_load %arg10[%get3A_656, %get3A_657] {strides = array<i32>} : memref<96x128xf32, #tpu.memory_space<vmem>>, vector<1x16xf32>,
        %get3A_659 = vector.shape_cast %get3A_658 : vector<1x16xf32> to vector<16xf32>
        %add3A_660 = arith.addf %scan3A_605, %get3A_659 : vector<16xf32>
        %mul3A_661 = arith.constant 4 : i32
        %mul3A_662 = arith.muli %scan3A_599, %mul3A_661 : i32
        %add3A_663 = arith.constant 0 : i32
        %add3A_664 = arith.addi %mul3A_662, %add3A_663 : i32
        %get3A_665 = arith.index_cast %add3A_664 : i32 to index
        %get3A_666 = arith.constant 96 : index
        %get3A_667 = tpu.vector_load %arg10[%get3A_665, %get3A_666] {strides = array<i32>} : memref<96x128xf32, #tpu.memory_space<vmem>>, vector<1x16xf32>,
        %get3A_668 = vector.shape_cast %get3A_667 : vector<1x16xf32> to vector<16xf32>
        %add3A_669 = arith.addf %scan3A_606, %get3A_668 : vector<16xf32>
        %mul3A_670 = arith.constant 4 : i32
        %mul3A_671 = arith.muli %scan3A_599, %mul3A_670 : i32
        %add3A_672 = arith.constant 0 : i32
        %add3A_673 = arith.addi %mul3A_671, %add3A_672 : i32
        %get3A_674 = arith.index_cast %add3A_673 : i32 to index
        %get3A_675 = arith.constant 112 : index
        %get3A_676 = tpu.vector_load %arg10[%get3A_674, %get3A_675] {strides = array<i32>} : memref<96x128xf32, #tpu.memory_space<vmem>>, vector<1x16xf32>,
        %get3A_677 = vector.shape_cast %get3A_676 : vector<1x16xf32> to vector<16xf32>
        %add3A_678 = arith.addf %scan3A_607, %get3A_677 : vector<16xf32>
        %mul3A_679 = arith.constant 4 : i32
        %mul3A_680 = arith.muli %scan3A_599, %mul3A_679 : i32
        %add3A_681 = arith.constant 1 : i32
        %add3A_682 = arith.addi %mul3A_680, %add3A_681 : i32
        %get3A_683 = arith.index_cast %add3A_682 : i32 to index
        %get3A_684 = arith.constant 0 : index
        %get3A_685 = tpu.vector_load %arg10[%get3A_683, %get3A_684] {strides = array<i32>} : memref<96x128xf32, #tpu.memory_space<vmem>>, vector<1x16xf32>,
        %get3A_686 = vector.shape_cast %get3A_685 : vector<1x16xf32> to vector<16xf32>
        %add3A_687 = arith.addf %add3A_615, %get3A_686 : vector<16xf32>
        %mul3A_688 = arith.constant 4 : i32
        %mul3A_689 = arith.muli %scan3A_599, %mul3A_688 : i32
        %add3A_690 = arith.constant 1 : i32
        %add3A_691 = arith.addi %mul3A_689, %add3A_690 : i32
        %get3A_692 = arith.index_cast %add3A_691 : i32 to index
        %get3A_693 = arith.constant 16 : index
        %get3A_694 = tpu.vector_load %arg10[%get3A_692, %get3A_693] {strides = array<i32>} : memref<96x128xf32, #tpu.memory_space<vmem>>, vector<1x16xf32>,
        %get3A_695 = vector.shape_cast %get3A_694 : vector<1x16xf32> to vector<16xf32>
        %add3A_696 = arith.addf %add3A_624, %get3A_695 : vector<16xf32>
        %mul3A_697 = arith.constant 4 : i32
        %mul3A_698 = arith.muli %scan3A_599, %mul3A_697 : i32
        %add3A_699 = arith.constant 1 : i32
        %add3A_700 = arith.addi %mul3A_698, %add3A_699 : i32
        %get3A_701 = arith.index_cast %add3A_700 : i32 to index
        %get3A_702 = arith.constant 32 : index
        %get3A_703 = tpu.vector_load %arg10[%get3A_701, %get3A_702] {strides = array<i32>} : memref<96x128xf32, #tpu.memory_space<vmem>>, vector<1x16xf32>,
        %get3A_704 = vector.shape_cast %get3A_703 : vector<1x16xf32> to vector<16xf32>
        %add3A_705 = arith.addf %add3A_633, %get3A_704 : vector<16xf32>
        %mul3A_706 = arith.constant 4 : i32
        %mul3A_707 = arith.muli %scan3A_599, %mul3A_706 : i32
        %add3A_708 = arith.constant 1 : i32
        %add3A_709 = arith.addi %mul3A_707, %add3A_708 : i32
        %get3A_710 = arith.index_cast %add3A_709 : i32 to index
        %get3A_711 = arith.constant 48 : index
        %get3A_712 = tpu.vector_load %arg10[%get3A_710, %get3A_711] {strides = array<i32>} : memref<96x128xf32, #tpu.memory_space<vmem>>, vector<1x16xf32>,
        %get3A_713 = vector.shape_cast %get3A_712 : vector<1x16xf32> to vector<16xf32>
        %add3A_714 = arith.addf %add3A_642, %get3A_713 : vector<16xf32>
        %mul3A_715 = arith.constant 4 : i32
        %mul3A_716 = arith.muli %scan3A_599, %mul3A_715 : i32
        %add3A_717 = arith.constant 1 : i32
        %add3A_718 = arith.addi %mul3A_716, %add3A_717 : i32
        %get3A_719 = arith.index_cast %add3A_718 : i32 to index
        %get3A_720 = arith.constant 64 : index
        %get3A_721 = tpu.vector_load %arg10[%get3A_719, %get3A_720] {strides = array<i32>} : memref<96x128xf32, #tpu.memory_space<vmem>>, vector<1x16xf32>,
        %get3A_722 = vector.shape_cast %get3A_721 : vector<1x16xf32> to vector<16xf32>
        %add3A_723 = arith.addf %add3A_651, %get3A_722 : vector<16xf32>
        %mul3A_724 = arith.constant 4 : i32
        %mul3A_725 = arith.muli %scan3A_599, %mul3A_724 : i32
        %add3A_726 = arith.constant 1 : i32
        %add3A_727 = arith.addi %mul3A_725, %add3A_726 : i32
        %get3A_728 = arith.index_cast %add3A_727 : i32 to index
        %get3A_729 = arith.constant 80 : index
        %get3A_730 = tpu.vector_load %arg10[%get3A_728, %get3A_729] {strides = array<i32>} : memref<96x128xf32, #tpu.memory_space<vmem>>, vector<1x16xf32>,
        %get3A_731 = vector.shape_cast %get3A_730 : vector<1x16xf32> to vector<16xf32>
        %add3A_732 = arith.addf %add3A_660, %get3A_731 : vector<16xf32>
        %mul3A_733 = arith.constant 4 : i32
        %mul3A_734 = arith.muli %scan3A_599, %mul3A_733 : i32
        %add3A_735 = arith.constant 1 : i32
        %add3A_736 = arith.addi %mul3A_734, %add3A_735 : i32
        %get3A_737 = arith.index_cast %add3A_736 : i32 to index
        %get3A_738 = arith.constant 96 : index
        %get3A_739 = tpu.vector_load %arg10[%get3A_737, %get3A_738] {strides = array<i32>} : memref<96x128xf32, #tpu.memory_space<vmem>>, vector<1x16xf32>,
        %get3A_740 = vector.shape_cast %get3A_739 : vector<1x16xf32> to vector<16xf32>
        %add3A_741 = arith.addf %add3A_669, %get3A_740 : vector<16xf32>
        %mul3A_742 = arith.constant 4 : i32
        %mul3A_743 = arith.muli %scan3A_599, %mul3A_742 : i32
        %add3A_744 = arith.constant 1 : i32
        %add3A_745 = arith.addi %mul3A_743, %add3A_744 : i32
        %get3A_746 = arith.index_cast %add3A_745 : i32 to index
        %get3A_747 = arith.constant 112 : index
        %get3A_748 = tpu.vector_load %arg10[%get3A_746, %get3A_747] {strides = array<i32>} : memref<96x128xf32, #tpu.memory_space<vmem>>, vector<1x16xf32>,
        %get3A_749 = vector.shape_cast %get3A_748 : vector<1x16xf32> to vector<16xf32>
        %add3A_750 = arith.addf %add3A_678, %get3A_749 : vector<16xf32>
        %mul3A_751 = arith.constant 4 : i32
        %mul3A_752 = arith.muli %scan3A_599, %mul3A_751 : i32
        %add3A_753 = arith.constant 2 : i32
        %add3A_754 = arith.addi %mul3A_752, %add3A_753 : i32
        %get3A_755 = arith.index_cast %add3A_754 : i32 to index
        %get3A_756 = arith.constant 0 : index
        %get3A_757 = tpu.vector_load %arg10[%get3A_755, %get3A_756] {strides = array<i32>} : memref<96x128xf32, #tpu.memory_space<vmem>>, vector<1x16xf32>,
        %get3A_758 = vector.shape_cast %get3A_757 : vector<1x16xf32> to vector<16xf32>
        %add3A_759 = arith.addf %add3A_687, %get3A_758 : vector<16xf32>
        %mul3A_760 = arith.constant 4 : i32
        %mul3A_761 = arith.muli %scan3A_599, %mul3A_760 : i32
        %add3A_762 = arith.constant 2 : i32
        %add3A_763 = arith.addi %mul3A_761, %add3A_762 : i32
        %get3A_764 = arith.index_cast %add3A_763 : i32 to index
        %get3A_765 = arith.constant 16 : index
        %get3A_766 = tpu.vector_load %arg10[%get3A_764, %get3A_765] {strides = array<i32>} : memref<96x128xf32, #tpu.memory_space<vmem>>, vector<1x16xf32>,
        %get3A_767 = vector.shape_cast %get3A_766 : vector<1x16xf32> to vector<16xf32>
        %add3A_768 = arith.addf %add3A_696, %get3A_767 : vector<16xf32>
        %mul3A_769 = arith.constant 4 : i32
        %mul3A_770 = arith.muli %scan3A_599, %mul3A_769 : i32
        %add3A_771 = arith.constant 2 : i32
        %add3A_772 = arith.addi %mul3A_770, %add3A_771 : i32
        %get3A_773 = arith.index_cast %add3A_772 : i32 to index
        %get3A_774 = arith.constant 32 : index
        %get3A_775 = tpu.vector_load %arg10[%get3A_773, %get3A_774] {strides = array<i32>} : memref<96x128xf32, #tpu.memory_space<vmem>>, vector<1x16xf32>,
        %get3A_776 = vector.shape_cast %get3A_775 : vector<1x16xf32> to vector<16xf32>
        %add3A_777 = arith.addf %add3A_705, %get3A_776 : vector<16xf32>
        %mul3A_778 = arith.constant 4 : i32
        %mul3A_779 = arith.muli %scan3A_599, %mul3A_778 : i32
        %add3A_780 = arith.constant 2 : i32
        %add3A_781 = arith.addi %mul3A_779, %add3A_780 : i32
        %get3A_782 = arith.index_cast %add3A_781 : i32 to index
        %get3A_783 = arith.constant 48 : index
        %get3A_784 = tpu.vector_load %arg10[%get3A_782, %get3A_783] {strides = array<i32>} : memref<96x128xf32, #tpu.memory_space<vmem>>, vector<1x16xf32>,
        %get3A_785 = vector.shape_cast %get3A_784 : vector<1x16xf32> to vector<16xf32>
        %add3A_786 = arith.addf %add3A_714, %get3A_785 : vector<16xf32>
        %mul3A_787 = arith.constant 4 : i32
        %mul3A_788 = arith.muli %scan3A_599, %mul3A_787 : i32
        %add3A_789 = arith.constant 2 : i32
        %add3A_790 = arith.addi %mul3A_788, %add3A_789 : i32
        %get3A_791 = arith.index_cast %add3A_790 : i32 to index
        %get3A_792 = arith.constant 64 : index
        %get3A_793 = tpu.vector_load %arg10[%get3A_791, %get3A_792] {strides = array<i32>} : memref<96x128xf32, #tpu.memory_space<vmem>>, vector<1x16xf32>,
        %get3A_794 = vector.shape_cast %get3A_793 : vector<1x16xf32> to vector<16xf32>
        %add3A_795 = arith.addf %add3A_723, %get3A_794 : vector<16xf32>
        %mul3A_796 = arith.constant 4 : i32
        %mul3A_797 = arith.muli %scan3A_599, %mul3A_796 : i32
        %add3A_798 = arith.constant 2 : i32
        %add3A_799 = arith.addi %mul3A_797, %add3A_798 : i32
        %get3A_800 = arith.index_cast %add3A_799 : i32 to index
        %get3A_801 = arith.constant 80 : index
        %get3A_802 = tpu.vector_load %arg10[%get3A_800, %get3A_801] {strides = array<i32>} : memref<96x128xf32, #tpu.memory_space<vmem>>, vector<1x16xf32>,
        %get3A_803 = vector.shape_cast %get3A_802 : vector<1x16xf32> to vector<16xf32>
        %add3A_804 = arith.addf %add3A_732, %get3A_803 : vector<16xf32>
        %mul3A_805 = arith.constant 4 : i32
        %mul3A_806 = arith.muli %scan3A_599, %mul3A_805 : i32
        %add3A_807 = arith.constant 2 : i32
        %add3A_808 = arith.addi %mul3A_806, %add3A_807 : i32
        %get3A_809 = arith.index_cast %add3A_808 : i32 to index
        %get3A_810 = arith.constant 96 : index
        %get3A_811 = tpu.vector_load %arg10[%get3A_809, %get3A_810] {strides = array<i32>} : memref<96x128xf32, #tpu.memory_space<vmem>>, vector<1x16xf32>,
        %get3A_812 = vector.shape_cast %get3A_811 : vector<1x16xf32> to vector<16xf32>
        %add3A_813 = arith.addf %add3A_741, %get3A_812 : vector<16xf32>
        %mul3A_814 = arith.constant 4 : i32
        %mul3A_815 = arith.muli %scan3A_599, %mul3A_814 : i32
        %add3A_816 = arith.constant 2 : i32
        %add3A_817 = arith.addi %mul3A_815, %add3A_816 : i32
        %get3A_818 = arith.index_cast %add3A_817 : i32 to index
        %get3A_819 = arith.constant 112 : index
        %get3A_820 = tpu.vector_load %arg10[%get3A_818, %get3A_819] {strides = array<i32>} : memref<96x128xf32, #tpu.memory_space<vmem>>, vector<1x16xf32>,
        %get3A_821 = vector.shape_cast %get3A_820 : vector<1x16xf32> to vector<16xf32>
        %add3A_822 = arith.addf %add3A_750, %get3A_821 : vector<16xf32>
        %mul3A_823 = arith.constant 4 : i32
        %mul3A_824 = arith.muli %scan3A_599, %mul3A_823 : i32
        %add3A_825 = arith.constant 3 : i32
        %add3A_826 = arith.addi %mul3A_824, %add3A_825 : i32
        %get3A_827 = arith.index_cast %add3A_826 : i32 to index
        %get3A_828 = arith.constant 0 : index
        %get3A_829 = tpu.vector_load %arg10[%get3A_827, %get3A_828] {strides = array<i32>} : memref<96x128xf32, #tpu.memory_space<vmem>>, vector<1x16xf32>,
        %get3A_830 = vector.shape_cast %get3A_829 : vector<1x16xf32> to vector<16xf32>
        %add3A_831 = arith.addf %add3A_759, %get3A_830 : vector<16xf32>
        %mul3A_832 = arith.constant 4 : i32
        %mul3A_833 = arith.muli %scan3A_599, %mul3A_832 : i32
        %add3A_834 = arith.constant 3 : i32
        %add3A_835 = arith.addi %mul3A_833, %add3A_834 : i32
        %get3A_836 = arith.index_cast %add3A_835 : i32 to index
        %get3A_837 = arith.constant 16 : index
        %get3A_838 = tpu.vector_load %arg10[%get3A_836, %get3A_837] {strides = array<i32>} : memref<96x128xf32, #tpu.memory_space<vmem>>, vector<1x16xf32>,
        %get3A_839 = vector.shape_cast %get3A_838 : vector<1x16xf32> to vector<16xf32>
        %add3A_840 = arith.addf %add3A_768, %get3A_839 : vector<16xf32>
        %mul3A_841 = arith.constant 4 : i32
        %mul3A_842 = arith.muli %scan3A_599, %mul3A_841 : i32
        %add3A_843 = arith.constant 3 : i32
        %add3A_844 = arith.addi %mul3A_842, %add3A_843 : i32
        %get3A_845 = arith.index_cast %add3A_844 : i32 to index
        %get3A_846 = arith.constant 32 : index
        %get3A_847 = tpu.vector_load %arg10[%get3A_845, %get3A_846] {strides = array<i32>} : memref<96x128xf32, #tpu.memory_space<vmem>>, vector<1x16xf32>,
        %get3A_848 = vector.shape_cast %get3A_847 : vector<1x16xf32> to vector<16xf32>
        %add3A_849 = arith.addf %add3A_777, %get3A_848 : vector<16xf32>
        %mul3A_850 = arith.constant 4 : i32
        %mul3A_851 = arith.muli %scan3A_599, %mul3A_850 : i32
        %add3A_852 = arith.constant 3 : i32
        %add3A_853 = arith.addi %mul3A_851, %add3A_852 : i32
        %get3A_854 = arith.index_cast %add3A_853 : i32 to index
        %get3A_855 = arith.constant 48 : index
        %get3A_856 = tpu.vector_load %arg10[%get3A_854, %get3A_855] {strides = array<i32>} : memref<96x128xf32, #tpu.memory_space<vmem>>, vector<1x16xf32>,
        %get3A_857 = vector.shape_cast %get3A_856 : vector<1x16xf32> to vector<16xf32>
        %add3A_858 = arith.addf %add3A_786, %get3A_857 : vector<16xf32>
        %mul3A_859 = arith.constant 4 : i32
        %mul3A_860 = arith.muli %scan3A_599, %mul3A_859 : i32
        %add3A_861 = arith.constant 3 : i32
        %add3A_862 = arith.addi %mul3A_860, %add3A_861 : i32
        %get3A_863 = arith.index_cast %add3A_862 : i32 to index
        %get3A_864 = arith.constant 64 : index
        %get3A_865 = tpu.vector_load %arg10[%get3A_863, %get3A_864] {strides = array<i32>} : memref<96x128xf32, #tpu.memory_space<vmem>>, vector<1x16xf32>,
        %get3A_866 = vector.shape_cast %get3A_865 : vector<1x16xf32> to vector<16xf32>
        %add3A_867 = arith.addf %add3A_795, %get3A_866 : vector<16xf32>
        %mul3A_868 = arith.constant 4 : i32
        %mul3A_869 = arith.muli %scan3A_599, %mul3A_868 : i32
        %add3A_870 = arith.constant 3 : i32
        %add3A_871 = arith.addi %mul3A_869, %add3A_870 : i32
        %get3A_872 = arith.index_cast %add3A_871 : i32 to index
        %get3A_873 = arith.constant 80 : index
        %get3A_874 = tpu.vector_load %arg10[%get3A_872, %get3A_873] {strides = array<i32>} : memref<96x128xf32, #tpu.memory_space<vmem>>, vector<1x16xf32>,
        %get3A_875 = vector.shape_cast %get3A_874 : vector<1x16xf32> to vector<16xf32>
        %add3A_876 = arith.addf %add3A_804, %get3A_875 : vector<16xf32>
        %mul3A_877 = arith.constant 4 : i32
        %mul3A_878 = arith.muli %scan3A_599, %mul3A_877 : i32
        %add3A_879 = arith.constant 3 : i32
        %add3A_880 = arith.addi %mul3A_878, %add3A_879 : i32
        %get3A_881 = arith.index_cast %add3A_880 : i32 to index
        %get3A_882 = arith.constant 96 : index
        %get3A_883 = tpu.vector_load %arg10[%get3A_881, %get3A_882] {strides = array<i32>} : memref<96x128xf32, #tpu.memory_space<vmem>>, vector<1x16xf32>,
        %get3A_884 = vector.shape_cast %get3A_883 : vector<1x16xf32> to vector<16xf32>
        %add3A_885 = arith.addf %add3A_813, %get3A_884 : vector<16xf32>
        %mul3A_886 = arith.constant 4 : i32
        %mul3A_887 = arith.muli %scan3A_599, %mul3A_886 : i32
        %add3A_888 = arith.constant 3 : i32
        %add3A_889 = arith.addi %mul3A_887, %add3A_888 : i32
        %get3A_890 = arith.index_cast %add3A_889 : i32 to index
        %get3A_891 = arith.constant 112 : index
        %get3A_892 = tpu.vector_load %arg10[%get3A_890, %get3A_891] {strides = array<i32>} : memref<96x128xf32, #tpu.memory_space<vmem>>, vector<1x16xf32>,
        %get3A_893 = vector.shape_cast %get3A_892 : vector<1x16xf32> to vector<16xf32>
        %add3A_894 = arith.addf %add3A_822, %get3A_893 : vector<16xf32>
        scf.yield %add3A_831, %add3A_840, %add3A_849, %add3A_858, %add3A_867, %add3A_876, %add3A_885, %add3A_894 : vector<16xf32>, vector<16xf32>, vector<16xf32>, vector<16xf32>, vector<16xf32>, vector<16xf32>, vector<16xf32>, vector<16xf32>
      }
      %scan3A_412 = arith.constant 24 : i32
      %mul3A_413 = arith.constant 5.000000e-03 : f32
      %mul3A_414 = vector.broadcast %mul3A_413 : f32 to vector<16xf32>
      %mul3A_415 = arith.mulf %scan3A_411#0, %mul3A_414 : vector<16xf32>
      %swap3A_416 = arith.index_cast %add3A_372 : i32 to index
      %swap3A_417 = arith.constant 0 : index
      %swap3A_418 = tpu.vector_load %arg12[%swap3A_416, %swap3A_417] {strides = array<i32>} : memref<128x128xf32, #tpu.memory_space<vmem>>, vector<1x16xf32>,
      %swap3A_419 = vector.shape_cast %swap3A_418 : vector<1x16xf32> to vector<16xf32>
      %swap3A_420 = vector.shape_cast %mul3A_415 : vector<16xf32> to vector<1x16xf32>
      tpu.vector_store %arg12[%swap3A_416, %swap3A_417], %swap3A_420 {strides = array<i32>} : memref<128x128xf32, #tpu.memory_space<vmem>>, vector<1x16xf32>,
      %mul3A_421 = arith.constant 5.000000e-03 : f32
      %mul3A_422 = vector.broadcast %mul3A_421 : f32 to vector<16xf32>
      %mul3A_423 = arith.mulf %scan3A_411#1, %mul3A_422 : vector<16xf32>
      %swap3A_424 = arith.index_cast %add3A_372 : i32 to index
      %swap3A_425 = arith.constant 16 : index
      %swap3A_426 = tpu.vector_load %arg12[%swap3A_424, %swap3A_425] {strides = array<i32>} : memref<128x128xf32, #tpu.memory_space<vmem>>, vector<1x16xf32>,
      %swap3A_427 = vector.shape_cast %swap3A_426 : vector<1x16xf32> to vector<16xf32>
      %swap3A_428 = vector.shape_cast %mul3A_423 : vector<16xf32> to vector<1x16xf32>
      tpu.vector_store %arg12[%swap3A_424, %swap3A_425], %swap3A_428 {strides = array<i32>} : memref<128x128xf32, #tpu.memory_space<vmem>>, vector<1x16xf32>,
      %mul3A_429 = arith.constant 5.000000e-03 : f32
      %mul3A_430 = vector.broadcast %mul3A_429 : f32 to vector<16xf32>
      %mul3A_431 = arith.mulf %scan3A_411#2, %mul3A_430 : vector<16xf32>
      %swap3A_432 = arith.index_cast %add3A_372 : i32 to index
      %swap3A_433 = arith.constant 32 : index
      %swap3A_434 = tpu.vector_load %arg12[%swap3A_432, %swap3A_433] {strides = array<i32>} : memref<128x128xf32, #tpu.memory_space<vmem>>, vector<1x16xf32>,
      %swap3A_435 = vector.shape_cast %swap3A_434 : vector<1x16xf32> to vector<16xf32>
      %swap3A_436 = vector.shape_cast %mul3A_431 : vector<16xf32> to vector<1x16xf32>
      tpu.vector_store %arg12[%swap3A_432, %swap3A_433], %swap3A_436 {strides = array<i32>} : memref<128x128xf32, #tpu.memory_space<vmem>>, vector<1x16xf32>,
      %mul3A_437 = arith.constant 5.000000e-03 : f32
      %mul3A_438 = vector.broadcast %mul3A_437 : f32 to vector<16xf32>
      %mul3A_439 = arith.mulf %scan3A_411#3, %mul3A_438 : vector<16xf32>
      %swap3A_440 = arith.index_cast %add3A_372 : i32 to index
      %swap3A_441 = arith.constant 48 : index
      %swap3A_442 = tpu.vector_load %arg12[%swap3A_440, %swap3A_441] {strides = array<i32>} : memref<128x128xf32, #tpu.memory_space<vmem>>, vector<1x16xf32>,
      %swap3A_443 = vector.shape_cast %swap3A_442 : vector<1x16xf32> to vector<16xf32>
      %swap3A_444 = vector.shape_cast %mul3A_439 : vector<16xf32> to vector<1x16xf32>
      tpu.vector_store %arg12[%swap3A_440, %swap3A_441], %swap3A_444 {strides = array<i32>} : memref<128x128xf32, #tpu.memory_space<vmem>>, vector<1x16xf32>,
      %mul3A_445 = arith.constant 5.000000e-03 : f32
      %mul3A_446 = vector.broadcast %mul3A_445 : f32 to vector<16xf32>
      %mul3A_447 = arith.mulf %scan3A_411#4, %mul3A_446 : vector<16xf32>
      %swap3A_448 = arith.index_cast %add3A_372 : i32 to index
      %swap3A_449 = arith.constant 64 : index
      %swap3A_450 = tpu.vector_load %arg12[%swap3A_448, %swap3A_449] {strides = array<i32>} : memref<128x128xf32, #tpu.memory_space<vmem>>, vector<1x16xf32>,
      %swap3A_451 = vector.shape_cast %swap3A_450 : vector<1x16xf32> to vector<16xf32>
      %swap3A_452 = vector.shape_cast %mul3A_447 : vector<16xf32> to vector<1x16xf32>
      tpu.vector_store %arg12[%swap3A_448, %swap3A_449], %swap3A_452 {strides = array<i32>} : memref<128x128xf32, #tpu.memory_space<vmem>>, vector<1x16xf32>,
      %mul3A_453 = arith.constant 5.000000e-03 : f32
      %mul3A_454 = vector.broadcast %mul3A_453 : f32 to vector<16xf32>
      %mul3A_455 = arith.mulf %scan3A_411#5, %mul3A_454 : vector<16xf32>
      %swap3A_456 = arith.index_cast %add3A_372 : i32 to index
      %swap3A_457 = arith.constant 80 : index
      %swap3A_458 = tpu.vector_load %arg12[%swap3A_456, %swap3A_457] {strides = array<i32>} : memref<128x128xf32, #tpu.memory_space<vmem>>, vector<1x16xf32>,
      %swap3A_459 = vector.shape_cast %swap3A_458 : vector<1x16xf32> to vector<16xf32>
      %swap3A_460 = vector.shape_cast %mul3A_455 : vector<16xf32> to vector<1x16xf32>
      tpu.vector_store %arg12[%swap3A_456, %swap3A_457], %swap3A_460 {strides = array<i32>} : memref<128x128xf32, #tpu.memory_space<vmem>>, vector<1x16xf32>,
      %mul3A_461 = arith.constant 5.000000e-03 : f32
      %mul3A_462 = vector.broadcast %mul3A_461 : f32 to vector<16xf32>
      %mul3A_463 = arith.mulf %scan3A_411#6, %mul3A_462 : vector<16xf32>
      %swap3A_464 = arith.index_cast %add3A_372 : i32 to index
      %swap3A_465 = arith.constant 96 : index
      %swap3A_466 = tpu.vector_load %arg12[%swap3A_464, %swap3A_465] {strides = array<i32>} : memref<128x128xf32, #tpu.memory_space<vmem>>, vector<1x16xf32>,
      %swap3A_467 = vector.shape_cast %swap3A_466 : vector<1x16xf32> to vector<16xf32>
      %swap3A_468 = vector.shape_cast %mul3A_463 : vector<16xf32> to vector<1x16xf32>
      tpu.vector_store %arg12[%swap3A_464, %swap3A_465], %swap3A_468 {strides = array<i32>} : memref<128x128xf32, #tpu.memory_space<vmem>>, vector<1x16xf32>,
      %mul3A_469 = arith.constant 5.000000e-03 : f32
      %mul3A_470 = vector.broadcast %mul3A_469 : f32 to vector<16xf32>
      %mul3A_471 = arith.mulf %scan3A_411#7, %mul3A_470 : vector<16xf32>
      %swap3A_472 = arith.index_cast %add3A_372 : i32 to index
      %swap3A_473 = arith.constant 112 : index
      %swap3A_474 = tpu.vector_load %arg12[%swap3A_472, %swap3A_473] {strides = array<i32>} : memref<128x128xf32, #tpu.memory_space<vmem>>, vector<1x16xf32>,
      %swap3A_475 = vector.shape_cast %swap3A_474 : vector<1x16xf32> to vector<16xf32>
      %swap3A_476 = vector.shape_cast %mul3A_471 : vector<16xf32> to vector<1x16xf32>
      tpu.vector_store %arg12[%swap3A_472, %swap3A_473], %swap3A_476 {strides = array<i32>} : memref<128x128xf32, #tpu.memory_space<vmem>>, vector<1x16xf32>,
      %add3A_477 = arith.constant 3 : i32
      %add3A_478 = arith.addi %add3A_372, %add3A_477 : i32
      %lt3A_479 = arith.constant 128 : i32
      %lt3A_480 = arith.cmpi slt, %add3A_478, %lt3A_479 : i32
      %convert_element_type3A_481 = arith.extui %lt3A_480 : i1 to i32
      %cond3A_482 = arith.constant 0 : i32
      %cond3A_483 = arith.cmpi ne, %convert_element_type3A_481, %cond3A_482 : i32
      scf.if %cond3A_483 {
        %add3A_599 = arith.constant 3 : i32
        %add3A_600 = arith.addi %add3A_372, %add3A_599 : i32
        %mul3A_601 = arith.constant 200 : i32
        %mul3A_602 = arith.muli %add3A_600, %mul3A_601 : i32
        %add3A_603 = arith.constant 104 : i32
        %add3A_604 = arith.addi %mul3A_602, %add3A_603 : i32
        %dma_start3A_605 = tpu.memref_slice %arg5[%mul3A_602] : memref<25600xi32, #tpu.memory_space<vmem>> -> memref<104xi32, #tpu.memory_space<vmem>>
        %dma_start3A_606 = arith.constant 0 : i32
        %dma_start3A_607 = arith.constant 0 : i32
        %dma_start3A_608 = tpu.memref_slice %arg3[%dma_start3A_606, %dma_start3A_607] : memref<100000x128xf32, #tpu.memory_space<hbm>> -> memref<100000x128xf32, #tpu.memory_space<hbm>>
        tpu.enqueue_indirect_dma source(%dma_start3A_608 : memref<100000x128xf32, #tpu.memory_space<hbm>>) target(%arg7 : memref<104x128xf32, #tpu.memory_space<vmem>>) offsets(%dma_start3A_605 : memref<104xi32, #tpu.memory_space<vmem>>) semaphore(%arg14 : memref<!tpu.dma_semaphore, #tpu.memory_space<semaphore_mem>>)
        %dma_start3A_609 = tpu.memref_slice %arg5[%add3A_604] : memref<25600xi32, #tpu.memory_space<vmem>> -> memref<96xi32, #tpu.memory_space<vmem>>
        %dma_start3A_610 = arith.constant 0 : i32
        %dma_start3A_611 = arith.constant 0 : i32
        %dma_start3A_612 = tpu.memref_slice %arg3[%dma_start3A_610, %dma_start3A_611] : memref<100000x128xf32, #tpu.memory_space<hbm>> -> memref<100000x128xf32, #tpu.memory_space<hbm>>
        tpu.enqueue_indirect_dma source(%dma_start3A_612 : memref<100000x128xf32, #tpu.memory_space<hbm>>) target(%arg10 : memref<96x128xf32, #tpu.memory_space<vmem>>) offsets(%dma_start3A_609 : memref<96xi32, #tpu.memory_space<vmem>>) semaphore(%arg17 : memref<!tpu.dma_semaphore, #tpu.memory_space<semaphore_mem>>)
      } else {
      }
      %mul3A_484 = arith.constant 3 : i32
      %mul3A_485 = arith.muli %scan3A_256, %mul3A_484 : i32
      %add3A_486 = arith.constant 2 : i32
      %add3A_487 = arith.addi %mul3A_485, %add3A_486 : i32
      %mul3A_488 = arith.constant 200 : i32
      %mul3A_489 = arith.muli %add3A_487, %mul3A_488 : i32
      %add3A_490 = arith.constant 104 : i32
      %add3A_491 = arith.addi %mul3A_489, %add3A_490 : i32
      %dma_wait3A_492 = tpu.memref_slice %arg5[%mul3A_489] : memref<25600xi32, #tpu.memory_space<vmem>> -> memref<104xi32, #tpu.memory_space<vmem>>
      %dma_wait3A_493 = arith.constant 0 : i32
      %dma_wait3A_494 = arith.constant 0 : i32
      %dma_wait3A_495 = tpu.memref_slice %arg3[%dma_wait3A_493, %dma_wait3A_494] : memref<100000x128xf32, #tpu.memory_space<hbm>> -> memref<100000x128xf32, #tpu.memory_space<hbm>>
      tpu.wait_indirect_dma semaphore(%arg15 : memref<!tpu.dma_semaphore, #tpu.memory_space<semaphore_mem>>) src(%dma_wait3A_495 : memref<100000x128xf32, #tpu.memory_space<hbm>>) dst(%arg8 : memref<104x128xf32, #tpu.memory_space<vmem>>)
      %broadcast_in_dim3A_496 = arith.constant 0.000000e+00 : f32
      %broadcast_in_dim3A_497 = vector.broadcast %broadcast_in_dim3A_496 : f32 to vector<16xf32>
      %broadcast_in_dim3A_498 = arith.constant 0.000000e+00 : f32
      %broadcast_in_dim3A_499 = vector.broadcast %broadcast_in_dim3A_498 : f32 to vector<16xf32>
      %broadcast_in_dim3A_500 = arith.constant 0.000000e+00 : f32
      %broadcast_in_dim3A_501 = vector.broadcast %broadcast_in_dim3A_500 : f32 to vector<16xf32>
      %broadcast_in_dim3A_502 = arith.constant 0.000000e+00 : f32
      %broadcast_in_dim3A_503 = vector.broadcast %broadcast_in_dim3A_502 : f32 to vector<16xf32>
      %broadcast_in_dim3A_504 = arith.constant 0.000000e+00 : f32
      %broadcast_in_dim3A_505 = vector.broadcast %broadcast_in_dim3A_504 : f32 to vector<16xf32>
      %broadcast_in_dim3A_506 = arith.constant 0.000000e+00 : f32
      %broadcast_in_dim3A_507 = vector.broadcast %broadcast_in_dim3A_506 : f32 to vector<16xf32>
      %broadcast_in_dim3A_508 = arith.constant 0.000000e+00 : f32
      %broadcast_in_dim3A_509 = vector.broadcast %broadcast_in_dim3A_508 : f32 to vector<16xf32>
      %broadcast_in_dim3A_510 = arith.constant 0.000000e+00 : f32
      %broadcast_in_dim3A_511 = vector.broadcast %broadcast_in_dim3A_510 : f32 to vector<16xf32>
      %scan3A_512 = arith.constant 0 : i32
      %scan3A_513 = arith.constant 26 : i32
      %scan3A_514 = arith.addi %scan3A_512, %scan3A_513 : i32
      %scan3A_515 = arith.constant 1 : i32
      %scan3A_516:8 = scf.for %scan3A_599 = %scan3A_512 to %scan3A_514 step %scan3A_515 iter_args(%scan3A_600 = %broadcast_in_dim3A_497, %scan3A_601 = %broadcast_in_dim3A_499, %scan3A_602 = %broadcast_in_dim3A_501, %scan3A_603 = %broadcast_in_dim3A_503, %scan3A_604 = %broadcast_in_dim3A_505, %scan3A_605 = %broadcast_in_dim3A_507, %scan3A_606 = %broadcast_in_dim3A_509, %scan3A_607 = %broadcast_in_dim3A_511) -> (vector<16xf32>, vector<16xf32>, vector<16xf32>, vector<16xf32>, vector<16xf32>, vector<16xf32>, vector<16xf32>, vector<16xf32>)  : i32 {
        %mul3A_608 = arith.constant 4 : i32
        %mul3A_609 = arith.muli %scan3A_599, %mul3A_608 : i32
        %add3A_610 = arith.constant 0 : i32
        %add3A_611 = arith.addi %mul3A_609, %add3A_610 : i32
        %get3A = arith.index_cast %add3A_611 : i32 to index
        %get3A_612 = arith.constant 0 : index
        %get3A_613 = tpu.vector_load %arg8[%get3A, %get3A_612] {strides = array<i32>} : memref<104x128xf32, #tpu.memory_space<vmem>>, vector<1x16xf32>,
        %get3A_614 = vector.shape_cast %get3A_613 : vector<1x16xf32> to vector<16xf32>
        %add3A_615 = arith.addf %scan3A_600, %get3A_614 : vector<16xf32>
        %mul3A_616 = arith.constant 4 : i32
        %mul3A_617 = arith.muli %scan3A_599, %mul3A_616 : i32
        %add3A_618 = arith.constant 0 : i32
        %add3A_619 = arith.addi %mul3A_617, %add3A_618 : i32
        %get3A_620 = arith.index_cast %add3A_619 : i32 to index
        %get3A_621 = arith.constant 16 : index
        %get3A_622 = tpu.vector_load %arg8[%get3A_620, %get3A_621] {strides = array<i32>} : memref<104x128xf32, #tpu.memory_space<vmem>>, vector<1x16xf32>,
        %get3A_623 = vector.shape_cast %get3A_622 : vector<1x16xf32> to vector<16xf32>
        %add3A_624 = arith.addf %scan3A_601, %get3A_623 : vector<16xf32>
        %mul3A_625 = arith.constant 4 : i32
        %mul3A_626 = arith.muli %scan3A_599, %mul3A_625 : i32
        %add3A_627 = arith.constant 0 : i32
        %add3A_628 = arith.addi %mul3A_626, %add3A_627 : i32
        %get3A_629 = arith.index_cast %add3A_628 : i32 to index
        %get3A_630 = arith.constant 32 : index
        %get3A_631 = tpu.vector_load %arg8[%get3A_629, %get3A_630] {strides = array<i32>} : memref<104x128xf32, #tpu.memory_space<vmem>>, vector<1x16xf32>,
        %get3A_632 = vector.shape_cast %get3A_631 : vector<1x16xf32> to vector<16xf32>
        %add3A_633 = arith.addf %scan3A_602, %get3A_632 : vector<16xf32>
        %mul3A_634 = arith.constant 4 : i32
        %mul3A_635 = arith.muli %scan3A_599, %mul3A_634 : i32
        %add3A_636 = arith.constant 0 : i32
        %add3A_637 = arith.addi %mul3A_635, %add3A_636 : i32
        %get3A_638 = arith.index_cast %add3A_637 : i32 to index
        %get3A_639 = arith.constant 48 : index
        %get3A_640 = tpu.vector_load %arg8[%get3A_638, %get3A_639] {strides = array<i32>} : memref<104x128xf32, #tpu.memory_space<vmem>>, vector<1x16xf32>,
        %get3A_641 = vector.shape_cast %get3A_640 : vector<1x16xf32> to vector<16xf32>
        %add3A_642 = arith.addf %scan3A_603, %get3A_641 : vector<16xf32>
        %mul3A_643 = arith.constant 4 : i32
        %mul3A_644 = arith.muli %scan3A_599, %mul3A_643 : i32
        %add3A_645 = arith.constant 0 : i32
        %add3A_646 = arith.addi %mul3A_644, %add3A_645 : i32
        %get3A_647 = arith.index_cast %add3A_646 : i32 to index
        %get3A_648 = arith.constant 64 : index
        %get3A_649 = tpu.vector_load %arg8[%get3A_647, %get3A_648] {strides = array<i32>} : memref<104x128xf32, #tpu.memory_space<vmem>>, vector<1x16xf32>,
        %get3A_650 = vector.shape_cast %get3A_649 : vector<1x16xf32> to vector<16xf32>
        %add3A_651 = arith.addf %scan3A_604, %get3A_650 : vector<16xf32>
        %mul3A_652 = arith.constant 4 : i32
        %mul3A_653 = arith.muli %scan3A_599, %mul3A_652 : i32
        %add3A_654 = arith.constant 0 : i32
        %add3A_655 = arith.addi %mul3A_653, %add3A_654 : i32
        %get3A_656 = arith.index_cast %add3A_655 : i32 to index
        %get3A_657 = arith.constant 80 : index
        %get3A_658 = tpu.vector_load %arg8[%get3A_656, %get3A_657] {strides = array<i32>} : memref<104x128xf32, #tpu.memory_space<vmem>>, vector<1x16xf32>,
        %get3A_659 = vector.shape_cast %get3A_658 : vector<1x16xf32> to vector<16xf32>
        %add3A_660 = arith.addf %scan3A_605, %get3A_659 : vector<16xf32>
        %mul3A_661 = arith.constant 4 : i32
        %mul3A_662 = arith.muli %scan3A_599, %mul3A_661 : i32
        %add3A_663 = arith.constant 0 : i32
        %add3A_664 = arith.addi %mul3A_662, %add3A_663 : i32
        %get3A_665 = arith.index_cast %add3A_664 : i32 to index
        %get3A_666 = arith.constant 96 : index
        %get3A_667 = tpu.vector_load %arg8[%get3A_665, %get3A_666] {strides = array<i32>} : memref<104x128xf32, #tpu.memory_space<vmem>>, vector<1x16xf32>,
        %get3A_668 = vector.shape_cast %get3A_667 : vector<1x16xf32> to vector<16xf32>
        %add3A_669 = arith.addf %scan3A_606, %get3A_668 : vector<16xf32>
        %mul3A_670 = arith.constant 4 : i32
        %mul3A_671 = arith.muli %scan3A_599, %mul3A_670 : i32
        %add3A_672 = arith.constant 0 : i32
        %add3A_673 = arith.addi %mul3A_671, %add3A_672 : i32
        %get3A_674 = arith.index_cast %add3A_673 : i32 to index
        %get3A_675 = arith.constant 112 : index
        %get3A_676 = tpu.vector_load %arg8[%get3A_674, %get3A_675] {strides = array<i32>} : memref<104x128xf32, #tpu.memory_space<vmem>>, vector<1x16xf32>,
        %get3A_677 = vector.shape_cast %get3A_676 : vector<1x16xf32> to vector<16xf32>
        %add3A_678 = arith.addf %scan3A_607, %get3A_677 : vector<16xf32>
        %mul3A_679 = arith.constant 4 : i32
        %mul3A_680 = arith.muli %scan3A_599, %mul3A_679 : i32
        %add3A_681 = arith.constant 1 : i32
        %add3A_682 = arith.addi %mul3A_680, %add3A_681 : i32
        %get3A_683 = arith.index_cast %add3A_682 : i32 to index
        %get3A_684 = arith.constant 0 : index
        %get3A_685 = tpu.vector_load %arg8[%get3A_683, %get3A_684] {strides = array<i32>} : memref<104x128xf32, #tpu.memory_space<vmem>>, vector<1x16xf32>,
        %get3A_686 = vector.shape_cast %get3A_685 : vector<1x16xf32> to vector<16xf32>
        %add3A_687 = arith.addf %add3A_615, %get3A_686 : vector<16xf32>
        %mul3A_688 = arith.constant 4 : i32
        %mul3A_689 = arith.muli %scan3A_599, %mul3A_688 : i32
        %add3A_690 = arith.constant 1 : i32
        %add3A_691 = arith.addi %mul3A_689, %add3A_690 : i32
        %get3A_692 = arith.index_cast %add3A_691 : i32 to index
        %get3A_693 = arith.constant 16 : index
        %get3A_694 = tpu.vector_load %arg8[%get3A_692, %get3A_693] {strides = array<i32>} : memref<104x128xf32, #tpu.memory_space<vmem>>, vector<1x16xf32>,
        %get3A_695 = vector.shape_cast %get3A_694 : vector<1x16xf32> to vector<16xf32>
        %add3A_696 = arith.addf %add3A_624, %get3A_695 : vector<16xf32>
        %mul3A_697 = arith.constant 4 : i32
        %mul3A_698 = arith.muli %scan3A_599, %mul3A_697 : i32
        %add3A_699 = arith.constant 1 : i32
        %add3A_700 = arith.addi %mul3A_698, %add3A_699 : i32
        %get3A_701 = arith.index_cast %add3A_700 : i32 to index
        %get3A_702 = arith.constant 32 : index
        %get3A_703 = tpu.vector_load %arg8[%get3A_701, %get3A_702] {strides = array<i32>} : memref<104x128xf32, #tpu.memory_space<vmem>>, vector<1x16xf32>,
        %get3A_704 = vector.shape_cast %get3A_703 : vector<1x16xf32> to vector<16xf32>
        %add3A_705 = arith.addf %add3A_633, %get3A_704 : vector<16xf32>
        %mul3A_706 = arith.constant 4 : i32
        %mul3A_707 = arith.muli %scan3A_599, %mul3A_706 : i32
        %add3A_708 = arith.constant 1 : i32
        %add3A_709 = arith.addi %mul3A_707, %add3A_708 : i32
        %get3A_710 = arith.index_cast %add3A_709 : i32 to index
        %get3A_711 = arith.constant 48 : index
        %get3A_712 = tpu.vector_load %arg8[%get3A_710, %get3A_711] {strides = array<i32>} : memref<104x128xf32, #tpu.memory_space<vmem>>, vector<1x16xf32>,
        %get3A_713 = vector.shape_cast %get3A_712 : vector<1x16xf32> to vector<16xf32>
        %add3A_714 = arith.addf %add3A_642, %get3A_713 : vector<16xf32>
        %mul3A_715 = arith.constant 4 : i32
        %mul3A_716 = arith.muli %scan3A_599, %mul3A_715 : i32
        %add3A_717 = arith.constant 1 : i32
        %add3A_718 = arith.addi %mul3A_716, %add3A_717 : i32
        %get3A_719 = arith.index_cast %add3A_718 : i32 to index
        %get3A_720 = arith.constant 64 : index
        %get3A_721 = tpu.vector_load %arg8[%get3A_719, %get3A_720] {strides = array<i32>} : memref<104x128xf32, #tpu.memory_space<vmem>>, vector<1x16xf32>,
        %get3A_722 = vector.shape_cast %get3A_721 : vector<1x16xf32> to vector<16xf32>
        %add3A_723 = arith.addf %add3A_651, %get3A_722 : vector<16xf32>
        %mul3A_724 = arith.constant 4 : i32
        %mul3A_725 = arith.muli %scan3A_599, %mul3A_724 : i32
        %add3A_726 = arith.constant 1 : i32
        %add3A_727 = arith.addi %mul3A_725, %add3A_726 : i32
        %get3A_728 = arith.index_cast %add3A_727 : i32 to index
        %get3A_729 = arith.constant 80 : index
        %get3A_730 = tpu.vector_load %arg8[%get3A_728, %get3A_729] {strides = array<i32>} : memref<104x128xf32, #tpu.memory_space<vmem>>, vector<1x16xf32>,
        %get3A_731 = vector.shape_cast %get3A_730 : vector<1x16xf32> to vector<16xf32>
        %add3A_732 = arith.addf %add3A_660, %get3A_731 : vector<16xf32>
        %mul3A_733 = arith.constant 4 : i32
        %mul3A_734 = arith.muli %scan3A_599, %mul3A_733 : i32
        %add3A_735 = arith.constant 1 : i32
        %add3A_736 = arith.addi %mul3A_734, %add3A_735 : i32
        %get3A_737 = arith.index_cast %add3A_736 : i32 to index
        %get3A_738 = arith.constant 96 : index
        %get3A_739 = tpu.vector_load %arg8[%get3A_737, %get3A_738] {strides = array<i32>} : memref<104x128xf32, #tpu.memory_space<vmem>>, vector<1x16xf32>,
        %get3A_740 = vector.shape_cast %get3A_739 : vector<1x16xf32> to vector<16xf32>
        %add3A_741 = arith.addf %add3A_669, %get3A_740 : vector<16xf32>
        %mul3A_742 = arith.constant 4 : i32
        %mul3A_743 = arith.muli %scan3A_599, %mul3A_742 : i32
        %add3A_744 = arith.constant 1 : i32
        %add3A_745 = arith.addi %mul3A_743, %add3A_744 : i32
        %get3A_746 = arith.index_cast %add3A_745 : i32 to index
        %get3A_747 = arith.constant 112 : index
        %get3A_748 = tpu.vector_load %arg8[%get3A_746, %get3A_747] {strides = array<i32>} : memref<104x128xf32, #tpu.memory_space<vmem>>, vector<1x16xf32>,
        %get3A_749 = vector.shape_cast %get3A_748 : vector<1x16xf32> to vector<16xf32>
        %add3A_750 = arith.addf %add3A_678, %get3A_749 : vector<16xf32>
        %mul3A_751 = arith.constant 4 : i32
        %mul3A_752 = arith.muli %scan3A_599, %mul3A_751 : i32
        %add3A_753 = arith.constant 2 : i32
        %add3A_754 = arith.addi %mul3A_752, %add3A_753 : i32
        %get3A_755 = arith.index_cast %add3A_754 : i32 to index
        %get3A_756 = arith.constant 0 : index
        %get3A_757 = tpu.vector_load %arg8[%get3A_755, %get3A_756] {strides = array<i32>} : memref<104x128xf32, #tpu.memory_space<vmem>>, vector<1x16xf32>,
        %get3A_758 = vector.shape_cast %get3A_757 : vector<1x16xf32> to vector<16xf32>
        %add3A_759 = arith.addf %add3A_687, %get3A_758 : vector<16xf32>
        %mul3A_760 = arith.constant 4 : i32
        %mul3A_761 = arith.muli %scan3A_599, %mul3A_760 : i32
        %add3A_762 = arith.constant 2 : i32
        %add3A_763 = arith.addi %mul3A_761, %add3A_762 : i32
        %get3A_764 = arith.index_cast %add3A_763 : i32 to index
        %get3A_765 = arith.constant 16 : index
        %get3A_766 = tpu.vector_load %arg8[%get3A_764, %get3A_765] {strides = array<i32>} : memref<104x128xf32, #tpu.memory_space<vmem>>, vector<1x16xf32>,
        %get3A_767 = vector.shape_cast %get3A_766 : vector<1x16xf32> to vector<16xf32>
        %add3A_768 = arith.addf %add3A_696, %get3A_767 : vector<16xf32>
        %mul3A_769 = arith.constant 4 : i32
        %mul3A_770 = arith.muli %scan3A_599, %mul3A_769 : i32
        %add3A_771 = arith.constant 2 : i32
        %add3A_772 = arith.addi %mul3A_770, %add3A_771 : i32
        %get3A_773 = arith.index_cast %add3A_772 : i32 to index
        %get3A_774 = arith.constant 32 : index
        %get3A_775 = tpu.vector_load %arg8[%get3A_773, %get3A_774] {strides = array<i32>} : memref<104x128xf32, #tpu.memory_space<vmem>>, vector<1x16xf32>,
        %get3A_776 = vector.shape_cast %get3A_775 : vector<1x16xf32> to vector<16xf32>
        %add3A_777 = arith.addf %add3A_705, %get3A_776 : vector<16xf32>
        %mul3A_778 = arith.constant 4 : i32
        %mul3A_779 = arith.muli %scan3A_599, %mul3A_778 : i32
        %add3A_780 = arith.constant 2 : i32
        %add3A_781 = arith.addi %mul3A_779, %add3A_780 : i32
        %get3A_782 = arith.index_cast %add3A_781 : i32 to index
        %get3A_783 = arith.constant 48 : index
        %get3A_784 = tpu.vector_load %arg8[%get3A_782, %get3A_783] {strides = array<i32>} : memref<104x128xf32, #tpu.memory_space<vmem>>, vector<1x16xf32>,
        %get3A_785 = vector.shape_cast %get3A_784 : vector<1x16xf32> to vector<16xf32>
        %add3A_786 = arith.addf %add3A_714, %get3A_785 : vector<16xf32>
        %mul3A_787 = arith.constant 4 : i32
        %mul3A_788 = arith.muli %scan3A_599, %mul3A_787 : i32
        %add3A_789 = arith.constant 2 : i32
        %add3A_790 = arith.addi %mul3A_788, %add3A_789 : i32
        %get3A_791 = arith.index_cast %add3A_790 : i32 to index
        %get3A_792 = arith.constant 64 : index
        %get3A_793 = tpu.vector_load %arg8[%get3A_791, %get3A_792] {strides = array<i32>} : memref<104x128xf32, #tpu.memory_space<vmem>>, vector<1x16xf32>,
        %get3A_794 = vector.shape_cast %get3A_793 : vector<1x16xf32> to vector<16xf32>
        %add3A_795 = arith.addf %add3A_723, %get3A_794 : vector<16xf32>
        %mul3A_796 = arith.constant 4 : i32
        %mul3A_797 = arith.muli %scan3A_599, %mul3A_796 : i32
        %add3A_798 = arith.constant 2 : i32
        %add3A_799 = arith.addi %mul3A_797, %add3A_798 : i32
        %get3A_800 = arith.index_cast %add3A_799 : i32 to index
        %get3A_801 = arith.constant 80 : index
        %get3A_802 = tpu.vector_load %arg8[%get3A_800, %get3A_801] {strides = array<i32>} : memref<104x128xf32, #tpu.memory_space<vmem>>, vector<1x16xf32>,
        %get3A_803 = vector.shape_cast %get3A_802 : vector<1x16xf32> to vector<16xf32>
        %add3A_804 = arith.addf %add3A_732, %get3A_803 : vector<16xf32>
        %mul3A_805 = arith.constant 4 : i32
        %mul3A_806 = arith.muli %scan3A_599, %mul3A_805 : i32
        %add3A_807 = arith.constant 2 : i32
        %add3A_808 = arith.addi %mul3A_806, %add3A_807 : i32
        %get3A_809 = arith.index_cast %add3A_808 : i32 to index
        %get3A_810 = arith.constant 96 : index
        %get3A_811 = tpu.vector_load %arg8[%get3A_809, %get3A_810] {strides = array<i32>} : memref<104x128xf32, #tpu.memory_space<vmem>>, vector<1x16xf32>,
        %get3A_812 = vector.shape_cast %get3A_811 : vector<1x16xf32> to vector<16xf32>
        %add3A_813 = arith.addf %add3A_741, %get3A_812 : vector<16xf32>
        %mul3A_814 = arith.constant 4 : i32
        %mul3A_815 = arith.muli %scan3A_599, %mul3A_814 : i32
        %add3A_816 = arith.constant 2 : i32
        %add3A_817 = arith.addi %mul3A_815, %add3A_816 : i32
        %get3A_818 = arith.index_cast %add3A_817 : i32 to index
        %get3A_819 = arith.constant 112 : index
        %get3A_820 = tpu.vector_load %arg8[%get3A_818, %get3A_819] {strides = array<i32>} : memref<104x128xf32, #tpu.memory_space<vmem>>, vector<1x16xf32>,
        %get3A_821 = vector.shape_cast %get3A_820 : vector<1x16xf32> to vector<16xf32>
        %add3A_822 = arith.addf %add3A_750, %get3A_821 : vector<16xf32>
        %mul3A_823 = arith.constant 4 : i32
        %mul3A_824 = arith.muli %scan3A_599, %mul3A_823 : i32
        %add3A_825 = arith.constant 3 : i32
        %add3A_826 = arith.addi %mul3A_824, %add3A_825 : i32
        %get3A_827 = arith.index_cast %add3A_826 : i32 to index
        %get3A_828 = arith.constant 0 : index
        %get3A_829 = tpu.vector_load %arg8[%get3A_827, %get3A_828] {strides = array<i32>} : memref<104x128xf32, #tpu.memory_space<vmem>>, vector<1x16xf32>,
        %get3A_830 = vector.shape_cast %get3A_829 : vector<1x16xf32> to vector<16xf32>
        %add3A_831 = arith.addf %add3A_759, %get3A_830 : vector<16xf32>
        %mul3A_832 = arith.constant 4 : i32
        %mul3A_833 = arith.muli %scan3A_599, %mul3A_832 : i32
        %add3A_834 = arith.constant 3 : i32
        %add3A_835 = arith.addi %mul3A_833, %add3A_834 : i32
        %get3A_836 = arith.index_cast %add3A_835 : i32 to index
        %get3A_837 = arith.constant 16 : index
        %get3A_838 = tpu.vector_load %arg8[%get3A_836, %get3A_837] {strides = array<i32>} : memref<104x128xf32, #tpu.memory_space<vmem>>, vector<1x16xf32>,
        %get3A_839 = vector.shape_cast %get3A_838 : vector<1x16xf32> to vector<16xf32>
        %add3A_840 = arith.addf %add3A_768, %get3A_839 : vector<16xf32>
        %mul3A_841 = arith.constant 4 : i32
        %mul3A_842 = arith.muli %scan3A_599, %mul3A_841 : i32
        %add3A_843 = arith.constant 3 : i32
        %add3A_844 = arith.addi %mul3A_842, %add3A_843 : i32
        %get3A_845 = arith.index_cast %add3A_844 : i32 to index
        %get3A_846 = arith.constant 32 : index
        %get3A_847 = tpu.vector_load %arg8[%get3A_845, %get3A_846] {strides = array<i32>} : memref<104x128xf32, #tpu.memory_space<vmem>>, vector<1x16xf32>,
        %get3A_848 = vector.shape_cast %get3A_847 : vector<1x16xf32> to vector<16xf32>
        %add3A_849 = arith.addf %add3A_777, %get3A_848 : vector<16xf32>
        %mul3A_850 = arith.constant 4 : i32
        %mul3A_851 = arith.muli %scan3A_599, %mul3A_850 : i32
        %add3A_852 = arith.constant 3 : i32
        %add3A_853 = arith.addi %mul3A_851, %add3A_852 : i32
        %get3A_854 = arith.index_cast %add3A_853 : i32 to index
        %get3A_855 = arith.constant 48 : index
        %get3A_856 = tpu.vector_load %arg8[%get3A_854, %get3A_855] {strides = array<i32>} : memref<104x128xf32, #tpu.memory_space<vmem>>, vector<1x16xf32>,
        %get3A_857 = vector.shape_cast %get3A_856 : vector<1x16xf32> to vector<16xf32>
        %add3A_858 = arith.addf %add3A_786, %get3A_857 : vector<16xf32>
        %mul3A_859 = arith.constant 4 : i32
        %mul3A_860 = arith.muli %scan3A_599, %mul3A_859 : i32
        %add3A_861 = arith.constant 3 : i32
        %add3A_862 = arith.addi %mul3A_860, %add3A_861 : i32
        %get3A_863 = arith.index_cast %add3A_862 : i32 to index
        %get3A_864 = arith.constant 64 : index
        %get3A_865 = tpu.vector_load %arg8[%get3A_863, %get3A_864] {strides = array<i32>} : memref<104x128xf32, #tpu.memory_space<vmem>>, vector<1x16xf32>,
        %get3A_866 = vector.shape_cast %get3A_865 : vector<1x16xf32> to vector<16xf32>
        %add3A_867 = arith.addf %add3A_795, %get3A_866 : vector<16xf32>
        %mul3A_868 = arith.constant 4 : i32
        %mul3A_869 = arith.muli %scan3A_599, %mul3A_868 : i32
        %add3A_870 = arith.constant 3 : i32
        %add3A_871 = arith.addi %mul3A_869, %add3A_870 : i32
        %get3A_872 = arith.index_cast %add3A_871 : i32 to index
        %get3A_873 = arith.constant 80 : index
        %get3A_874 = tpu.vector_load %arg8[%get3A_872, %get3A_873] {strides = array<i32>} : memref<104x128xf32, #tpu.memory_space<vmem>>, vector<1x16xf32>,
        %get3A_875 = vector.shape_cast %get3A_874 : vector<1x16xf32> to vector<16xf32>
        %add3A_876 = arith.addf %add3A_804, %get3A_875 : vector<16xf32>
        %mul3A_877 = arith.constant 4 : i32
        %mul3A_878 = arith.muli %scan3A_599, %mul3A_877 : i32
        %add3A_879 = arith.constant 3 : i32
        %add3A_880 = arith.addi %mul3A_878, %add3A_879 : i32
        %get3A_881 = arith.index_cast %add3A_880 : i32 to index
        %get3A_882 = arith.constant 96 : index
        %get3A_883 = tpu.vector_load %arg8[%get3A_881, %get3A_882] {strides = array<i32>} : memref<104x128xf32, #tpu.memory_space<vmem>>, vector<1x16xf32>,
        %get3A_884 = vector.shape_cast %get3A_883 : vector<1x16xf32> to vector<16xf32>
        %add3A_885 = arith.addf %add3A_813, %get3A_884 : vector<16xf32>
        %mul3A_886 = arith.constant 4 : i32
        %mul3A_887 = arith.muli %scan3A_599, %mul3A_886 : i32
        %add3A_888 = arith.constant 3 : i32
        %add3A_889 = arith.addi %mul3A_887, %add3A_888 : i32
        %get3A_890 = arith.index_cast %add3A_889 : i32 to index
        %get3A_891 = arith.constant 112 : index
        %get3A_892 = tpu.vector_load %arg8[%get3A_890, %get3A_891] {strides = array<i32>} : memref<104x128xf32, #tpu.memory_space<vmem>>, vector<1x16xf32>,
        %get3A_893 = vector.shape_cast %get3A_892 : vector<1x16xf32> to vector<16xf32>
        %add3A_894 = arith.addf %add3A_822, %get3A_893 : vector<16xf32>
        scf.yield %add3A_831, %add3A_840, %add3A_849, %add3A_858, %add3A_867, %add3A_876, %add3A_885, %add3A_894 : vector<16xf32>, vector<16xf32>, vector<16xf32>, vector<16xf32>, vector<16xf32>, vector<16xf32>, vector<16xf32>, vector<16xf32>
      }
      %scan3A_517 = arith.constant 26 : i32
      %dma_wait3A_518 = tpu.memref_slice %arg5[%add3A_491] : memref<25600xi32, #tpu.memory_space<vmem>> -> memref<96xi32, #tpu.memory_space<vmem>>
      %dma_wait3A_519 = arith.constant 0 : i32
      %dma_wait3A_520 = arith.constant 0 : i32
      %dma_wait3A_521 = tpu.memref_slice %arg3[%dma_wait3A_519, %dma_wait3A_520] : memref<100000x128xf32, #tpu.memory_space<hbm>> -> memref<100000x128xf32, #tpu.memory_space<hbm>>
      tpu.wait_indirect_dma semaphore(%arg18 : memref<!tpu.dma_semaphore, #tpu.memory_space<semaphore_mem>>) src(%dma_wait3A_521 : memref<100000x128xf32, #tpu.memory_space<hbm>>) dst(%arg11 : memref<96x128xf32, #tpu.memory_space<vmem>>)
      %scan3A_522 = arith.constant 0 : i32
      %scan3A_523 = arith.constant 24 : i32
      %scan3A_524 = arith.addi %scan3A_522, %scan3A_523 : i32
      %scan3A_525 = arith.constant 1 : i32
      %scan3A_526:8 = scf.for %scan3A_599 = %scan3A_522 to %scan3A_524 step %scan3A_525 iter_args(%scan3A_600 = %scan3A_516#0, %scan3A_601 = %scan3A_516#1, %scan3A_602 = %scan3A_516#2, %scan3A_603 = %scan3A_516#3, %scan3A_604 = %scan3A_516#4, %scan3A_605 = %scan3A_516#5, %scan3A_606 = %scan3A_516#6, %scan3A_607 = %scan3A_516#7) -> (vector<16xf32>, vector<16xf32>, vector<16xf32>, vector<16xf32>, vector<16xf32>, vector<16xf32>, vector<16xf32>, vector<16xf32>)  : i32 {
        %mul3A_608 = arith.constant 4 : i32
        %mul3A_609 = arith.muli %scan3A_599, %mul3A_608 : i32
        %add3A_610 = arith.constant 0 : i32
        %add3A_611 = arith.addi %mul3A_609, %add3A_610 : i32
        %get3A = arith.index_cast %add3A_611 : i32 to index
        %get3A_612 = arith.constant 0 : index
        %get3A_613 = tpu.vector_load %arg11[%get3A, %get3A_612] {strides = array<i32>} : memref<96x128xf32, #tpu.memory_space<vmem>>, vector<1x16xf32>,
        %get3A_614 = vector.shape_cast %get3A_613 : vector<1x16xf32> to vector<16xf32>
        %add3A_615 = arith.addf %scan3A_600, %get3A_614 : vector<16xf32>
        %mul3A_616 = arith.constant 4 : i32
        %mul3A_617 = arith.muli %scan3A_599, %mul3A_616 : i32
        %add3A_618 = arith.constant 0 : i32
        %add3A_619 = arith.addi %mul3A_617, %add3A_618 : i32
        %get3A_620 = arith.index_cast %add3A_619 : i32 to index
        %get3A_621 = arith.constant 16 : index
        %get3A_622 = tpu.vector_load %arg11[%get3A_620, %get3A_621] {strides = array<i32>} : memref<96x128xf32, #tpu.memory_space<vmem>>, vector<1x16xf32>,
        %get3A_623 = vector.shape_cast %get3A_622 : vector<1x16xf32> to vector<16xf32>
        %add3A_624 = arith.addf %scan3A_601, %get3A_623 : vector<16xf32>
        %mul3A_625 = arith.constant 4 : i32
        %mul3A_626 = arith.muli %scan3A_599, %mul3A_625 : i32
        %add3A_627 = arith.constant 0 : i32
        %add3A_628 = arith.addi %mul3A_626, %add3A_627 : i32
        %get3A_629 = arith.index_cast %add3A_628 : i32 to index
        %get3A_630 = arith.constant 32 : index
        %get3A_631 = tpu.vector_load %arg11[%get3A_629, %get3A_630] {strides = array<i32>} : memref<96x128xf32, #tpu.memory_space<vmem>>, vector<1x16xf32>,
        %get3A_632 = vector.shape_cast %get3A_631 : vector<1x16xf32> to vector<16xf32>
        %add3A_633 = arith.addf %scan3A_602, %get3A_632 : vector<16xf32>
        %mul3A_634 = arith.constant 4 : i32
        %mul3A_635 = arith.muli %scan3A_599, %mul3A_634 : i32
        %add3A_636 = arith.constant 0 : i32
        %add3A_637 = arith.addi %mul3A_635, %add3A_636 : i32
        %get3A_638 = arith.index_cast %add3A_637 : i32 to index
        %get3A_639 = arith.constant 48 : index
        %get3A_640 = tpu.vector_load %arg11[%get3A_638, %get3A_639] {strides = array<i32>} : memref<96x128xf32, #tpu.memory_space<vmem>>, vector<1x16xf32>,
        %get3A_641 = vector.shape_cast %get3A_640 : vector<1x16xf32> to vector<16xf32>
        %add3A_642 = arith.addf %scan3A_603, %get3A_641 : vector<16xf32>
        %mul3A_643 = arith.constant 4 : i32
        %mul3A_644 = arith.muli %scan3A_599, %mul3A_643 : i32
        %add3A_645 = arith.constant 0 : i32
        %add3A_646 = arith.addi %mul3A_644, %add3A_645 : i32
        %get3A_647 = arith.index_cast %add3A_646 : i32 to index
        %get3A_648 = arith.constant 64 : index
        %get3A_649 = tpu.vector_load %arg11[%get3A_647, %get3A_648] {strides = array<i32>} : memref<96x128xf32, #tpu.memory_space<vmem>>, vector<1x16xf32>,
        %get3A_650 = vector.shape_cast %get3A_649 : vector<1x16xf32> to vector<16xf32>
        %add3A_651 = arith.addf %scan3A_604, %get3A_650 : vector<16xf32>
        %mul3A_652 = arith.constant 4 : i32
        %mul3A_653 = arith.muli %scan3A_599, %mul3A_652 : i32
        %add3A_654 = arith.constant 0 : i32
        %add3A_655 = arith.addi %mul3A_653, %add3A_654 : i32
        %get3A_656 = arith.index_cast %add3A_655 : i32 to index
        %get3A_657 = arith.constant 80 : index
        %get3A_658 = tpu.vector_load %arg11[%get3A_656, %get3A_657] {strides = array<i32>} : memref<96x128xf32, #tpu.memory_space<vmem>>, vector<1x16xf32>,
        %get3A_659 = vector.shape_cast %get3A_658 : vector<1x16xf32> to vector<16xf32>
        %add3A_660 = arith.addf %scan3A_605, %get3A_659 : vector<16xf32>
        %mul3A_661 = arith.constant 4 : i32
        %mul3A_662 = arith.muli %scan3A_599, %mul3A_661 : i32
        %add3A_663 = arith.constant 0 : i32
        %add3A_664 = arith.addi %mul3A_662, %add3A_663 : i32
        %get3A_665 = arith.index_cast %add3A_664 : i32 to index
        %get3A_666 = arith.constant 96 : index
        %get3A_667 = tpu.vector_load %arg11[%get3A_665, %get3A_666] {strides = array<i32>} : memref<96x128xf32, #tpu.memory_space<vmem>>, vector<1x16xf32>,
        %get3A_668 = vector.shape_cast %get3A_667 : vector<1x16xf32> to vector<16xf32>
        %add3A_669 = arith.addf %scan3A_606, %get3A_668 : vector<16xf32>
        %mul3A_670 = arith.constant 4 : i32
        %mul3A_671 = arith.muli %scan3A_599, %mul3A_670 : i32
        %add3A_672 = arith.constant 0 : i32
        %add3A_673 = arith.addi %mul3A_671, %add3A_672 : i32
        %get3A_674 = arith.index_cast %add3A_673 : i32 to index
        %get3A_675 = arith.constant 112 : index
        %get3A_676 = tpu.vector_load %arg11[%get3A_674, %get3A_675] {strides = array<i32>} : memref<96x128xf32, #tpu.memory_space<vmem>>, vector<1x16xf32>,
        %get3A_677 = vector.shape_cast %get3A_676 : vector<1x16xf32> to vector<16xf32>
        %add3A_678 = arith.addf %scan3A_607, %get3A_677 : vector<16xf32>
        %mul3A_679 = arith.constant 4 : i32
        %mul3A_680 = arith.muli %scan3A_599, %mul3A_679 : i32
        %add3A_681 = arith.constant 1 : i32
        %add3A_682 = arith.addi %mul3A_680, %add3A_681 : i32
        %get3A_683 = arith.index_cast %add3A_682 : i32 to index
        %get3A_684 = arith.constant 0 : index
        %get3A_685 = tpu.vector_load %arg11[%get3A_683, %get3A_684] {strides = array<i32>} : memref<96x128xf32, #tpu.memory_space<vmem>>, vector<1x16xf32>,
        %get3A_686 = vector.shape_cast %get3A_685 : vector<1x16xf32> to vector<16xf32>
        %add3A_687 = arith.addf %add3A_615, %get3A_686 : vector<16xf32>
        %mul3A_688 = arith.constant 4 : i32
        %mul3A_689 = arith.muli %scan3A_599, %mul3A_688 : i32
        %add3A_690 = arith.constant 1 : i32
        %add3A_691 = arith.addi %mul3A_689, %add3A_690 : i32
        %get3A_692 = arith.index_cast %add3A_691 : i32 to index
        %get3A_693 = arith.constant 16 : index
        %get3A_694 = tpu.vector_load %arg11[%get3A_692, %get3A_693] {strides = array<i32>} : memref<96x128xf32, #tpu.memory_space<vmem>>, vector<1x16xf32>,
        %get3A_695 = vector.shape_cast %get3A_694 : vector<1x16xf32> to vector<16xf32>
        %add3A_696 = arith.addf %add3A_624, %get3A_695 : vector<16xf32>
        %mul3A_697 = arith.constant 4 : i32
        %mul3A_698 = arith.muli %scan3A_599, %mul3A_697 : i32
        %add3A_699 = arith.constant 1 : i32
        %add3A_700 = arith.addi %mul3A_698, %add3A_699 : i32
        %get3A_701 = arith.index_cast %add3A_700 : i32 to index
        %get3A_702 = arith.constant 32 : index
        %get3A_703 = tpu.vector_load %arg11[%get3A_701, %get3A_702] {strides = array<i32>} : memref<96x128xf32, #tpu.memory_space<vmem>>, vector<1x16xf32>,
        %get3A_704 = vector.shape_cast %get3A_703 : vector<1x16xf32> to vector<16xf32>
        %add3A_705 = arith.addf %add3A_633, %get3A_704 : vector<16xf32>
        %mul3A_706 = arith.constant 4 : i32
        %mul3A_707 = arith.muli %scan3A_599, %mul3A_706 : i32
        %add3A_708 = arith.constant 1 : i32
        %add3A_709 = arith.addi %mul3A_707, %add3A_708 : i32
        %get3A_710 = arith.index_cast %add3A_709 : i32 to index
        %get3A_711 = arith.constant 48 : index
        %get3A_712 = tpu.vector_load %arg11[%get3A_710, %get3A_711] {strides = array<i32>} : memref<96x128xf32, #tpu.memory_space<vmem>>, vector<1x16xf32>,
        %get3A_713 = vector.shape_cast %get3A_712 : vector<1x16xf32> to vector<16xf32>
        %add3A_714 = arith.addf %add3A_642, %get3A_713 : vector<16xf32>
        %mul3A_715 = arith.constant 4 : i32
        %mul3A_716 = arith.muli %scan3A_599, %mul3A_715 : i32
        %add3A_717 = arith.constant 1 : i32
        %add3A_718 = arith.addi %mul3A_716, %add3A_717 : i32
        %get3A_719 = arith.index_cast %add3A_718 : i32 to index
        %get3A_720 = arith.constant 64 : index
        %get3A_721 = tpu.vector_load %arg11[%get3A_719, %get3A_720] {strides = array<i32>} : memref<96x128xf32, #tpu.memory_space<vmem>>, vector<1x16xf32>,
        %get3A_722 = vector.shape_cast %get3A_721 : vector<1x16xf32> to vector<16xf32>
        %add3A_723 = arith.addf %add3A_651, %get3A_722 : vector<16xf32>
        %mul3A_724 = arith.constant 4 : i32
        %mul3A_725 = arith.muli %scan3A_599, %mul3A_724 : i32
        %add3A_726 = arith.constant 1 : i32
        %add3A_727 = arith.addi %mul3A_725, %add3A_726 : i32
        %get3A_728 = arith.index_cast %add3A_727 : i32 to index
        %get3A_729 = arith.constant 80 : index
        %get3A_730 = tpu.vector_load %arg11[%get3A_728, %get3A_729] {strides = array<i32>} : memref<96x128xf32, #tpu.memory_space<vmem>>, vector<1x16xf32>,
        %get3A_731 = vector.shape_cast %get3A_730 : vector<1x16xf32> to vector<16xf32>
        %add3A_732 = arith.addf %add3A_660, %get3A_731 : vector<16xf32>
        %mul3A_733 = arith.constant 4 : i32
        %mul3A_734 = arith.muli %scan3A_599, %mul3A_733 : i32
        %add3A_735 = arith.constant 1 : i32
        %add3A_736 = arith.addi %mul3A_734, %add3A_735 : i32
        %get3A_737 = arith.index_cast %add3A_736 : i32 to index
        %get3A_738 = arith.constant 96 : index
        %get3A_739 = tpu.vector_load %arg11[%get3A_737, %get3A_738] {strides = array<i32>} : memref<96x128xf32, #tpu.memory_space<vmem>>, vector<1x16xf32>,
        %get3A_740 = vector.shape_cast %get3A_739 : vector<1x16xf32> to vector<16xf32>
        %add3A_741 = arith.addf %add3A_669, %get3A_740 : vector<16xf32>
        %mul3A_742 = arith.constant 4 : i32
        %mul3A_743 = arith.muli %scan3A_599, %mul3A_742 : i32
        %add3A_744 = arith.constant 1 : i32
        %add3A_745 = arith.addi %mul3A_743, %add3A_744 : i32
        %get3A_746 = arith.index_cast %add3A_745 : i32 to index
        %get3A_747 = arith.constant 112 : index
        %get3A_748 = tpu.vector_load %arg11[%get3A_746, %get3A_747] {strides = array<i32>} : memref<96x128xf32, #tpu.memory_space<vmem>>, vector<1x16xf32>,
        %get3A_749 = vector.shape_cast %get3A_748 : vector<1x16xf32> to vector<16xf32>
        %add3A_750 = arith.addf %add3A_678, %get3A_749 : vector<16xf32>
        %mul3A_751 = arith.constant 4 : i32
        %mul3A_752 = arith.muli %scan3A_599, %mul3A_751 : i32
        %add3A_753 = arith.constant 2 : i32
        %add3A_754 = arith.addi %mul3A_752, %add3A_753 : i32
        %get3A_755 = arith.index_cast %add3A_754 : i32 to index
        %get3A_756 = arith.constant 0 : index
        %get3A_757 = tpu.vector_load %arg11[%get3A_755, %get3A_756] {strides = array<i32>} : memref<96x128xf32, #tpu.memory_space<vmem>>, vector<1x16xf32>,
        %get3A_758 = vector.shape_cast %get3A_757 : vector<1x16xf32> to vector<16xf32>
        %add3A_759 = arith.addf %add3A_687, %get3A_758 : vector<16xf32>
        %mul3A_760 = arith.constant 4 : i32
        %mul3A_761 = arith.muli %scan3A_599, %mul3A_760 : i32
        %add3A_762 = arith.constant 2 : i32
        %add3A_763 = arith.addi %mul3A_761, %add3A_762 : i32
        %get3A_764 = arith.index_cast %add3A_763 : i32 to index
        %get3A_765 = arith.constant 16 : index
        %get3A_766 = tpu.vector_load %arg11[%get3A_764, %get3A_765] {strides = array<i32>} : memref<96x128xf32, #tpu.memory_space<vmem>>, vector<1x16xf32>,
        %get3A_767 = vector.shape_cast %get3A_766 : vector<1x16xf32> to vector<16xf32>
        %add3A_768 = arith.addf %add3A_696, %get3A_767 : vector<16xf32>
        %mul3A_769 = arith.constant 4 : i32
        %mul3A_770 = arith.muli %scan3A_599, %mul3A_769 : i32
        %add3A_771 = arith.constant 2 : i32
        %add3A_772 = arith.addi %mul3A_770, %add3A_771 : i32
        %get3A_773 = arith.index_cast %add3A_772 : i32 to index
        %get3A_774 = arith.constant 32 : index
        %get3A_775 = tpu.vector_load %arg11[%get3A_773, %get3A_774] {strides = array<i32>} : memref<96x128xf32, #tpu.memory_space<vmem>>, vector<1x16xf32>,
        %get3A_776 = vector.shape_cast %get3A_775 : vector<1x16xf32> to vector<16xf32>
        %add3A_777 = arith.addf %add3A_705, %get3A_776 : vector<16xf32>
        %mul3A_778 = arith.constant 4 : i32
        %mul3A_779 = arith.muli %scan3A_599, %mul3A_778 : i32
        %add3A_780 = arith.constant 2 : i32
        %add3A_781 = arith.addi %mul3A_779, %add3A_780 : i32
        %get3A_782 = arith.index_cast %add3A_781 : i32 to index
        %get3A_783 = arith.constant 48 : index
        %get3A_784 = tpu.vector_load %arg11[%get3A_782, %get3A_783] {strides = array<i32>} : memref<96x128xf32, #tpu.memory_space<vmem>>, vector<1x16xf32>,
        %get3A_785 = vector.shape_cast %get3A_784 : vector<1x16xf32> to vector<16xf32>
        %add3A_786 = arith.addf %add3A_714, %get3A_785 : vector<16xf32>
        %mul3A_787 = arith.constant 4 : i32
        %mul3A_788 = arith.muli %scan3A_599, %mul3A_787 : i32
        %add3A_789 = arith.constant 2 : i32
        %add3A_790 = arith.addi %mul3A_788, %add3A_789 : i32
        %get3A_791 = arith.index_cast %add3A_790 : i32 to index
        %get3A_792 = arith.constant 64 : index
        %get3A_793 = tpu.vector_load %arg11[%get3A_791, %get3A_792] {strides = array<i32>} : memref<96x128xf32, #tpu.memory_space<vmem>>, vector<1x16xf32>,
        %get3A_794 = vector.shape_cast %get3A_793 : vector<1x16xf32> to vector<16xf32>
        %add3A_795 = arith.addf %add3A_723, %get3A_794 : vector<16xf32>
        %mul3A_796 = arith.constant 4 : i32
        %mul3A_797 = arith.muli %scan3A_599, %mul3A_796 : i32
        %add3A_798 = arith.constant 2 : i32
        %add3A_799 = arith.addi %mul3A_797, %add3A_798 : i32
        %get3A_800 = arith.index_cast %add3A_799 : i32 to index
        %get3A_801 = arith.constant 80 : index
        %get3A_802 = tpu.vector_load %arg11[%get3A_800, %get3A_801] {strides = array<i32>} : memref<96x128xf32, #tpu.memory_space<vmem>>, vector<1x16xf32>,
        %get3A_803 = vector.shape_cast %get3A_802 : vector<1x16xf32> to vector<16xf32>
        %add3A_804 = arith.addf %add3A_732, %get3A_803 : vector<16xf32>
        %mul3A_805 = arith.constant 4 : i32
        %mul3A_806 = arith.muli %scan3A_599, %mul3A_805 : i32
        %add3A_807 = arith.constant 2 : i32
        %add3A_808 = arith.addi %mul3A_806, %add3A_807 : i32
        %get3A_809 = arith.index_cast %add3A_808 : i32 to index
        %get3A_810 = arith.constant 96 : index
        %get3A_811 = tpu.vector_load %arg11[%get3A_809, %get3A_810] {strides = array<i32>} : memref<96x128xf32, #tpu.memory_space<vmem>>, vector<1x16xf32>,
        %get3A_812 = vector.shape_cast %get3A_811 : vector<1x16xf32> to vector<16xf32>
        %add3A_813 = arith.addf %add3A_741, %get3A_812 : vector<16xf32>
        %mul3A_814 = arith.constant 4 : i32
        %mul3A_815 = arith.muli %scan3A_599, %mul3A_814 : i32
        %add3A_816 = arith.constant 2 : i32
        %add3A_817 = arith.addi %mul3A_815, %add3A_816 : i32
        %get3A_818 = arith.index_cast %add3A_817 : i32 to index
        %get3A_819 = arith.constant 112 : index
        %get3A_820 = tpu.vector_load %arg11[%get3A_818, %get3A_819] {strides = array<i32>} : memref<96x128xf32, #tpu.memory_space<vmem>>, vector<1x16xf32>,
        %get3A_821 = vector.shape_cast %get3A_820 : vector<1x16xf32> to vector<16xf32>
        %add3A_822 = arith.addf %add3A_750, %get3A_821 : vector<16xf32>
        %mul3A_823 = arith.constant 4 : i32
        %mul3A_824 = arith.muli %scan3A_599, %mul3A_823 : i32
        %add3A_825 = arith.constant 3 : i32
        %add3A_826 = arith.addi %mul3A_824, %add3A_825 : i32
        %get3A_827 = arith.index_cast %add3A_826 : i32 to index
        %get3A_828 = arith.constant 0 : index
        %get3A_829 = tpu.vector_load %arg11[%get3A_827, %get3A_828] {strides = array<i32>} : memref<96x128xf32, #tpu.memory_space<vmem>>, vector<1x16xf32>,
        %get3A_830 = vector.shape_cast %get3A_829 : vector<1x16xf32> to vector<16xf32>
        %add3A_831 = arith.addf %add3A_759, %get3A_830 : vector<16xf32>
        %mul3A_832 = arith.constant 4 : i32
        %mul3A_833 = arith.muli %scan3A_599, %mul3A_832 : i32
        %add3A_834 = arith.constant 3 : i32
        %add3A_835 = arith.addi %mul3A_833, %add3A_834 : i32
        %get3A_836 = arith.index_cast %add3A_835 : i32 to index
        %get3A_837 = arith.constant 16 : index
        %get3A_838 = tpu.vector_load %arg11[%get3A_836, %get3A_837] {strides = array<i32>} : memref<96x128xf32, #tpu.memory_space<vmem>>, vector<1x16xf32>,
        %get3A_839 = vector.shape_cast %get3A_838 : vector<1x16xf32> to vector<16xf32>
        %add3A_840 = arith.addf %add3A_768, %get3A_839 : vector<16xf32>
        %mul3A_841 = arith.constant 4 : i32
        %mul3A_842 = arith.muli %scan3A_599, %mul3A_841 : i32
        %add3A_843 = arith.constant 3 : i32
        %add3A_844 = arith.addi %mul3A_842, %add3A_843 : i32
        %get3A_845 = arith.index_cast %add3A_844 : i32 to index
        %get3A_846 = arith.constant 32 : index
        %get3A_847 = tpu.vector_load %arg11[%get3A_845, %get3A_846] {strides = array<i32>} : memref<96x128xf32, #tpu.memory_space<vmem>>, vector<1x16xf32>,
        %get3A_848 = vector.shape_cast %get3A_847 : vector<1x16xf32> to vector<16xf32>
        %add3A_849 = arith.addf %add3A_777, %get3A_848 : vector<16xf32>
        %mul3A_850 = arith.constant 4 : i32
        %mul3A_851 = arith.muli %scan3A_599, %mul3A_850 : i32
        %add3A_852 = arith.constant 3 : i32
        %add3A_853 = arith.addi %mul3A_851, %add3A_852 : i32
        %get3A_854 = arith.index_cast %add3A_853 : i32 to index
        %get3A_855 = arith.constant 48 : index
        %get3A_856 = tpu.vector_load %arg11[%get3A_854, %get3A_855] {strides = array<i32>} : memref<96x128xf32, #tpu.memory_space<vmem>>, vector<1x16xf32>,
        %get3A_857 = vector.shape_cast %get3A_856 : vector<1x16xf32> to vector<16xf32>
        %add3A_858 = arith.addf %add3A_786, %get3A_857 : vector<16xf32>
        %mul3A_859 = arith.constant 4 : i32
        %mul3A_860 = arith.muli %scan3A_599, %mul3A_859 : i32
        %add3A_861 = arith.constant 3 : i32
        %add3A_862 = arith.addi %mul3A_860, %add3A_861 : i32
        %get3A_863 = arith.index_cast %add3A_862 : i32 to index
        %get3A_864 = arith.constant 64 : index
        %get3A_865 = tpu.vector_load %arg11[%get3A_863, %get3A_864] {strides = array<i32>} : memref<96x128xf32, #tpu.memory_space<vmem>>, vector<1x16xf32>,
        %get3A_866 = vector.shape_cast %get3A_865 : vector<1x16xf32> to vector<16xf32>
        %add3A_867 = arith.addf %add3A_795, %get3A_866 : vector<16xf32>
        %mul3A_868 = arith.constant 4 : i32
        %mul3A_869 = arith.muli %scan3A_599, %mul3A_868 : i32
        %add3A_870 = arith.constant 3 : i32
        %add3A_871 = arith.addi %mul3A_869, %add3A_870 : i32
        %get3A_872 = arith.index_cast %add3A_871 : i32 to index
        %get3A_873 = arith.constant 80 : index
        %get3A_874 = tpu.vector_load %arg11[%get3A_872, %get3A_873] {strides = array<i32>} : memref<96x128xf32, #tpu.memory_space<vmem>>, vector<1x16xf32>,
        %get3A_875 = vector.shape_cast %get3A_874 : vector<1x16xf32> to vector<16xf32>
        %add3A_876 = arith.addf %add3A_804, %get3A_875 : vector<16xf32>
        %mul3A_877 = arith.constant 4 : i32
        %mul3A_878 = arith.muli %scan3A_599, %mul3A_877 : i32
        %add3A_879 = arith.constant 3 : i32
        %add3A_880 = arith.addi %mul3A_878, %add3A_879 : i32
        %get3A_881 = arith.index_cast %add3A_880 : i32 to index
        %get3A_882 = arith.constant 96 : index
        %get3A_883 = tpu.vector_load %arg11[%get3A_881, %get3A_882] {strides = array<i32>} : memref<96x128xf32, #tpu.memory_space<vmem>>, vector<1x16xf32>,
        %get3A_884 = vector.shape_cast %get3A_883 : vector<1x16xf32> to vector<16xf32>
        %add3A_885 = arith.addf %add3A_813, %get3A_884 : vector<16xf32>
        %mul3A_886 = arith.constant 4 : i32
        %mul3A_887 = arith.muli %scan3A_599, %mul3A_886 : i32
        %add3A_888 = arith.constant 3 : i32
        %add3A_889 = arith.addi %mul3A_887, %add3A_888 : i32
        %get3A_890 = arith.index_cast %add3A_889 : i32 to index
        %get3A_891 = arith.constant 112 : index
        %get3A_892 = tpu.vector_load %arg11[%get3A_890, %get3A_891] {strides = array<i32>} : memref<96x128xf32, #tpu.memory_space<vmem>>, vector<1x16xf32>,
        %get3A_893 = vector.shape_cast %get3A_892 : vector<1x16xf32> to vector<16xf32>
        %add3A_894 = arith.addf %add3A_822, %get3A_893 : vector<16xf32>
        scf.yield %add3A_831, %add3A_840, %add3A_849, %add3A_858, %add3A_867, %add3A_876, %add3A_885, %add3A_894 : vector<16xf32>, vector<16xf32>, vector<16xf32>, vector<16xf32>, vector<16xf32>, vector<16xf32>, vector<16xf32>, vector<16xf32>
      }
      %scan3A_527 = arith.constant 24 : i32
      %mul3A_528 = arith.constant 5.000000e-03 : f32
      %mul3A_529 = vector.broadcast %mul3A_528 : f32 to vector<16xf32>
      %mul3A_530 = arith.mulf %scan3A_526#0, %mul3A_529 : vector<16xf32>
      %swap3A_531 = arith.index_cast %add3A_487 : i32 to index
      %swap3A_532 = arith.constant 0 : index
      %swap3A_533 = tpu.vector_load %arg12[%swap3A_531, %swap3A_532] {strides = array<i32>} : memref<128x128xf32, #tpu.memory_space<vmem>>, vector<1x16xf32>,
      %swap3A_534 = vector.shape_cast %swap3A_533 : vector<1x16xf32> to vector<16xf32>
      %swap3A_535 = vector.shape_cast %mul3A_530 : vector<16xf32> to vector<1x16xf32>
      tpu.vector_store %arg12[%swap3A_531, %swap3A_532], %swap3A_535 {strides = array<i32>} : memref<128x128xf32, #tpu.memory_space<vmem>>, vector<1x16xf32>,
      %mul3A_536 = arith.constant 5.000000e-03 : f32
      %mul3A_537 = vector.broadcast %mul3A_536 : f32 to vector<16xf32>
      %mul3A_538 = arith.mulf %scan3A_526#1, %mul3A_537 : vector<16xf32>
      %swap3A_539 = arith.index_cast %add3A_487 : i32 to index
      %swap3A_540 = arith.constant 16 : index
      %swap3A_541 = tpu.vector_load %arg12[%swap3A_539, %swap3A_540] {strides = array<i32>} : memref<128x128xf32, #tpu.memory_space<vmem>>, vector<1x16xf32>,
      %swap3A_542 = vector.shape_cast %swap3A_541 : vector<1x16xf32> to vector<16xf32>
      %swap3A_543 = vector.shape_cast %mul3A_538 : vector<16xf32> to vector<1x16xf32>
      tpu.vector_store %arg12[%swap3A_539, %swap3A_540], %swap3A_543 {strides = array<i32>} : memref<128x128xf32, #tpu.memory_space<vmem>>, vector<1x16xf32>,
      %mul3A_544 = arith.constant 5.000000e-03 : f32
      %mul3A_545 = vector.broadcast %mul3A_544 : f32 to vector<16xf32>
      %mul3A_546 = arith.mulf %scan3A_526#2, %mul3A_545 : vector<16xf32>
      %swap3A_547 = arith.index_cast %add3A_487 : i32 to index
      %swap3A_548 = arith.constant 32 : index
      %swap3A_549 = tpu.vector_load %arg12[%swap3A_547, %swap3A_548] {strides = array<i32>} : memref<128x128xf32, #tpu.memory_space<vmem>>, vector<1x16xf32>,
      %swap3A_550 = vector.shape_cast %swap3A_549 : vector<1x16xf32> to vector<16xf32>
      %swap3A_551 = vector.shape_cast %mul3A_546 : vector<16xf32> to vector<1x16xf32>
      tpu.vector_store %arg12[%swap3A_547, %swap3A_548], %swap3A_551 {strides = array<i32>} : memref<128x128xf32, #tpu.memory_space<vmem>>, vector<1x16xf32>,
      %mul3A_552 = arith.constant 5.000000e-03 : f32
      %mul3A_553 = vector.broadcast %mul3A_552 : f32 to vector<16xf32>
      %mul3A_554 = arith.mulf %scan3A_526#3, %mul3A_553 : vector<16xf32>
      %swap3A_555 = arith.index_cast %add3A_487 : i32 to index
      %swap3A_556 = arith.constant 48 : index
      %swap3A_557 = tpu.vector_load %arg12[%swap3A_555, %swap3A_556] {strides = array<i32>} : memref<128x128xf32, #tpu.memory_space<vmem>>, vector<1x16xf32>,
      %swap3A_558 = vector.shape_cast %swap3A_557 : vector<1x16xf32> to vector<16xf32>
      %swap3A_559 = vector.shape_cast %mul3A_554 : vector<16xf32> to vector<1x16xf32>
      tpu.vector_store %arg12[%swap3A_555, %swap3A_556], %swap3A_559 {strides = array<i32>} : memref<128x128xf32, #tpu.memory_space<vmem>>, vector<1x16xf32>,
      %mul3A_560 = arith.constant 5.000000e-03 : f32
      %mul3A_561 = vector.broadcast %mul3A_560 : f32 to vector<16xf32>
      %mul3A_562 = arith.mulf %scan3A_526#4, %mul3A_561 : vector<16xf32>
      %swap3A_563 = arith.index_cast %add3A_487 : i32 to index
      %swap3A_564 = arith.constant 64 : index
      %swap3A_565 = tpu.vector_load %arg12[%swap3A_563, %swap3A_564] {strides = array<i32>} : memref<128x128xf32, #tpu.memory_space<vmem>>, vector<1x16xf32>,
      %swap3A_566 = vector.shape_cast %swap3A_565 : vector<1x16xf32> to vector<16xf32>
      %swap3A_567 = vector.shape_cast %mul3A_562 : vector<16xf32> to vector<1x16xf32>
      tpu.vector_store %arg12[%swap3A_563, %swap3A_564], %swap3A_567 {strides = array<i32>} : memref<128x128xf32, #tpu.memory_space<vmem>>, vector<1x16xf32>,
      %mul3A_568 = arith.constant 5.000000e-03 : f32
      %mul3A_569 = vector.broadcast %mul3A_568 : f32 to vector<16xf32>
      %mul3A_570 = arith.mulf %scan3A_526#5, %mul3A_569 : vector<16xf32>
      %swap3A_571 = arith.index_cast %add3A_487 : i32 to index
      %swap3A_572 = arith.constant 80 : index
      %swap3A_573 = tpu.vector_load %arg12[%swap3A_571, %swap3A_572] {strides = array<i32>} : memref<128x128xf32, #tpu.memory_space<vmem>>, vector<1x16xf32>,
      %swap3A_574 = vector.shape_cast %swap3A_573 : vector<1x16xf32> to vector<16xf32>
      %swap3A_575 = vector.shape_cast %mul3A_570 : vector<16xf32> to vector<1x16xf32>
      tpu.vector_store %arg12[%swap3A_571, %swap3A_572], %swap3A_575 {strides = array<i32>} : memref<128x128xf32, #tpu.memory_space<vmem>>, vector<1x16xf32>,
      %mul3A_576 = arith.constant 5.000000e-03 : f32
      %mul3A_577 = vector.broadcast %mul3A_576 : f32 to vector<16xf32>
      %mul3A_578 = arith.mulf %scan3A_526#6, %mul3A_577 : vector<16xf32>
      %swap3A_579 = arith.index_cast %add3A_487 : i32 to index
      %swap3A_580 = arith.constant 96 : index
      %swap3A_581 = tpu.vector_load %arg12[%swap3A_579, %swap3A_580] {strides = array<i32>} : memref<128x128xf32, #tpu.memory_space<vmem>>, vector<1x16xf32>,
      %swap3A_582 = vector.shape_cast %swap3A_581 : vector<1x16xf32> to vector<16xf32>
      %swap3A_583 = vector.shape_cast %mul3A_578 : vector<16xf32> to vector<1x16xf32>
      tpu.vector_store %arg12[%swap3A_579, %swap3A_580], %swap3A_583 {strides = array<i32>} : memref<128x128xf32, #tpu.memory_space<vmem>>, vector<1x16xf32>,
      %mul3A_584 = arith.constant 5.000000e-03 : f32
      %mul3A_585 = vector.broadcast %mul3A_584 : f32 to vector<16xf32>
      %mul3A_586 = arith.mulf %scan3A_526#7, %mul3A_585 : vector<16xf32>
      %swap3A_587 = arith.index_cast %add3A_487 : i32 to index
      %swap3A_588 = arith.constant 112 : index
      %swap3A_589 = tpu.vector_load %arg12[%swap3A_587, %swap3A_588] {strides = array<i32>} : memref<128x128xf32, #tpu.memory_space<vmem>>, vector<1x16xf32>,
      %swap3A_590 = vector.shape_cast %swap3A_589 : vector<1x16xf32> to vector<16xf32>
      %swap3A_591 = vector.shape_cast %mul3A_586 : vector<16xf32> to vector<1x16xf32>
      tpu.vector_store %arg12[%swap3A_587, %swap3A_588], %swap3A_591 {strides = array<i32>} : memref<128x128xf32, #tpu.memory_space<vmem>>, vector<1x16xf32>,
      %add3A_592 = arith.constant 3 : i32
      %add3A_593 = arith.addi %add3A_487, %add3A_592 : i32
      %lt3A_594 = arith.constant 128 : i32
      %lt3A_595 = arith.cmpi slt, %add3A_593, %lt3A_594 : i32
      %convert_element_type3A_596 = arith.extui %lt3A_595 : i1 to i32
      %cond3A_597 = arith.constant 0 : i32
      %cond3A_598 = arith.cmpi ne, %convert_element_type3A_596, %cond3A_597 : i32
      scf.if %cond3A_598 {
        %add3A_599 = arith.constant 3 : i32
        %add3A_600 = arith.addi %add3A_487, %add3A_599 : i32
        %mul3A_601 = arith.constant 200 : i32
        %mul3A_602 = arith.muli %add3A_600, %mul3A_601 : i32
        %add3A_603 = arith.constant 104 : i32
        %add3A_604 = arith.addi %mul3A_602, %add3A_603 : i32
        %dma_start3A_605 = tpu.memref_slice %arg5[%mul3A_602] : memref<25600xi32, #tpu.memory_space<vmem>> -> memref<104xi32, #tpu.memory_space<vmem>>
        %dma_start3A_606 = arith.constant 0 : i32
        %dma_start3A_607 = arith.constant 0 : i32
        %dma_start3A_608 = tpu.memref_slice %arg3[%dma_start3A_606, %dma_start3A_607] : memref<100000x128xf32, #tpu.memory_space<hbm>> -> memref<100000x128xf32, #tpu.memory_space<hbm>>
        tpu.enqueue_indirect_dma source(%dma_start3A_608 : memref<100000x128xf32, #tpu.memory_space<hbm>>) target(%arg8 : memref<104x128xf32, #tpu.memory_space<vmem>>) offsets(%dma_start3A_605 : memref<104xi32, #tpu.memory_space<vmem>>) semaphore(%arg15 : memref<!tpu.dma_semaphore, #tpu.memory_space<semaphore_mem>>)
        %dma_start3A_609 = tpu.memref_slice %arg5[%add3A_604] : memref<25600xi32, #tpu.memory_space<vmem>> -> memref<96xi32, #tpu.memory_space<vmem>>
        %dma_start3A_610 = arith.constant 0 : i32
        %dma_start3A_611 = arith.constant 0 : i32
        %dma_start3A_612 = tpu.memref_slice %arg3[%dma_start3A_610, %dma_start3A_611] : memref<100000x128xf32, #tpu.memory_space<hbm>> -> memref<100000x128xf32, #tpu.memory_space<hbm>>
        tpu.enqueue_indirect_dma source(%dma_start3A_612 : memref<100000x128xf32, #tpu.memory_space<hbm>>) target(%arg11 : memref<96x128xf32, #tpu.memory_space<vmem>>) offsets(%dma_start3A_609 : memref<96xi32, #tpu.memory_space<vmem>>) semaphore(%arg18 : memref<!tpu.dma_semaphore, #tpu.memory_space<semaphore_mem>>)
      } else {
      }
    }
    %scan3A_38 = arith.constant 42 : i32
    %dma_wait3A = arith.constant 25200 : i32
    %dma_wait3A_39 = tpu.memref_slice %arg5[%dma_wait3A] : memref<25600xi32, #tpu.memory_space<vmem>> -> memref<104xi32, #tpu.memory_space<vmem>>
    %dma_wait3A_40 = arith.constant 0 : i32
    %dma_wait3A_41 = arith.constant 0 : i32
    %dma_wait3A_42 = tpu.memref_slice %arg3[%dma_wait3A_40, %dma_wait3A_41] : memref<100000x128xf32, #tpu.memory_space<hbm>> -> memref<100000x128xf32, #tpu.memory_space<hbm>>
    tpu.wait_indirect_dma semaphore(%arg13 : memref<!tpu.dma_semaphore, #tpu.memory_space<semaphore_mem>>) src(%dma_wait3A_42 : memref<100000x128xf32, #tpu.memory_space<hbm>>) dst(%arg6 : memref<104x128xf32, #tpu.memory_space<vmem>>)
    %broadcast_in_dim3A = arith.constant 0.000000e+00 : f32
    %broadcast_in_dim3A_43 = vector.broadcast %broadcast_in_dim3A : f32 to vector<16xf32>
    %broadcast_in_dim3A_44 = arith.constant 0.000000e+00 : f32
    %broadcast_in_dim3A_45 = vector.broadcast %broadcast_in_dim3A_44 : f32 to vector<16xf32>
    %broadcast_in_dim3A_46 = arith.constant 0.000000e+00 : f32
    %broadcast_in_dim3A_47 = vector.broadcast %broadcast_in_dim3A_46 : f32 to vector<16xf32>
    %broadcast_in_dim3A_48 = arith.constant 0.000000e+00 : f32
    %broadcast_in_dim3A_49 = vector.broadcast %broadcast_in_dim3A_48 : f32 to vector<16xf32>
    %broadcast_in_dim3A_50 = arith.constant 0.000000e+00 : f32
    %broadcast_in_dim3A_51 = vector.broadcast %broadcast_in_dim3A_50 : f32 to vector<16xf32>
    %broadcast_in_dim3A_52 = arith.constant 0.000000e+00 : f32
    %broadcast_in_dim3A_53 = vector.broadcast %broadcast_in_dim3A_52 : f32 to vector<16xf32>
    %broadcast_in_dim3A_54 = arith.constant 0.000000e+00 : f32
    %broadcast_in_dim3A_55 = vector.broadcast %broadcast_in_dim3A_54 : f32 to vector<16xf32>
    %broadcast_in_dim3A_56 = arith.constant 0.000000e+00 : f32
    %broadcast_in_dim3A_57 = vector.broadcast %broadcast_in_dim3A_56 : f32 to vector<16xf32>
    %scan3A_58 = arith.constant 0 : i32
    %scan3A_59 = arith.constant 26 : i32
    %scan3A_60 = arith.addi %scan3A_58, %scan3A_59 : i32
    %scan3A_61 = arith.constant 1 : i32
    %scan3A_62:8 = scf.for %scan3A_256 = %scan3A_58 to %scan3A_60 step %scan3A_61 iter_args(%scan3A_257 = %broadcast_in_dim3A_43, %scan3A_258 = %broadcast_in_dim3A_45, %scan3A_259 = %broadcast_in_dim3A_47, %scan3A_260 = %broadcast_in_dim3A_49, %scan3A_261 = %broadcast_in_dim3A_51, %scan3A_262 = %broadcast_in_dim3A_53, %scan3A_263 = %broadcast_in_dim3A_55, %scan3A_264 = %broadcast_in_dim3A_57) -> (vector<16xf32>, vector<16xf32>, vector<16xf32>, vector<16xf32>, vector<16xf32>, vector<16xf32>, vector<16xf32>, vector<16xf32>)  : i32 {
      %mul3A_265 = arith.constant 4 : i32
      %mul3A_266 = arith.muli %scan3A_256, %mul3A_265 : i32
      %add3A_267 = arith.constant 0 : i32
      %add3A_268 = arith.addi %mul3A_266, %add3A_267 : i32
      %get3A = arith.index_cast %add3A_268 : i32 to index
      %get3A_269 = arith.constant 0 : index
      %get3A_270 = tpu.vector_load %arg6[%get3A, %get3A_269] {strides = array<i32>} : memref<104x128xf32, #tpu.memory_space<vmem>>, vector<1x16xf32>,
      %get3A_271 = vector.shape_cast %get3A_270 : vector<1x16xf32> to vector<16xf32>
      %add3A_272 = arith.addf %scan3A_257, %get3A_271 : vector<16xf32>
      %mul3A_273 = arith.constant 4 : i32
      %mul3A_274 = arith.muli %scan3A_256, %mul3A_273 : i32
      %add3A_275 = arith.constant 0 : i32
      %add3A_276 = arith.addi %mul3A_274, %add3A_275 : i32
      %get3A_277 = arith.index_cast %add3A_276 : i32 to index
      %get3A_278 = arith.constant 16 : index
      %get3A_279 = tpu.vector_load %arg6[%get3A_277, %get3A_278] {strides = array<i32>} : memref<104x128xf32, #tpu.memory_space<vmem>>, vector<1x16xf32>,
      %get3A_280 = vector.shape_cast %get3A_279 : vector<1x16xf32> to vector<16xf32>
      %add3A_281 = arith.addf %scan3A_258, %get3A_280 : vector<16xf32>
      %mul3A_282 = arith.constant 4 : i32
      %mul3A_283 = arith.muli %scan3A_256, %mul3A_282 : i32
      %add3A_284 = arith.constant 0 : i32
      %add3A_285 = arith.addi %mul3A_283, %add3A_284 : i32
      %get3A_286 = arith.index_cast %add3A_285 : i32 to index
      %get3A_287 = arith.constant 32 : index
      %get3A_288 = tpu.vector_load %arg6[%get3A_286, %get3A_287] {strides = array<i32>} : memref<104x128xf32, #tpu.memory_space<vmem>>, vector<1x16xf32>,
      %get3A_289 = vector.shape_cast %get3A_288 : vector<1x16xf32> to vector<16xf32>
      %add3A_290 = arith.addf %scan3A_259, %get3A_289 : vector<16xf32>
      %mul3A_291 = arith.constant 4 : i32
      %mul3A_292 = arith.muli %scan3A_256, %mul3A_291 : i32
      %add3A_293 = arith.constant 0 : i32
      %add3A_294 = arith.addi %mul3A_292, %add3A_293 : i32
      %get3A_295 = arith.index_cast %add3A_294 : i32 to index
      %get3A_296 = arith.constant 48 : index
      %get3A_297 = tpu.vector_load %arg6[%get3A_295, %get3A_296] {strides = array<i32>} : memref<104x128xf32, #tpu.memory_space<vmem>>, vector<1x16xf32>,
      %get3A_298 = vector.shape_cast %get3A_297 : vector<1x16xf32> to vector<16xf32>
      %add3A_299 = arith.addf %scan3A_260, %get3A_298 : vector<16xf32>
      %mul3A_300 = arith.constant 4 : i32
      %mul3A_301 = arith.muli %scan3A_256, %mul3A_300 : i32
      %add3A_302 = arith.constant 0 : i32
      %add3A_303 = arith.addi %mul3A_301, %add3A_302 : i32
      %get3A_304 = arith.index_cast %add3A_303 : i32 to index
      %get3A_305 = arith.constant 64 : index
      %get3A_306 = tpu.vector_load %arg6[%get3A_304, %get3A_305] {strides = array<i32>} : memref<104x128xf32, #tpu.memory_space<vmem>>, vector<1x16xf32>,
      %get3A_307 = vector.shape_cast %get3A_306 : vector<1x16xf32> to vector<16xf32>
      %add3A_308 = arith.addf %scan3A_261, %get3A_307 : vector<16xf32>
      %mul3A_309 = arith.constant 4 : i32
      %mul3A_310 = arith.muli %scan3A_256, %mul3A_309 : i32
      %add3A_311 = arith.constant 0 : i32
      %add3A_312 = arith.addi %mul3A_310, %add3A_311 : i32
      %get3A_313 = arith.index_cast %add3A_312 : i32 to index
      %get3A_314 = arith.constant 80 : index
      %get3A_315 = tpu.vector_load %arg6[%get3A_313, %get3A_314] {strides = array<i32>} : memref<104x128xf32, #tpu.memory_space<vmem>>, vector<1x16xf32>,
      %get3A_316 = vector.shape_cast %get3A_315 : vector<1x16xf32> to vector<16xf32>
      %add3A_317 = arith.addf %scan3A_262, %get3A_316 : vector<16xf32>
      %mul3A_318 = arith.constant 4 : i32
      %mul3A_319 = arith.muli %scan3A_256, %mul3A_318 : i32
      %add3A_320 = arith.constant 0 : i32
      %add3A_321 = arith.addi %mul3A_319, %add3A_320 : i32
      %get3A_322 = arith.index_cast %add3A_321 : i32 to index
      %get3A_323 = arith.constant 96 : index
      %get3A_324 = tpu.vector_load %arg6[%get3A_322, %get3A_323] {strides = array<i32>} : memref<104x128xf32, #tpu.memory_space<vmem>>, vector<1x16xf32>,
      %get3A_325 = vector.shape_cast %get3A_324 : vector<1x16xf32> to vector<16xf32>
      %add3A_326 = arith.addf %scan3A_263, %get3A_325 : vector<16xf32>
      %mul3A_327 = arith.constant 4 : i32
      %mul3A_328 = arith.muli %scan3A_256, %mul3A_327 : i32
      %add3A_329 = arith.constant 0 : i32
      %add3A_330 = arith.addi %mul3A_328, %add3A_329 : i32
      %get3A_331 = arith.index_cast %add3A_330 : i32 to index
      %get3A_332 = arith.constant 112 : index
      %get3A_333 = tpu.vector_load %arg6[%get3A_331, %get3A_332] {strides = array<i32>} : memref<104x128xf32, #tpu.memory_space<vmem>>, vector<1x16xf32>,
      %get3A_334 = vector.shape_cast %get3A_333 : vector<1x16xf32> to vector<16xf32>
      %add3A_335 = arith.addf %scan3A_264, %get3A_334 : vector<16xf32>
      %mul3A_336 = arith.constant 4 : i32
      %mul3A_337 = arith.muli %scan3A_256, %mul3A_336 : i32
      %add3A_338 = arith.constant 1 : i32
      %add3A_339 = arith.addi %mul3A_337, %add3A_338 : i32
      %get3A_340 = arith.index_cast %add3A_339 : i32 to index
      %get3A_341 = arith.constant 0 : index
      %get3A_342 = tpu.vector_load %arg6[%get3A_340, %get3A_341] {strides = array<i32>} : memref<104x128xf32, #tpu.memory_space<vmem>>, vector<1x16xf32>,
      %get3A_343 = vector.shape_cast %get3A_342 : vector<1x16xf32> to vector<16xf32>
      %add3A_344 = arith.addf %add3A_272, %get3A_343 : vector<16xf32>
      %mul3A_345 = arith.constant 4 : i32
      %mul3A_346 = arith.muli %scan3A_256, %mul3A_345 : i32
      %add3A_347 = arith.constant 1 : i32
      %add3A_348 = arith.addi %mul3A_346, %add3A_347 : i32
      %get3A_349 = arith.index_cast %add3A_348 : i32 to index
      %get3A_350 = arith.constant 16 : index
      %get3A_351 = tpu.vector_load %arg6[%get3A_349, %get3A_350] {strides = array<i32>} : memref<104x128xf32, #tpu.memory_space<vmem>>, vector<1x16xf32>,
      %get3A_352 = vector.shape_cast %get3A_351 : vector<1x16xf32> to vector<16xf32>
      %add3A_353 = arith.addf %add3A_281, %get3A_352 : vector<16xf32>
      %mul3A_354 = arith.constant 4 : i32
      %mul3A_355 = arith.muli %scan3A_256, %mul3A_354 : i32
      %add3A_356 = arith.constant 1 : i32
      %add3A_357 = arith.addi %mul3A_355, %add3A_356 : i32
      %get3A_358 = arith.index_cast %add3A_357 : i32 to index
      %get3A_359 = arith.constant 32 : index
      %get3A_360 = tpu.vector_load %arg6[%get3A_358, %get3A_359] {strides = array<i32>} : memref<104x128xf32, #tpu.memory_space<vmem>>, vector<1x16xf32>,
      %get3A_361 = vector.shape_cast %get3A_360 : vector<1x16xf32> to vector<16xf32>
      %add3A_362 = arith.addf %add3A_290, %get3A_361 : vector<16xf32>
      %mul3A_363 = arith.constant 4 : i32
      %mul3A_364 = arith.muli %scan3A_256, %mul3A_363 : i32
      %add3A_365 = arith.constant 1 : i32
      %add3A_366 = arith.addi %mul3A_364, %add3A_365 : i32
      %get3A_367 = arith.index_cast %add3A_366 : i32 to index
      %get3A_368 = arith.constant 48 : index
      %get3A_369 = tpu.vector_load %arg6[%get3A_367, %get3A_368] {strides = array<i32>} : memref<104x128xf32, #tpu.memory_space<vmem>>, vector<1x16xf32>,
      %get3A_370 = vector.shape_cast %get3A_369 : vector<1x16xf32> to vector<16xf32>
      %add3A_371 = arith.addf %add3A_299, %get3A_370 : vector<16xf32>
      %mul3A_372 = arith.constant 4 : i32
      %mul3A_373 = arith.muli %scan3A_256, %mul3A_372 : i32
      %add3A_374 = arith.constant 1 : i32
      %add3A_375 = arith.addi %mul3A_373, %add3A_374 : i32
      %get3A_376 = arith.index_cast %add3A_375 : i32 to index
      %get3A_377 = arith.constant 64 : index
      %get3A_378 = tpu.vector_load %arg6[%get3A_376, %get3A_377] {strides = array<i32>} : memref<104x128xf32, #tpu.memory_space<vmem>>, vector<1x16xf32>,
      %get3A_379 = vector.shape_cast %get3A_378 : vector<1x16xf32> to vector<16xf32>
      %add3A_380 = arith.addf %add3A_308, %get3A_379 : vector<16xf32>
      %mul3A_381 = arith.constant 4 : i32
      %mul3A_382 = arith.muli %scan3A_256, %mul3A_381 : i32
      %add3A_383 = arith.constant 1 : i32
      %add3A_384 = arith.addi %mul3A_382, %add3A_383 : i32
      %get3A_385 = arith.index_cast %add3A_384 : i32 to index
      %get3A_386 = arith.constant 80 : index
      %get3A_387 = tpu.vector_load %arg6[%get3A_385, %get3A_386] {strides = array<i32>} : memref<104x128xf32, #tpu.memory_space<vmem>>, vector<1x16xf32>,
      %get3A_388 = vector.shape_cast %get3A_387 : vector<1x16xf32> to vector<16xf32>
      %add3A_389 = arith.addf %add3A_317, %get3A_388 : vector<16xf32>
      %mul3A_390 = arith.constant 4 : i32
      %mul3A_391 = arith.muli %scan3A_256, %mul3A_390 : i32
      %add3A_392 = arith.constant 1 : i32
      %add3A_393 = arith.addi %mul3A_391, %add3A_392 : i32
      %get3A_394 = arith.index_cast %add3A_393 : i32 to index
      %get3A_395 = arith.constant 96 : index
      %get3A_396 = tpu.vector_load %arg6[%get3A_394, %get3A_395] {strides = array<i32>} : memref<104x128xf32, #tpu.memory_space<vmem>>, vector<1x16xf32>,
      %get3A_397 = vector.shape_cast %get3A_396 : vector<1x16xf32> to vector<16xf32>
      %add3A_398 = arith.addf %add3A_326, %get3A_397 : vector<16xf32>
      %mul3A_399 = arith.constant 4 : i32
      %mul3A_400 = arith.muli %scan3A_256, %mul3A_399 : i32
      %add3A_401 = arith.constant 1 : i32
      %add3A_402 = arith.addi %mul3A_400, %add3A_401 : i32
      %get3A_403 = arith.index_cast %add3A_402 : i32 to index
      %get3A_404 = arith.constant 112 : index
      %get3A_405 = tpu.vector_load %arg6[%get3A_403, %get3A_404] {strides = array<i32>} : memref<104x128xf32, #tpu.memory_space<vmem>>, vector<1x16xf32>,
      %get3A_406 = vector.shape_cast %get3A_405 : vector<1x16xf32> to vector<16xf32>
      %add3A_407 = arith.addf %add3A_335, %get3A_406 : vector<16xf32>
      %mul3A_408 = arith.constant 4 : i32
      %mul3A_409 = arith.muli %scan3A_256, %mul3A_408 : i32
      %add3A_410 = arith.constant 2 : i32
      %add3A_411 = arith.addi %mul3A_409, %add3A_410 : i32
      %get3A_412 = arith.index_cast %add3A_411 : i32 to index
      %get3A_413 = arith.constant 0 : index
      %get3A_414 = tpu.vector_load %arg6[%get3A_412, %get3A_413] {strides = array<i32>} : memref<104x128xf32, #tpu.memory_space<vmem>>, vector<1x16xf32>,
      %get3A_415 = vector.shape_cast %get3A_414 : vector<1x16xf32> to vector<16xf32>
      %add3A_416 = arith.addf %add3A_344, %get3A_415 : vector<16xf32>
      %mul3A_417 = arith.constant 4 : i32
      %mul3A_418 = arith.muli %scan3A_256, %mul3A_417 : i32
      %add3A_419 = arith.constant 2 : i32
      %add3A_420 = arith.addi %mul3A_418, %add3A_419 : i32
      %get3A_421 = arith.index_cast %add3A_420 : i32 to index
      %get3A_422 = arith.constant 16 : index
      %get3A_423 = tpu.vector_load %arg6[%get3A_421, %get3A_422] {strides = array<i32>} : memref<104x128xf32, #tpu.memory_space<vmem>>, vector<1x16xf32>,
      %get3A_424 = vector.shape_cast %get3A_423 : vector<1x16xf32> to vector<16xf32>
      %add3A_425 = arith.addf %add3A_353, %get3A_424 : vector<16xf32>
      %mul3A_426 = arith.constant 4 : i32
      %mul3A_427 = arith.muli %scan3A_256, %mul3A_426 : i32
      %add3A_428 = arith.constant 2 : i32
      %add3A_429 = arith.addi %mul3A_427, %add3A_428 : i32
      %get3A_430 = arith.index_cast %add3A_429 : i32 to index
      %get3A_431 = arith.constant 32 : index
      %get3A_432 = tpu.vector_load %arg6[%get3A_430, %get3A_431] {strides = array<i32>} : memref<104x128xf32, #tpu.memory_space<vmem>>, vector<1x16xf32>,
      %get3A_433 = vector.shape_cast %get3A_432 : vector<1x16xf32> to vector<16xf32>
      %add3A_434 = arith.addf %add3A_362, %get3A_433 : vector<16xf32>
      %mul3A_435 = arith.constant 4 : i32
      %mul3A_436 = arith.muli %scan3A_256, %mul3A_435 : i32
      %add3A_437 = arith.constant 2 : i32
      %add3A_438 = arith.addi %mul3A_436, %add3A_437 : i32
      %get3A_439 = arith.index_cast %add3A_438 : i32 to index
      %get3A_440 = arith.constant 48 : index
      %get3A_441 = tpu.vector_load %arg6[%get3A_439, %get3A_440] {strides = array<i32>} : memref<104x128xf32, #tpu.memory_space<vmem>>, vector<1x16xf32>,
      %get3A_442 = vector.shape_cast %get3A_441 : vector<1x16xf32> to vector<16xf32>
      %add3A_443 = arith.addf %add3A_371, %get3A_442 : vector<16xf32>
      %mul3A_444 = arith.constant 4 : i32
      %mul3A_445 = arith.muli %scan3A_256, %mul3A_444 : i32
      %add3A_446 = arith.constant 2 : i32
      %add3A_447 = arith.addi %mul3A_445, %add3A_446 : i32
      %get3A_448 = arith.index_cast %add3A_447 : i32 to index
      %get3A_449 = arith.constant 64 : index
      %get3A_450 = tpu.vector_load %arg6[%get3A_448, %get3A_449] {strides = array<i32>} : memref<104x128xf32, #tpu.memory_space<vmem>>, vector<1x16xf32>,
      %get3A_451 = vector.shape_cast %get3A_450 : vector<1x16xf32> to vector<16xf32>
      %add3A_452 = arith.addf %add3A_380, %get3A_451 : vector<16xf32>
      %mul3A_453 = arith.constant 4 : i32
      %mul3A_454 = arith.muli %scan3A_256, %mul3A_453 : i32
      %add3A_455 = arith.constant 2 : i32
      %add3A_456 = arith.addi %mul3A_454, %add3A_455 : i32
      %get3A_457 = arith.index_cast %add3A_456 : i32 to index
      %get3A_458 = arith.constant 80 : index
      %get3A_459 = tpu.vector_load %arg6[%get3A_457, %get3A_458] {strides = array<i32>} : memref<104x128xf32, #tpu.memory_space<vmem>>, vector<1x16xf32>,
      %get3A_460 = vector.shape_cast %get3A_459 : vector<1x16xf32> to vector<16xf32>
      %add3A_461 = arith.addf %add3A_389, %get3A_460 : vector<16xf32>
      %mul3A_462 = arith.constant 4 : i32
      %mul3A_463 = arith.muli %scan3A_256, %mul3A_462 : i32
      %add3A_464 = arith.constant 2 : i32
      %add3A_465 = arith.addi %mul3A_463, %add3A_464 : i32
      %get3A_466 = arith.index_cast %add3A_465 : i32 to index
      %get3A_467 = arith.constant 96 : index
      %get3A_468 = tpu.vector_load %arg6[%get3A_466, %get3A_467] {strides = array<i32>} : memref<104x128xf32, #tpu.memory_space<vmem>>, vector<1x16xf32>,
      %get3A_469 = vector.shape_cast %get3A_468 : vector<1x16xf32> to vector<16xf32>
      %add3A_470 = arith.addf %add3A_398, %get3A_469 : vector<16xf32>
      %mul3A_471 = arith.constant 4 : i32
      %mul3A_472 = arith.muli %scan3A_256, %mul3A_471 : i32
      %add3A_473 = arith.constant 2 : i32
      %add3A_474 = arith.addi %mul3A_472, %add3A_473 : i32
      %get3A_475 = arith.index_cast %add3A_474 : i32 to index
      %get3A_476 = arith.constant 112 : index
      %get3A_477 = tpu.vector_load %arg6[%get3A_475, %get3A_476] {strides = array<i32>} : memref<104x128xf32, #tpu.memory_space<vmem>>, vector<1x16xf32>,
      %get3A_478 = vector.shape_cast %get3A_477 : vector<1x16xf32> to vector<16xf32>
      %add3A_479 = arith.addf %add3A_407, %get3A_478 : vector<16xf32>
      %mul3A_480 = arith.constant 4 : i32
      %mul3A_481 = arith.muli %scan3A_256, %mul3A_480 : i32
      %add3A_482 = arith.constant 3 : i32
      %add3A_483 = arith.addi %mul3A_481, %add3A_482 : i32
      %get3A_484 = arith.index_cast %add3A_483 : i32 to index
      %get3A_485 = arith.constant 0 : index
      %get3A_486 = tpu.vector_load %arg6[%get3A_484, %get3A_485] {strides = array<i32>} : memref<104x128xf32, #tpu.memory_space<vmem>>, vector<1x16xf32>,
      %get3A_487 = vector.shape_cast %get3A_486 : vector<1x16xf32> to vector<16xf32>
      %add3A_488 = arith.addf %add3A_416, %get3A_487 : vector<16xf32>
      %mul3A_489 = arith.constant 4 : i32
      %mul3A_490 = arith.muli %scan3A_256, %mul3A_489 : i32
      %add3A_491 = arith.constant 3 : i32
      %add3A_492 = arith.addi %mul3A_490, %add3A_491 : i32
      %get3A_493 = arith.index_cast %add3A_492 : i32 to index
      %get3A_494 = arith.constant 16 : index
      %get3A_495 = tpu.vector_load %arg6[%get3A_493, %get3A_494] {strides = array<i32>} : memref<104x128xf32, #tpu.memory_space<vmem>>, vector<1x16xf32>,
      %get3A_496 = vector.shape_cast %get3A_495 : vector<1x16xf32> to vector<16xf32>
      %add3A_497 = arith.addf %add3A_425, %get3A_496 : vector<16xf32>
      %mul3A_498 = arith.constant 4 : i32
      %mul3A_499 = arith.muli %scan3A_256, %mul3A_498 : i32
      %add3A_500 = arith.constant 3 : i32
      %add3A_501 = arith.addi %mul3A_499, %add3A_500 : i32
      %get3A_502 = arith.index_cast %add3A_501 : i32 to index
      %get3A_503 = arith.constant 32 : index
      %get3A_504 = tpu.vector_load %arg6[%get3A_502, %get3A_503] {strides = array<i32>} : memref<104x128xf32, #tpu.memory_space<vmem>>, vector<1x16xf32>,
      %get3A_505 = vector.shape_cast %get3A_504 : vector<1x16xf32> to vector<16xf32>
      %add3A_506 = arith.addf %add3A_434, %get3A_505 : vector<16xf32>
      %mul3A_507 = arith.constant 4 : i32
      %mul3A_508 = arith.muli %scan3A_256, %mul3A_507 : i32
      %add3A_509 = arith.constant 3 : i32
      %add3A_510 = arith.addi %mul3A_508, %add3A_509 : i32
      %get3A_511 = arith.index_cast %add3A_510 : i32 to index
      %get3A_512 = arith.constant 48 : index
      %get3A_513 = tpu.vector_load %arg6[%get3A_511, %get3A_512] {strides = array<i32>} : memref<104x128xf32, #tpu.memory_space<vmem>>, vector<1x16xf32>,
      %get3A_514 = vector.shape_cast %get3A_513 : vector<1x16xf32> to vector<16xf32>
      %add3A_515 = arith.addf %add3A_443, %get3A_514 : vector<16xf32>
      %mul3A_516 = arith.constant 4 : i32
      %mul3A_517 = arith.muli %scan3A_256, %mul3A_516 : i32
      %add3A_518 = arith.constant 3 : i32
      %add3A_519 = arith.addi %mul3A_517, %add3A_518 : i32
      %get3A_520 = arith.index_cast %add3A_519 : i32 to index
      %get3A_521 = arith.constant 64 : index
      %get3A_522 = tpu.vector_load %arg6[%get3A_520, %get3A_521] {strides = array<i32>} : memref<104x128xf32, #tpu.memory_space<vmem>>, vector<1x16xf32>,
      %get3A_523 = vector.shape_cast %get3A_522 : vector<1x16xf32> to vector<16xf32>
      %add3A_524 = arith.addf %add3A_452, %get3A_523 : vector<16xf32>
      %mul3A_525 = arith.constant 4 : i32
      %mul3A_526 = arith.muli %scan3A_256, %mul3A_525 : i32
      %add3A_527 = arith.constant 3 : i32
      %add3A_528 = arith.addi %mul3A_526, %add3A_527 : i32
      %get3A_529 = arith.index_cast %add3A_528 : i32 to index
      %get3A_530 = arith.constant 80 : index
      %get3A_531 = tpu.vector_load %arg6[%get3A_529, %get3A_530] {strides = array<i32>} : memref<104x128xf32, #tpu.memory_space<vmem>>, vector<1x16xf32>,
      %get3A_532 = vector.shape_cast %get3A_531 : vector<1x16xf32> to vector<16xf32>
      %add3A_533 = arith.addf %add3A_461, %get3A_532 : vector<16xf32>
      %mul3A_534 = arith.constant 4 : i32
      %mul3A_535 = arith.muli %scan3A_256, %mul3A_534 : i32
      %add3A_536 = arith.constant 3 : i32
      %add3A_537 = arith.addi %mul3A_535, %add3A_536 : i32
      %get3A_538 = arith.index_cast %add3A_537 : i32 to index
      %get3A_539 = arith.constant 96 : index
      %get3A_540 = tpu.vector_load %arg6[%get3A_538, %get3A_539] {strides = array<i32>} : memref<104x128xf32, #tpu.memory_space<vmem>>, vector<1x16xf32>,
      %get3A_541 = vector.shape_cast %get3A_540 : vector<1x16xf32> to vector<16xf32>
      %add3A_542 = arith.addf %add3A_470, %get3A_541 : vector<16xf32>
      %mul3A_543 = arith.constant 4 : i32
      %mul3A_544 = arith.muli %scan3A_256, %mul3A_543 : i32
      %add3A_545 = arith.constant 3 : i32
      %add3A_546 = arith.addi %mul3A_544, %add3A_545 : i32
      %get3A_547 = arith.index_cast %add3A_546 : i32 to index
      %get3A_548 = arith.constant 112 : index
      %get3A_549 = tpu.vector_load %arg6[%get3A_547, %get3A_548] {strides = array<i32>} : memref<104x128xf32, #tpu.memory_space<vmem>>, vector<1x16xf32>,
      %get3A_550 = vector.shape_cast %get3A_549 : vector<1x16xf32> to vector<16xf32>
      %add3A_551 = arith.addf %add3A_479, %get3A_550 : vector<16xf32>
      scf.yield %add3A_488, %add3A_497, %add3A_506, %add3A_515, %add3A_524, %add3A_533, %add3A_542, %add3A_551 : vector<16xf32>, vector<16xf32>, vector<16xf32>, vector<16xf32>, vector<16xf32>, vector<16xf32>, vector<16xf32>, vector<16xf32>
    }
    %scan3A_63 = arith.constant 26 : i32
    %dma_wait3A_64 = arith.constant 25304 : i32
    %dma_wait3A_65 = tpu.memref_slice %arg5[%dma_wait3A_64] : memref<25600xi32, #tpu.memory_space<vmem>> -> memref<96xi32, #tpu.memory_space<vmem>>
    %dma_wait3A_66 = arith.constant 0 : i32
    %dma_wait3A_67 = arith.constant 0 : i32
    %dma_wait3A_68 = tpu.memref_slice %arg3[%dma_wait3A_66, %dma_wait3A_67] : memref<100000x128xf32, #tpu.memory_space<hbm>> -> memref<100000x128xf32, #tpu.memory_space<hbm>>
    tpu.wait_indirect_dma semaphore(%arg16 : memref<!tpu.dma_semaphore, #tpu.memory_space<semaphore_mem>>) src(%dma_wait3A_68 : memref<100000x128xf32, #tpu.memory_space<hbm>>) dst(%arg9 : memref<96x128xf32, #tpu.memory_space<vmem>>)
    %scan3A_69 = arith.constant 0 : i32
    %scan3A_70 = arith.constant 24 : i32
    %scan3A_71 = arith.addi %scan3A_69, %scan3A_70 : i32
    %scan3A_72 = arith.constant 1 : i32
    %scan3A_73:8 = scf.for %scan3A_256 = %scan3A_69 to %scan3A_71 step %scan3A_72 iter_args(%scan3A_257 = %scan3A_62#0, %scan3A_258 = %scan3A_62#1, %scan3A_259 = %scan3A_62#2, %scan3A_260 = %scan3A_62#3, %scan3A_261 = %scan3A_62#4, %scan3A_262 = %scan3A_62#5, %scan3A_263 = %scan3A_62#6, %scan3A_264 = %scan3A_62#7) -> (vector<16xf32>, vector<16xf32>, vector<16xf32>, vector<16xf32>, vector<16xf32>, vector<16xf32>, vector<16xf32>, vector<16xf32>)  : i32 {
      %mul3A_265 = arith.constant 4 : i32
      %mul3A_266 = arith.muli %scan3A_256, %mul3A_265 : i32
      %add3A_267 = arith.constant 0 : i32
      %add3A_268 = arith.addi %mul3A_266, %add3A_267 : i32
      %get3A = arith.index_cast %add3A_268 : i32 to index
      %get3A_269 = arith.constant 0 : index
      %get3A_270 = tpu.vector_load %arg9[%get3A, %get3A_269] {strides = array<i32>} : memref<96x128xf32, #tpu.memory_space<vmem>>, vector<1x16xf32>,
      %get3A_271 = vector.shape_cast %get3A_270 : vector<1x16xf32> to vector<16xf32>
      %add3A_272 = arith.addf %scan3A_257, %get3A_271 : vector<16xf32>
      %mul3A_273 = arith.constant 4 : i32
      %mul3A_274 = arith.muli %scan3A_256, %mul3A_273 : i32
      %add3A_275 = arith.constant 0 : i32
      %add3A_276 = arith.addi %mul3A_274, %add3A_275 : i32
      %get3A_277 = arith.index_cast %add3A_276 : i32 to index
      %get3A_278 = arith.constant 16 : index
      %get3A_279 = tpu.vector_load %arg9[%get3A_277, %get3A_278] {strides = array<i32>} : memref<96x128xf32, #tpu.memory_space<vmem>>, vector<1x16xf32>,
      %get3A_280 = vector.shape_cast %get3A_279 : vector<1x16xf32> to vector<16xf32>
      %add3A_281 = arith.addf %scan3A_258, %get3A_280 : vector<16xf32>
      %mul3A_282 = arith.constant 4 : i32
      %mul3A_283 = arith.muli %scan3A_256, %mul3A_282 : i32
      %add3A_284 = arith.constant 0 : i32
      %add3A_285 = arith.addi %mul3A_283, %add3A_284 : i32
      %get3A_286 = arith.index_cast %add3A_285 : i32 to index
      %get3A_287 = arith.constant 32 : index
      %get3A_288 = tpu.vector_load %arg9[%get3A_286, %get3A_287] {strides = array<i32>} : memref<96x128xf32, #tpu.memory_space<vmem>>, vector<1x16xf32>,
      %get3A_289 = vector.shape_cast %get3A_288 : vector<1x16xf32> to vector<16xf32>
      %add3A_290 = arith.addf %scan3A_259, %get3A_289 : vector<16xf32>
      %mul3A_291 = arith.constant 4 : i32
      %mul3A_292 = arith.muli %scan3A_256, %mul3A_291 : i32
      %add3A_293 = arith.constant 0 : i32
      %add3A_294 = arith.addi %mul3A_292, %add3A_293 : i32
      %get3A_295 = arith.index_cast %add3A_294 : i32 to index
      %get3A_296 = arith.constant 48 : index
      %get3A_297 = tpu.vector_load %arg9[%get3A_295, %get3A_296] {strides = array<i32>} : memref<96x128xf32, #tpu.memory_space<vmem>>, vector<1x16xf32>,
      %get3A_298 = vector.shape_cast %get3A_297 : vector<1x16xf32> to vector<16xf32>
      %add3A_299 = arith.addf %scan3A_260, %get3A_298 : vector<16xf32>
      %mul3A_300 = arith.constant 4 : i32
      %mul3A_301 = arith.muli %scan3A_256, %mul3A_300 : i32
      %add3A_302 = arith.constant 0 : i32
      %add3A_303 = arith.addi %mul3A_301, %add3A_302 : i32
      %get3A_304 = arith.index_cast %add3A_303 : i32 to index
      %get3A_305 = arith.constant 64 : index
      %get3A_306 = tpu.vector_load %arg9[%get3A_304, %get3A_305] {strides = array<i32>} : memref<96x128xf32, #tpu.memory_space<vmem>>, vector<1x16xf32>,
      %get3A_307 = vector.shape_cast %get3A_306 : vector<1x16xf32> to vector<16xf32>
      %add3A_308 = arith.addf %scan3A_261, %get3A_307 : vector<16xf32>
      %mul3A_309 = arith.constant 4 : i32
      %mul3A_310 = arith.muli %scan3A_256, %mul3A_309 : i32
      %add3A_311 = arith.constant 0 : i32
      %add3A_312 = arith.addi %mul3A_310, %add3A_311 : i32
      %get3A_313 = arith.index_cast %add3A_312 : i32 to index
      %get3A_314 = arith.constant 80 : index
      %get3A_315 = tpu.vector_load %arg9[%get3A_313, %get3A_314] {strides = array<i32>} : memref<96x128xf32, #tpu.memory_space<vmem>>, vector<1x16xf32>,
      %get3A_316 = vector.shape_cast %get3A_315 : vector<1x16xf32> to vector<16xf32>
      %add3A_317 = arith.addf %scan3A_262, %get3A_316 : vector<16xf32>
      %mul3A_318 = arith.constant 4 : i32
      %mul3A_319 = arith.muli %scan3A_256, %mul3A_318 : i32
      %add3A_320 = arith.constant 0 : i32
      %add3A_321 = arith.addi %mul3A_319, %add3A_320 : i32
      %get3A_322 = arith.index_cast %add3A_321 : i32 to index
      %get3A_323 = arith.constant 96 : index
      %get3A_324 = tpu.vector_load %arg9[%get3A_322, %get3A_323] {strides = array<i32>} : memref<96x128xf32, #tpu.memory_space<vmem>>, vector<1x16xf32>,
      %get3A_325 = vector.shape_cast %get3A_324 : vector<1x16xf32> to vector<16xf32>
      %add3A_326 = arith.addf %scan3A_263, %get3A_325 : vector<16xf32>
      %mul3A_327 = arith.constant 4 : i32
      %mul3A_328 = arith.muli %scan3A_256, %mul3A_327 : i32
      %add3A_329 = arith.constant 0 : i32
      %add3A_330 = arith.addi %mul3A_328, %add3A_329 : i32
      %get3A_331 = arith.index_cast %add3A_330 : i32 to index
      %get3A_332 = arith.constant 112 : index
      %get3A_333 = tpu.vector_load %arg9[%get3A_331, %get3A_332] {strides = array<i32>} : memref<96x128xf32, #tpu.memory_space<vmem>>, vector<1x16xf32>,
      %get3A_334 = vector.shape_cast %get3A_333 : vector<1x16xf32> to vector<16xf32>
      %add3A_335 = arith.addf %scan3A_264, %get3A_334 : vector<16xf32>
      %mul3A_336 = arith.constant 4 : i32
      %mul3A_337 = arith.muli %scan3A_256, %mul3A_336 : i32
      %add3A_338 = arith.constant 1 : i32
      %add3A_339 = arith.addi %mul3A_337, %add3A_338 : i32
      %get3A_340 = arith.index_cast %add3A_339 : i32 to index
      %get3A_341 = arith.constant 0 : index
      %get3A_342 = tpu.vector_load %arg9[%get3A_340, %get3A_341] {strides = array<i32>} : memref<96x128xf32, #tpu.memory_space<vmem>>, vector<1x16xf32>,
      %get3A_343 = vector.shape_cast %get3A_342 : vector<1x16xf32> to vector<16xf32>
      %add3A_344 = arith.addf %add3A_272, %get3A_343 : vector<16xf32>
      %mul3A_345 = arith.constant 4 : i32
      %mul3A_346 = arith.muli %scan3A_256, %mul3A_345 : i32
      %add3A_347 = arith.constant 1 : i32
      %add3A_348 = arith.addi %mul3A_346, %add3A_347 : i32
      %get3A_349 = arith.index_cast %add3A_348 : i32 to index
      %get3A_350 = arith.constant 16 : index
      %get3A_351 = tpu.vector_load %arg9[%get3A_349, %get3A_350] {strides = array<i32>} : memref<96x128xf32, #tpu.memory_space<vmem>>, vector<1x16xf32>,
      %get3A_352 = vector.shape_cast %get3A_351 : vector<1x16xf32> to vector<16xf32>
      %add3A_353 = arith.addf %add3A_281, %get3A_352 : vector<16xf32>
      %mul3A_354 = arith.constant 4 : i32
      %mul3A_355 = arith.muli %scan3A_256, %mul3A_354 : i32
      %add3A_356 = arith.constant 1 : i32
      %add3A_357 = arith.addi %mul3A_355, %add3A_356 : i32
      %get3A_358 = arith.index_cast %add3A_357 : i32 to index
      %get3A_359 = arith.constant 32 : index
      %get3A_360 = tpu.vector_load %arg9[%get3A_358, %get3A_359] {strides = array<i32>} : memref<96x128xf32, #tpu.memory_space<vmem>>, vector<1x16xf32>,
      %get3A_361 = vector.shape_cast %get3A_360 : vector<1x16xf32> to vector<16xf32>
      %add3A_362 = arith.addf %add3A_290, %get3A_361 : vector<16xf32>
      %mul3A_363 = arith.constant 4 : i32
      %mul3A_364 = arith.muli %scan3A_256, %mul3A_363 : i32
      %add3A_365 = arith.constant 1 : i32
      %add3A_366 = arith.addi %mul3A_364, %add3A_365 : i32
      %get3A_367 = arith.index_cast %add3A_366 : i32 to index
      %get3A_368 = arith.constant 48 : index
      %get3A_369 = tpu.vector_load %arg9[%get3A_367, %get3A_368] {strides = array<i32>} : memref<96x128xf32, #tpu.memory_space<vmem>>, vector<1x16xf32>,
      %get3A_370 = vector.shape_cast %get3A_369 : vector<1x16xf32> to vector<16xf32>
      %add3A_371 = arith.addf %add3A_299, %get3A_370 : vector<16xf32>
      %mul3A_372 = arith.constant 4 : i32
      %mul3A_373 = arith.muli %scan3A_256, %mul3A_372 : i32
      %add3A_374 = arith.constant 1 : i32
      %add3A_375 = arith.addi %mul3A_373, %add3A_374 : i32
      %get3A_376 = arith.index_cast %add3A_375 : i32 to index
      %get3A_377 = arith.constant 64 : index
      %get3A_378 = tpu.vector_load %arg9[%get3A_376, %get3A_377] {strides = array<i32>} : memref<96x128xf32, #tpu.memory_space<vmem>>, vector<1x16xf32>,
      %get3A_379 = vector.shape_cast %get3A_378 : vector<1x16xf32> to vector<16xf32>
      %add3A_380 = arith.addf %add3A_308, %get3A_379 : vector<16xf32>
      %mul3A_381 = arith.constant 4 : i32
      %mul3A_382 = arith.muli %scan3A_256, %mul3A_381 : i32
      %add3A_383 = arith.constant 1 : i32
      %add3A_384 = arith.addi %mul3A_382, %add3A_383 : i32
      %get3A_385 = arith.index_cast %add3A_384 : i32 to index
      %get3A_386 = arith.constant 80 : index
      %get3A_387 = tpu.vector_load %arg9[%get3A_385, %get3A_386] {strides = array<i32>} : memref<96x128xf32, #tpu.memory_space<vmem>>, vector<1x16xf32>,
      %get3A_388 = vector.shape_cast %get3A_387 : vector<1x16xf32> to vector<16xf32>
      %add3A_389 = arith.addf %add3A_317, %get3A_388 : vector<16xf32>
      %mul3A_390 = arith.constant 4 : i32
      %mul3A_391 = arith.muli %scan3A_256, %mul3A_390 : i32
      %add3A_392 = arith.constant 1 : i32
      %add3A_393 = arith.addi %mul3A_391, %add3A_392 : i32
      %get3A_394 = arith.index_cast %add3A_393 : i32 to index
      %get3A_395 = arith.constant 96 : index
      %get3A_396 = tpu.vector_load %arg9[%get3A_394, %get3A_395] {strides = array<i32>} : memref<96x128xf32, #tpu.memory_space<vmem>>, vector<1x16xf32>,
      %get3A_397 = vector.shape_cast %get3A_396 : vector<1x16xf32> to vector<16xf32>
      %add3A_398 = arith.addf %add3A_326, %get3A_397 : vector<16xf32>
      %mul3A_399 = arith.constant 4 : i32
      %mul3A_400 = arith.muli %scan3A_256, %mul3A_399 : i32
      %add3A_401 = arith.constant 1 : i32
      %add3A_402 = arith.addi %mul3A_400, %add3A_401 : i32
      %get3A_403 = arith.index_cast %add3A_402 : i32 to index
      %get3A_404 = arith.constant 112 : index
      %get3A_405 = tpu.vector_load %arg9[%get3A_403, %get3A_404] {strides = array<i32>} : memref<96x128xf32, #tpu.memory_space<vmem>>, vector<1x16xf32>,
      %get3A_406 = vector.shape_cast %get3A_405 : vector<1x16xf32> to vector<16xf32>
      %add3A_407 = arith.addf %add3A_335, %get3A_406 : vector<16xf32>
      %mul3A_408 = arith.constant 4 : i32
      %mul3A_409 = arith.muli %scan3A_256, %mul3A_408 : i32
      %add3A_410 = arith.constant 2 : i32
      %add3A_411 = arith.addi %mul3A_409, %add3A_410 : i32
      %get3A_412 = arith.index_cast %add3A_411 : i32 to index
      %get3A_413 = arith.constant 0 : index
      %get3A_414 = tpu.vector_load %arg9[%get3A_412, %get3A_413] {strides = array<i32>} : memref<96x128xf32, #tpu.memory_space<vmem>>, vector<1x16xf32>,
      %get3A_415 = vector.shape_cast %get3A_414 : vector<1x16xf32> to vector<16xf32>
      %add3A_416 = arith.addf %add3A_344, %get3A_415 : vector<16xf32>
      %mul3A_417 = arith.constant 4 : i32
      %mul3A_418 = arith.muli %scan3A_256, %mul3A_417 : i32
      %add3A_419 = arith.constant 2 : i32
      %add3A_420 = arith.addi %mul3A_418, %add3A_419 : i32
      %get3A_421 = arith.index_cast %add3A_420 : i32 to index
      %get3A_422 = arith.constant 16 : index
      %get3A_423 = tpu.vector_load %arg9[%get3A_421, %get3A_422] {strides = array<i32>} : memref<96x128xf32, #tpu.memory_space<vmem>>, vector<1x16xf32>,
      %get3A_424 = vector.shape_cast %get3A_423 : vector<1x16xf32> to vector<16xf32>
      %add3A_425 = arith.addf %add3A_353, %get3A_424 : vector<16xf32>
      %mul3A_426 = arith.constant 4 : i32
      %mul3A_427 = arith.muli %scan3A_256, %mul3A_426 : i32
      %add3A_428 = arith.constant 2 : i32
      %add3A_429 = arith.addi %mul3A_427, %add3A_428 : i32
      %get3A_430 = arith.index_cast %add3A_429 : i32 to index
      %get3A_431 = arith.constant 32 : index
      %get3A_432 = tpu.vector_load %arg9[%get3A_430, %get3A_431] {strides = array<i32>} : memref<96x128xf32, #tpu.memory_space<vmem>>, vector<1x16xf32>,
      %get3A_433 = vector.shape_cast %get3A_432 : vector<1x16xf32> to vector<16xf32>
      %add3A_434 = arith.addf %add3A_362, %get3A_433 : vector<16xf32>
      %mul3A_435 = arith.constant 4 : i32
      %mul3A_436 = arith.muli %scan3A_256, %mul3A_435 : i32
      %add3A_437 = arith.constant 2 : i32
      %add3A_438 = arith.addi %mul3A_436, %add3A_437 : i32
      %get3A_439 = arith.index_cast %add3A_438 : i32 to index
      %get3A_440 = arith.constant 48 : index
      %get3A_441 = tpu.vector_load %arg9[%get3A_439, %get3A_440] {strides = array<i32>} : memref<96x128xf32, #tpu.memory_space<vmem>>, vector<1x16xf32>,
      %get3A_442 = vector.shape_cast %get3A_441 : vector<1x16xf32> to vector<16xf32>
      %add3A_443 = arith.addf %add3A_371, %get3A_442 : vector<16xf32>
      %mul3A_444 = arith.constant 4 : i32
      %mul3A_445 = arith.muli %scan3A_256, %mul3A_444 : i32
      %add3A_446 = arith.constant 2 : i32
      %add3A_447 = arith.addi %mul3A_445, %add3A_446 : i32
      %get3A_448 = arith.index_cast %add3A_447 : i32 to index
      %get3A_449 = arith.constant 64 : index
      %get3A_450 = tpu.vector_load %arg9[%get3A_448, %get3A_449] {strides = array<i32>} : memref<96x128xf32, #tpu.memory_space<vmem>>, vector<1x16xf32>,
      %get3A_451 = vector.shape_cast %get3A_450 : vector<1x16xf32> to vector<16xf32>
      %add3A_452 = arith.addf %add3A_380, %get3A_451 : vector<16xf32>
      %mul3A_453 = arith.constant 4 : i32
      %mul3A_454 = arith.muli %scan3A_256, %mul3A_453 : i32
      %add3A_455 = arith.constant 2 : i32
      %add3A_456 = arith.addi %mul3A_454, %add3A_455 : i32
      %get3A_457 = arith.index_cast %add3A_456 : i32 to index
      %get3A_458 = arith.constant 80 : index
      %get3A_459 = tpu.vector_load %arg9[%get3A_457, %get3A_458] {strides = array<i32>} : memref<96x128xf32, #tpu.memory_space<vmem>>, vector<1x16xf32>,
      %get3A_460 = vector.shape_cast %get3A_459 : vector<1x16xf32> to vector<16xf32>
      %add3A_461 = arith.addf %add3A_389, %get3A_460 : vector<16xf32>
      %mul3A_462 = arith.constant 4 : i32
      %mul3A_463 = arith.muli %scan3A_256, %mul3A_462 : i32
      %add3A_464 = arith.constant 2 : i32
      %add3A_465 = arith.addi %mul3A_463, %add3A_464 : i32
      %get3A_466 = arith.index_cast %add3A_465 : i32 to index
      %get3A_467 = arith.constant 96 : index
      %get3A_468 = tpu.vector_load %arg9[%get3A_466, %get3A_467] {strides = array<i32>} : memref<96x128xf32, #tpu.memory_space<vmem>>, vector<1x16xf32>,
      %get3A_469 = vector.shape_cast %get3A_468 : vector<1x16xf32> to vector<16xf32>
      %add3A_470 = arith.addf %add3A_398, %get3A_469 : vector<16xf32>
      %mul3A_471 = arith.constant 4 : i32
      %mul3A_472 = arith.muli %scan3A_256, %mul3A_471 : i32
      %add3A_473 = arith.constant 2 : i32
      %add3A_474 = arith.addi %mul3A_472, %add3A_473 : i32
      %get3A_475 = arith.index_cast %add3A_474 : i32 to index
      %get3A_476 = arith.constant 112 : index
      %get3A_477 = tpu.vector_load %arg9[%get3A_475, %get3A_476] {strides = array<i32>} : memref<96x128xf32, #tpu.memory_space<vmem>>, vector<1x16xf32>,
      %get3A_478 = vector.shape_cast %get3A_477 : vector<1x16xf32> to vector<16xf32>
      %add3A_479 = arith.addf %add3A_407, %get3A_478 : vector<16xf32>
      %mul3A_480 = arith.constant 4 : i32
      %mul3A_481 = arith.muli %scan3A_256, %mul3A_480 : i32
      %add3A_482 = arith.constant 3 : i32
      %add3A_483 = arith.addi %mul3A_481, %add3A_482 : i32
      %get3A_484 = arith.index_cast %add3A_483 : i32 to index
      %get3A_485 = arith.constant 0 : index
      %get3A_486 = tpu.vector_load %arg9[%get3A_484, %get3A_485] {strides = array<i32>} : memref<96x128xf32, #tpu.memory_space<vmem>>, vector<1x16xf32>,
      %get3A_487 = vector.shape_cast %get3A_486 : vector<1x16xf32> to vector<16xf32>
      %add3A_488 = arith.addf %add3A_416, %get3A_487 : vector<16xf32>
      %mul3A_489 = arith.constant 4 : i32
      %mul3A_490 = arith.muli %scan3A_256, %mul3A_489 : i32
      %add3A_491 = arith.constant 3 : i32
      %add3A_492 = arith.addi %mul3A_490, %add3A_491 : i32
      %get3A_493 = arith.index_cast %add3A_492 : i32 to index
      %get3A_494 = arith.constant 16 : index
      %get3A_495 = tpu.vector_load %arg9[%get3A_493, %get3A_494] {strides = array<i32>} : memref<96x128xf32, #tpu.memory_space<vmem>>, vector<1x16xf32>,
      %get3A_496 = vector.shape_cast %get3A_495 : vector<1x16xf32> to vector<16xf32>
      %add3A_497 = arith.addf %add3A_425, %get3A_496 : vector<16xf32>
      %mul3A_498 = arith.constant 4 : i32
      %mul3A_499 = arith.muli %scan3A_256, %mul3A_498 : i32
      %add3A_500 = arith.constant 3 : i32
      %add3A_501 = arith.addi %mul3A_499, %add3A_500 : i32
      %get3A_502 = arith.index_cast %add3A_501 : i32 to index
      %get3A_503 = arith.constant 32 : index
      %get3A_504 = tpu.vector_load %arg9[%get3A_502, %get3A_503] {strides = array<i32>} : memref<96x128xf32, #tpu.memory_space<vmem>>, vector<1x16xf32>,
      %get3A_505 = vector.shape_cast %get3A_504 : vector<1x16xf32> to vector<16xf32>
      %add3A_506 = arith.addf %add3A_434, %get3A_505 : vector<16xf32>
      %mul3A_507 = arith.constant 4 : i32
      %mul3A_508 = arith.muli %scan3A_256, %mul3A_507 : i32
      %add3A_509 = arith.constant 3 : i32
      %add3A_510 = arith.addi %mul3A_508, %add3A_509 : i32
      %get3A_511 = arith.index_cast %add3A_510 : i32 to index
      %get3A_512 = arith.constant 48 : index
      %get3A_513 = tpu.vector_load %arg9[%get3A_511, %get3A_512] {strides = array<i32>} : memref<96x128xf32, #tpu.memory_space<vmem>>, vector<1x16xf32>,
      %get3A_514 = vector.shape_cast %get3A_513 : vector<1x16xf32> to vector<16xf32>
      %add3A_515 = arith.addf %add3A_443, %get3A_514 : vector<16xf32>
      %mul3A_516 = arith.constant 4 : i32
      %mul3A_517 = arith.muli %scan3A_256, %mul3A_516 : i32
      %add3A_518 = arith.constant 3 : i32
      %add3A_519 = arith.addi %mul3A_517, %add3A_518 : i32
      %get3A_520 = arith.index_cast %add3A_519 : i32 to index
      %get3A_521 = arith.constant 64 : index
      %get3A_522 = tpu.vector_load %arg9[%get3A_520, %get3A_521] {strides = array<i32>} : memref<96x128xf32, #tpu.memory_space<vmem>>, vector<1x16xf32>,
      %get3A_523 = vector.shape_cast %get3A_522 : vector<1x16xf32> to vector<16xf32>
      %add3A_524 = arith.addf %add3A_452, %get3A_523 : vector<16xf32>
      %mul3A_525 = arith.constant 4 : i32
      %mul3A_526 = arith.muli %scan3A_256, %mul3A_525 : i32
      %add3A_527 = arith.constant 3 : i32
      %add3A_528 = arith.addi %mul3A_526, %add3A_527 : i32
      %get3A_529 = arith.index_cast %add3A_528 : i32 to index
      %get3A_530 = arith.constant 80 : index
      %get3A_531 = tpu.vector_load %arg9[%get3A_529, %get3A_530] {strides = array<i32>} : memref<96x128xf32, #tpu.memory_space<vmem>>, vector<1x16xf32>,
      %get3A_532 = vector.shape_cast %get3A_531 : vector<1x16xf32> to vector<16xf32>
      %add3A_533 = arith.addf %add3A_461, %get3A_532 : vector<16xf32>
      %mul3A_534 = arith.constant 4 : i32
      %mul3A_535 = arith.muli %scan3A_256, %mul3A_534 : i32
      %add3A_536 = arith.constant 3 : i32
      %add3A_537 = arith.addi %mul3A_535, %add3A_536 : i32
      %get3A_538 = arith.index_cast %add3A_537 : i32 to index
      %get3A_539 = arith.constant 96 : index
      %get3A_540 = tpu.vector_load %arg9[%get3A_538, %get3A_539] {strides = array<i32>} : memref<96x128xf32, #tpu.memory_space<vmem>>, vector<1x16xf32>,
      %get3A_541 = vector.shape_cast %get3A_540 : vector<1x16xf32> to vector<16xf32>
      %add3A_542 = arith.addf %add3A_470, %get3A_541 : vector<16xf32>
      %mul3A_543 = arith.constant 4 : i32
      %mul3A_544 = arith.muli %scan3A_256, %mul3A_543 : i32
      %add3A_545 = arith.constant 3 : i32
      %add3A_546 = arith.addi %mul3A_544, %add3A_545 : i32
      %get3A_547 = arith.index_cast %add3A_546 : i32 to index
      %get3A_548 = arith.constant 112 : index
      %get3A_549 = tpu.vector_load %arg9[%get3A_547, %get3A_548] {strides = array<i32>} : memref<96x128xf32, #tpu.memory_space<vmem>>, vector<1x16xf32>,
      %get3A_550 = vector.shape_cast %get3A_549 : vector<1x16xf32> to vector<16xf32>
      %add3A_551 = arith.addf %add3A_479, %get3A_550 : vector<16xf32>
      scf.yield %add3A_488, %add3A_497, %add3A_506, %add3A_515, %add3A_524, %add3A_533, %add3A_542, %add3A_551 : vector<16xf32>, vector<16xf32>, vector<16xf32>, vector<16xf32>, vector<16xf32>, vector<16xf32>, vector<16xf32>, vector<16xf32>
    }
    %scan3A_74 = arith.constant 24 : i32
    %mul3A_75 = arith.constant 5.000000e-03 : f32
    %mul3A_76 = vector.broadcast %mul3A_75 : f32 to vector<16xf32>
    %mul3A_77 = arith.mulf %scan3A_73#0, %mul3A_76 : vector<16xf32>
    %swap3A = arith.constant 126 : i32
    %swap3A_78 = arith.index_cast %swap3A : i32 to index
    %swap3A_79 = arith.constant 0 : index
    %swap3A_80 = tpu.vector_load %arg12[%swap3A_78, %swap3A_79] {strides = array<i32>} : memref<128x128xf32, #tpu.memory_space<vmem>>, vector<1x16xf32>,
    %swap3A_81 = vector.shape_cast %swap3A_80 : vector<1x16xf32> to vector<16xf32>
    %swap3A_82 = vector.shape_cast %mul3A_77 : vector<16xf32> to vector<1x16xf32>
    tpu.vector_store %arg12[%swap3A_78, %swap3A_79], %swap3A_82 {strides = array<i32>} : memref<128x128xf32, #tpu.memory_space<vmem>>, vector<1x16xf32>,
    %mul3A_83 = arith.constant 5.000000e-03 : f32
    %mul3A_84 = vector.broadcast %mul3A_83 : f32 to vector<16xf32>
    %mul3A_85 = arith.mulf %scan3A_73#1, %mul3A_84 : vector<16xf32>
    %swap3A_86 = arith.constant 126 : i32
    %swap3A_87 = arith.index_cast %swap3A_86 : i32 to index
    %swap3A_88 = arith.constant 16 : index
    %swap3A_89 = tpu.vector_load %arg12[%swap3A_87, %swap3A_88] {strides = array<i32>} : memref<128x128xf32, #tpu.memory_space<vmem>>, vector<1x16xf32>,
    %swap3A_90 = vector.shape_cast %swap3A_89 : vector<1x16xf32> to vector<16xf32>
    %swap3A_91 = vector.shape_cast %mul3A_85 : vector<16xf32> to vector<1x16xf32>
    tpu.vector_store %arg12[%swap3A_87, %swap3A_88], %swap3A_91 {strides = array<i32>} : memref<128x128xf32, #tpu.memory_space<vmem>>, vector<1x16xf32>,
    %mul3A_92 = arith.constant 5.000000e-03 : f32
    %mul3A_93 = vector.broadcast %mul3A_92 : f32 to vector<16xf32>
    %mul3A_94 = arith.mulf %scan3A_73#2, %mul3A_93 : vector<16xf32>
    %swap3A_95 = arith.constant 126 : i32
    %swap3A_96 = arith.index_cast %swap3A_95 : i32 to index
    %swap3A_97 = arith.constant 32 : index
    %swap3A_98 = tpu.vector_load %arg12[%swap3A_96, %swap3A_97] {strides = array<i32>} : memref<128x128xf32, #tpu.memory_space<vmem>>, vector<1x16xf32>,
    %swap3A_99 = vector.shape_cast %swap3A_98 : vector<1x16xf32> to vector<16xf32>
    %swap3A_100 = vector.shape_cast %mul3A_94 : vector<16xf32> to vector<1x16xf32>
    tpu.vector_store %arg12[%swap3A_96, %swap3A_97], %swap3A_100 {strides = array<i32>} : memref<128x128xf32, #tpu.memory_space<vmem>>, vector<1x16xf32>,
    %mul3A_101 = arith.constant 5.000000e-03 : f32
    %mul3A_102 = vector.broadcast %mul3A_101 : f32 to vector<16xf32>
    %mul3A_103 = arith.mulf %scan3A_73#3, %mul3A_102 : vector<16xf32>
    %swap3A_104 = arith.constant 126 : i32
    %swap3A_105 = arith.index_cast %swap3A_104 : i32 to index
    %swap3A_106 = arith.constant 48 : index
    %swap3A_107 = tpu.vector_load %arg12[%swap3A_105, %swap3A_106] {strides = array<i32>} : memref<128x128xf32, #tpu.memory_space<vmem>>, vector<1x16xf32>,
    %swap3A_108 = vector.shape_cast %swap3A_107 : vector<1x16xf32> to vector<16xf32>
    %swap3A_109 = vector.shape_cast %mul3A_103 : vector<16xf32> to vector<1x16xf32>
    tpu.vector_store %arg12[%swap3A_105, %swap3A_106], %swap3A_109 {strides = array<i32>} : memref<128x128xf32, #tpu.memory_space<vmem>>, vector<1x16xf32>,
    %mul3A_110 = arith.constant 5.000000e-03 : f32
    %mul3A_111 = vector.broadcast %mul3A_110 : f32 to vector<16xf32>
    %mul3A_112 = arith.mulf %scan3A_73#4, %mul3A_111 : vector<16xf32>
    %swap3A_113 = arith.constant 126 : i32
    %swap3A_114 = arith.index_cast %swap3A_113 : i32 to index
    %swap3A_115 = arith.constant 64 : index
    %swap3A_116 = tpu.vector_load %arg12[%swap3A_114, %swap3A_115] {strides = array<i32>} : memref<128x128xf32, #tpu.memory_space<vmem>>, vector<1x16xf32>,
    %swap3A_117 = vector.shape_cast %swap3A_116 : vector<1x16xf32> to vector<16xf32>
    %swap3A_118 = vector.shape_cast %mul3A_112 : vector<16xf32> to vector<1x16xf32>
    tpu.vector_store %arg12[%swap3A_114, %swap3A_115], %swap3A_118 {strides = array<i32>} : memref<128x128xf32, #tpu.memory_space<vmem>>, vector<1x16xf32>,
    %mul3A_119 = arith.constant 5.000000e-03 : f32
    %mul3A_120 = vector.broadcast %mul3A_119 : f32 to vector<16xf32>
    %mul3A_121 = arith.mulf %scan3A_73#5, %mul3A_120 : vector<16xf32>
    %swap3A_122 = arith.constant 126 : i32
    %swap3A_123 = arith.index_cast %swap3A_122 : i32 to index
    %swap3A_124 = arith.constant 80 : index
    %swap3A_125 = tpu.vector_load %arg12[%swap3A_123, %swap3A_124] {strides = array<i32>} : memref<128x128xf32, #tpu.memory_space<vmem>>, vector<1x16xf32>,
    %swap3A_126 = vector.shape_cast %swap3A_125 : vector<1x16xf32> to vector<16xf32>
    %swap3A_127 = vector.shape_cast %mul3A_121 : vector<16xf32> to vector<1x16xf32>
    tpu.vector_store %arg12[%swap3A_123, %swap3A_124], %swap3A_127 {strides = array<i32>} : memref<128x128xf32, #tpu.memory_space<vmem>>, vector<1x16xf32>,
    %mul3A_128 = arith.constant 5.000000e-03 : f32
    %mul3A_129 = vector.broadcast %mul3A_128 : f32 to vector<16xf32>
    %mul3A_130 = arith.mulf %scan3A_73#6, %mul3A_129 : vector<16xf32>
    %swap3A_131 = arith.constant 126 : i32
    %swap3A_132 = arith.index_cast %swap3A_131 : i32 to index
    %swap3A_133 = arith.constant 96 : index
    %swap3A_134 = tpu.vector_load %arg12[%swap3A_132, %swap3A_133] {strides = array<i32>} : memref<128x128xf32, #tpu.memory_space<vmem>>, vector<1x16xf32>,
    %swap3A_135 = vector.shape_cast %swap3A_134 : vector<1x16xf32> to vector<16xf32>
    %swap3A_136 = vector.shape_cast %mul3A_130 : vector<16xf32> to vector<1x16xf32>
    tpu.vector_store %arg12[%swap3A_132, %swap3A_133], %swap3A_136 {strides = array<i32>} : memref<128x128xf32, #tpu.memory_space<vmem>>, vector<1x16xf32>,
    %mul3A_137 = arith.constant 5.000000e-03 : f32
    %mul3A_138 = vector.broadcast %mul3A_137 : f32 to vector<16xf32>
    %mul3A_139 = arith.mulf %scan3A_73#7, %mul3A_138 : vector<16xf32>
    %swap3A_140 = arith.constant 126 : i32
    %swap3A_141 = arith.index_cast %swap3A_140 : i32 to index
    %swap3A_142 = arith.constant 112 : index
    %swap3A_143 = tpu.vector_load %arg12[%swap3A_141, %swap3A_142] {strides = array<i32>} : memref<128x128xf32, #tpu.memory_space<vmem>>, vector<1x16xf32>,
    %swap3A_144 = vector.shape_cast %swap3A_143 : vector<1x16xf32> to vector<16xf32>
    %swap3A_145 = vector.shape_cast %mul3A_139 : vector<16xf32> to vector<1x16xf32>
    tpu.vector_store %arg12[%swap3A_141, %swap3A_142], %swap3A_145 {strides = array<i32>} : memref<128x128xf32, #tpu.memory_space<vmem>>, vector<1x16xf32>,
    %dma_wait3A_146 = arith.constant 25400 : i32
    %dma_wait3A_147 = tpu.memref_slice %arg5[%dma_wait3A_146] : memref<25600xi32, #tpu.memory_space<vmem>> -> memref<104xi32, #tpu.memory_space<vmem>>
    %dma_wait3A_148 = arith.constant 0 : i32
    %dma_wait3A_149 = arith.constant 0 : i32
    %dma_wait3A_150 = tpu.memref_slice %arg3[%dma_wait3A_148, %dma_wait3A_149] : memref<100000x128xf32, #tpu.memory_space<hbm>> -> memref<100000x128xf32, #tpu.memory_space<hbm>>
    tpu.wait_indirect_dma semaphore(%arg14 : memref<!tpu.dma_semaphore, #tpu.memory_space<semaphore_mem>>) src(%dma_wait3A_150 : memref<100000x128xf32, #tpu.memory_space<hbm>>) dst(%arg7 : memref<104x128xf32, #tpu.memory_space<vmem>>)
    %broadcast_in_dim3A_151 = arith.constant 0.000000e+00 : f32
    %broadcast_in_dim3A_152 = vector.broadcast %broadcast_in_dim3A_151 : f32 to vector<16xf32>
    %broadcast_in_dim3A_153 = arith.constant 0.000000e+00 : f32
    %broadcast_in_dim3A_154 = vector.broadcast %broadcast_in_dim3A_153 : f32 to vector<16xf32>
    %broadcast_in_dim3A_155 = arith.constant 0.000000e+00 : f32
    %broadcast_in_dim3A_156 = vector.broadcast %broadcast_in_dim3A_155 : f32 to vector<16xf32>
    %broadcast_in_dim3A_157 = arith.constant 0.000000e+00 : f32
    %broadcast_in_dim3A_158 = vector.broadcast %broadcast_in_dim3A_157 : f32 to vector<16xf32>
    %broadcast_in_dim3A_159 = arith.constant 0.000000e+00 : f32
    %broadcast_in_dim3A_160 = vector.broadcast %broadcast_in_dim3A_159 : f32 to vector<16xf32>
    %broadcast_in_dim3A_161 = arith.constant 0.000000e+00 : f32
    %broadcast_in_dim3A_162 = vector.broadcast %broadcast_in_dim3A_161 : f32 to vector<16xf32>
    %broadcast_in_dim3A_163 = arith.constant 0.000000e+00 : f32
    %broadcast_in_dim3A_164 = vector.broadcast %broadcast_in_dim3A_163 : f32 to vector<16xf32>
    %broadcast_in_dim3A_165 = arith.constant 0.000000e+00 : f32
    %broadcast_in_dim3A_166 = vector.broadcast %broadcast_in_dim3A_165 : f32 to vector<16xf32>
    %scan3A_167 = arith.constant 0 : i32
    %scan3A_168 = arith.constant 26 : i32
    %scan3A_169 = arith.addi %scan3A_167, %scan3A_168 : i32
    %scan3A_170 = arith.constant 1 : i32
    %scan3A_171:8 = scf.for %scan3A_256 = %scan3A_167 to %scan3A_169 step %scan3A_170 iter_args(%scan3A_257 = %broadcast_in_dim3A_152, %scan3A_258 = %broadcast_in_dim3A_154, %scan3A_259 = %broadcast_in_dim3A_156, %scan3A_260 = %broadcast_in_dim3A_158, %scan3A_261 = %broadcast_in_dim3A_160, %scan3A_262 = %broadcast_in_dim3A_162, %scan3A_263 = %broadcast_in_dim3A_164, %scan3A_264 = %broadcast_in_dim3A_166) -> (vector<16xf32>, vector<16xf32>, vector<16xf32>, vector<16xf32>, vector<16xf32>, vector<16xf32>, vector<16xf32>, vector<16xf32>)  : i32 {
      %mul3A_265 = arith.constant 4 : i32
      %mul3A_266 = arith.muli %scan3A_256, %mul3A_265 : i32
      %add3A_267 = arith.constant 0 : i32
      %add3A_268 = arith.addi %mul3A_266, %add3A_267 : i32
      %get3A = arith.index_cast %add3A_268 : i32 to index
      %get3A_269 = arith.constant 0 : index
      %get3A_270 = tpu.vector_load %arg7[%get3A, %get3A_269] {strides = array<i32>} : memref<104x128xf32, #tpu.memory_space<vmem>>, vector<1x16xf32>,
      %get3A_271 = vector.shape_cast %get3A_270 : vector<1x16xf32> to vector<16xf32>
      %add3A_272 = arith.addf %scan3A_257, %get3A_271 : vector<16xf32>
      %mul3A_273 = arith.constant 4 : i32
      %mul3A_274 = arith.muli %scan3A_256, %mul3A_273 : i32
      %add3A_275 = arith.constant 0 : i32
      %add3A_276 = arith.addi %mul3A_274, %add3A_275 : i32
      %get3A_277 = arith.index_cast %add3A_276 : i32 to index
      %get3A_278 = arith.constant 16 : index
      %get3A_279 = tpu.vector_load %arg7[%get3A_277, %get3A_278] {strides = array<i32>} : memref<104x128xf32, #tpu.memory_space<vmem>>, vector<1x16xf32>,
      %get3A_280 = vector.shape_cast %get3A_279 : vector<1x16xf32> to vector<16xf32>
      %add3A_281 = arith.addf %scan3A_258, %get3A_280 : vector<16xf32>
      %mul3A_282 = arith.constant 4 : i32
      %mul3A_283 = arith.muli %scan3A_256, %mul3A_282 : i32
      %add3A_284 = arith.constant 0 : i32
      %add3A_285 = arith.addi %mul3A_283, %add3A_284 : i32
      %get3A_286 = arith.index_cast %add3A_285 : i32 to index
      %get3A_287 = arith.constant 32 : index
      %get3A_288 = tpu.vector_load %arg7[%get3A_286, %get3A_287] {strides = array<i32>} : memref<104x128xf32, #tpu.memory_space<vmem>>, vector<1x16xf32>,
      %get3A_289 = vector.shape_cast %get3A_288 : vector<1x16xf32> to vector<16xf32>
      %add3A_290 = arith.addf %scan3A_259, %get3A_289 : vector<16xf32>
      %mul3A_291 = arith.constant 4 : i32
      %mul3A_292 = arith.muli %scan3A_256, %mul3A_291 : i32
      %add3A_293 = arith.constant 0 : i32
      %add3A_294 = arith.addi %mul3A_292, %add3A_293 : i32
      %get3A_295 = arith.index_cast %add3A_294 : i32 to index
      %get3A_296 = arith.constant 48 : index
      %get3A_297 = tpu.vector_load %arg7[%get3A_295, %get3A_296] {strides = array<i32>} : memref<104x128xf32, #tpu.memory_space<vmem>>, vector<1x16xf32>,
      %get3A_298 = vector.shape_cast %get3A_297 : vector<1x16xf32> to vector<16xf32>
      %add3A_299 = arith.addf %scan3A_260, %get3A_298 : vector<16xf32>
      %mul3A_300 = arith.constant 4 : i32
      %mul3A_301 = arith.muli %scan3A_256, %mul3A_300 : i32
      %add3A_302 = arith.constant 0 : i32
      %add3A_303 = arith.addi %mul3A_301, %add3A_302 : i32
      %get3A_304 = arith.index_cast %add3A_303 : i32 to index
      %get3A_305 = arith.constant 64 : index
      %get3A_306 = tpu.vector_load %arg7[%get3A_304, %get3A_305] {strides = array<i32>} : memref<104x128xf32, #tpu.memory_space<vmem>>, vector<1x16xf32>,
      %get3A_307 = vector.shape_cast %get3A_306 : vector<1x16xf32> to vector<16xf32>
      %add3A_308 = arith.addf %scan3A_261, %get3A_307 : vector<16xf32>
      %mul3A_309 = arith.constant 4 : i32
      %mul3A_310 = arith.muli %scan3A_256, %mul3A_309 : i32
      %add3A_311 = arith.constant 0 : i32
      %add3A_312 = arith.addi %mul3A_310, %add3A_311 : i32
      %get3A_313 = arith.index_cast %add3A_312 : i32 to index
      %get3A_314 = arith.constant 80 : index
      %get3A_315 = tpu.vector_load %arg7[%get3A_313, %get3A_314] {strides = array<i32>} : memref<104x128xf32, #tpu.memory_space<vmem>>, vector<1x16xf32>,
      %get3A_316 = vector.shape_cast %get3A_315 : vector<1x16xf32> to vector<16xf32>
      %add3A_317 = arith.addf %scan3A_262, %get3A_316 : vector<16xf32>
      %mul3A_318 = arith.constant 4 : i32
      %mul3A_319 = arith.muli %scan3A_256, %mul3A_318 : i32
      %add3A_320 = arith.constant 0 : i32
      %add3A_321 = arith.addi %mul3A_319, %add3A_320 : i32
      %get3A_322 = arith.index_cast %add3A_321 : i32 to index
      %get3A_323 = arith.constant 96 : index
      %get3A_324 = tpu.vector_load %arg7[%get3A_322, %get3A_323] {strides = array<i32>} : memref<104x128xf32, #tpu.memory_space<vmem>>, vector<1x16xf32>,
      %get3A_325 = vector.shape_cast %get3A_324 : vector<1x16xf32> to vector<16xf32>
      %add3A_326 = arith.addf %scan3A_263, %get3A_325 : vector<16xf32>
      %mul3A_327 = arith.constant 4 : i32
      %mul3A_328 = arith.muli %scan3A_256, %mul3A_327 : i32
      %add3A_329 = arith.constant 0 : i32
      %add3A_330 = arith.addi %mul3A_328, %add3A_329 : i32
      %get3A_331 = arith.index_cast %add3A_330 : i32 to index
      %get3A_332 = arith.constant 112 : index
      %get3A_333 = tpu.vector_load %arg7[%get3A_331, %get3A_332] {strides = array<i32>} : memref<104x128xf32, #tpu.memory_space<vmem>>, vector<1x16xf32>,
      %get3A_334 = vector.shape_cast %get3A_333 : vector<1x16xf32> to vector<16xf32>
      %add3A_335 = arith.addf %scan3A_264, %get3A_334 : vector<16xf32>
      %mul3A_336 = arith.constant 4 : i32
      %mul3A_337 = arith.muli %scan3A_256, %mul3A_336 : i32
      %add3A_338 = arith.constant 1 : i32
      %add3A_339 = arith.addi %mul3A_337, %add3A_338 : i32
      %get3A_340 = arith.index_cast %add3A_339 : i32 to index
      %get3A_341 = arith.constant 0 : index
      %get3A_342 = tpu.vector_load %arg7[%get3A_340, %get3A_341] {strides = array<i32>} : memref<104x128xf32, #tpu.memory_space<vmem>>, vector<1x16xf32>,
      %get3A_343 = vector.shape_cast %get3A_342 : vector<1x16xf32> to vector<16xf32>
      %add3A_344 = arith.addf %add3A_272, %get3A_343 : vector<16xf32>
      %mul3A_345 = arith.constant 4 : i32
      %mul3A_346 = arith.muli %scan3A_256, %mul3A_345 : i32
      %add3A_347 = arith.constant 1 : i32
      %add3A_348 = arith.addi %mul3A_346, %add3A_347 : i32
      %get3A_349 = arith.index_cast %add3A_348 : i32 to index
      %get3A_350 = arith.constant 16 : index
      %get3A_351 = tpu.vector_load %arg7[%get3A_349, %get3A_350] {strides = array<i32>} : memref<104x128xf32, #tpu.memory_space<vmem>>, vector<1x16xf32>,
      %get3A_352 = vector.shape_cast %get3A_351 : vector<1x16xf32> to vector<16xf32>
      %add3A_353 = arith.addf %add3A_281, %get3A_352 : vector<16xf32>
      %mul3A_354 = arith.constant 4 : i32
      %mul3A_355 = arith.muli %scan3A_256, %mul3A_354 : i32
      %add3A_356 = arith.constant 1 : i32
      %add3A_357 = arith.addi %mul3A_355, %add3A_356 : i32
      %get3A_358 = arith.index_cast %add3A_357 : i32 to index
      %get3A_359 = arith.constant 32 : index
      %get3A_360 = tpu.vector_load %arg7[%get3A_358, %get3A_359] {strides = array<i32>} : memref<104x128xf32, #tpu.memory_space<vmem>>, vector<1x16xf32>,
      %get3A_361 = vector.shape_cast %get3A_360 : vector<1x16xf32> to vector<16xf32>
      %add3A_362 = arith.addf %add3A_290, %get3A_361 : vector<16xf32>
      %mul3A_363 = arith.constant 4 : i32
      %mul3A_364 = arith.muli %scan3A_256, %mul3A_363 : i32
      %add3A_365 = arith.constant 1 : i32
      %add3A_366 = arith.addi %mul3A_364, %add3A_365 : i32
      %get3A_367 = arith.index_cast %add3A_366 : i32 to index
      %get3A_368 = arith.constant 48 : index
      %get3A_369 = tpu.vector_load %arg7[%get3A_367, %get3A_368] {strides = array<i32>} : memref<104x128xf32, #tpu.memory_space<vmem>>, vector<1x16xf32>,
      %get3A_370 = vector.shape_cast %get3A_369 : vector<1x16xf32> to vector<16xf32>
      %add3A_371 = arith.addf %add3A_299, %get3A_370 : vector<16xf32>
      %mul3A_372 = arith.constant 4 : i32
      %mul3A_373 = arith.muli %scan3A_256, %mul3A_372 : i32
      %add3A_374 = arith.constant 1 : i32
      %add3A_375 = arith.addi %mul3A_373, %add3A_374 : i32
      %get3A_376 = arith.index_cast %add3A_375 : i32 to index
      %get3A_377 = arith.constant 64 : index
      %get3A_378 = tpu.vector_load %arg7[%get3A_376, %get3A_377] {strides = array<i32>} : memref<104x128xf32, #tpu.memory_space<vmem>>, vector<1x16xf32>,
      %get3A_379 = vector.shape_cast %get3A_378 : vector<1x16xf32> to vector<16xf32>
      %add3A_380 = arith.addf %add3A_308, %get3A_379 : vector<16xf32>
      %mul3A_381 = arith.constant 4 : i32
      %mul3A_382 = arith.muli %scan3A_256, %mul3A_381 : i32
      %add3A_383 = arith.constant 1 : i32
      %add3A_384 = arith.addi %mul3A_382, %add3A_383 : i32
      %get3A_385 = arith.index_cast %add3A_384 : i32 to index
      %get3A_386 = arith.constant 80 : index
      %get3A_387 = tpu.vector_load %arg7[%get3A_385, %get3A_386] {strides = array<i32>} : memref<104x128xf32, #tpu.memory_space<vmem>>, vector<1x16xf32>,
      %get3A_388 = vector.shape_cast %get3A_387 : vector<1x16xf32> to vector<16xf32>
      %add3A_389 = arith.addf %add3A_317, %get3A_388 : vector<16xf32>
      %mul3A_390 = arith.constant 4 : i32
      %mul3A_391 = arith.muli %scan3A_256, %mul3A_390 : i32
      %add3A_392 = arith.constant 1 : i32
      %add3A_393 = arith.addi %mul3A_391, %add3A_392 : i32
      %get3A_394 = arith.index_cast %add3A_393 : i32 to index
      %get3A_395 = arith.constant 96 : index
      %get3A_396 = tpu.vector_load %arg7[%get3A_394, %get3A_395] {strides = array<i32>} : memref<104x128xf32, #tpu.memory_space<vmem>>, vector<1x16xf32>,
      %get3A_397 = vector.shape_cast %get3A_396 : vector<1x16xf32> to vector<16xf32>
      %add3A_398 = arith.addf %add3A_326, %get3A_397 : vector<16xf32>
      %mul3A_399 = arith.constant 4 : i32
      %mul3A_400 = arith.muli %scan3A_256, %mul3A_399 : i32
      %add3A_401 = arith.constant 1 : i32
      %add3A_402 = arith.addi %mul3A_400, %add3A_401 : i32
      %get3A_403 = arith.index_cast %add3A_402 : i32 to index
      %get3A_404 = arith.constant 112 : index
      %get3A_405 = tpu.vector_load %arg7[%get3A_403, %get3A_404] {strides = array<i32>} : memref<104x128xf32, #tpu.memory_space<vmem>>, vector<1x16xf32>,
      %get3A_406 = vector.shape_cast %get3A_405 : vector<1x16xf32> to vector<16xf32>
      %add3A_407 = arith.addf %add3A_335, %get3A_406 : vector<16xf32>
      %mul3A_408 = arith.constant 4 : i32
      %mul3A_409 = arith.muli %scan3A_256, %mul3A_408 : i32
      %add3A_410 = arith.constant 2 : i32
      %add3A_411 = arith.addi %mul3A_409, %add3A_410 : i32
      %get3A_412 = arith.index_cast %add3A_411 : i32 to index
      %get3A_413 = arith.constant 0 : index
      %get3A_414 = tpu.vector_load %arg7[%get3A_412, %get3A_413] {strides = array<i32>} : memref<104x128xf32, #tpu.memory_space<vmem>>, vector<1x16xf32>,
      %get3A_415 = vector.shape_cast %get3A_414 : vector<1x16xf32> to vector<16xf32>
      %add3A_416 = arith.addf %add3A_344, %get3A_415 : vector<16xf32>
      %mul3A_417 = arith.constant 4 : i32
      %mul3A_418 = arith.muli %scan3A_256, %mul3A_417 : i32
      %add3A_419 = arith.constant 2 : i32
      %add3A_420 = arith.addi %mul3A_418, %add3A_419 : i32
      %get3A_421 = arith.index_cast %add3A_420 : i32 to index
      %get3A_422 = arith.constant 16 : index
      %get3A_423 = tpu.vector_load %arg7[%get3A_421, %get3A_422] {strides = array<i32>} : memref<104x128xf32, #tpu.memory_space<vmem>>, vector<1x16xf32>,
      %get3A_424 = vector.shape_cast %get3A_423 : vector<1x16xf32> to vector<16xf32>
      %add3A_425 = arith.addf %add3A_353, %get3A_424 : vector<16xf32>
      %mul3A_426 = arith.constant 4 : i32
      %mul3A_427 = arith.muli %scan3A_256, %mul3A_426 : i32
      %add3A_428 = arith.constant 2 : i32
      %add3A_429 = arith.addi %mul3A_427, %add3A_428 : i32
      %get3A_430 = arith.index_cast %add3A_429 : i32 to index
      %get3A_431 = arith.constant 32 : index
      %get3A_432 = tpu.vector_load %arg7[%get3A_430, %get3A_431] {strides = array<i32>} : memref<104x128xf32, #tpu.memory_space<vmem>>, vector<1x16xf32>,
      %get3A_433 = vector.shape_cast %get3A_432 : vector<1x16xf32> to vector<16xf32>
      %add3A_434 = arith.addf %add3A_362, %get3A_433 : vector<16xf32>
      %mul3A_435 = arith.constant 4 : i32
      %mul3A_436 = arith.muli %scan3A_256, %mul3A_435 : i32
      %add3A_437 = arith.constant 2 : i32
      %add3A_438 = arith.addi %mul3A_436, %add3A_437 : i32
      %get3A_439 = arith.index_cast %add3A_438 : i32 to index
      %get3A_440 = arith.constant 48 : index
      %get3A_441 = tpu.vector_load %arg7[%get3A_439, %get3A_440] {strides = array<i32>} : memref<104x128xf32, #tpu.memory_space<vmem>>, vector<1x16xf32>,
      %get3A_442 = vector.shape_cast %get3A_441 : vector<1x16xf32> to vector<16xf32>
      %add3A_443 = arith.addf %add3A_371, %get3A_442 : vector<16xf32>
      %mul3A_444 = arith.constant 4 : i32
      %mul3A_445 = arith.muli %scan3A_256, %mul3A_444 : i32
      %add3A_446 = arith.constant 2 : i32
      %add3A_447 = arith.addi %mul3A_445, %add3A_446 : i32
      %get3A_448 = arith.index_cast %add3A_447 : i32 to index
      %get3A_449 = arith.constant 64 : index
      %get3A_450 = tpu.vector_load %arg7[%get3A_448, %get3A_449] {strides = array<i32>} : memref<104x128xf32, #tpu.memory_space<vmem>>, vector<1x16xf32>,
      %get3A_451 = vector.shape_cast %get3A_450 : vector<1x16xf32> to vector<16xf32>
      %add3A_452 = arith.addf %add3A_380, %get3A_451 : vector<16xf32>
      %mul3A_453 = arith.constant 4 : i32
      %mul3A_454 = arith.muli %scan3A_256, %mul3A_453 : i32
      %add3A_455 = arith.constant 2 : i32
      %add3A_456 = arith.addi %mul3A_454, %add3A_455 : i32
      %get3A_457 = arith.index_cast %add3A_456 : i32 to index
      %get3A_458 = arith.constant 80 : index
      %get3A_459 = tpu.vector_load %arg7[%get3A_457, %get3A_458] {strides = array<i32>} : memref<104x128xf32, #tpu.memory_space<vmem>>, vector<1x16xf32>,
      %get3A_460 = vector.shape_cast %get3A_459 : vector<1x16xf32> to vector<16xf32>
      %add3A_461 = arith.addf %add3A_389, %get3A_460 : vector<16xf32>
      %mul3A_462 = arith.constant 4 : i32
      %mul3A_463 = arith.muli %scan3A_256, %mul3A_462 : i32
      %add3A_464 = arith.constant 2 : i32
      %add3A_465 = arith.addi %mul3A_463, %add3A_464 : i32
      %get3A_466 = arith.index_cast %add3A_465 : i32 to index
      %get3A_467 = arith.constant 96 : index
      %get3A_468 = tpu.vector_load %arg7[%get3A_466, %get3A_467] {strides = array<i32>} : memref<104x128xf32, #tpu.memory_space<vmem>>, vector<1x16xf32>,
      %get3A_469 = vector.shape_cast %get3A_468 : vector<1x16xf32> to vector<16xf32>
      %add3A_470 = arith.addf %add3A_398, %get3A_469 : vector<16xf32>
      %mul3A_471 = arith.constant 4 : i32
      %mul3A_472 = arith.muli %scan3A_256, %mul3A_471 : i32
      %add3A_473 = arith.constant 2 : i32
      %add3A_474 = arith.addi %mul3A_472, %add3A_473 : i32
      %get3A_475 = arith.index_cast %add3A_474 : i32 to index
      %get3A_476 = arith.constant 112 : index
      %get3A_477 = tpu.vector_load %arg7[%get3A_475, %get3A_476] {strides = array<i32>} : memref<104x128xf32, #tpu.memory_space<vmem>>, vector<1x16xf32>,
      %get3A_478 = vector.shape_cast %get3A_477 : vector<1x16xf32> to vector<16xf32>
      %add3A_479 = arith.addf %add3A_407, %get3A_478 : vector<16xf32>
      %mul3A_480 = arith.constant 4 : i32
      %mul3A_481 = arith.muli %scan3A_256, %mul3A_480 : i32
      %add3A_482 = arith.constant 3 : i32
      %add3A_483 = arith.addi %mul3A_481, %add3A_482 : i32
      %get3A_484 = arith.index_cast %add3A_483 : i32 to index
      %get3A_485 = arith.constant 0 : index
      %get3A_486 = tpu.vector_load %arg7[%get3A_484, %get3A_485] {strides = array<i32>} : memref<104x128xf32, #tpu.memory_space<vmem>>, vector<1x16xf32>,
      %get3A_487 = vector.shape_cast %get3A_486 : vector<1x16xf32> to vector<16xf32>
      %add3A_488 = arith.addf %add3A_416, %get3A_487 : vector<16xf32>
      %mul3A_489 = arith.constant 4 : i32
      %mul3A_490 = arith.muli %scan3A_256, %mul3A_489 : i32
      %add3A_491 = arith.constant 3 : i32
      %add3A_492 = arith.addi %mul3A_490, %add3A_491 : i32
      %get3A_493 = arith.index_cast %add3A_492 : i32 to index
      %get3A_494 = arith.constant 16 : index
      %get3A_495 = tpu.vector_load %arg7[%get3A_493, %get3A_494] {strides = array<i32>} : memref<104x128xf32, #tpu.memory_space<vmem>>, vector<1x16xf32>,
      %get3A_496 = vector.shape_cast %get3A_495 : vector<1x16xf32> to vector<16xf32>
      %add3A_497 = arith.addf %add3A_425, %get3A_496 : vector<16xf32>
      %mul3A_498 = arith.constant 4 : i32
      %mul3A_499 = arith.muli %scan3A_256, %mul3A_498 : i32
      %add3A_500 = arith.constant 3 : i32
      %add3A_501 = arith.addi %mul3A_499, %add3A_500 : i32
      %get3A_502 = arith.index_cast %add3A_501 : i32 to index
      %get3A_503 = arith.constant 32 : index
      %get3A_504 = tpu.vector_load %arg7[%get3A_502, %get3A_503] {strides = array<i32>} : memref<104x128xf32, #tpu.memory_space<vmem>>, vector<1x16xf32>,
      %get3A_505 = vector.shape_cast %get3A_504 : vector<1x16xf32> to vector<16xf32>
      %add3A_506 = arith.addf %add3A_434, %get3A_505 : vector<16xf32>
      %mul3A_507 = arith.constant 4 : i32
      %mul3A_508 = arith.muli %scan3A_256, %mul3A_507 : i32
      %add3A_509 = arith.constant 3 : i32
      %add3A_510 = arith.addi %mul3A_508, %add3A_509 : i32
      %get3A_511 = arith.index_cast %add3A_510 : i32 to index
      %get3A_512 = arith.constant 48 : index
      %get3A_513 = tpu.vector_load %arg7[%get3A_511, %get3A_512] {strides = array<i32>} : memref<104x128xf32, #tpu.memory_space<vmem>>, vector<1x16xf32>,
      %get3A_514 = vector.shape_cast %get3A_513 : vector<1x16xf32> to vector<16xf32>
      %add3A_515 = arith.addf %add3A_443, %get3A_514 : vector<16xf32>
      %mul3A_516 = arith.constant 4 : i32
      %mul3A_517 = arith.muli %scan3A_256, %mul3A_516 : i32
      %add3A_518 = arith.constant 3 : i32
      %add3A_519 = arith.addi %mul3A_517, %add3A_518 : i32
      %get3A_520 = arith.index_cast %add3A_519 : i32 to index
      %get3A_521 = arith.constant 64 : index
      %get3A_522 = tpu.vector_load %arg7[%get3A_520, %get3A_521] {strides = array<i32>} : memref<104x128xf32, #tpu.memory_space<vmem>>, vector<1x16xf32>,
      %get3A_523 = vector.shape_cast %get3A_522 : vector<1x16xf32> to vector<16xf32>
      %add3A_524 = arith.addf %add3A_452, %get3A_523 : vector<16xf32>
      %mul3A_525 = arith.constant 4 : i32
      %mul3A_526 = arith.muli %scan3A_256, %mul3A_525 : i32
      %add3A_527 = arith.constant 3 : i32
      %add3A_528 = arith.addi %mul3A_526, %add3A_527 : i32
      %get3A_529 = arith.index_cast %add3A_528 : i32 to index
      %get3A_530 = arith.constant 80 : index
      %get3A_531 = tpu.vector_load %arg7[%get3A_529, %get3A_530] {strides = array<i32>} : memref<104x128xf32, #tpu.memory_space<vmem>>, vector<1x16xf32>,
      %get3A_532 = vector.shape_cast %get3A_531 : vector<1x16xf32> to vector<16xf32>
      %add3A_533 = arith.addf %add3A_461, %get3A_532 : vector<16xf32>
      %mul3A_534 = arith.constant 4 : i32
      %mul3A_535 = arith.muli %scan3A_256, %mul3A_534 : i32
      %add3A_536 = arith.constant 3 : i32
      %add3A_537 = arith.addi %mul3A_535, %add3A_536 : i32
      %get3A_538 = arith.index_cast %add3A_537 : i32 to index
      %get3A_539 = arith.constant 96 : index
      %get3A_540 = tpu.vector_load %arg7[%get3A_538, %get3A_539] {strides = array<i32>} : memref<104x128xf32, #tpu.memory_space<vmem>>, vector<1x16xf32>,
      %get3A_541 = vector.shape_cast %get3A_540 : vector<1x16xf32> to vector<16xf32>
      %add3A_542 = arith.addf %add3A_470, %get3A_541 : vector<16xf32>
      %mul3A_543 = arith.constant 4 : i32
      %mul3A_544 = arith.muli %scan3A_256, %mul3A_543 : i32
      %add3A_545 = arith.constant 3 : i32
      %add3A_546 = arith.addi %mul3A_544, %add3A_545 : i32
      %get3A_547 = arith.index_cast %add3A_546 : i32 to index
      %get3A_548 = arith.constant 112 : index
      %get3A_549 = tpu.vector_load %arg7[%get3A_547, %get3A_548] {strides = array<i32>} : memref<104x128xf32, #tpu.memory_space<vmem>>, vector<1x16xf32>,
      %get3A_550 = vector.shape_cast %get3A_549 : vector<1x16xf32> to vector<16xf32>
      %add3A_551 = arith.addf %add3A_479, %get3A_550 : vector<16xf32>
      scf.yield %add3A_488, %add3A_497, %add3A_506, %add3A_515, %add3A_524, %add3A_533, %add3A_542, %add3A_551 : vector<16xf32>, vector<16xf32>, vector<16xf32>, vector<16xf32>, vector<16xf32>, vector<16xf32>, vector<16xf32>, vector<16xf32>
    }
    %scan3A_172 = arith.constant 26 : i32
    %dma_wait3A_173 = arith.constant 25504 : i32
    %dma_wait3A_174 = tpu.memref_slice %arg5[%dma_wait3A_173] : memref<25600xi32, #tpu.memory_space<vmem>> -> memref<96xi32, #tpu.memory_space<vmem>>
    %dma_wait3A_175 = arith.constant 0 : i32
    %dma_wait3A_176 = arith.constant 0 : i32
    %dma_wait3A_177 = tpu.memref_slice %arg3[%dma_wait3A_175, %dma_wait3A_176] : memref<100000x128xf32, #tpu.memory_space<hbm>> -> memref<100000x128xf32, #tpu.memory_space<hbm>>
    tpu.wait_indirect_dma semaphore(%arg17 : memref<!tpu.dma_semaphore, #tpu.memory_space<semaphore_mem>>) src(%dma_wait3A_177 : memref<100000x128xf32, #tpu.memory_space<hbm>>) dst(%arg10 : memref<96x128xf32, #tpu.memory_space<vmem>>)
    %scan3A_178 = arith.constant 0 : i32
    %scan3A_179 = arith.constant 24 : i32
    %scan3A_180 = arith.addi %scan3A_178, %scan3A_179 : i32
    %scan3A_181 = arith.constant 1 : i32
    %scan3A_182:8 = scf.for %scan3A_256 = %scan3A_178 to %scan3A_180 step %scan3A_181 iter_args(%scan3A_257 = %scan3A_171#0, %scan3A_258 = %scan3A_171#1, %scan3A_259 = %scan3A_171#2, %scan3A_260 = %scan3A_171#3, %scan3A_261 = %scan3A_171#4, %scan3A_262 = %scan3A_171#5, %scan3A_263 = %scan3A_171#6, %scan3A_264 = %scan3A_171#7) -> (vector<16xf32>, vector<16xf32>, vector<16xf32>, vector<16xf32>, vector<16xf32>, vector<16xf32>, vector<16xf32>, vector<16xf32>)  : i32 {
      %mul3A_265 = arith.constant 4 : i32
      %mul3A_266 = arith.muli %scan3A_256, %mul3A_265 : i32
      %add3A_267 = arith.constant 0 : i32
      %add3A_268 = arith.addi %mul3A_266, %add3A_267 : i32
      %get3A = arith.index_cast %add3A_268 : i32 to index
      %get3A_269 = arith.constant 0 : index
      %get3A_270 = tpu.vector_load %arg10[%get3A, %get3A_269] {strides = array<i32>} : memref<96x128xf32, #tpu.memory_space<vmem>>, vector<1x16xf32>,
      %get3A_271 = vector.shape_cast %get3A_270 : vector<1x16xf32> to vector<16xf32>
      %add3A_272 = arith.addf %scan3A_257, %get3A_271 : vector<16xf32>
      %mul3A_273 = arith.constant 4 : i32
      %mul3A_274 = arith.muli %scan3A_256, %mul3A_273 : i32
      %add3A_275 = arith.constant 0 : i32
      %add3A_276 = arith.addi %mul3A_274, %add3A_275 : i32
      %get3A_277 = arith.index_cast %add3A_276 : i32 to index
      %get3A_278 = arith.constant 16 : index
      %get3A_279 = tpu.vector_load %arg10[%get3A_277, %get3A_278] {strides = array<i32>} : memref<96x128xf32, #tpu.memory_space<vmem>>, vector<1x16xf32>,
      %get3A_280 = vector.shape_cast %get3A_279 : vector<1x16xf32> to vector<16xf32>
      %add3A_281 = arith.addf %scan3A_258, %get3A_280 : vector<16xf32>
      %mul3A_282 = arith.constant 4 : i32
      %mul3A_283 = arith.muli %scan3A_256, %mul3A_282 : i32
      %add3A_284 = arith.constant 0 : i32
      %add3A_285 = arith.addi %mul3A_283, %add3A_284 : i32
      %get3A_286 = arith.index_cast %add3A_285 : i32 to index
      %get3A_287 = arith.constant 32 : index
      %get3A_288 = tpu.vector_load %arg10[%get3A_286, %get3A_287] {strides = array<i32>} : memref<96x128xf32, #tpu.memory_space<vmem>>, vector<1x16xf32>,
      %get3A_289 = vector.shape_cast %get3A_288 : vector<1x16xf32> to vector<16xf32>
      %add3A_290 = arith.addf %scan3A_259, %get3A_289 : vector<16xf32>
      %mul3A_291 = arith.constant 4 : i32
      %mul3A_292 = arith.muli %scan3A_256, %mul3A_291 : i32
      %add3A_293 = arith.constant 0 : i32
      %add3A_294 = arith.addi %mul3A_292, %add3A_293 : i32
      %get3A_295 = arith.index_cast %add3A_294 : i32 to index
      %get3A_296 = arith.constant 48 : index
      %get3A_297 = tpu.vector_load %arg10[%get3A_295, %get3A_296] {strides = array<i32>} : memref<96x128xf32, #tpu.memory_space<vmem>>, vector<1x16xf32>,
      %get3A_298 = vector.shape_cast %get3A_297 : vector<1x16xf32> to vector<16xf32>
      %add3A_299 = arith.addf %scan3A_260, %get3A_298 : vector<16xf32>
      %mul3A_300 = arith.constant 4 : i32
      %mul3A_301 = arith.muli %scan3A_256, %mul3A_300 : i32
      %add3A_302 = arith.constant 0 : i32
      %add3A_303 = arith.addi %mul3A_301, %add3A_302 : i32
      %get3A_304 = arith.index_cast %add3A_303 : i32 to index
      %get3A_305 = arith.constant 64 : index
      %get3A_306 = tpu.vector_load %arg10[%get3A_304, %get3A_305] {strides = array<i32>} : memref<96x128xf32, #tpu.memory_space<vmem>>, vector<1x16xf32>,
      %get3A_307 = vector.shape_cast %get3A_306 : vector<1x16xf32> to vector<16xf32>
      %add3A_308 = arith.addf %scan3A_261, %get3A_307 : vector<16xf32>
      %mul3A_309 = arith.constant 4 : i32
      %mul3A_310 = arith.muli %scan3A_256, %mul3A_309 : i32
      %add3A_311 = arith.constant 0 : i32
      %add3A_312 = arith.addi %mul3A_310, %add3A_311 : i32
      %get3A_313 = arith.index_cast %add3A_312 : i32 to index
      %get3A_314 = arith.constant 80 : index
      %get3A_315 = tpu.vector_load %arg10[%get3A_313, %get3A_314] {strides = array<i32>} : memref<96x128xf32, #tpu.memory_space<vmem>>, vector<1x16xf32>,
      %get3A_316 = vector.shape_cast %get3A_315 : vector<1x16xf32> to vector<16xf32>
      %add3A_317 = arith.addf %scan3A_262, %get3A_316 : vector<16xf32>
      %mul3A_318 = arith.constant 4 : i32
      %mul3A_319 = arith.muli %scan3A_256, %mul3A_318 : i32
      %add3A_320 = arith.constant 0 : i32
      %add3A_321 = arith.addi %mul3A_319, %add3A_320 : i32
      %get3A_322 = arith.index_cast %add3A_321 : i32 to index
      %get3A_323 = arith.constant 96 : index
      %get3A_324 = tpu.vector_load %arg10[%get3A_322, %get3A_323] {strides = array<i32>} : memref<96x128xf32, #tpu.memory_space<vmem>>, vector<1x16xf32>,
      %get3A_325 = vector.shape_cast %get3A_324 : vector<1x16xf32> to vector<16xf32>
      %add3A_326 = arith.addf %scan3A_263, %get3A_325 : vector<16xf32>
      %mul3A_327 = arith.constant 4 : i32
      %mul3A_328 = arith.muli %scan3A_256, %mul3A_327 : i32
      %add3A_329 = arith.constant 0 : i32
      %add3A_330 = arith.addi %mul3A_328, %add3A_329 : i32
      %get3A_331 = arith.index_cast %add3A_330 : i32 to index
      %get3A_332 = arith.constant 112 : index
      %get3A_333 = tpu.vector_load %arg10[%get3A_331, %get3A_332] {strides = array<i32>} : memref<96x128xf32, #tpu.memory_space<vmem>>, vector<1x16xf32>,
      %get3A_334 = vector.shape_cast %get3A_333 : vector<1x16xf32> to vector<16xf32>
      %add3A_335 = arith.addf %scan3A_264, %get3A_334 : vector<16xf32>
      %mul3A_336 = arith.constant 4 : i32
      %mul3A_337 = arith.muli %scan3A_256, %mul3A_336 : i32
      %add3A_338 = arith.constant 1 : i32
      %add3A_339 = arith.addi %mul3A_337, %add3A_338 : i32
      %get3A_340 = arith.index_cast %add3A_339 : i32 to index
      %get3A_341 = arith.constant 0 : index
      %get3A_342 = tpu.vector_load %arg10[%get3A_340, %get3A_341] {strides = array<i32>} : memref<96x128xf32, #tpu.memory_space<vmem>>, vector<1x16xf32>,
      %get3A_343 = vector.shape_cast %get3A_342 : vector<1x16xf32> to vector<16xf32>
      %add3A_344 = arith.addf %add3A_272, %get3A_343 : vector<16xf32>
      %mul3A_345 = arith.constant 4 : i32
      %mul3A_346 = arith.muli %scan3A_256, %mul3A_345 : i32
      %add3A_347 = arith.constant 1 : i32
      %add3A_348 = arith.addi %mul3A_346, %add3A_347 : i32
      %get3A_349 = arith.index_cast %add3A_348 : i32 to index
      %get3A_350 = arith.constant 16 : index
      %get3A_351 = tpu.vector_load %arg10[%get3A_349, %get3A_350] {strides = array<i32>} : memref<96x128xf32, #tpu.memory_space<vmem>>, vector<1x16xf32>,
      %get3A_352 = vector.shape_cast %get3A_351 : vector<1x16xf32> to vector<16xf32>
      %add3A_353 = arith.addf %add3A_281, %get3A_352 : vector<16xf32>
      %mul3A_354 = arith.constant 4 : i32
      %mul3A_355 = arith.muli %scan3A_256, %mul3A_354 : i32
      %add3A_356 = arith.constant 1 : i32
      %add3A_357 = arith.addi %mul3A_355, %add3A_356 : i32
      %get3A_358 = arith.index_cast %add3A_357 : i32 to index
      %get3A_359 = arith.constant 32 : index
      %get3A_360 = tpu.vector_load %arg10[%get3A_358, %get3A_359] {strides = array<i32>} : memref<96x128xf32, #tpu.memory_space<vmem>>, vector<1x16xf32>,
      %get3A_361 = vector.shape_cast %get3A_360 : vector<1x16xf32> to vector<16xf32>
      %add3A_362 = arith.addf %add3A_290, %get3A_361 : vector<16xf32>
      %mul3A_363 = arith.constant 4 : i32
      %mul3A_364 = arith.muli %scan3A_256, %mul3A_363 : i32
      %add3A_365 = arith.constant 1 : i32
      %add3A_366 = arith.addi %mul3A_364, %add3A_365 : i32
      %get3A_367 = arith.index_cast %add3A_366 : i32 to index
      %get3A_368 = arith.constant 48 : index
      %get3A_369 = tpu.vector_load %arg10[%get3A_367, %get3A_368] {strides = array<i32>} : memref<96x128xf32, #tpu.memory_space<vmem>>, vector<1x16xf32>,
      %get3A_370 = vector.shape_cast %get3A_369 : vector<1x16xf32> to vector<16xf32>
      %add3A_371 = arith.addf %add3A_299, %get3A_370 : vector<16xf32>
      %mul3A_372 = arith.constant 4 : i32
      %mul3A_373 = arith.muli %scan3A_256, %mul3A_372 : i32
      %add3A_374 = arith.constant 1 : i32
      %add3A_375 = arith.addi %mul3A_373, %add3A_374 : i32
      %get3A_376 = arith.index_cast %add3A_375 : i32 to index
      %get3A_377 = arith.constant 64 : index
      %get3A_378 = tpu.vector_load %arg10[%get3A_376, %get3A_377] {strides = array<i32>} : memref<96x128xf32, #tpu.memory_space<vmem>>, vector<1x16xf32>,
      %get3A_379 = vector.shape_cast %get3A_378 : vector<1x16xf32> to vector<16xf32>
      %add3A_380 = arith.addf %add3A_308, %get3A_379 : vector<16xf32>
      %mul3A_381 = arith.constant 4 : i32
      %mul3A_382 = arith.muli %scan3A_256, %mul3A_381 : i32
      %add3A_383 = arith.constant 1 : i32
      %add3A_384 = arith.addi %mul3A_382, %add3A_383 : i32
      %get3A_385 = arith.index_cast %add3A_384 : i32 to index
      %get3A_386 = arith.constant 80 : index
      %get3A_387 = tpu.vector_load %arg10[%get3A_385, %get3A_386] {strides = array<i32>} : memref<96x128xf32, #tpu.memory_space<vmem>>, vector<1x16xf32>,
      %get3A_388 = vector.shape_cast %get3A_387 : vector<1x16xf32> to vector<16xf32>
      %add3A_389 = arith.addf %add3A_317, %get3A_388 : vector<16xf32>
      %mul3A_390 = arith.constant 4 : i32
      %mul3A_391 = arith.muli %scan3A_256, %mul3A_390 : i32
      %add3A_392 = arith.constant 1 : i32
      %add3A_393 = arith.addi %mul3A_391, %add3A_392 : i32
      %get3A_394 = arith.index_cast %add3A_393 : i32 to index
      %get3A_395 = arith.constant 96 : index
      %get3A_396 = tpu.vector_load %arg10[%get3A_394, %get3A_395] {strides = array<i32>} : memref<96x128xf32, #tpu.memory_space<vmem>>, vector<1x16xf32>,
      %get3A_397 = vector.shape_cast %get3A_396 : vector<1x16xf32> to vector<16xf32>
      %add3A_398 = arith.addf %add3A_326, %get3A_397 : vector<16xf32>
      %mul3A_399 = arith.constant 4 : i32
      %mul3A_400 = arith.muli %scan3A_256, %mul3A_399 : i32
      %add3A_401 = arith.constant 1 : i32
      %add3A_402 = arith.addi %mul3A_400, %add3A_401 : i32
      %get3A_403 = arith.index_cast %add3A_402 : i32 to index
      %get3A_404 = arith.constant 112 : index
      %get3A_405 = tpu.vector_load %arg10[%get3A_403, %get3A_404] {strides = array<i32>} : memref<96x128xf32, #tpu.memory_space<vmem>>, vector<1x16xf32>,
      %get3A_406 = vector.shape_cast %get3A_405 : vector<1x16xf32> to vector<16xf32>
      %add3A_407 = arith.addf %add3A_335, %get3A_406 : vector<16xf32>
      %mul3A_408 = arith.constant 4 : i32
      %mul3A_409 = arith.muli %scan3A_256, %mul3A_408 : i32
      %add3A_410 = arith.constant 2 : i32
      %add3A_411 = arith.addi %mul3A_409, %add3A_410 : i32
      %get3A_412 = arith.index_cast %add3A_411 : i32 to index
      %get3A_413 = arith.constant 0 : index
      %get3A_414 = tpu.vector_load %arg10[%get3A_412, %get3A_413] {strides = array<i32>} : memref<96x128xf32, #tpu.memory_space<vmem>>, vector<1x16xf32>,
      %get3A_415 = vector.shape_cast %get3A_414 : vector<1x16xf32> to vector<16xf32>
      %add3A_416 = arith.addf %add3A_344, %get3A_415 : vector<16xf32>
      %mul3A_417 = arith.constant 4 : i32
      %mul3A_418 = arith.muli %scan3A_256, %mul3A_417 : i32
      %add3A_419 = arith.constant 2 : i32
      %add3A_420 = arith.addi %mul3A_418, %add3A_419 : i32
      %get3A_421 = arith.index_cast %add3A_420 : i32 to index
      %get3A_422 = arith.constant 16 : index
      %get3A_423 = tpu.vector_load %arg10[%get3A_421, %get3A_422] {strides = array<i32>} : memref<96x128xf32, #tpu.memory_space<vmem>>, vector<1x16xf32>,
      %get3A_424 = vector.shape_cast %get3A_423 : vector<1x16xf32> to vector<16xf32>
      %add3A_425 = arith.addf %add3A_353, %get3A_424 : vector<16xf32>
      %mul3A_426 = arith.constant 4 : i32
      %mul3A_427 = arith.muli %scan3A_256, %mul3A_426 : i32
      %add3A_428 = arith.constant 2 : i32
      %add3A_429 = arith.addi %mul3A_427, %add3A_428 : i32
      %get3A_430 = arith.index_cast %add3A_429 : i32 to index
      %get3A_431 = arith.constant 32 : index
      %get3A_432 = tpu.vector_load %arg10[%get3A_430, %get3A_431] {strides = array<i32>} : memref<96x128xf32, #tpu.memory_space<vmem>>, vector<1x16xf32>,
      %get3A_433 = vector.shape_cast %get3A_432 : vector<1x16xf32> to vector<16xf32>
      %add3A_434 = arith.addf %add3A_362, %get3A_433 : vector<16xf32>
      %mul3A_435 = arith.constant 4 : i32
      %mul3A_436 = arith.muli %scan3A_256, %mul3A_435 : i32
      %add3A_437 = arith.constant 2 : i32
      %add3A_438 = arith.addi %mul3A_436, %add3A_437 : i32
      %get3A_439 = arith.index_cast %add3A_438 : i32 to index
      %get3A_440 = arith.constant 48 : index
      %get3A_441 = tpu.vector_load %arg10[%get3A_439, %get3A_440] {strides = array<i32>} : memref<96x128xf32, #tpu.memory_space<vmem>>, vector<1x16xf32>,
      %get3A_442 = vector.shape_cast %get3A_441 : vector<1x16xf32> to vector<16xf32>
      %add3A_443 = arith.addf %add3A_371, %get3A_442 : vector<16xf32>
      %mul3A_444 = arith.constant 4 : i32
      %mul3A_445 = arith.muli %scan3A_256, %mul3A_444 : i32
      %add3A_446 = arith.constant 2 : i32
      %add3A_447 = arith.addi %mul3A_445, %add3A_446 : i32
      %get3A_448 = arith.index_cast %add3A_447 : i32 to index
      %get3A_449 = arith.constant 64 : index
      %get3A_450 = tpu.vector_load %arg10[%get3A_448, %get3A_449] {strides = array<i32>} : memref<96x128xf32, #tpu.memory_space<vmem>>, vector<1x16xf32>,
      %get3A_451 = vector.shape_cast %get3A_450 : vector<1x16xf32> to vector<16xf32>
      %add3A_452 = arith.addf %add3A_380, %get3A_451 : vector<16xf32>
      %mul3A_453 = arith.constant 4 : i32
      %mul3A_454 = arith.muli %scan3A_256, %mul3A_453 : i32
      %add3A_455 = arith.constant 2 : i32
      %add3A_456 = arith.addi %mul3A_454, %add3A_455 : i32
      %get3A_457 = arith.index_cast %add3A_456 : i32 to index
      %get3A_458 = arith.constant 80 : index
      %get3A_459 = tpu.vector_load %arg10[%get3A_457, %get3A_458] {strides = array<i32>} : memref<96x128xf32, #tpu.memory_space<vmem>>, vector<1x16xf32>,
      %get3A_460 = vector.shape_cast %get3A_459 : vector<1x16xf32> to vector<16xf32>
      %add3A_461 = arith.addf %add3A_389, %get3A_460 : vector<16xf32>
      %mul3A_462 = arith.constant 4 : i32
      %mul3A_463 = arith.muli %scan3A_256, %mul3A_462 : i32
      %add3A_464 = arith.constant 2 : i32
      %add3A_465 = arith.addi %mul3A_463, %add3A_464 : i32
      %get3A_466 = arith.index_cast %add3A_465 : i32 to index
      %get3A_467 = arith.constant 96 : index
      %get3A_468 = tpu.vector_load %arg10[%get3A_466, %get3A_467] {strides = array<i32>} : memref<96x128xf32, #tpu.memory_space<vmem>>, vector<1x16xf32>,
      %get3A_469 = vector.shape_cast %get3A_468 : vector<1x16xf32> to vector<16xf32>
      %add3A_470 = arith.addf %add3A_398, %get3A_469 : vector<16xf32>
      %mul3A_471 = arith.constant 4 : i32
      %mul3A_472 = arith.muli %scan3A_256, %mul3A_471 : i32
      %add3A_473 = arith.constant 2 : i32
      %add3A_474 = arith.addi %mul3A_472, %add3A_473 : i32
      %get3A_475 = arith.index_cast %add3A_474 : i32 to index
      %get3A_476 = arith.constant 112 : index
      %get3A_477 = tpu.vector_load %arg10[%get3A_475, %get3A_476] {strides = array<i32>} : memref<96x128xf32, #tpu.memory_space<vmem>>, vector<1x16xf32>,
      %get3A_478 = vector.shape_cast %get3A_477 : vector<1x16xf32> to vector<16xf32>
      %add3A_479 = arith.addf %add3A_407, %get3A_478 : vector<16xf32>
      %mul3A_480 = arith.constant 4 : i32
      %mul3A_481 = arith.muli %scan3A_256, %mul3A_480 : i32
      %add3A_482 = arith.constant 3 : i32
      %add3A_483 = arith.addi %mul3A_481, %add3A_482 : i32
      %get3A_484 = arith.index_cast %add3A_483 : i32 to index
      %get3A_485 = arith.constant 0 : index
      %get3A_486 = tpu.vector_load %arg10[%get3A_484, %get3A_485] {strides = array<i32>} : memref<96x128xf32, #tpu.memory_space<vmem>>, vector<1x16xf32>,
      %get3A_487 = vector.shape_cast %get3A_486 : vector<1x16xf32> to vector<16xf32>
      %add3A_488 = arith.addf %add3A_416, %get3A_487 : vector<16xf32>
      %mul3A_489 = arith.constant 4 : i32
      %mul3A_490 = arith.muli %scan3A_256, %mul3A_489 : i32
      %add3A_491 = arith.constant 3 : i32
      %add3A_492 = arith.addi %mul3A_490, %add3A_491 : i32
      %get3A_493 = arith.index_cast %add3A_492 : i32 to index
      %get3A_494 = arith.constant 16 : index
      %get3A_495 = tpu.vector_load %arg10[%get3A_493, %get3A_494] {strides = array<i32>} : memref<96x128xf32, #tpu.memory_space<vmem>>, vector<1x16xf32>,
      %get3A_496 = vector.shape_cast %get3A_495 : vector<1x16xf32> to vector<16xf32>
      %add3A_497 = arith.addf %add3A_425, %get3A_496 : vector<16xf32>
      %mul3A_498 = arith.constant 4 : i32
      %mul3A_499 = arith.muli %scan3A_256, %mul3A_498 : i32
      %add3A_500 = arith.constant 3 : i32
      %add3A_501 = arith.addi %mul3A_499, %add3A_500 : i32
      %get3A_502 = arith.index_cast %add3A_501 : i32 to index
      %get3A_503 = arith.constant 32 : index
      %get3A_504 = tpu.vector_load %arg10[%get3A_502, %get3A_503] {strides = array<i32>} : memref<96x128xf32, #tpu.memory_space<vmem>>, vector<1x16xf32>,
      %get3A_505 = vector.shape_cast %get3A_504 : vector<1x16xf32> to vector<16xf32>
      %add3A_506 = arith.addf %add3A_434, %get3A_505 : vector<16xf32>
      %mul3A_507 = arith.constant 4 : i32
      %mul3A_508 = arith.muli %scan3A_256, %mul3A_507 : i32
      %add3A_509 = arith.constant 3 : i32
      %add3A_510 = arith.addi %mul3A_508, %add3A_509 : i32
      %get3A_511 = arith.index_cast %add3A_510 : i32 to index
      %get3A_512 = arith.constant 48 : index
      %get3A_513 = tpu.vector_load %arg10[%get3A_511, %get3A_512] {strides = array<i32>} : memref<96x128xf32, #tpu.memory_space<vmem>>, vector<1x16xf32>,
      %get3A_514 = vector.shape_cast %get3A_513 : vector<1x16xf32> to vector<16xf32>
      %add3A_515 = arith.addf %add3A_443, %get3A_514 : vector<16xf32>
      %mul3A_516 = arith.constant 4 : i32
      %mul3A_517 = arith.muli %scan3A_256, %mul3A_516 : i32
      %add3A_518 = arith.constant 3 : i32
      %add3A_519 = arith.addi %mul3A_517, %add3A_518 : i32
      %get3A_520 = arith.index_cast %add3A_519 : i32 to index
      %get3A_521 = arith.constant 64 : index
      %get3A_522 = tpu.vector_load %arg10[%get3A_520, %get3A_521] {strides = array<i32>} : memref<96x128xf32, #tpu.memory_space<vmem>>, vector<1x16xf32>,
      %get3A_523 = vector.shape_cast %get3A_522 : vector<1x16xf32> to vector<16xf32>
      %add3A_524 = arith.addf %add3A_452, %get3A_523 : vector<16xf32>
      %mul3A_525 = arith.constant 4 : i32
      %mul3A_526 = arith.muli %scan3A_256, %mul3A_525 : i32
      %add3A_527 = arith.constant 3 : i32
      %add3A_528 = arith.addi %mul3A_526, %add3A_527 : i32
      %get3A_529 = arith.index_cast %add3A_528 : i32 to index
      %get3A_530 = arith.constant 80 : index
      %get3A_531 = tpu.vector_load %arg10[%get3A_529, %get3A_530] {strides = array<i32>} : memref<96x128xf32, #tpu.memory_space<vmem>>, vector<1x16xf32>,
      %get3A_532 = vector.shape_cast %get3A_531 : vector<1x16xf32> to vector<16xf32>
      %add3A_533 = arith.addf %add3A_461, %get3A_532 : vector<16xf32>
      %mul3A_534 = arith.constant 4 : i32
      %mul3A_535 = arith.muli %scan3A_256, %mul3A_534 : i32
      %add3A_536 = arith.constant 3 : i32
      %add3A_537 = arith.addi %mul3A_535, %add3A_536 : i32
      %get3A_538 = arith.index_cast %add3A_537 : i32 to index
      %get3A_539 = arith.constant 96 : index
      %get3A_540 = tpu.vector_load %arg10[%get3A_538, %get3A_539] {strides = array<i32>} : memref<96x128xf32, #tpu.memory_space<vmem>>, vector<1x16xf32>,
      %get3A_541 = vector.shape_cast %get3A_540 : vector<1x16xf32> to vector<16xf32>
      %add3A_542 = arith.addf %add3A_470, %get3A_541 : vector<16xf32>
      %mul3A_543 = arith.constant 4 : i32
      %mul3A_544 = arith.muli %scan3A_256, %mul3A_543 : i32
      %add3A_545 = arith.constant 3 : i32
      %add3A_546 = arith.addi %mul3A_544, %add3A_545 : i32
      %get3A_547 = arith.index_cast %add3A_546 : i32 to index
      %get3A_548 = arith.constant 112 : index
      %get3A_549 = tpu.vector_load %arg10[%get3A_547, %get3A_548] {strides = array<i32>} : memref<96x128xf32, #tpu.memory_space<vmem>>, vector<1x16xf32>,
      %get3A_550 = vector.shape_cast %get3A_549 : vector<1x16xf32> to vector<16xf32>
      %add3A_551 = arith.addf %add3A_479, %get3A_550 : vector<16xf32>
      scf.yield %add3A_488, %add3A_497, %add3A_506, %add3A_515, %add3A_524, %add3A_533, %add3A_542, %add3A_551 : vector<16xf32>, vector<16xf32>, vector<16xf32>, vector<16xf32>, vector<16xf32>, vector<16xf32>, vector<16xf32>, vector<16xf32>
    }
    %scan3A_183 = arith.constant 24 : i32
    %mul3A_184 = arith.constant 5.000000e-03 : f32
    %mul3A_185 = vector.broadcast %mul3A_184 : f32 to vector<16xf32>
    %mul3A_186 = arith.mulf %scan3A_182#0, %mul3A_185 : vector<16xf32>
    %swap3A_187 = arith.constant 127 : i32
    %swap3A_188 = arith.index_cast %swap3A_187 : i32 to index
    %swap3A_189 = arith.constant 0 : index
    %swap3A_190 = tpu.vector_load %arg12[%swap3A_188, %swap3A_189] {strides = array<i32>} : memref<128x128xf32, #tpu.memory_space<vmem>>, vector<1x16xf32>,
    %swap3A_191 = vector.shape_cast %swap3A_190 : vector<1x16xf32> to vector<16xf32>
    %swap3A_192 = vector.shape_cast %mul3A_186 : vector<16xf32> to vector<1x16xf32>
    tpu.vector_store %arg12[%swap3A_188, %swap3A_189], %swap3A_192 {strides = array<i32>} : memref<128x128xf32, #tpu.memory_space<vmem>>, vector<1x16xf32>,
    %mul3A_193 = arith.constant 5.000000e-03 : f32
    %mul3A_194 = vector.broadcast %mul3A_193 : f32 to vector<16xf32>
    %mul3A_195 = arith.mulf %scan3A_182#1, %mul3A_194 : vector<16xf32>
    %swap3A_196 = arith.constant 127 : i32
    %swap3A_197 = arith.index_cast %swap3A_196 : i32 to index
    %swap3A_198 = arith.constant 16 : index
    %swap3A_199 = tpu.vector_load %arg12[%swap3A_197, %swap3A_198] {strides = array<i32>} : memref<128x128xf32, #tpu.memory_space<vmem>>, vector<1x16xf32>,
    %swap3A_200 = vector.shape_cast %swap3A_199 : vector<1x16xf32> to vector<16xf32>
    %swap3A_201 = vector.shape_cast %mul3A_195 : vector<16xf32> to vector<1x16xf32>
    tpu.vector_store %arg12[%swap3A_197, %swap3A_198], %swap3A_201 {strides = array<i32>} : memref<128x128xf32, #tpu.memory_space<vmem>>, vector<1x16xf32>,
    %mul3A_202 = arith.constant 5.000000e-03 : f32
    %mul3A_203 = vector.broadcast %mul3A_202 : f32 to vector<16xf32>
    %mul3A_204 = arith.mulf %scan3A_182#2, %mul3A_203 : vector<16xf32>
    %swap3A_205 = arith.constant 127 : i32
    %swap3A_206 = arith.index_cast %swap3A_205 : i32 to index
    %swap3A_207 = arith.constant 32 : index
    %swap3A_208 = tpu.vector_load %arg12[%swap3A_206, %swap3A_207] {strides = array<i32>} : memref<128x128xf32, #tpu.memory_space<vmem>>, vector<1x16xf32>,
    %swap3A_209 = vector.shape_cast %swap3A_208 : vector<1x16xf32> to vector<16xf32>
    %swap3A_210 = vector.shape_cast %mul3A_204 : vector<16xf32> to vector<1x16xf32>
    tpu.vector_store %arg12[%swap3A_206, %swap3A_207], %swap3A_210 {strides = array<i32>} : memref<128x128xf32, #tpu.memory_space<vmem>>, vector<1x16xf32>,
    %mul3A_211 = arith.constant 5.000000e-03 : f32
    %mul3A_212 = vector.broadcast %mul3A_211 : f32 to vector<16xf32>
    %mul3A_213 = arith.mulf %scan3A_182#3, %mul3A_212 : vector<16xf32>
    %swap3A_214 = arith.constant 127 : i32
    %swap3A_215 = arith.index_cast %swap3A_214 : i32 to index
    %swap3A_216 = arith.constant 48 : index
    %swap3A_217 = tpu.vector_load %arg12[%swap3A_215, %swap3A_216] {strides = array<i32>} : memref<128x128xf32, #tpu.memory_space<vmem>>, vector<1x16xf32>,
    %swap3A_218 = vector.shape_cast %swap3A_217 : vector<1x16xf32> to vector<16xf32>
    %swap3A_219 = vector.shape_cast %mul3A_213 : vector<16xf32> to vector<1x16xf32>
    tpu.vector_store %arg12[%swap3A_215, %swap3A_216], %swap3A_219 {strides = array<i32>} : memref<128x128xf32, #tpu.memory_space<vmem>>, vector<1x16xf32>,
    %mul3A_220 = arith.constant 5.000000e-03 : f32
    %mul3A_221 = vector.broadcast %mul3A_220 : f32 to vector<16xf32>
    %mul3A_222 = arith.mulf %scan3A_182#4, %mul3A_221 : vector<16xf32>
    %swap3A_223 = arith.constant 127 : i32
    %swap3A_224 = arith.index_cast %swap3A_223 : i32 to index
    %swap3A_225 = arith.constant 64 : index
    %swap3A_226 = tpu.vector_load %arg12[%swap3A_224, %swap3A_225] {strides = array<i32>} : memref<128x128xf32, #tpu.memory_space<vmem>>, vector<1x16xf32>,
    %swap3A_227 = vector.shape_cast %swap3A_226 : vector<1x16xf32> to vector<16xf32>
    %swap3A_228 = vector.shape_cast %mul3A_222 : vector<16xf32> to vector<1x16xf32>
    tpu.vector_store %arg12[%swap3A_224, %swap3A_225], %swap3A_228 {strides = array<i32>} : memref<128x128xf32, #tpu.memory_space<vmem>>, vector<1x16xf32>,
    %mul3A_229 = arith.constant 5.000000e-03 : f32
    %mul3A_230 = vector.broadcast %mul3A_229 : f32 to vector<16xf32>
    %mul3A_231 = arith.mulf %scan3A_182#5, %mul3A_230 : vector<16xf32>
    %swap3A_232 = arith.constant 127 : i32
    %swap3A_233 = arith.index_cast %swap3A_232 : i32 to index
    %swap3A_234 = arith.constant 80 : index
    %swap3A_235 = tpu.vector_load %arg12[%swap3A_233, %swap3A_234] {strides = array<i32>} : memref<128x128xf32, #tpu.memory_space<vmem>>, vector<1x16xf32>,
    %swap3A_236 = vector.shape_cast %swap3A_235 : vector<1x16xf32> to vector<16xf32>
    %swap3A_237 = vector.shape_cast %mul3A_231 : vector<16xf32> to vector<1x16xf32>
    tpu.vector_store %arg12[%swap3A_233, %swap3A_234], %swap3A_237 {strides = array<i32>} : memref<128x128xf32, #tpu.memory_space<vmem>>, vector<1x16xf32>,
    %mul3A_238 = arith.constant 5.000000e-03 : f32
    %mul3A_239 = vector.broadcast %mul3A_238 : f32 to vector<16xf32>
    %mul3A_240 = arith.mulf %scan3A_182#6, %mul3A_239 : vector<16xf32>
    %swap3A_241 = arith.constant 127 : i32
    %swap3A_242 = arith.index_cast %swap3A_241 : i32 to index
    %swap3A_243 = arith.constant 96 : index
    %swap3A_244 = tpu.vector_load %arg12[%swap3A_242, %swap3A_243] {strides = array<i32>} : memref<128x128xf32, #tpu.memory_space<vmem>>, vector<1x16xf32>,
    %swap3A_245 = vector.shape_cast %swap3A_244 : vector<1x16xf32> to vector<16xf32>
    %swap3A_246 = vector.shape_cast %mul3A_240 : vector<16xf32> to vector<1x16xf32>
    tpu.vector_store %arg12[%swap3A_242, %swap3A_243], %swap3A_246 {strides = array<i32>} : memref<128x128xf32, #tpu.memory_space<vmem>>, vector<1x16xf32>,
    %mul3A_247 = arith.constant 5.000000e-03 : f32
    %mul3A_248 = vector.broadcast %mul3A_247 : f32 to vector<16xf32>
    %mul3A_249 = arith.mulf %scan3A_182#7, %mul3A_248 : vector<16xf32>
    %swap3A_250 = arith.constant 127 : i32
    %swap3A_251 = arith.index_cast %swap3A_250 : i32 to index
    %swap3A_252 = arith.constant 112 : index
    %swap3A_253 = tpu.vector_load %arg12[%swap3A_251, %swap3A_252] {strides = array<i32>} : memref<128x128xf32, #tpu.memory_space<vmem>>, vector<1x16xf32>,
    %swap3A_254 = vector.shape_cast %swap3A_253 : vector<1x16xf32> to vector<16xf32>
    %swap3A_255 = vector.shape_cast %mul3A_249 : vector<16xf32> to vector<1x16xf32>
    tpu.vector_store %arg12[%swap3A_251, %swap3A_252], %swap3A_255 {strides = array<i32>} : memref<128x128xf32, #tpu.memory_space<vmem>>, vector<1x16xf32>,
    "tpu.region"() ({
      %run_scoped3A = tpu.sem_alloc : memref<!tpu.dma_semaphore, #tpu.memory_space<semaphore_mem>>
      %dma_start3A_256 = arith.constant 0 : i32
      %dma_start3A_257 = tpu.memref_slice %arg4[%mul3A_2, %dma_start3A_256] : memref<4096x128xf32, #tpu.memory_space<hbm>> -> memref<128x128xf32, #tpu.memory_space<hbm>>
      %dma_start3A_258 = arith.constant 0 : i32
      %dma_start3A_259 = tpu.memref_slice %arg4[%mul3A_2, %dma_start3A_258] : memref<4096x128xf32, #tpu.memory_space<hbm>> -> memref<128x128xf32, #tpu.memory_space<hbm>>
      tpu.enqueue_dma source(%arg12 : memref<128x128xf32, #tpu.memory_space<vmem>>) target(%dma_start3A_259 : memref<128x128xf32, #tpu.memory_space<hbm>>) target_semaphore(%run_scoped3A : memref<!tpu.dma_semaphore, #tpu.memory_space<semaphore_mem>>)
      %dma_wait3A_260 = arith.constant 0 : i32
      %dma_wait3A_261 = tpu.memref_slice %arg4[%mul3A_2, %dma_wait3A_260] : memref<4096x128xf32, #tpu.memory_space<hbm>> -> memref<128x128xf32, #tpu.memory_space<hbm>>
      %dma_wait3A_262 = arith.constant 0 : i32
      %dma_wait3A_263 = tpu.memref_slice %arg4[%mul3A_2, %dma_wait3A_262] : memref<4096x128xf32, #tpu.memory_space<hbm>> -> memref<128x128xf32, #tpu.memory_space<hbm>>
      tpu.wait_dma2 semaphore(%run_scoped3A : memref<!tpu.dma_semaphore, #tpu.memory_space<semaphore_mem>>) src(%arg12 : memref<128x128xf32, #tpu.memory_space<vmem>>) dst(%dma_wait3A_263 : memref<128x128xf32, #tpu.memory_space<hbm>>)
      tpu.yield
    }) : () -> ()
    return
  }
}

module attributes {stable_mosaic.version = 14 : i64} {
  func.func @_moe_body(%arg0: i32, %arg1: memref<2048x128xf32, #tpu.memory_space<vmem>>, %arg2: memref<128x8xf32, #tpu.memory_space<vmem>>, %arg3: memref<8x128x512xf32, #tpu.memory_space<vmem>>, %arg4: memref<8x1x512xf32, #tpu.memory_space<vmem>>, %arg5: memref<8x512x128xf32, #tpu.memory_space<vmem>>, %arg6: memref<8x128xf32, #tpu.memory_space<vmem>>, %arg7: memref<128x2xf32, #tpu.memory_space<vmem>>, %arg8: memref<1x2xf32, #tpu.memory_space<vmem>>, %arg9: memref<2048x2xf32, #tpu.memory_space<vmem>>) attributes {dimension_semantics = [#tpu.dimension_semantics<parallel>], iteration_bounds = array<i64: 2>, scalar_prefetch = 0 : i64, scratch_operands = 0 : i64, tpu.core_type = #tpu.core_type<tc>, window_params = [{transform_indices = @transform_0, window_bounds = array<i64: 2048, 128>}, {pipeline_mode = #tpu.pipeline_mode<synchronous>, transform_indices = @transform_1, window_bounds = array<i64: 128, 8>}, {pipeline_mode = #tpu.pipeline_mode<synchronous>, transform_indices = @transform_2, window_bounds = array<i64: 8, 128, 512>}, {pipeline_mode = #tpu.pipeline_mode<synchronous>, transform_indices = @transform_3, window_bounds = array<i64: 8, 1, 512>}, {pipeline_mode = #tpu.pipeline_mode<synchronous>, transform_indices = @transform_4, window_bounds = array<i64: 8, 512, 128>}, {pipeline_mode = #tpu.pipeline_mode<synchronous>, transform_indices = @transform_5, window_bounds = array<i64: 8, 128>}, {pipeline_mode = #tpu.pipeline_mode<synchronous>, transform_indices = @transform_6, window_bounds = array<i64: 128, 2>}, {pipeline_mode = #tpu.pipeline_mode<synchronous>, transform_indices = @transform_7, window_bounds = array<i64: 1, 2>}, {transform_indices = @transform_8, window_bounds = array<i64: 2048, 2>}]} {
    %get3A = arith.constant 0 : index
    %get3A_0 = arith.constant 0 : index
    %get3A_1 = vector.load %arg1[%get3A, %get3A_0] : memref<2048x128xf32, #tpu.memory_space<vmem>>, vector<2048x128xf32>
    %get3A_2 = arith.constant 0 : index
    %get3A_3 = arith.constant 0 : index
    %get3A_4 = vector.load %arg2[%get3A_2, %get3A_3] : memref<128x8xf32, #tpu.memory_space<vmem>>, vector<128x8xf32>
    %dot_general3A = arith.constant dense<0.000000e+00> : vector<2048x8xf32>
    %dot_general3A_5 = tpu.matmul %get3A_1, %get3A_4, %dot_general3A {dimension_numbers = #tpu.dot_dimension_numbers<[1], [0], [0], [1], [0, 0, 1, 1], [], []>, transpose_lhs_hint = false} : vector<2048x128xf32>, vector<128x8xf32>, vector<2048x8xf32> -> vector<2048x8xf32>
    %reduce_max3A = arith.constant dense<0xFF800000> : vector<2048xf32>
    %reduce_max3A_6 = vector.multi_reduction <maximumf>, %dot_general3A_5, %reduce_max3A [1] : vector<2048x8xf32> to vector<2048xf32>
    %broadcast_in_dim3A = vector.shape_cast %reduce_max3A_6 : vector<2048xf32> to vector<2048x1xf32>
    %sub3A = vector.broadcast %broadcast_in_dim3A : vector<2048x1xf32> to vector<2048x8xf32>
    %sub3A_7 = arith.subf %dot_general3A_5, %sub3A : vector<2048x8xf32>
    %exp3A = math.exp %sub3A_7 : vector<2048x8xf32>
    %reduce_sum3A = arith.constant dense<0.000000e+00> : vector<2048xf32>
    %reduce_sum3A_8 = vector.multi_reduction <add>, %exp3A, %reduce_sum3A [1] : vector<2048x8xf32> to vector<2048xf32>
    %broadcast_in_dim3A_9 = vector.shape_cast %reduce_sum3A_8 : vector<2048xf32> to vector<2048x1xf32>
    %div3A = arith.constant 1.000000e+00 : f32
    %div3A_10 = vector.broadcast %div3A : f32 to vector<2048x1xf32>
    %div3A_11 = arith.divf %div3A_10, %broadcast_in_dim3A_9 : vector<2048x1xf32>
    %iota3A = tpu.iota {dimensions = array<i32: 1>} : vector<2048x8xi32>
    %eq3A = vector.broadcast %broadcast_in_dim3A : vector<2048x1xf32> to vector<2048x8xf32>
    %eq3A_12 = arith.cmpf oeq, %dot_general3A_5, %eq3A : vector<2048x8xf32>
    %jit3A = arith.constant 8 : i32
    %broadcast_in_dim3A_13 = vector.broadcast %jit3A : i32 to vector<2048x8xi32>
    %select_n3A = arith.select %eq3A_12, %iota3A, %broadcast_in_dim3A_13 : vector<2048x8xi1>, vector<2048x8xi32>
    %reduce_min3A = arith.constant dense<2147483647> : vector<2048xi32>
    %reduce_min3A_14 = vector.multi_reduction <minsi>, %select_n3A, %reduce_min3A [1] : vector<2048x8xi32> to vector<2048xi32>
    %broadcast_in_dim3A_15 = vector.shape_cast %reduce_min3A_14 : vector<2048xi32> to vector<2048x1xi32>
    %get3A_16 = arith.constant 0 : index
    %get3A_17 = arith.constant 0 : index
    %get3A_18 = vector.load %arg7[%get3A_16, %get3A_17] : memref<128x2xf32, #tpu.memory_space<vmem>>, vector<128x2xf32>
    %get3A_19 = arith.constant 0 : index
    %get3A_20 = arith.constant 0 : index
    %get3A_21 = vector.load %arg6[%get3A_19, %get3A_20] : memref<8x128xf32, #tpu.memory_space<vmem>>, vector<8x128xf32>
    %dot_general3A_22 = arith.constant dense<0.000000e+00> : vector<8x2xf32>
    %dot_general3A_23 = tpu.matmul %get3A_21, %get3A_18, %dot_general3A_22 {dimension_numbers = #tpu.dot_dimension_numbers<[1], [0], [0], [1], [0, 0, 1, 1], [], []>, transpose_lhs_hint = false} : vector<8x128xf32>, vector<128x2xf32>, vector<8x2xf32> -> vector<8x2xf32>
    %convert_element_type3A = arith.truncf %get3A_1 : vector<2048x128xf32> to vector<2048x128xbf16>
    %broadcast_in_dim3A_24 = arith.constant 0.000000e+00 : f32
    %broadcast_in_dim3A_25 = vector.broadcast %broadcast_in_dim3A_24 : f32 to vector<2048x2xf32>
    %get3A_26 = arith.constant 0 : index
    %get3A_27 = arith.constant 0 : index
    %get3A_28 = arith.constant 0 : index
    %get3A_29 = vector.load %arg3[%get3A_26, %get3A_27, %get3A_28] : memref<8x128x512xf32, #tpu.memory_space<vmem>>, vector<1x128x512xf32>
    %get3A_30 = vector.shape_cast %get3A_29 : vector<1x128x512xf32> to vector<128x512xf32>
    %convert_element_type3A_31 = arith.truncf %get3A_30 : vector<128x512xf32> to vector<128x512xbf16>
    %dot_general3A_32 = arith.constant dense<0.000000e+00> : vector<2048x512xf32>
    %dot_general3A_33 = tpu.matmul %convert_element_type3A, %convert_element_type3A_31, %dot_general3A_32 {dimension_numbers = #tpu.dot_dimension_numbers<[1], [0], [0], [1], [0, 0, 1, 1], [], []>, transpose_lhs_hint = false} : vector<2048x128xbf16>, vector<128x512xbf16>, vector<2048x512xf32> -> vector<2048x512xf32>
    %get3A_34 = arith.constant 0 : index
    %get3A_35 = arith.constant 0 : index
    %get3A_36 = arith.constant 0 : index
    %get3A_37 = vector.load %arg4[%get3A_34, %get3A_35, %get3A_36] : memref<8x1x512xf32, #tpu.memory_space<vmem>>, vector<1x1x512xf32>
    %get3A_38 = vector.shape_cast %get3A_37 : vector<1x1x512xf32> to vector<1x512xf32>
    %add3A = vector.broadcast %get3A_38 : vector<1x512xf32> to vector<2048x512xf32>
    %add3A_39 = arith.addf %dot_general3A_33, %add3A : vector<2048x512xf32>
    %max3A = arith.constant 0.000000e+00 : f32
    %max3A_40 = vector.broadcast %max3A : f32 to vector<2048x512xf32>
    %max3A_41 = arith.maximumf %add3A_39, %max3A_40 : vector<2048x512xf32>
    %get3A_42 = arith.constant 0 : index
    %get3A_43 = arith.constant 0 : index
    %get3A_44 = arith.constant 0 : index
    %get3A_45 = vector.load %arg5[%get3A_42, %get3A_43, %get3A_44] : memref<8x512x128xf32, #tpu.memory_space<vmem>>, vector<1x512x128xf32>
    %get3A_46 = vector.shape_cast %get3A_45 : vector<1x512x128xf32> to vector<512x128xf32>
    %dot_general3A_47 = arith.constant dense<0.000000e+00> : vector<512x2xf32>
    %dot_general3A_48 = tpu.matmul %get3A_46, %get3A_18, %dot_general3A_47 {dimension_numbers = #tpu.dot_dimension_numbers<[1], [0], [0], [1], [0, 0, 1, 1], [], []>, transpose_lhs_hint = false} : vector<512x128xf32>, vector<128x2xf32>, vector<512x2xf32> -> vector<512x2xf32>
    %convert_element_type3A_49 = arith.truncf %max3A_41 : vector<2048x512xf32> to vector<2048x512xbf16>
    %convert_element_type3A_50 = arith.truncf %dot_general3A_48 : vector<512x2xf32> to vector<512x2xbf16>
    %dot_general3A_51 = arith.constant dense<0.000000e+00> : vector<2048x2xf32>
    %dot_general3A_52 = tpu.matmul %convert_element_type3A_49, %convert_element_type3A_50, %dot_general3A_51 {dimension_numbers = #tpu.dot_dimension_numbers<[1], [0], [0], [1], [0, 0, 1, 1], [], []>, transpose_lhs_hint = false} : vector<2048x512xbf16>, vector<512x2xbf16>, vector<2048x2xf32> -> vector<2048x2xf32>
    %slice3A = vector.extract_strided_slice %dot_general3A_23 {offsets = [0, 0], sizes = [1, 2], strides = [1, 1]} : vector<8x2xf32> to vector<1x2xf32>
    %add3A_53 = vector.broadcast %slice3A : vector<1x2xf32> to vector<2048x2xf32>
    %add3A_54 = arith.addf %dot_general3A_52, %add3A_53 : vector<2048x2xf32>
    %eq3A_55 = arith.constant 0 : i32
    %eq3A_56 = vector.broadcast %eq3A_55 : i32 to vector<2048x1xi32>
    %eq3A_57 = arith.cmpi eq, %broadcast_in_dim3A_15, %eq3A_56 : vector<2048x1xi32>
    %jit3A_58 = arith.constant 0.000000e+00 : f32
    %broadcast_in_dim3A_59 = vector.shape_cast %eq3A_57 : vector<2048x1xi1> to vector<2048x1xi1>
    %broadcast_in_dim3A_60 = vector.broadcast %broadcast_in_dim3A_59 : vector<2048x1xi1> to vector<2048x2xi1>
    %broadcast_in_dim3A_61 = vector.broadcast %jit3A_58 : f32 to vector<2048x2xf32>
    %select_n3A_62 = arith.select %broadcast_in_dim3A_60, %add3A_54, %broadcast_in_dim3A_61 : vector<2048x2xi1>, vector<2048x2xf32>
    %add3A_63 = arith.addf %broadcast_in_dim3A_25, %select_n3A_62 : vector<2048x2xf32>
    %get3A_64 = arith.constant 1 : index
    %get3A_65 = arith.constant 0 : index
    %get3A_66 = arith.constant 0 : index
    %get3A_67 = vector.load %arg3[%get3A_64, %get3A_65, %get3A_66] : memref<8x128x512xf32, #tpu.memory_space<vmem>>, vector<1x128x512xf32>
    %get3A_68 = vector.shape_cast %get3A_67 : vector<1x128x512xf32> to vector<128x512xf32>
    %convert_element_type3A_69 = arith.truncf %get3A_68 : vector<128x512xf32> to vector<128x512xbf16>
    %dot_general3A_70 = arith.constant dense<0.000000e+00> : vector<2048x512xf32>
    %dot_general3A_71 = tpu.matmul %convert_element_type3A, %convert_element_type3A_69, %dot_general3A_70 {dimension_numbers = #tpu.dot_dimension_numbers<[1], [0], [0], [1], [0, 0, 1, 1], [], []>, transpose_lhs_hint = false} : vector<2048x128xbf16>, vector<128x512xbf16>, vector<2048x512xf32> -> vector<2048x512xf32>
    %get3A_72 = arith.constant 1 : index
    %get3A_73 = arith.constant 0 : index
    %get3A_74 = arith.constant 0 : index
    %get3A_75 = vector.load %arg4[%get3A_72, %get3A_73, %get3A_74] : memref<8x1x512xf32, #tpu.memory_space<vmem>>, vector<1x1x512xf32>
    %get3A_76 = vector.shape_cast %get3A_75 : vector<1x1x512xf32> to vector<1x512xf32>
    %add3A_77 = vector.broadcast %get3A_76 : vector<1x512xf32> to vector<2048x512xf32>
    %add3A_78 = arith.addf %dot_general3A_71, %add3A_77 : vector<2048x512xf32>
    %max3A_79 = arith.constant 0.000000e+00 : f32
    %max3A_80 = vector.broadcast %max3A_79 : f32 to vector<2048x512xf32>
    %max3A_81 = arith.maximumf %add3A_78, %max3A_80 : vector<2048x512xf32>
    %get3A_82 = arith.constant 1 : index
    %get3A_83 = arith.constant 0 : index
    %get3A_84 = arith.constant 0 : index
    %get3A_85 = vector.load %arg5[%get3A_82, %get3A_83, %get3A_84] : memref<8x512x128xf32, #tpu.memory_space<vmem>>, vector<1x512x128xf32>
    %get3A_86 = vector.shape_cast %get3A_85 : vector<1x512x128xf32> to vector<512x128xf32>
    %dot_general3A_87 = arith.constant dense<0.000000e+00> : vector<512x2xf32>
    %dot_general3A_88 = tpu.matmul %get3A_86, %get3A_18, %dot_general3A_87 {dimension_numbers = #tpu.dot_dimension_numbers<[1], [0], [0], [1], [0, 0, 1, 1], [], []>, transpose_lhs_hint = false} : vector<512x128xf32>, vector<128x2xf32>, vector<512x2xf32> -> vector<512x2xf32>
    %convert_element_type3A_89 = arith.truncf %max3A_81 : vector<2048x512xf32> to vector<2048x512xbf16>
    %convert_element_type3A_90 = arith.truncf %dot_general3A_88 : vector<512x2xf32> to vector<512x2xbf16>
    %dot_general3A_91 = arith.constant dense<0.000000e+00> : vector<2048x2xf32>
    %dot_general3A_92 = tpu.matmul %convert_element_type3A_89, %convert_element_type3A_90, %dot_general3A_91 {dimension_numbers = #tpu.dot_dimension_numbers<[1], [0], [0], [1], [0, 0, 1, 1], [], []>, transpose_lhs_hint = false} : vector<2048x512xbf16>, vector<512x2xbf16>, vector<2048x2xf32> -> vector<2048x2xf32>
    %slice3A_93 = vector.extract_strided_slice %dot_general3A_23 {offsets = [1, 0], sizes = [1, 2], strides = [1, 1]} : vector<8x2xf32> to vector<1x2xf32>
    %add3A_94 = vector.broadcast %slice3A_93 : vector<1x2xf32> to vector<2048x2xf32>
    %add3A_95 = arith.addf %dot_general3A_92, %add3A_94 : vector<2048x2xf32>
    %eq3A_96 = arith.constant 1 : i32
    %eq3A_97 = vector.broadcast %eq3A_96 : i32 to vector<2048x1xi32>
    %eq3A_98 = arith.cmpi eq, %broadcast_in_dim3A_15, %eq3A_97 : vector<2048x1xi32>
    %jit3A_99 = arith.constant 0.000000e+00 : f32
    %broadcast_in_dim3A_100 = vector.shape_cast %eq3A_98 : vector<2048x1xi1> to vector<2048x1xi1>
    %broadcast_in_dim3A_101 = vector.broadcast %broadcast_in_dim3A_100 : vector<2048x1xi1> to vector<2048x2xi1>
    %broadcast_in_dim3A_102 = vector.broadcast %jit3A_99 : f32 to vector<2048x2xf32>
    %select_n3A_103 = arith.select %broadcast_in_dim3A_101, %add3A_95, %broadcast_in_dim3A_102 : vector<2048x2xi1>, vector<2048x2xf32>
    %add3A_104 = arith.addf %add3A_63, %select_n3A_103 : vector<2048x2xf32>
    %get3A_105 = arith.constant 2 : index
    %get3A_106 = arith.constant 0 : index
    %get3A_107 = arith.constant 0 : index
    %get3A_108 = vector.load %arg3[%get3A_105, %get3A_106, %get3A_107] : memref<8x128x512xf32, #tpu.memory_space<vmem>>, vector<1x128x512xf32>
    %get3A_109 = vector.shape_cast %get3A_108 : vector<1x128x512xf32> to vector<128x512xf32>
    %convert_element_type3A_110 = arith.truncf %get3A_109 : vector<128x512xf32> to vector<128x512xbf16>
    %dot_general3A_111 = arith.constant dense<0.000000e+00> : vector<2048x512xf32>
    %dot_general3A_112 = tpu.matmul %convert_element_type3A, %convert_element_type3A_110, %dot_general3A_111 {dimension_numbers = #tpu.dot_dimension_numbers<[1], [0], [0], [1], [0, 0, 1, 1], [], []>, transpose_lhs_hint = false} : vector<2048x128xbf16>, vector<128x512xbf16>, vector<2048x512xf32> -> vector<2048x512xf32>
    %get3A_113 = arith.constant 2 : index
    %get3A_114 = arith.constant 0 : index
    %get3A_115 = arith.constant 0 : index
    %get3A_116 = vector.load %arg4[%get3A_113, %get3A_114, %get3A_115] : memref<8x1x512xf32, #tpu.memory_space<vmem>>, vector<1x1x512xf32>
    %get3A_117 = vector.shape_cast %get3A_116 : vector<1x1x512xf32> to vector<1x512xf32>
    %add3A_118 = vector.broadcast %get3A_117 : vector<1x512xf32> to vector<2048x512xf32>
    %add3A_119 = arith.addf %dot_general3A_112, %add3A_118 : vector<2048x512xf32>
    %max3A_120 = arith.constant 0.000000e+00 : f32
    %max3A_121 = vector.broadcast %max3A_120 : f32 to vector<2048x512xf32>
    %max3A_122 = arith.maximumf %add3A_119, %max3A_121 : vector<2048x512xf32>
    %get3A_123 = arith.constant 2 : index
    %get3A_124 = arith.constant 0 : index
    %get3A_125 = arith.constant 0 : index
    %get3A_126 = vector.load %arg5[%get3A_123, %get3A_124, %get3A_125] : memref<8x512x128xf32, #tpu.memory_space<vmem>>, vector<1x512x128xf32>
    %get3A_127 = vector.shape_cast %get3A_126 : vector<1x512x128xf32> to vector<512x128xf32>
    %dot_general3A_128 = arith.constant dense<0.000000e+00> : vector<512x2xf32>
    %dot_general3A_129 = tpu.matmul %get3A_127, %get3A_18, %dot_general3A_128 {dimension_numbers = #tpu.dot_dimension_numbers<[1], [0], [0], [1], [0, 0, 1, 1], [], []>, transpose_lhs_hint = false} : vector<512x128xf32>, vector<128x2xf32>, vector<512x2xf32> -> vector<512x2xf32>
    %convert_element_type3A_130 = arith.truncf %max3A_122 : vector<2048x512xf32> to vector<2048x512xbf16>
    %convert_element_type3A_131 = arith.truncf %dot_general3A_129 : vector<512x2xf32> to vector<512x2xbf16>
    %dot_general3A_132 = arith.constant dense<0.000000e+00> : vector<2048x2xf32>
    %dot_general3A_133 = tpu.matmul %convert_element_type3A_130, %convert_element_type3A_131, %dot_general3A_132 {dimension_numbers = #tpu.dot_dimension_numbers<[1], [0], [0], [1], [0, 0, 1, 1], [], []>, transpose_lhs_hint = false} : vector<2048x512xbf16>, vector<512x2xbf16>, vector<2048x2xf32> -> vector<2048x2xf32>
    %slice3A_134 = vector.extract_strided_slice %dot_general3A_23 {offsets = [2, 0], sizes = [1, 2], strides = [1, 1]} : vector<8x2xf32> to vector<1x2xf32>
    %add3A_135 = vector.broadcast %slice3A_134 : vector<1x2xf32> to vector<2048x2xf32>
    %add3A_136 = arith.addf %dot_general3A_133, %add3A_135 : vector<2048x2xf32>
    %eq3A_137 = arith.constant 2 : i32
    %eq3A_138 = vector.broadcast %eq3A_137 : i32 to vector<2048x1xi32>
    %eq3A_139 = arith.cmpi eq, %broadcast_in_dim3A_15, %eq3A_138 : vector<2048x1xi32>
    %jit3A_140 = arith.constant 0.000000e+00 : f32
    %broadcast_in_dim3A_141 = vector.shape_cast %eq3A_139 : vector<2048x1xi1> to vector<2048x1xi1>
    %broadcast_in_dim3A_142 = vector.broadcast %broadcast_in_dim3A_141 : vector<2048x1xi1> to vector<2048x2xi1>
    %broadcast_in_dim3A_143 = vector.broadcast %jit3A_140 : f32 to vector<2048x2xf32>
    %select_n3A_144 = arith.select %broadcast_in_dim3A_142, %add3A_136, %broadcast_in_dim3A_143 : vector<2048x2xi1>, vector<2048x2xf32>
    %add3A_145 = arith.addf %add3A_104, %select_n3A_144 : vector<2048x2xf32>
    %get3A_146 = arith.constant 3 : index
    %get3A_147 = arith.constant 0 : index
    %get3A_148 = arith.constant 0 : index
    %get3A_149 = vector.load %arg3[%get3A_146, %get3A_147, %get3A_148] : memref<8x128x512xf32, #tpu.memory_space<vmem>>, vector<1x128x512xf32>
    %get3A_150 = vector.shape_cast %get3A_149 : vector<1x128x512xf32> to vector<128x512xf32>
    %convert_element_type3A_151 = arith.truncf %get3A_150 : vector<128x512xf32> to vector<128x512xbf16>
    %dot_general3A_152 = arith.constant dense<0.000000e+00> : vector<2048x512xf32>
    %dot_general3A_153 = tpu.matmul %convert_element_type3A, %convert_element_type3A_151, %dot_general3A_152 {dimension_numbers = #tpu.dot_dimension_numbers<[1], [0], [0], [1], [0, 0, 1, 1], [], []>, transpose_lhs_hint = false} : vector<2048x128xbf16>, vector<128x512xbf16>, vector<2048x512xf32> -> vector<2048x512xf32>
    %get3A_154 = arith.constant 3 : index
    %get3A_155 = arith.constant 0 : index
    %get3A_156 = arith.constant 0 : index
    %get3A_157 = vector.load %arg4[%get3A_154, %get3A_155, %get3A_156] : memref<8x1x512xf32, #tpu.memory_space<vmem>>, vector<1x1x512xf32>
    %get3A_158 = vector.shape_cast %get3A_157 : vector<1x1x512xf32> to vector<1x512xf32>
    %add3A_159 = vector.broadcast %get3A_158 : vector<1x512xf32> to vector<2048x512xf32>
    %add3A_160 = arith.addf %dot_general3A_153, %add3A_159 : vector<2048x512xf32>
    %max3A_161 = arith.constant 0.000000e+00 : f32
    %max3A_162 = vector.broadcast %max3A_161 : f32 to vector<2048x512xf32>
    %max3A_163 = arith.maximumf %add3A_160, %max3A_162 : vector<2048x512xf32>
    %get3A_164 = arith.constant 3 : index
    %get3A_165 = arith.constant 0 : index
    %get3A_166 = arith.constant 0 : index
    %get3A_167 = vector.load %arg5[%get3A_164, %get3A_165, %get3A_166] : memref<8x512x128xf32, #tpu.memory_space<vmem>>, vector<1x512x128xf32>
    %get3A_168 = vector.shape_cast %get3A_167 : vector<1x512x128xf32> to vector<512x128xf32>
    %dot_general3A_169 = arith.constant dense<0.000000e+00> : vector<512x2xf32>
    %dot_general3A_170 = tpu.matmul %get3A_168, %get3A_18, %dot_general3A_169 {dimension_numbers = #tpu.dot_dimension_numbers<[1], [0], [0], [1], [0, 0, 1, 1], [], []>, transpose_lhs_hint = false} : vector<512x128xf32>, vector<128x2xf32>, vector<512x2xf32> -> vector<512x2xf32>
    %convert_element_type3A_171 = arith.truncf %max3A_163 : vector<2048x512xf32> to vector<2048x512xbf16>
    %convert_element_type3A_172 = arith.truncf %dot_general3A_170 : vector<512x2xf32> to vector<512x2xbf16>
    %dot_general3A_173 = arith.constant dense<0.000000e+00> : vector<2048x2xf32>
    %dot_general3A_174 = tpu.matmul %convert_element_type3A_171, %convert_element_type3A_172, %dot_general3A_173 {dimension_numbers = #tpu.dot_dimension_numbers<[1], [0], [0], [1], [0, 0, 1, 1], [], []>, transpose_lhs_hint = false} : vector<2048x512xbf16>, vector<512x2xbf16>, vector<2048x2xf32> -> vector<2048x2xf32>
    %slice3A_175 = vector.extract_strided_slice %dot_general3A_23 {offsets = [3, 0], sizes = [1, 2], strides = [1, 1]} : vector<8x2xf32> to vector<1x2xf32>
    %add3A_176 = vector.broadcast %slice3A_175 : vector<1x2xf32> to vector<2048x2xf32>
    %add3A_177 = arith.addf %dot_general3A_174, %add3A_176 : vector<2048x2xf32>
    %eq3A_178 = arith.constant 3 : i32
    %eq3A_179 = vector.broadcast %eq3A_178 : i32 to vector<2048x1xi32>
    %eq3A_180 = arith.cmpi eq, %broadcast_in_dim3A_15, %eq3A_179 : vector<2048x1xi32>
    %jit3A_181 = arith.constant 0.000000e+00 : f32
    %broadcast_in_dim3A_182 = vector.shape_cast %eq3A_180 : vector<2048x1xi1> to vector<2048x1xi1>
    %broadcast_in_dim3A_183 = vector.broadcast %broadcast_in_dim3A_182 : vector<2048x1xi1> to vector<2048x2xi1>
    %broadcast_in_dim3A_184 = vector.broadcast %jit3A_181 : f32 to vector<2048x2xf32>
    %select_n3A_185 = arith.select %broadcast_in_dim3A_183, %add3A_177, %broadcast_in_dim3A_184 : vector<2048x2xi1>, vector<2048x2xf32>
    %add3A_186 = arith.addf %add3A_145, %select_n3A_185 : vector<2048x2xf32>
    %get3A_187 = arith.constant 4 : index
    %get3A_188 = arith.constant 0 : index
    %get3A_189 = arith.constant 0 : index
    %get3A_190 = vector.load %arg3[%get3A_187, %get3A_188, %get3A_189] : memref<8x128x512xf32, #tpu.memory_space<vmem>>, vector<1x128x512xf32>
    %get3A_191 = vector.shape_cast %get3A_190 : vector<1x128x512xf32> to vector<128x512xf32>
    %convert_element_type3A_192 = arith.truncf %get3A_191 : vector<128x512xf32> to vector<128x512xbf16>
    %dot_general3A_193 = arith.constant dense<0.000000e+00> : vector<2048x512xf32>
    %dot_general3A_194 = tpu.matmul %convert_element_type3A, %convert_element_type3A_192, %dot_general3A_193 {dimension_numbers = #tpu.dot_dimension_numbers<[1], [0], [0], [1], [0, 0, 1, 1], [], []>, transpose_lhs_hint = false} : vector<2048x128xbf16>, vector<128x512xbf16>, vector<2048x512xf32> -> vector<2048x512xf32>
    %get3A_195 = arith.constant 4 : index
    %get3A_196 = arith.constant 0 : index
    %get3A_197 = arith.constant 0 : index
    %get3A_198 = vector.load %arg4[%get3A_195, %get3A_196, %get3A_197] : memref<8x1x512xf32, #tpu.memory_space<vmem>>, vector<1x1x512xf32>
    %get3A_199 = vector.shape_cast %get3A_198 : vector<1x1x512xf32> to vector<1x512xf32>
    %add3A_200 = vector.broadcast %get3A_199 : vector<1x512xf32> to vector<2048x512xf32>
    %add3A_201 = arith.addf %dot_general3A_194, %add3A_200 : vector<2048x512xf32>
    %max3A_202 = arith.constant 0.000000e+00 : f32
    %max3A_203 = vector.broadcast %max3A_202 : f32 to vector<2048x512xf32>
    %max3A_204 = arith.maximumf %add3A_201, %max3A_203 : vector<2048x512xf32>
    %get3A_205 = arith.constant 4 : index
    %get3A_206 = arith.constant 0 : index
    %get3A_207 = arith.constant 0 : index
    %get3A_208 = vector.load %arg5[%get3A_205, %get3A_206, %get3A_207] : memref<8x512x128xf32, #tpu.memory_space<vmem>>, vector<1x512x128xf32>
    %get3A_209 = vector.shape_cast %get3A_208 : vector<1x512x128xf32> to vector<512x128xf32>
    %dot_general3A_210 = arith.constant dense<0.000000e+00> : vector<512x2xf32>
    %dot_general3A_211 = tpu.matmul %get3A_209, %get3A_18, %dot_general3A_210 {dimension_numbers = #tpu.dot_dimension_numbers<[1], [0], [0], [1], [0, 0, 1, 1], [], []>, transpose_lhs_hint = false} : vector<512x128xf32>, vector<128x2xf32>, vector<512x2xf32> -> vector<512x2xf32>
    %convert_element_type3A_212 = arith.truncf %max3A_204 : vector<2048x512xf32> to vector<2048x512xbf16>
    %convert_element_type3A_213 = arith.truncf %dot_general3A_211 : vector<512x2xf32> to vector<512x2xbf16>
    %dot_general3A_214 = arith.constant dense<0.000000e+00> : vector<2048x2xf32>
    %dot_general3A_215 = tpu.matmul %convert_element_type3A_212, %convert_element_type3A_213, %dot_general3A_214 {dimension_numbers = #tpu.dot_dimension_numbers<[1], [0], [0], [1], [0, 0, 1, 1], [], []>, transpose_lhs_hint = false} : vector<2048x512xbf16>, vector<512x2xbf16>, vector<2048x2xf32> -> vector<2048x2xf32>
    %slice3A_216 = vector.extract_strided_slice %dot_general3A_23 {offsets = [4, 0], sizes = [1, 2], strides = [1, 1]} : vector<8x2xf32> to vector<1x2xf32>
    %add3A_217 = vector.broadcast %slice3A_216 : vector<1x2xf32> to vector<2048x2xf32>
    %add3A_218 = arith.addf %dot_general3A_215, %add3A_217 : vector<2048x2xf32>
    %eq3A_219 = arith.constant 4 : i32
    %eq3A_220 = vector.broadcast %eq3A_219 : i32 to vector<2048x1xi32>
    %eq3A_221 = arith.cmpi eq, %broadcast_in_dim3A_15, %eq3A_220 : vector<2048x1xi32>
    %jit3A_222 = arith.constant 0.000000e+00 : f32
    %broadcast_in_dim3A_223 = vector.shape_cast %eq3A_221 : vector<2048x1xi1> to vector<2048x1xi1>
    %broadcast_in_dim3A_224 = vector.broadcast %broadcast_in_dim3A_223 : vector<2048x1xi1> to vector<2048x2xi1>
    %broadcast_in_dim3A_225 = vector.broadcast %jit3A_222 : f32 to vector<2048x2xf32>
    %select_n3A_226 = arith.select %broadcast_in_dim3A_224, %add3A_218, %broadcast_in_dim3A_225 : vector<2048x2xi1>, vector<2048x2xf32>
    %add3A_227 = arith.addf %add3A_186, %select_n3A_226 : vector<2048x2xf32>
    %get3A_228 = arith.constant 5 : index
    %get3A_229 = arith.constant 0 : index
    %get3A_230 = arith.constant 0 : index
    %get3A_231 = vector.load %arg3[%get3A_228, %get3A_229, %get3A_230] : memref<8x128x512xf32, #tpu.memory_space<vmem>>, vector<1x128x512xf32>
    %get3A_232 = vector.shape_cast %get3A_231 : vector<1x128x512xf32> to vector<128x512xf32>
    %convert_element_type3A_233 = arith.truncf %get3A_232 : vector<128x512xf32> to vector<128x512xbf16>
    %dot_general3A_234 = arith.constant dense<0.000000e+00> : vector<2048x512xf32>
    %dot_general3A_235 = tpu.matmul %convert_element_type3A, %convert_element_type3A_233, %dot_general3A_234 {dimension_numbers = #tpu.dot_dimension_numbers<[1], [0], [0], [1], [0, 0, 1, 1], [], []>, transpose_lhs_hint = false} : vector<2048x128xbf16>, vector<128x512xbf16>, vector<2048x512xf32> -> vector<2048x512xf32>
    %get3A_236 = arith.constant 5 : index
    %get3A_237 = arith.constant 0 : index
    %get3A_238 = arith.constant 0 : index
    %get3A_239 = vector.load %arg4[%get3A_236, %get3A_237, %get3A_238] : memref<8x1x512xf32, #tpu.memory_space<vmem>>, vector<1x1x512xf32>
    %get3A_240 = vector.shape_cast %get3A_239 : vector<1x1x512xf32> to vector<1x512xf32>
    %add3A_241 = vector.broadcast %get3A_240 : vector<1x512xf32> to vector<2048x512xf32>
    %add3A_242 = arith.addf %dot_general3A_235, %add3A_241 : vector<2048x512xf32>
    %max3A_243 = arith.constant 0.000000e+00 : f32
    %max3A_244 = vector.broadcast %max3A_243 : f32 to vector<2048x512xf32>
    %max3A_245 = arith.maximumf %add3A_242, %max3A_244 : vector<2048x512xf32>
    %get3A_246 = arith.constant 5 : index
    %get3A_247 = arith.constant 0 : index
    %get3A_248 = arith.constant 0 : index
    %get3A_249 = vector.load %arg5[%get3A_246, %get3A_247, %get3A_248] : memref<8x512x128xf32, #tpu.memory_space<vmem>>, vector<1x512x128xf32>
    %get3A_250 = vector.shape_cast %get3A_249 : vector<1x512x128xf32> to vector<512x128xf32>
    %dot_general3A_251 = arith.constant dense<0.000000e+00> : vector<512x2xf32>
    %dot_general3A_252 = tpu.matmul %get3A_250, %get3A_18, %dot_general3A_251 {dimension_numbers = #tpu.dot_dimension_numbers<[1], [0], [0], [1], [0, 0, 1, 1], [], []>, transpose_lhs_hint = false} : vector<512x128xf32>, vector<128x2xf32>, vector<512x2xf32> -> vector<512x2xf32>
    %convert_element_type3A_253 = arith.truncf %max3A_245 : vector<2048x512xf32> to vector<2048x512xbf16>
    %convert_element_type3A_254 = arith.truncf %dot_general3A_252 : vector<512x2xf32> to vector<512x2xbf16>
    %dot_general3A_255 = arith.constant dense<0.000000e+00> : vector<2048x2xf32>
    %dot_general3A_256 = tpu.matmul %convert_element_type3A_253, %convert_element_type3A_254, %dot_general3A_255 {dimension_numbers = #tpu.dot_dimension_numbers<[1], [0], [0], [1], [0, 0, 1, 1], [], []>, transpose_lhs_hint = false} : vector<2048x512xbf16>, vector<512x2xbf16>, vector<2048x2xf32> -> vector<2048x2xf32>
    %slice3A_257 = vector.extract_strided_slice %dot_general3A_23 {offsets = [5, 0], sizes = [1, 2], strides = [1, 1]} : vector<8x2xf32> to vector<1x2xf32>
    %add3A_258 = vector.broadcast %slice3A_257 : vector<1x2xf32> to vector<2048x2xf32>
    %add3A_259 = arith.addf %dot_general3A_256, %add3A_258 : vector<2048x2xf32>
    %eq3A_260 = arith.constant 5 : i32
    %eq3A_261 = vector.broadcast %eq3A_260 : i32 to vector<2048x1xi32>
    %eq3A_262 = arith.cmpi eq, %broadcast_in_dim3A_15, %eq3A_261 : vector<2048x1xi32>
    %jit3A_263 = arith.constant 0.000000e+00 : f32
    %broadcast_in_dim3A_264 = vector.shape_cast %eq3A_262 : vector<2048x1xi1> to vector<2048x1xi1>
    %broadcast_in_dim3A_265 = vector.broadcast %broadcast_in_dim3A_264 : vector<2048x1xi1> to vector<2048x2xi1>
    %broadcast_in_dim3A_266 = vector.broadcast %jit3A_263 : f32 to vector<2048x2xf32>
    %select_n3A_267 = arith.select %broadcast_in_dim3A_265, %add3A_259, %broadcast_in_dim3A_266 : vector<2048x2xi1>, vector<2048x2xf32>
    %add3A_268 = arith.addf %add3A_227, %select_n3A_267 : vector<2048x2xf32>
    %get3A_269 = arith.constant 6 : index
    %get3A_270 = arith.constant 0 : index
    %get3A_271 = arith.constant 0 : index
    %get3A_272 = vector.load %arg3[%get3A_269, %get3A_270, %get3A_271] : memref<8x128x512xf32, #tpu.memory_space<vmem>>, vector<1x128x512xf32>
    %get3A_273 = vector.shape_cast %get3A_272 : vector<1x128x512xf32> to vector<128x512xf32>
    %convert_element_type3A_274 = arith.truncf %get3A_273 : vector<128x512xf32> to vector<128x512xbf16>
    %dot_general3A_275 = arith.constant dense<0.000000e+00> : vector<2048x512xf32>
    %dot_general3A_276 = tpu.matmul %convert_element_type3A, %convert_element_type3A_274, %dot_general3A_275 {dimension_numbers = #tpu.dot_dimension_numbers<[1], [0], [0], [1], [0, 0, 1, 1], [], []>, transpose_lhs_hint = false} : vector<2048x128xbf16>, vector<128x512xbf16>, vector<2048x512xf32> -> vector<2048x512xf32>
    %get3A_277 = arith.constant 6 : index
    %get3A_278 = arith.constant 0 : index
    %get3A_279 = arith.constant 0 : index
    %get3A_280 = vector.load %arg4[%get3A_277, %get3A_278, %get3A_279] : memref<8x1x512xf32, #tpu.memory_space<vmem>>, vector<1x1x512xf32>
    %get3A_281 = vector.shape_cast %get3A_280 : vector<1x1x512xf32> to vector<1x512xf32>
    %add3A_282 = vector.broadcast %get3A_281 : vector<1x512xf32> to vector<2048x512xf32>
    %add3A_283 = arith.addf %dot_general3A_276, %add3A_282 : vector<2048x512xf32>
    %max3A_284 = arith.constant 0.000000e+00 : f32
    %max3A_285 = vector.broadcast %max3A_284 : f32 to vector<2048x512xf32>
    %max3A_286 = arith.maximumf %add3A_283, %max3A_285 : vector<2048x512xf32>
    %get3A_287 = arith.constant 6 : index
    %get3A_288 = arith.constant 0 : index
    %get3A_289 = arith.constant 0 : index
    %get3A_290 = vector.load %arg5[%get3A_287, %get3A_288, %get3A_289] : memref<8x512x128xf32, #tpu.memory_space<vmem>>, vector<1x512x128xf32>
    %get3A_291 = vector.shape_cast %get3A_290 : vector<1x512x128xf32> to vector<512x128xf32>
    %dot_general3A_292 = arith.constant dense<0.000000e+00> : vector<512x2xf32>
    %dot_general3A_293 = tpu.matmul %get3A_291, %get3A_18, %dot_general3A_292 {dimension_numbers = #tpu.dot_dimension_numbers<[1], [0], [0], [1], [0, 0, 1, 1], [], []>, transpose_lhs_hint = false} : vector<512x128xf32>, vector<128x2xf32>, vector<512x2xf32> -> vector<512x2xf32>
    %convert_element_type3A_294 = arith.truncf %max3A_286 : vector<2048x512xf32> to vector<2048x512xbf16>
    %convert_element_type3A_295 = arith.truncf %dot_general3A_293 : vector<512x2xf32> to vector<512x2xbf16>
    %dot_general3A_296 = arith.constant dense<0.000000e+00> : vector<2048x2xf32>
    %dot_general3A_297 = tpu.matmul %convert_element_type3A_294, %convert_element_type3A_295, %dot_general3A_296 {dimension_numbers = #tpu.dot_dimension_numbers<[1], [0], [0], [1], [0, 0, 1, 1], [], []>, transpose_lhs_hint = false} : vector<2048x512xbf16>, vector<512x2xbf16>, vector<2048x2xf32> -> vector<2048x2xf32>
    %slice3A_298 = vector.extract_strided_slice %dot_general3A_23 {offsets = [6, 0], sizes = [1, 2], strides = [1, 1]} : vector<8x2xf32> to vector<1x2xf32>
    %add3A_299 = vector.broadcast %slice3A_298 : vector<1x2xf32> to vector<2048x2xf32>
    %add3A_300 = arith.addf %dot_general3A_297, %add3A_299 : vector<2048x2xf32>
    %eq3A_301 = arith.constant 6 : i32
    %eq3A_302 = vector.broadcast %eq3A_301 : i32 to vector<2048x1xi32>
    %eq3A_303 = arith.cmpi eq, %broadcast_in_dim3A_15, %eq3A_302 : vector<2048x1xi32>
    %jit3A_304 = arith.constant 0.000000e+00 : f32
    %broadcast_in_dim3A_305 = vector.shape_cast %eq3A_303 : vector<2048x1xi1> to vector<2048x1xi1>
    %broadcast_in_dim3A_306 = vector.broadcast %broadcast_in_dim3A_305 : vector<2048x1xi1> to vector<2048x2xi1>
    %broadcast_in_dim3A_307 = vector.broadcast %jit3A_304 : f32 to vector<2048x2xf32>
    %select_n3A_308 = arith.select %broadcast_in_dim3A_306, %add3A_300, %broadcast_in_dim3A_307 : vector<2048x2xi1>, vector<2048x2xf32>
    %add3A_309 = arith.addf %add3A_268, %select_n3A_308 : vector<2048x2xf32>
    %get3A_310 = arith.constant 7 : index
    %get3A_311 = arith.constant 0 : index
    %get3A_312 = arith.constant 0 : index
    %get3A_313 = vector.load %arg3[%get3A_310, %get3A_311, %get3A_312] : memref<8x128x512xf32, #tpu.memory_space<vmem>>, vector<1x128x512xf32>
    %get3A_314 = vector.shape_cast %get3A_313 : vector<1x128x512xf32> to vector<128x512xf32>
    %convert_element_type3A_315 = arith.truncf %get3A_314 : vector<128x512xf32> to vector<128x512xbf16>
    %dot_general3A_316 = arith.constant dense<0.000000e+00> : vector<2048x512xf32>
    %dot_general3A_317 = tpu.matmul %convert_element_type3A, %convert_element_type3A_315, %dot_general3A_316 {dimension_numbers = #tpu.dot_dimension_numbers<[1], [0], [0], [1], [0, 0, 1, 1], [], []>, transpose_lhs_hint = false} : vector<2048x128xbf16>, vector<128x512xbf16>, vector<2048x512xf32> -> vector<2048x512xf32>
    %get3A_318 = arith.constant 7 : index
    %get3A_319 = arith.constant 0 : index
    %get3A_320 = arith.constant 0 : index
    %get3A_321 = vector.load %arg4[%get3A_318, %get3A_319, %get3A_320] : memref<8x1x512xf32, #tpu.memory_space<vmem>>, vector<1x1x512xf32>
    %get3A_322 = vector.shape_cast %get3A_321 : vector<1x1x512xf32> to vector<1x512xf32>
    %add3A_323 = vector.broadcast %get3A_322 : vector<1x512xf32> to vector<2048x512xf32>
    %add3A_324 = arith.addf %dot_general3A_317, %add3A_323 : vector<2048x512xf32>
    %max3A_325 = arith.constant 0.000000e+00 : f32
    %max3A_326 = vector.broadcast %max3A_325 : f32 to vector<2048x512xf32>
    %max3A_327 = arith.maximumf %add3A_324, %max3A_326 : vector<2048x512xf32>
    %get3A_328 = arith.constant 7 : index
    %get3A_329 = arith.constant 0 : index
    %get3A_330 = arith.constant 0 : index
    %get3A_331 = vector.load %arg5[%get3A_328, %get3A_329, %get3A_330] : memref<8x512x128xf32, #tpu.memory_space<vmem>>, vector<1x512x128xf32>
    %get3A_332 = vector.shape_cast %get3A_331 : vector<1x512x128xf32> to vector<512x128xf32>
    %dot_general3A_333 = arith.constant dense<0.000000e+00> : vector<512x2xf32>
    %dot_general3A_334 = tpu.matmul %get3A_332, %get3A_18, %dot_general3A_333 {dimension_numbers = #tpu.dot_dimension_numbers<[1], [0], [0], [1], [0, 0, 1, 1], [], []>, transpose_lhs_hint = false} : vector<512x128xf32>, vector<128x2xf32>, vector<512x2xf32> -> vector<512x2xf32>
    %convert_element_type3A_335 = arith.truncf %max3A_327 : vector<2048x512xf32> to vector<2048x512xbf16>
    %convert_element_type3A_336 = arith.truncf %dot_general3A_334 : vector<512x2xf32> to vector<512x2xbf16>
    %dot_general3A_337 = arith.constant dense<0.000000e+00> : vector<2048x2xf32>
    %dot_general3A_338 = tpu.matmul %convert_element_type3A_335, %convert_element_type3A_336, %dot_general3A_337 {dimension_numbers = #tpu.dot_dimension_numbers<[1], [0], [0], [1], [0, 0, 1, 1], [], []>, transpose_lhs_hint = false} : vector<2048x512xbf16>, vector<512x2xbf16>, vector<2048x2xf32> -> vector<2048x2xf32>
    %slice3A_339 = vector.extract_strided_slice %dot_general3A_23 {offsets = [7, 0], sizes = [1, 2], strides = [1, 1]} : vector<8x2xf32> to vector<1x2xf32>
    %add3A_340 = vector.broadcast %slice3A_339 : vector<1x2xf32> to vector<2048x2xf32>
    %add3A_341 = arith.addf %dot_general3A_338, %add3A_340 : vector<2048x2xf32>
    %eq3A_342 = arith.constant 7 : i32
    %eq3A_343 = vector.broadcast %eq3A_342 : i32 to vector<2048x1xi32>
    %eq3A_344 = arith.cmpi eq, %broadcast_in_dim3A_15, %eq3A_343 : vector<2048x1xi32>
    %jit3A_345 = arith.constant 0.000000e+00 : f32
    %broadcast_in_dim3A_346 = vector.shape_cast %eq3A_344 : vector<2048x1xi1> to vector<2048x1xi1>
    %broadcast_in_dim3A_347 = vector.broadcast %broadcast_in_dim3A_346 : vector<2048x1xi1> to vector<2048x2xi1>
    %broadcast_in_dim3A_348 = vector.broadcast %jit3A_345 : f32 to vector<2048x2xf32>
    %select_n3A_349 = arith.select %broadcast_in_dim3A_347, %add3A_341, %broadcast_in_dim3A_348 : vector<2048x2xi1>, vector<2048x2xf32>
    %add3A_350 = arith.addf %add3A_309, %select_n3A_349 : vector<2048x2xf32>
    %mul3A = vector.broadcast %div3A_11 : vector<2048x1xf32> to vector<2048x2xf32>
    %mul3A_351 = arith.mulf %mul3A, %add3A_350 : vector<2048x2xf32>
    %get3A_352 = arith.constant 0 : index
    %get3A_353 = arith.constant 0 : index
    %get3A_354 = vector.load %arg8[%get3A_352, %get3A_353] : memref<1x2xf32, #tpu.memory_space<vmem>>, vector<1x2xf32>
    %add3A_355 = vector.broadcast %get3A_354 : vector<1x2xf32> to vector<2048x2xf32>
    %add3A_356 = arith.addf %mul3A_351, %add3A_355 : vector<2048x2xf32>
    %reduce_max3A_357 = arith.constant dense<0xFF800000> : vector<2048xf32>
    %reduce_max3A_358 = vector.multi_reduction <maximumf>, %add3A_356, %reduce_max3A_357 [1] : vector<2048x2xf32> to vector<2048xf32>
    %broadcast_in_dim3A_359 = vector.shape_cast %reduce_max3A_358 : vector<2048xf32> to vector<2048x1xf32>
    %sub3A_360 = vector.broadcast %broadcast_in_dim3A_359 : vector<2048x1xf32> to vector<2048x2xf32>
    %sub3A_361 = arith.subf %add3A_356, %sub3A_360 : vector<2048x2xf32>
    %exp3A_362 = math.exp %sub3A_361 : vector<2048x2xf32>
    %reduce_sum3A_363 = arith.constant dense<0.000000e+00> : vector<2048xf32>
    %reduce_sum3A_364 = vector.multi_reduction <add>, %exp3A_362, %reduce_sum3A_363 [1] : vector<2048x2xf32> to vector<2048xf32>
    %broadcast_in_dim3A_365 = vector.shape_cast %reduce_sum3A_364 : vector<2048xf32> to vector<2048x1xf32>
    %log3A = math.log %broadcast_in_dim3A_365 : vector<2048x1xf32>
    %add3A_366 = arith.addf %broadcast_in_dim3A_359, %log3A : vector<2048x1xf32>
    %sub3A_367 = vector.broadcast %add3A_366 : vector<2048x1xf32> to vector<2048x2xf32>
    %sub3A_368 = arith.subf %add3A_356, %sub3A_367 : vector<2048x2xf32>
    %swap3A = arith.constant 0 : index
    %swap3A_369 = arith.constant 0 : index
    %swap3A_370 = vector.load %arg9[%swap3A, %swap3A_369] : memref<2048x2xf32, #tpu.memory_space<vmem>>, vector<2048x2xf32>
    tpu.vector_store %arg9[%swap3A, %swap3A_369], %sub3A_368 {strides = array<i32>} : memref<2048x2xf32, #tpu.memory_space<vmem>>, vector<2048x2xf32>,
    return
  }
  func.func @transform_0(%arg0: i32) -> (i32, i32) {
    %c0_i32 = arith.constant 0 : i32
    %c0_i32_0 = arith.constant 0 : i32
    return %arg0, %c0_i32 : i32, i32
  }
  func.func @transform_1(%arg0: i32) -> (i32, i32) {
    %c0_i32 = arith.constant 0 : i32
    %c0_i32_0 = arith.constant 0 : i32
    %c0_i32_1 = arith.constant 0 : i32
    return %c0_i32, %c0_i32_0 : i32, i32
  }
  func.func @transform_2(%arg0: i32) -> (i32, i32, i32) {
    %c0_i32 = arith.constant 0 : i32
    %c0_i32_0 = arith.constant 0 : i32
    %c0_i32_1 = arith.constant 0 : i32
    %c0_i32_2 = arith.constant 0 : i32
    return %c0_i32, %c0_i32_0, %c0_i32_1 : i32, i32, i32
  }
  func.func @transform_3(%arg0: i32) -> (i32, i32, i32) {
    %c0_i32 = arith.constant 0 : i32
    %c0_i32_0 = arith.constant 0 : i32
    %c0_i32_1 = arith.constant 0 : i32
    %c0_i32_2 = arith.constant 0 : i32
    return %c0_i32, %c0_i32_0, %c0_i32_1 : i32, i32, i32
  }
  func.func @transform_4(%arg0: i32) -> (i32, i32, i32) {
    %c0_i32 = arith.constant 0 : i32
    %c0_i32_0 = arith.constant 0 : i32
    %c0_i32_1 = arith.constant 0 : i32
    %c0_i32_2 = arith.constant 0 : i32
    return %c0_i32, %c0_i32_0, %c0_i32_1 : i32, i32, i32
  }
  func.func @transform_5(%arg0: i32) -> (i32, i32) {
    %c0_i32 = arith.constant 0 : i32
    %c0_i32_0 = arith.constant 0 : i32
    %c0_i32_1 = arith.constant 0 : i32
    return %c0_i32, %c0_i32_0 : i32, i32
  }
  func.func @transform_6(%arg0: i32) -> (i32, i32) {
    %c0_i32 = arith.constant 0 : i32
    %c0_i32_0 = arith.constant 0 : i32
    %c0_i32_1 = arith.constant 0 : i32
    return %c0_i32, %c0_i32_0 : i32, i32
  }
  func.func @transform_7(%arg0: i32) -> (i32, i32) {
    %c0_i32 = arith.constant 0 : i32
    %c0_i32_0 = arith.constant 0 : i32
    %c0_i32_1 = arith.constant 0 : i32
    return %c0_i32, %c0_i32_0 : i32, i32
  }
  func.func @transform_8(%arg0: i32) -> (i32, i32) {
    %c0_i32 = arith.constant 0 : i32
    %c0_i32_0 = arith.constant 0 : i32
    return %arg0, %c0_i32 : i32, i32
  }
}

</mosaic_0001>

<sc_bundles>
// kernel: kernel.4.cloned.1.call-start
scs
__scs_entry_jumppad:
0x0: {  	(pc) =	sbr.rel $0x88, $3  }
0x1: {  	(tag) =	ssettag $0x0;
	lr =	simm.s32 $0x1  }
0x2: {  	[smem:$0x3F98] =	sst lr;
	_ =	strace $0xD0000000  }
0x3: {  	_ = 	snop  }
0x4: {  	_ = 	snop  }
0x5: {  	_ = 	snop  }
0x6: {  	_ = 	snop  }
0x7: {  	_ = 	snop  }
__scs_overlays_trampoline_lowered:
0x8: {  	[smem:$0x3FA7] =	sst s0  }
0x9: {  	[smem:$0x3FA8] =	sst s1  }
0xa: {  	[smem:$0x3FA9] =	sst s2  }
0xb: {  	[smem:$0x3FAA] =	sst s3  }
0xc: {  	[smem:$0x3FAB] =	sst s4  }
0xd: {  	[smem:$0x3FAC] =	sst s5  }
0xe: {  	[smem:$0x3FAD] =	sst s6  }
0xf: {  	[smem:$0x3FAE] =	sst s7  }
0x10: {  	[smem:$0x3FAF] =	sst s8  }
0x11: {  	[smem:$0x3FB0] =	sst s9;
	s0 =	simm.s32 @!p0 $0x0  }
0x12: {  	s1 =	sld [smem:$0x3F96];
	s0 =	simm.s32 @p0 $0x1  }
0x13: {  	[smem:$0x3FB1] =	sst s0;
	s0 =	simm.s32 @!p1 $0x0  }
0x14: {  	s2 =	sld [smem:$0x3F95];
	s0 =	simm.s32 @p1 $0x1  }
0x15: {  	[smem:$0x3FB2] =	sst s0;
	s0 =	simm.s32 @!p2 $0x0  }
0x16: {  	s3 =	sld [smem:$0x3FDB];
	s0 =	simm.s32 @p2 $0x1  }
0x17: {  	s4 =	simm.s32 $0x1BF5;
	[smem:$0x3FB4] =	sst s0  }
0x18: {  	s0 =	sld [smem:$0x3F97];
	_ =	swait.ge [sflag:s4], $0x0  }
0x19: {  	s7 =	sld [smem:$0x3F98]  }
0x1a: {  	s8 =	sadd.s32 $0xFFFFE003, lr  }
0x1b: {  	s9 =	sadd.s32 $0xFFFFFEF7, lr;
	s5 =	simm.s32 $0xFFFFFFFF;
	p2 =	slt.u32 s8, $0xFFFFF086  }
0x1c: {  	p1 =	slt.u32 s9, $0xF7A;
	s5 =	simm.s32 @!p2 $0x0  }
0x1d: {  	s5 =	simm.s32 @p1 $0x1;
	p0 =	seq.s32 s7, s2  }
0x1e: {  	s7 =	smul.u32 @!p0 $0xF7A, s2;
	p2 =	seq.s32 @!p0 s5, $0x0  }
0x1f: {  	s9 =	smul.u32 $0xF7A, s1;
	s8 =	simm.s32 @!p0 $0x1BF5;
	p2 =	por !p2, p0  }
0x20: {  	[sflag:s8] =	ssyncset.s32 @!p0 $0xFFFFF086;
	s6 =	sadd.s32 @!p0 s3, s7;
	s7 =	simm.s32 @!p0 $0x108  }
0x21: {  	s3 =	sadd.s32 s3, s9;
	s6 =	sadd.s32 @!p0 $0x88, s6;
	s7 =	simm.s32 @p2 $0x1082  }
0x22: {  	[simem:s7], [sflag:s8] =	dma.local @!p0 [hbm:s6], $0xF7A  }
0x23: {  	s9 =	sor.u32 $0xD0000000, s2;
	s6 =	simm.s32 $0x108;
	_ =	swait.ge @!p0 [sflag:s8], $0x0  }
0x24: {  	s3 =	sadd.s32 $0x88, s3;
	s6 =	simm.s32 @!p1 $0x1082;
	[sflag:s4] =	ssyncset.s32 $0xFFFFF086  }
0x25: {  	[simem:s6], [sflag:s4] =	dma.local [hbm:s3], $0xF7A  }
0x26: {  	[smem:$0x3F98] =	sst s1;
	(tag) =	ssettag s2;
	_ =	strace s9  }
0x27: {  	s1 =	sld [smem:$0x3FA8]  }
0x28: {  	s2 =	sld [smem:$0x3FA9]  }
0x29: {  	s4 =	sld [smem:$0x3FAB]  }
0x2a: {  	p0 =	seq.s32 s5, $0x0;
	s5 =	sld [smem:$0x3FAC]  }
0x2b: {  	s6 =	sld [smem:$0x3FAD]  }
0x2c: {  	s7 =	sld [smem:$0x3FAE]  }
0x2d: {  	s3 =	simm.s32 $0x108;
	s8 =	sld [smem:$0x3FAF]  }
0x2e: {  	s3 =	simm.s32 @!p0 $0x1082;
	s9 =	sld [smem:$0x3FB0]  }
0x2f: {  	lr =	sadd.s32 s0, s3;
	s0 =	sld [smem:$0x3FA7]  }
0x30: {  	s3 =	sld [smem:$0x3FAA]  }
0x31: {  	[smem:$0x3FB3] =	sst s10  }
0x32: {  	s10 =	sld [smem:$0x3FB1];
	_ =	sdelay $0x3  }
0x33: {  	p0 =	seq.s32 s10, $0x1;
	s10 =	sld [smem:$0x3FB3];
	_ =	sdelay $0x3  }
0x34: {  	[smem:$0x3FB3] =	sst s10  }
0x35: {  	s10 =	sld [smem:$0x3FB2];
	_ =	sdelay $0x3  }
0x36: {  	p1 =	seq.s32 s10, $0x1;
	s10 =	sld [smem:$0x3FB3];
	_ =	sdelay $0x3  }
0x37: {  	[smem:$0x3FB3] =	sst s10  }
0x38: {  	s10 =	sld [smem:$0x3FB4]  }
0x39: {  	_ = 	snop;
	(pc) =	sbr.ind lr, $3  }
0x3a: {  	_ = 	snop  }
0x3b: {  	_ = 	snop  }
0x3c: {  	p2 =	seq.s32 s10, $0x1;
	s10 =	sld [smem:$0x3FB3]  }
0x3d: {  	_ =	shalt  }
0x3e: {  	_ =	shalt  }
0x3f: {  	_ =	shalt  }
0x40: {  	_ =	shalt  }
0x41: {  	_ =	shalt  }
0x42: {  	_ =	shalt  }
0x43: {  	_ =	shalt  }
0x44: {  	_ =	shalt  }
0x45: {  	_ =	shalt  }
0x46: {  	_ =	shalt  }
0x47: {  	_ =	shalt  }
0x48: {  	_ =	shalt  }
0x49: {  	_ =	shalt  }
0x4a: {  	_ =	shalt  }
0x4b: {  	_ =	shalt  }
0x4c: {  	_ =	shalt  }
0x4d: {  	_ =	shalt  }
0x4e: {  	_ =	shalt  }
0x4f: {  	_ =	shalt  }
0x50: {  	_ =	shalt  }
0x51: {  	_ =	shalt  }
0x52: {  	_ =	shalt  }
0x53: {  	_ =	shalt  }
0x54: {  	_ =	shalt  }
0x55: {  	_ =	shalt  }
0x56: {  	_ =	shalt  }
0x57: {  	_ =	shalt  }
0x58: {  	_ =	shalt  }
0x59: {  	_ =	shalt  }
0x5a: {  	_ =	shalt  }
0x5b: {  	_ =	shalt  }
0x5c: {  	_ =	shalt  }
0x5d: {  	_ =	shalt  }
0x5e: {  	_ =	shalt  }
0x5f: {  	_ =	shalt  }
0x60: {  	_ =	shalt  }
0x61: {  	_ =	shalt  }
0x62: {  	_ =	shalt  }
0x63: {  	_ =	shalt  }
0x64: {  	_ =	shalt  }
0x65: {  	_ =	shalt  }
0x66: {  	_ =	shalt  }
0x67: {  	_ =	shalt  }
0x68: {  	_ =	shalt  }
0x69: {  	_ =	shalt  }
0x6a: {  	_ =	shalt  }
0x6b: {  	_ =	shalt  }
0x6c: {  	_ =	shalt  }
0x6d: {  	_ =	shalt  }
0x6e: {  	_ =	shalt  }
0x6f: {  	_ =	shalt  }
0x70: {  	_ =	shalt  }
0x71: {  	_ =	shalt  }
0x72: {  	_ =	shalt  }
0x73: {  	_ =	shalt  }
0x74: {  	_ =	shalt  }
0x75: {  	_ =	shalt  }
0x76: {  	_ =	shalt  }
0x77: {  	_ =	shalt  }
0x78: {  	_ =	shalt  }
0x79: {  	_ =	shalt  }
0x7a: {  	_ =	shalt  }
0x7b: {  	_ =	shalt  }
0x7c: {  	_ =	shalt  }
0x7d: {  	_ =	shalt  }
0x7e: {  	_ =	shalt  }
0x7f: {  	_ =	shalt  }
0x80: {  	_ =	shalt  }
0x81: {  	_ =	shalt  }
0x82: {  	_ =	shalt  }
0x83: {  	_ =	shalt  }
0x84: {  	_ =	shalt  }
0x85: {  	_ =	shalt  }
0x86: {  	_ =	shalt  }
0x87: {  	_ =	shalt  }
.Lfunc_end0:
.L_simem_size_0:
called_computation_lowered:
.L_overlay_start_0:
0x88: {  	s2 =	sld [smem:$0x3FD9]  }
0x89: {  	s3 =	sld [smem:$0x3FFE];
	_ =	sdelay $0x1  }
0x8a: {  	s1 =	srdreg.scid  }
0x8b: {  	s0 =	sand.u32 $0x1, s1  }
0x8c: {  	s17 =	sshll.u32 s0, $0xA;
	s2 =	sadd.s32 s3, s2  }
0x8d: {  	s2 =	sadd.s32 s2, s17  }
0x8e: {  	[smem:$0x3FBF] =	sst s2  }
0x8f: {  	_ = 	snop  }
0x90: {  	s2 =	sld [smem:$0x3FC8];
	(tm) =	ssettm $0x1  }
0x91: {  	s18 =	sld [smem:$0x3FFB];
	_ =	sdelay $0x3  }
0x92: {  	_ =	strace s18  }
0x93: {  	s3 =	sld [smem:$0x3FFC];
	_ =	sdelay $0x3  }
0x94: {  	_ =	strace s3  }
0x95: {  	s3 =	sld [smem:$0x3FFD];
	_ =	sdelay $0x3  }
0x96: {  	_ =	strace s3  }
0x97: {  	_ =	strace $0x8FFFFFFF  }
0x98: {  	s19 =	sld [smem:$0x3FDB];
	_ =	sdelay $0x1  }
0x99: {  	s4 =	simm.s32 $_scs_section_size  }
0x9a: {  	s5 =	simm.s32 $_size__tile_overlayer_lowered;
	s6 =	simm.s32 $_tile_overlayer_lowered  }
0x9b: {  	s22 =	simm.s32 $0x1BFF;
	s21 =	sshll.u32 s6, $0x1;
	s3 =	sadd.s32 s4, s19  }
0x9c: {  	s7 =	simm.s32 $0x0;
	s20 =	sshll.u32 s5, $0x1;
	s5 =	sadd.s32 s21, s3  }
0x9d: {  	[timem:s7], [sflag:s22] =	dma.local [hbm:s5], s20  }
0x9e: {  	_ =	swait.ge [sflag:s22], s20  }
0x9f: {  	s4 =	ssub.s32 $0x0, s20;
	[sflag:s22] =	ssyncset.done $0x0  }
0xa0: {  	[sflag:s22] =	ssyncadd.s32 s4;
	_ =	sdelay $0x1  }
0xa1: {  	s23 =	simm.s32 $0x1B8B  }
0xa2: {  	_ =	swait.ge [sflag:s23], $0x1  }
0xa3: {  	[sflag:s23] =	ssyncset.done $0x0  }
0xa4: {  	s25 =	simm.s32 $0x1B8E;
	s24 =	sld [smem:$0x3FFE];
	[sflag:s23] =	ssyncadd.s32 $0xFFFFFFFF  }
0xa5: {  	s26 =	simm.s32 $execute0_lowered;
	[smem:$0x3FD2] =	sst s25  }
0xa6: {  	s5 =	sshll.u32 s26, $0x1;
	_ =	strace $0x80000046;
	[dreg:$0x1] =	wrdreg $0xFFFFFFFF  }
0xa7: {  	s28 =	simm.s32 $_size_execute0_lowered;
	s3 =	sadd.s32 s3, s5;
	[dreg:$0x0] =	wrdreg $0x0  }
0xa8: {  	s5 =	sshll.u32 s28, $0x1;
	[dreg:$0x2] =	wrdreg s3  }
0xa9: {  	[dreg:$0x3] =	wrdreg s5  }
0xaa: {  	[dreg:$0x4] =	wrdreg $0xC0  }
0xab: {  	_ =	task [dreg:s7], $0x5FFFF  }
0xac: {  	[dreg:$0x1] =	wrdreg $0xFFFFFFFF  }
0xad: {  	[dreg:$0x0] =	wrdreg $0x60  }
0xae: {  	[dreg:$0x2] =	wrdreg s24  }
0xaf: {  	[dreg:$0x3] =	wrdreg s2  }
0xb0: {  	[dreg:$0x4] =	wrdreg $0x9  }
0xb1: {  	_ =	task.clear_ibuf [dreg:s7], $0x5FFFF;
	_ =	strace $0x90000046  }
0xb2: {  	s29 =	simm.s32 $0x9;
	_ =	strace $0x80000048  }
0xb3: {  	_ =	swait.ge [sflag:s29], $0x1  }
0xb4: {  	[sflag:s29] =	ssyncadd.s32 $0xFFFFFFFF  }
0xb5: {  	_ =	strace $0x90000048  }
0xb6: {  	_ =	sfence  }
0xb7: {  	s30 =	sld [smem:$0x0];
	_ =	sdelay $0x2  }
0xb8: {  	s31 =	sshll.u32 s1, $0xD;
	s1 =	sshrl.u32 s1, $0x2  }
0xb9: {  	s3 =	sand.u32 $0x4000, s31;
	s1 =	sadd.s32 s1, s30  }
0xba: {  	s0 =	sor.u32 s3, s0;
	s1 =	sshll.u32 s1, $0x11  }
0xbb: {  	s0 =	sor.u32 s1, s0  }
0xbc: {  	s0 =	sadd.s32 $0x8F2B, s0  }
0xbd: {  	[sflag:s0] =	ssyncadd.remote.s32 $0x1  }
0xbe: {  	_ =	sfence.sel $0xFFFF  }
0xbf: {  	[dreg:$0x0] =	wrdreg $0xFFFFFFFF;
	(pc) =	sbr.abs _section_cstart, $3  }
0xc0: {  	[dreg:$0x1] =	wrdreg $0xFFFFFFFF  }
0xc1: {  	_ =	task.clear_ibuf [dreg:s7], $0x2FFFF;
	_ =	strace $0x9FFFFFFF  }
0xc2: {  	(tm) =	ssettm $0x7FFFFFFF  }
0xc3: {  	_ =	shalt  }
tec
execute0_lowered:
.L_overlay_start_1:
0x0: {  	(tag) =	ssettag $0x1  }
0x1: {  	s0 =	rddreg [dreg:$0x0];
	s1 =	srdreg.scid  }
0x2: {  	s3 =	stileid.u32;
	s2 =	rddreg [dreg:$0x1];
	s7 =	simm.s32 $0x7  }
0x3: {  	s8 =	simm.s32 $0x68;
	s9 =	simm.s32 $0x6400;
	s10 =	simm.s32 $0x60  }
0x4: {  	s11 =	simm.s32 $0x10000;
	s12 =	simm.s32 $0xC8;
	s13 =	simm.s32 $0x9800  }
0x5: {  	s14 =	simm.s32 $0x130;
	s15 =	simm.s32 $0x13000;
	s16 =	simm.s32 $0x190  }
0x6: {  	s17 =	simm.s32 $0xCC00;
	s18 =	simm.s32 $0x1F8;
	s19 =	simm.s32 $0x16000  }
0x7: {  	s20 =	simm.s32 $0x1;
	s21 =	simm.s32 $0x4;
	s22 =	simm.s32 $0x2  }
0x8: {  	s23 =	simm.s32 $0x5;
	s24 =	simm.s32 $0x3;
	s25 =	simm.s32 $0x6  }
0x9: {  	s26 =	simm.s32 $0x19000;
	s1 =	sand.u32 $0x1, s1;
	s4 =	sshll.u32 s3, $0x1  }
0xa: {  	s28 =	simm.s32 $0x0;
	s3 =	simm.s32 $0x0;
	s4 =	sor.u32 s1, s4  }
0xb: {  	[smem:$0x7FF] =	sst s3;
	s1 =	ssub.s32 $0x2, s1;
	s5 =	smul.u32 $0xC80, s4  }
0xc: {  	_ =	strace $0x80000047;
	s4 =	sshll.u32 s4, $0xB;
	s6 =	sshrl.u32 s1, $0x1  }
0xd: {  	s1 =	ssub.s32 s1, s6;
	s5 =	sadd.s32 s5, s0;
	s0 =	sadd.s32 s4, s0  }
0xe: {  	s6 =	smax.u32 s1, $0x1;
	s4 =	sadd.s32 $0x1400, s5;
	s5 =	sadd.s32 $0x1A400, s0  }
.LBB2_1:
0xf: {  	[tilespmem:s3], [sflag:$0x7] =	stream.linear.gather [hbm4b:s4+s3], $0x6400, $0x38;
	[tilespmem:$0x1D000] =	vst v63  }
0x10: {  	_ =	swait.ge [sflag:s7], $0x6400  }
0x11: {  	[sflag:s7] =	ssyncset.done $0x0  }
0x12: {  	[sflag:s7] =	ssyncadd.s32 $0xFFFF9C00  }
0x13: {  	[tilespmem:s9], [sflag:$0x1] =	stream.indirect.gather [hbm4b:s2+s8], $0x80, s3, s8, $0xb8;
	[tilespmem:$0x1D000] =	vst v63  }
0x14: {  	_ = 	snop  }
0x15: {  	[tilespmem:s11], [sflag:$0x4] =	stream.indirect.gather [hbm4b:s2+s10], $0x80, s8, s10, $0xb8;
	[tilespmem:$0x1D000] =	vst v63  }
0x16: {  	_ = 	snop  }
0x17: {  	[tilespmem:s13], [sflag:$0x2] =	stream.indirect.gather [hbm4b:s2+s8], $0x80, s12, s8, $0xb8;
	[tilespmem:$0x1D000] =	vst v63  }
0x18: {  	_ = 	snop  }
0x19: {  	[tilespmem:s15], [sflag:$0x5] =	stream.indirect.gather [hbm4b:s2+s10], $0x80, s14, s10, $0xb8;
	[tilespmem:$0x1D000] =	vst v63  }
0x1a: {  	_ = 	snop  }
0x1b: {  	[tilespmem:s17], [sflag:$0x3] =	stream.indirect.gather [hbm4b:s2+s8], $0x80, s16, s8, $0xb8;
	[tilespmem:$0x1D000] =	vst v63  }
0x1c: {  	s29 =	simm.s32 $0x0  }
0x1d: {  	[tilespmem:s19], [sflag:$0x6] =	stream.indirect.gather [hbm4b:s2+s10], $0x80, s18, s10, $0xb8;
	[tilespmem:$0x1D000] =	vst v63  }
.LBB2_2:
0x1e: {  	_ =	swait.ge [sflag:s20], $0x3400  }
0x1f: {  	[sflag:s20] =	ssyncset.done $0x0  }
0x20: {  	s1 =	simm.s32 $0x0;
	[sflag:s20] =	ssyncadd.s32 $0xFFFFCC00  }
0x21: {  	v5 =	vld [tilespmem:s1+$0x6580]  }
0x22: {  	v8 =	vld [tilespmem:s1+$0x6590]  }
0x23: {  	v9 =	vld [tilespmem:s1+$0x65A0]  }
0x24: {  	v13 =	vld [tilespmem:s1+$0x65B0]  }
0x25: {  	v0 =	vld [tilespmem:s1+$0x65C0]  }
0x26: {  	v3 =	vld [tilespmem:s1+$0x65D0]  }
0x27: {  	v20 =	vld [tilespmem:s1+$0x6500]  }
0x28: {  	v23 =	vld [tilespmem:s1+$0x6510]  }
0x29: {  	v7 =	vld [tilespmem:s1+$0x6520]  }
0x2a: {  	v21 =	vld [tilespmem:s1+$0x6530]  }
0x2b: {  	v4 =	vld [tilespmem:s1+$0x6540]  }
0x2c: {  	v1 =	vld [tilespmem:s1+$0x6480]  }
0x2d: {  	v2 =	vld [tilespmem:s1+$0x6490]  }
0x2e: {  	v6 =	vld [tilespmem:s1+$0x6400]  }
0x2f: {  	v10 =	vld [tilespmem:s1+$0x6410]  }
0x30: {  	v11 =	vld [tilespmem:s1+$0x6420]  }
0x31: {  	v12 =	vld [tilespmem:s1+$0x6430]  }
0x32: {  	v16 =	vld [tilespmem:s1+$0x64A0]  }
0x33: {  	v17 =	vld [tilespmem:s1+$0x64B0]  }
0x34: {  	v15 =	vimm.f32 $0.0e+00;
	v14 =	vld [tilespmem:s1+$0x6550]  }
0x35: {  	v25 =	vld [tilespmem:s1+$0x64C0];
	v6 =	vadd.f32 v6, v15  }
0x36: {  	v26 =	vld [tilespmem:s1+$0x64D0];
	v10 =	vadd.f32 v10, v15;
	v11 =	vadd.f32 v11, v15  }
0x37: {  	v27 =	vld [tilespmem:s1+$0x6440];
	v12 =	vadd.f32 v12, v15;
	v30 =	vadd.f32 v1, v6  }
0x38: {  	v18 =	vimm.f32 $0.0e+00;
	v28 =	vld [tilespmem:s1+$0x6450];
	v31 =	vadd.f32 v2, v10;
	v32 =	vadd.f32 v16, v11  }
0x39: {  	s30 =	simm.s32 $0x800;
	v29 =	vld [tilespmem:s1+$0x6460];
	v33 =	vadd.f32 v17, v12;
	v16 =	vimm.f32 $0.0e+00;
	v17 =	vimm.f32 $0.0e+00  }
.LBB2_3:
0x3a: {  	p0 =	sne.s32 s30, $0xC800;
	v1 =	vld [tilespmem:s1+$0x6470];
	v2 =	vadd.f32 v20, v30;
	v6 =	vadd.f32 v23, v31  }
0x3b: {  	v10 =	vld [tilespmem:s1+$0x64E0];
	v7 =	vadd.f32 v7, v32;
	v11 =	vadd.f32 v21, v33  }
0x3c: {  	v12 =	vld [tilespmem:s1+$0x64F0];
	v2 =	vadd.f32 v5, v2;
	v6 =	vadd.f32 v8, v6  }
0x3d: {  	v19 =	vld [tilespmem:s1+$0x6560];
	v22 =	vadd.f32 v9, v7;
	v11 =	vadd.f32 v13, v11  }
0x3e: {  	v5 =	vadd.f32 v27, v15;
	v7 =	vadd.f32 v28, v18;
	v13 =	vld [tilespmem:s1+$0x6570]  }
0x3f: {  	v8 =	vadd.f32 v29, v16;
	v1 =	vadd.f32 v1, v17;
	v16 =	vld [tilespmem:s1+$0x65E0]  }
0x40: {  	v9 =	vadd.f32 v25, v5;
	v7 =	vadd.f32 v26, v7;
	v17 =	vld [tilespmem:s1+$0x65F0];
	s1 =	sshra.s32 s30, $0x2  }
0x41: {  	v10 =	vadd.f32 v10, v8;
	v5 =	vld [tilespmem:s1+$0x6580];
	v1 =	vadd.f32 v12, v1  }
0x42: {  	v4 =	vadd.f32 v4, v9;
	v7 =	vadd.f32 v14, v7;
	v8 =	vld [tilespmem:s1+$0x6590]  }
0x43: {  	v10 =	vadd.f32 v19, v10;
	v9 =	vld [tilespmem:s1+$0x65A0];
	v1 =	vadd.f32 v13, v1  }
0x44: {  	v15 =	vadd.f32 v0, v4;
	v18 =	vadd.f32 v3, v7;
	v13 =	vld [tilespmem:s1+$0x65B0]  }
0x45: {  	v16 =	vadd.f32 v16, v10;
	v0 =	vld [tilespmem:s1+$0x65C0];
	v17 =	vadd.f32 v17, v1  }
0x46: {  	v3 =	vld [tilespmem:s1+$0x65D0]  }
0x47: {  	v20 =	vld [tilespmem:s1+$0x6500]  }
0x48: {  	v23 =	vld [tilespmem:s1+$0x6510]  }
0x49: {  	v7 =	vld [tilespmem:s1+$0x6520]  }
0x4a: {  	v21 =	vld [tilespmem:s1+$0x6530]  }
0x4b: {  	v4 =	vld [tilespmem:s1+$0x6540]  }
0x4c: {  	v14 =	vld [tilespmem:s1+$0x6550]  }
0x4d: {  	v1 =	vld [tilespmem:s1+$0x6480]  }
0x4e: {  	v10 =	vld [tilespmem:s1+$0x6490]  }
0x4f: {  	v12 =	vld [tilespmem:s1+$0x6400]  }
0x50: {  	v19 =	vld [tilespmem:s1+$0x6410]  }
0x51: {  	v24 =	vld [tilespmem:s1+$0x6420]  }
0x52: {  	v27 =	vld [tilespmem:s1+$0x6430]  }
0x53: {  	v32 =	vld [tilespmem:s1+$0x64A0]  }
0x54: {  	v33 =	vld [tilespmem:s1+$0x64B0]  }
.Ltmp0:
0x55: {  	v25 =	vld [tilespmem:s1+$0x64C0];
	(pc) =	sbr.rel @p0 .LBB2_3-.Ltmp0, $4  }
0x56: {  	v2 =	vadd.f32 v12, v2;
	v6 =	vadd.f32 v19, v6;
	v26 =	vld [tilespmem:s1+$0x64D0]  }
0x57: {  	v12 =	vadd.f32 v24, v22;
	v11 =	vadd.f32 v27, v11;
	v27 =	vld [tilespmem:s1+$0x6440]  }
0x58: {  	v30 =	vadd.f32 v1, v2;
	v31 =	vadd.f32 v10, v6;
	v28 =	vld [tilespmem:s1+$0x6450]  }
0x59: {  	s30 =	sadd.s32 $0x800, s30;
	v32 =	vadd.f32 v32, v12;
	v29 =	vld [tilespmem:s1+$0x6460];
	v33 =	vadd.f32 v33, v11  }
0x5a: {  	v34 =	vld [tilespmem:s1+$0x6470]  }
0x5b: {  	v35 =	vld [tilespmem:s1+$0x64E0]  }
0x5c: {  	v36 =	vld [tilespmem:s1+$0x64F0]  }
0x5d: {  	v37 =	vld [tilespmem:s1+$0x6560]  }
0x5e: {  	v38 =	vld [tilespmem:s1+$0x6570]  }
0x5f: {  	v39 =	vld [tilespmem:s1+$0x65E0]  }
0x60: {  	v40 =	vld [tilespmem:s1+$0x65F0];
	_ =	swait.ge [sflag:s21], $0x3000  }
0x61: {  	[sflag:s21] =	ssyncset.done $0x0  }
0x62: {  	s30 =	simm.s32 $0x0;
	[sflag:s21] =	ssyncadd.s32 $0xFFFFD000  }
0x63: {  	v6 =	vld [tilespmem:s30+$0x10180]  }
0x64: {  	v10 =	vld [tilespmem:s30+$0x10190]  }
0x65: {  	v11 =	vld [tilespmem:s30+$0x101A0]  }
0x66: {  	v12 =	vld [tilespmem:s30+$0x101B0]  }
0x67: {  	v1 =	vld [tilespmem:s30+$0x101C0]  }
0x68: {  	v2 =	vld [tilespmem:s30+$0x101D0]  }
0x69: {  	v22 =	vld [tilespmem:s30+$0x10100]  }
0x6a: {  	v24 =	vld [tilespmem:s30+$0x10110]  }
0x6b: {  	v19 =	vld [tilespmem:s30+$0x10120]  }
0x6c: {  	v30 =	vadd.f32 v20, v30;
	v23 =	vadd.f32 v23, v31;
	v20 =	vld [tilespmem:s30+$0x10130]  }
0x6d: {  	v61 =	vadd.f32 v7, v32;
	v21 =	vadd.f32 v21, v33;
	v7 =	vld [tilespmem:s30+$0x10140]  }
0x6e: {  	v30 =	vadd.f32 v5, v30;
	v23 =	vadd.f32 v8, v23;
	v5 =	vld [tilespmem:s30+$0x10150]  }
0x6f: {  	v8 =	vadd.f32 v27, v15;
	v31 =	vadd.f32 v9, v61;
	v62 =	vld [tilespmem:s30+$0x10080]  }
0x70: {  	v21 =	vadd.f32 v13, v21;
	v9 =	vadd.f32 v28, v18;
	v18 =	vld [tilespmem:s30+$0x10090]  }
0x71: {  	v13 =	vadd.f32 v29, v16;
	v16 =	vld [tilespmem:s30+$0x10000];
	v8 =	vadd.f32 v25, v8  }
0x72: {  	v25 =	vld [tilespmem:s30+$0x10020];
	v15 =	vadd.f32 v34, v17;
	v9 =	vadd.f32 v26, v9  }
0x73: {  	v17 =	vld [tilespmem:s30+$0x10010];
	v13 =	vadd.f32 v35, v13;
	v4 =	vadd.f32 v4, v8  }
0x74: {  	v15 =	vadd.f32 v36, v15;
	v9 =	vadd.f32 v14, v9;
	v14 =	vld [tilespmem:s30+$0x10030]  }
0x75: {  	v27 =	vld [tilespmem:s30+$0x100B0];
	v13 =	vadd.f32 v37, v13;
	v8 =	vadd.f32 v0, v4  }
0x76: {  	v26 =	vld [tilespmem:s30+$0x100A0];
	v15 =	vadd.f32 v38, v15;
	v3 =	vadd.f32 v3, v9  }
0x77: {  	v9 =	vld [tilespmem:s30+$0x100C0];
	v16 =	vadd.f32 v16, v30;
	v25 =	vadd.f32 v25, v31  }
0x78: {  	v4 =	vadd.f32 v39, v13;
	v23 =	vadd.f32 v17, v23;
	v13 =	vld [tilespmem:s30+$0x100D0]  }
0x79: {  	v0 =	vadd.f32 v40, v15;
	v15 =	vld [tilespmem:s30+$0x10040];
	v63 =	vadd.f32 v14, v21  }
0x7a: {  	v17 =	vadd.f32 v62, v16;
	v16 =	vld [tilespmem:s30+$0x10060];
	v18 =	vadd.f32 v18, v23  }
0x7b: {  	s0 =	simm.s32 $0x800;
	v14 =	vld [tilespmem:s30+$0x10050];
	v21 =	vadd.f32 v26, v25;
	v23 =	vadd.f32 v27, v63  }
.LBB2_5:
0x7c: {  	p0 =	sne.s32 s0, $0xB800;
	v25 =	vld [tilespmem:s30+$0x10070];
	v17 =	vadd.f32 v22, v17;
	v18 =	vadd.f32 v24, v18  }
0x7d: {  	v22 =	vld [tilespmem:s30+$0x100E0];
	v19 =	vadd.f32 v19, v21;
	v20 =	vadd.f32 v20, v23  }
0x7e: {  	v21 =	vld [tilespmem:s30+$0x100F0];
	v17 =	vadd.f32 v6, v17;
	v18 =	vadd.f32 v10, v18  }
0x7f: {  	v23 =	vld [tilespmem:s30+$0x10160];
	v26 =	vadd.f32 v11, v19;
	v27 =	vadd.f32 v12, v20  }
0x80: {  	v6 =	vadd.f32 v15, v8;
	v3 =	vadd.f32 v14, v3;
	v8 =	vld [tilespmem:s30+$0x10170]  }
0x81: {  	v4 =	vadd.f32 v16, v4;
	v0 =	vadd.f32 v25, v0;
	v14 =	vld [tilespmem:s30+$0x101E0]  }
0x82: {  	v9 =	vadd.f32 v9, v6;
	v3 =	vadd.f32 v13, v3;
	v13 =	vld [tilespmem:s30+$0x101F0];
	s30 =	sshra.s32 s0, $0x2  }
0x83: {  	v4 =	vadd.f32 v22, v4;
	v6 =	vld [tilespmem:s30+$0x10180];
	v0 =	vadd.f32 v21, v0  }
0x84: {  	v7 =	vadd.f32 v7, v9;
	v3 =	vadd.f32 v5, v3;
	v10 =	vld [tilespmem:s30+$0x10190]  }
0x85: {  	v4 =	vadd.f32 v23, v4;
	v11 =	vld [tilespmem:s30+$0x101A0];
	v0 =	vadd.f32 v8, v0  }
0x86: {  	v8 =	vadd.f32 v1, v7;
	v3 =	vadd.f32 v2, v3;
	v12 =	vld [tilespmem:s30+$0x101B0]  }
0x87: {  	v4 =	vadd.f32 v14, v4;
	v1 =	vld [tilespmem:s30+$0x101C0];
	v0 =	vadd.f32 v13, v0  }
0x88: {  	v2 =	vld [tilespmem:s30+$0x101D0]  }
0x89: {  	v22 =	vld [tilespmem:s30+$0x10100]  }
0x8a: {  	v24 =	vld [tilespmem:s30+$0x10110]  }
0x8b: {  	v19 =	vld [tilespmem:s30+$0x10120]  }
0x8c: {  	v20 =	vld [tilespmem:s30+$0x10130]  }
0x8d: {  	v7 =	vld [tilespmem:s30+$0x10140]  }
0x8e: {  	v5 =	vld [tilespmem:s30+$0x10150]  }
0x8f: {  	v16 =	vld [tilespmem:s30+$0x10080]  }
0x90: {  	v21 =	vld [tilespmem:s30+$0x10090]  }
0x91: {  	v13 =	vld [tilespmem:s30+$0x10000]  }
0x92: {  	v14 =	vld [tilespmem:s30+$0x10010]  }
0x93: {  	v15 =	vld [tilespmem:s30+$0x10020]  }
0x94: {  	v23 =	vld [tilespmem:s30+$0x10030]  }
0x95: {  	v25 =	vld [tilespmem:s30+$0x100A0]  }
0x96: {  	v28 =	vld [tilespmem:s30+$0x100B0]  }
.Ltmp1:
0x97: {  	v9 =	vld [tilespmem:s30+$0x100C0];
	(pc) =	sbr.rel @p0 .LBB2_5-.Ltmp1, $4  }
0x98: {  	v17 =	vadd.f32 v13, v17;
	v18 =	vadd.f32 v14, v18;
	v13 =	vld [tilespmem:s30+$0x100D0]  }
0x99: {  	v26 =	vadd.f32 v15, v26;
	v23 =	vadd.f32 v23, v27;
	v15 =	vld [tilespmem:s30+$0x10040]  }
0x9a: {  	v17 =	vadd.f32 v16, v17;
	v18 =	vadd.f32 v21, v18;
	v14 =	vld [tilespmem:s30+$0x10050]  }
0x9b: {  	s0 =	sadd.s32 $0x800, s0;
	v21 =	vadd.f32 v25, v26;
	v16 =	vld [tilespmem:s30+$0x10060];
	v23 =	vadd.f32 v28, v23  }
0x9c: {  	v17 =	vadd.f32 v22, v17;
	v18 =	vadd.f32 v24, v18  }
0x9d: {  	v22 =	vld [tilespmem:s30+$0x10070];
	v19 =	vadd.f32 v19, v21;
	v20 =	vadd.f32 v20, v23  }
0x9e: {  	v21 =	vld [tilespmem:s30+$0x100E0];
	v6 =	vadd.f32 v6, v17;
	v10 =	vadd.f32 v10, v18  }
0x9f: {  	v17 =	vld [tilespmem:s30+$0x100F0];
	v8 =	vadd.f32 v15, v8;
	v11 =	vadd.f32 v11, v19  }
0xa0: {  	v15 =	vld [tilespmem:s30+$0x10160];
	v12 =	vadd.f32 v12, v20;
	v3 =	vadd.f32 v14, v3  }
0xa1: {  	s0 =	smul.u32 $0x600, s29;
	v14 =	vld [tilespmem:s30+$0x10170];
	v4 =	vadd.f32 v16, v4;
	v8 =	vadd.f32 v9, v8  }
0xa2: {  	v9 =	vld [tilespmem:s30+$0x101E0];
	v6 =	vmul.f32 $4.999999890e-03, v6;
	v0 =	vadd.f32 v22, v0;
	v3 =	vadd.f32 v13, v3  }
0xa3: {  	v13 =	vld [tilespmem:s30+$0x101F0];
	s30 =	sshra.s32 s0, $0x2;
	v4 =	vadd.f32 v21, v4;
	v7 =	vadd.f32 v7, v8  }
0xa4: {  	[tilespmem:s30+$0x19000] =	vst v6;
	v6 =	vmul.f32 $4.999999890e-03, v11;
	v0 =	vadd.f32 v17, v0;
	v3 =	vadd.f32 v5, v3  }
0xa5: {  	v5 =	vmul.f32 $4.999999890e-03, v10;
	v4 =	vadd.f32 v15, v4;
	v1 =	vadd.f32 v1, v7  }
0xa6: {  	[tilespmem:s30+$0x19020] =	vst v6;
	v0 =	vadd.f32 v14, v0;
	v2 =	vadd.f32 v2, v3;
	v3 =	vmul.f32 $4.999999890e-03, v12  }
0xa7: {  	[tilespmem:s30+$0x19010] =	vst v5;
	v4 =	vadd.f32 v9, v4;
	v1 =	vmul.f32 $4.999999890e-03, v1  }
0xa8: {  	v0 =	vadd.f32 v13, v0;
	[tilespmem:s30+$0x19030] =	vst v3;
	v2 =	vmul.f32 $4.999999890e-03, v2  }
0xa9: {  	s1 =	smul.u32 $0x960, s29;
	[tilespmem:s30+$0x19040] =	vst v1;
	v1 =	vmul.f32 $4.999999890e-03, v4  }
0xaa: {  	[tilespmem:s30+$0x19050] =	vst v2;
	v0 =	vmul.f32 $4.999999890e-03, v0  }
0xab: {  	s31 =	sshra.s32 s1, $0x2;
	[tilespmem:s30+$0x19060] =	vst v1  }
0xac: {  	s0 =	sadd.s32 $0x258, s31;
	[tilespmem:s30+$0x19070] =	vst v0  }
0xad: {  	[tilespmem:s9], [sflag:$0x1] =	stream.indirect.gather [hbm4b:s2+s8], $0x80, s0, s8, $0xb8;
	[tilespmem:$0x1D000] =	vst v63  }
0xae: {  	s1 =	sadd.s32 $0x2C0, s31  }
0xaf: {  	[tilespmem:s11], [sflag:$0x4] =	stream.indirect.gather [hbm4b:s2+s10], $0x80, s1, s10, $0xb8;
	[tilespmem:$0x1D000] =	vst v63  }
0xb0: {  	_ =	swait.ge [sflag:s22], $0x3400  }
0xb1: {  	[sflag:s22] =	ssyncset.done $0x0  }
0xb2: {  	s1 =	simm.s32 $0x0;
	[sflag:s22] =	ssyncadd.s32 $0xFFFFCC00  }
0xb3: {  	v5 =	vld [tilespmem:s1+$0x9980]  }
0xb4: {  	v7 =	vld [tilespmem:s1+$0x9990]  }
0xb5: {  	v8 =	vld [tilespmem:s1+$0x99A0]  }
0xb6: {  	v13 =	vld [tilespmem:s1+$0x99B0]  }
0xb7: {  	v0 =	vld [tilespmem:s1+$0x99C0]  }
0xb8: {  	v3 =	vld [tilespmem:s1+$0x99D0]  }
0xb9: {  	v20 =	vld [tilespmem:s1+$0x9900]  }
0xba: {  	v23 =	vld [tilespmem:s1+$0x9910]  }
0xbb: {  	v11 =	vld [tilespmem:s1+$0x9920]  }
0xbc: {  	v21 =	vld [tilespmem:s1+$0x9930]  }
0xbd: {  	v4 =	vld [tilespmem:s1+$0x9940]  }
0xbe: {  	v1 =	vld [tilespmem:s1+$0x9880]  }
0xbf: {  	v2 =	vld [tilespmem:s1+$0x9890]  }
0xc0: {  	v6 =	vld [tilespmem:s1+$0x9800]  }
0xc1: {  	v9 =	vld [tilespmem:s1+$0x9810]  }
0xc2: {  	v10 =	vld [tilespmem:s1+$0x9820]  }
0xc3: {  	v12 =	vld [tilespmem:s1+$0x9830]  }
0xc4: {  	v16 =	vld [tilespmem:s1+$0x98A0]  }
0xc5: {  	v17 =	vld [tilespmem:s1+$0x98B0]  }
0xc6: {  	v15 =	vimm.f32 $0.0e+00;
	v14 =	vld [tilespmem:s1+$0x9950]  }
0xc7: {  	v25 =	vld [tilespmem:s1+$0x98C0];
	v6 =	vadd.f32 v6, v15  }
0xc8: {  	v26 =	vld [tilespmem:s1+$0x98D0];
	v9 =	vadd.f32 v9, v15;
	v10 =	vadd.f32 v10, v15  }
0xc9: {  	v27 =	vld [tilespmem:s1+$0x9840];
	v12 =	vadd.f32 v12, v15;
	v30 =	vadd.f32 v1, v6  }
0xca: {  	v18 =	vimm.f32 $0.0e+00;
	v28 =	vld [tilespmem:s1+$0x9850];
	v31 =	vadd.f32 v2, v9;
	v32 =	vadd.f32 v16, v10  }
0xcb: {  	s0 =	simm.s32 $0x800;
	v29 =	vld [tilespmem:s1+$0x9860];
	v33 =	vadd.f32 v17, v12;
	v16 =	vimm.f32 $0.0e+00;
	v17 =	vimm.f32 $0.0e+00  }
.LBB2_7:
0xcc: {  	p0 =	sne.s32 s0, $0xC800;
	v1 =	vld [tilespmem:s1+$0x9870];
	v2 =	vadd.f32 v20, v30;
	v6 =	vadd.f32 v23, v31  }
0xcd: {  	v9 =	vld [tilespmem:s1+$0x98E0];
	v10 =	vadd.f32 v11, v32;
	v11 =	vadd.f32 v21, v33  }
0xce: {  	v12 =	vld [tilespmem:s1+$0x98F0];
	v2 =	vadd.f32 v5, v2;
	v6 =	vadd.f32 v7, v6  }
0xcf: {  	v19 =	vld [tilespmem:s1+$0x9960];
	v10 =	vadd.f32 v8, v10;
	v22 =	vadd.f32 v13, v11  }
0xd0: {  	v5 =	vadd.f32 v27, v15;
	v7 =	vadd.f32 v28, v18;
	v11 =	vld [tilespmem:s1+$0x9970]  }
0xd1: {  	v8 =	vadd.f32 v29, v16;
	v1 =	vadd.f32 v1, v17;
	v16 =	vld [tilespmem:s1+$0x99E0]  }
0xd2: {  	v13 =	vadd.f32 v25, v5;
	v15 =	vadd.f32 v26, v7;
	v17 =	vld [tilespmem:s1+$0x99F0];
	s1 =	sshra.s32 s0, $0x2  }
0xd3: {  	v9 =	vadd.f32 v9, v8;
	v5 =	vld [tilespmem:s1+$0x9980];
	v1 =	vadd.f32 v12, v1  }
0xd4: {  	v4 =	vadd.f32 v4, v13;
	v12 =	vadd.f32 v14, v15;
	v7 =	vld [tilespmem:s1+$0x9990]  }
0xd5: {  	v9 =	vadd.f32 v19, v9;
	v8 =	vld [tilespmem:s1+$0x99A0];
	v1 =	vadd.f32 v11, v1  }
0xd6: {  	v15 =	vadd.f32 v0, v4;
	v18 =	vadd.f32 v3, v12;
	v13 =	vld [tilespmem:s1+$0x99B0]  }
0xd7: {  	v16 =	vadd.f32 v16, v9;
	v0 =	vld [tilespmem:s1+$0x99C0];
	v17 =	vadd.f32 v17, v1  }
0xd8: {  	v3 =	vld [tilespmem:s1+$0x99D0]  }
0xd9: {  	v20 =	vld [tilespmem:s1+$0x9900]  }
0xda: {  	v23 =	vld [tilespmem:s1+$0x9910]  }
0xdb: {  	v11 =	vld [tilespmem:s1+$0x9920]  }
0xdc: {  	v21 =	vld [tilespmem:s1+$0x9930]  }
0xdd: {  	v4 =	vld [tilespmem:s1+$0x9940]  }
0xde: {  	v14 =	vld [tilespmem:s1+$0x9950]  }
0xdf: {  	v1 =	vld [tilespmem:s1+$0x9880]  }
0xe0: {  	v9 =	vld [tilespmem:s1+$0x9890]  }
0xe1: {  	v12 =	vld [tilespmem:s1+$0x9800]  }
0xe2: {  	v19 =	vld [tilespmem:s1+$0x9810]  }
0xe3: {  	v24 =	vld [tilespmem:s1+$0x9820]  }
0xe4: {  	v27 =	vld [tilespmem:s1+$0x9830]  }
0xe5: {  	v32 =	vld [tilespmem:s1+$0x98A0]  }
0xe6: {  	v33 =	vld [tilespmem:s1+$0x98B0]  }
.Ltmp2:
0xe7: {  	v25 =	vld [tilespmem:s1+$0x98C0];
	(pc) =	sbr.rel @p0 .LBB2_7-.Ltmp2, $4  }
0xe8: {  	v2 =	vadd.f32 v12, v2;
	v6 =	vadd.f32 v19, v6;
	v26 =	vld [tilespmem:s1+$0x98D0]  }
0xe9: {  	v10 =	vadd.f32 v24, v10;
	v12 =	vadd.f32 v27, v22;
	v27 =	vld [tilespmem:s1+$0x9840]  }
0xea: {  	v30 =	vadd.f32 v1, v2;
	v31 =	vadd.f32 v9, v6;
	v28 =	vld [tilespmem:s1+$0x9850]  }
0xeb: {  	s0 =	sadd.s32 $0x800, s0;
	v32 =	vadd.f32 v32, v10;
	v29 =	vld [tilespmem:s1+$0x9860];
	v33 =	vadd.f32 v33, v12  }
0xec: {  	v34 =	vld [tilespmem:s1+$0x9870]  }
0xed: {  	v35 =	vld [tilespmem:s1+$0x98E0]  }
0xee: {  	v36 =	vld [tilespmem:s1+$0x98F0]  }
0xef: {  	v37 =	vld [tilespmem:s1+$0x9960]  }
0xf0: {  	v38 =	vld [tilespmem:s1+$0x9970]  }
0xf1: {  	v39 =	vld [tilespmem:s1+$0x99E0]  }
0xf2: {  	v40 =	vld [tilespmem:s1+$0x99F0];
	_ =	swait.ge [sflag:s23], $0x3000  }
0xf3: {  	[sflag:s23] =	ssyncset.done $0x0  }
0xf4: {  	s1 =	simm.s32 $0x0;
	[sflag:s23] =	ssyncadd.s32 $0xFFFFD000  }
0xf5: {  	v6 =	vld [tilespmem:s1+$0x13180]  }
0xf6: {  	v9 =	vld [tilespmem:s1+$0x13190]  }
0xf7: {  	v10 =	vld [tilespmem:s1+$0x131A0]  }
0xf8: {  	v12 =	vld [tilespmem:s1+$0x131B0]  }
0xf9: {  	v1 =	vld [tilespmem:s1+$0x131C0]  }
0xfa: {  	v2 =	vld [tilespmem:s1+$0x131D0]  }
0xfb: {  	v22 =	vld [tilespmem:s1+$0x13100]  }
0xfc: {  	v24 =	vld [tilespmem:s1+$0x13110]  }
0xfd: {  	v19 =	vld [tilespmem:s1+$0x13120]  }
0xfe: {  	v30 =	vadd.f32 v20, v30;
	v23 =	vadd.f32 v23, v31;
	v20 =	vld [tilespmem:s1+$0x13130]  }
0xff: {  	v61 =	vadd.f32 v11, v32;
	v21 =	vadd.f32 v21, v33;
	v11 =	vld [tilespmem:s1+$0x13140]  }
0x100: {  	v30 =	vadd.f32 v5, v30;
	v23 =	vadd.f32 v7, v23;
	v5 =	vld [tilespmem:s1+$0x13150]  }
0x101: {  	v7 =	vadd.f32 v27, v15;
	v31 =	vadd.f32 v8, v61;
	v62 =	vld [tilespmem:s1+$0x13080]  }
0x102: {  	v21 =	vadd.f32 v13, v21;
	v8 =	vadd.f32 v28, v18;
	v18 =	vld [tilespmem:s1+$0x13090]  }
0x103: {  	v13 =	vadd.f32 v29, v16;
	v16 =	vld [tilespmem:s1+$0x13000];
	v7 =	vadd.f32 v25, v7  }
0x104: {  	v25 =	vld [tilespmem:s1+$0x13020];
	v15 =	vadd.f32 v34, v17;
	v8 =	vadd.f32 v26, v8  }
0x105: {  	v17 =	vld [tilespmem:s1+$0x13010];
	v13 =	vadd.f32 v35, v13;
	v4 =	vadd.f32 v4, v7  }
0x106: {  	v15 =	vadd.f32 v36, v15;
	v8 =	vadd.f32 v14, v8;
	v14 =	vld [tilespmem:s1+$0x13030]  }
0x107: {  	v27 =	vld [tilespmem:s1+$0x130B0];
	v13 =	vadd.f32 v37, v13;
	v7 =	vadd.f32 v0, v4  }
0x108: {  	v26 =	vld [tilespmem:s1+$0x130A0];
	v15 =	vadd.f32 v38, v15;
	v3 =	vadd.f32 v3, v8  }
0x109: {  	v8 =	vld [tilespmem:s1+$0x130C0];
	v16 =	vadd.f32 v16, v30;
	v25 =	vadd.f32 v25, v31  }
0x10a: {  	v4 =	vadd.f32 v39, v13;
	v23 =	vadd.f32 v17, v23;
	v13 =	vld [tilespmem:s1+$0x130D0]  }
0x10b: {  	v0 =	vadd.f32 v40, v15;
	v15 =	vld [tilespmem:s1+$0x13040];
	v63 =	vadd.f32 v14, v21  }
0x10c: {  	v17 =	vadd.f32 v62, v16;
	v16 =	vld [tilespmem:s1+$0x13060];
	v18 =	vadd.f32 v18, v23  }
0x10d: {  	s0 =	simm.s32 $0x800;
	v14 =	vld [tilespmem:s1+$0x13050];
	v21 =	vadd.f32 v26, v25;
	v23 =	vadd.f32 v27, v63  }
.LBB2_9:
0x10e: {  	p0 =	sne.s32 s0, $0xB800;
	v25 =	vld [tilespmem:s1+$0x13070];
	v17 =	vadd.f32 v22, v17;
	v18 =	vadd.f32 v24, v18  }
0x10f: {  	v22 =	vld [tilespmem:s1+$0x130E0];
	v19 =	vadd.f32 v19, v21;
	v20 =	vadd.f32 v20, v23  }
0x110: {  	v21 =	vld [tilespmem:s1+$0x130F0];
	v17 =	vadd.f32 v6, v17;
	v18 =	vadd.f32 v9, v18  }
0x111: {  	v23 =	vld [tilespmem:s1+$0x13160];
	v26 =	vadd.f32 v10, v19;
	v27 =	vadd.f32 v12, v20  }
0x112: {  	v6 =	vadd.f32 v15, v7;
	v3 =	vadd.f32 v14, v3;
	v7 =	vld [tilespmem:s1+$0x13170]  }
0x113: {  	v4 =	vadd.f32 v16, v4;
	v0 =	vadd.f32 v25, v0;
	v14 =	vld [tilespmem:s1+$0x131E0]  }
0x114: {  	v8 =	vadd.f32 v8, v6;
	v3 =	vadd.f32 v13, v3;
	v13 =	vld [tilespmem:s1+$0x131F0];
	s1 =	sshra.s32 s0, $0x2  }
0x115: {  	v4 =	vadd.f32 v22, v4;
	v6 =	vld [tilespmem:s1+$0x13180];
	v0 =	vadd.f32 v21, v0  }
0x116: {  	v8 =	vadd.f32 v11, v8;
	v3 =	vadd.f32 v5, v3;
	v9 =	vld [tilespmem:s1+$0x13190]  }
0x117: {  	v4 =	vadd.f32 v23, v4;
	v10 =	vld [tilespmem:s1+$0x131A0];
	v0 =	vadd.f32 v7, v0  }
0x118: {  	v7 =	vadd.f32 v1, v8;
	v3 =	vadd.f32 v2, v3;
	v12 =	vld [tilespmem:s1+$0x131B0]  }
0x119: {  	v4 =	vadd.f32 v14, v4;
	v1 =	vld [tilespmem:s1+$0x131C0];
	v0 =	vadd.f32 v13, v0  }
0x11a: {  	v2 =	vld [tilespmem:s1+$0x131D0]  }
0x11b: {  	v22 =	vld [tilespmem:s1+$0x13100]  }
0x11c: {  	v24 =	vld [tilespmem:s1+$0x13110]  }
0x11d: {  	v19 =	vld [tilespmem:s1+$0x13120]  }
0x11e: {  	v20 =	vld [tilespmem:s1+$0x13130]  }
0x11f: {  	v11 =	vld [tilespmem:s1+$0x13140]  }
0x120: {  	v5 =	vld [tilespmem:s1+$0x13150]  }
0x121: {  	v16 =	vld [tilespmem:s1+$0x13080]  }
0x122: {  	v21 =	vld [tilespmem:s1+$0x13090]  }
0x123: {  	v13 =	vld [tilespmem:s1+$0x13000]  }
0x124: {  	v14 =	vld [tilespmem:s1+$0x13010]  }
0x125: {  	v15 =	vld [tilespmem:s1+$0x13020]  }
0x126: {  	v23 =	vld [tilespmem:s1+$0x13030]  }
0x127: {  	v25 =	vld [tilespmem:s1+$0x130A0]  }
0x128: {  	v28 =	vld [tilespmem:s1+$0x130B0]  }
.Ltmp3:
0x129: {  	v8 =	vld [tilespmem:s1+$0x130C0];
	(pc) =	sbr.rel @p0 .LBB2_9-.Ltmp3, $4  }
0x12a: {  	v17 =	vadd.f32 v13, v17;
	v18 =	vadd.f32 v14, v18;
	v13 =	vld [tilespmem:s1+$0x130D0]  }
0x12b: {  	v26 =	vadd.f32 v15, v26;
	v23 =	vadd.f32 v23, v27;
	v15 =	vld [tilespmem:s1+$0x13040]  }
0x12c: {  	v17 =	vadd.f32 v16, v17;
	v18 =	vadd.f32 v21, v18;
	v14 =	vld [tilespmem:s1+$0x13050]  }
0x12d: {  	s0 =	sadd.s32 $0x800, s0;
	v21 =	vadd.f32 v25, v26;
	v16 =	vld [tilespmem:s1+$0x13060];
	v23 =	vadd.f32 v28, v23  }
0x12e: {  	v17 =	vadd.f32 v22, v17;
	v18 =	vadd.f32 v24, v18  }
0x12f: {  	v22 =	vld [tilespmem:s1+$0x13070];
	v19 =	vadd.f32 v19, v21;
	v20 =	vadd.f32 v20, v23  }
0x130: {  	v21 =	vld [tilespmem:s1+$0x130E0];
	v6 =	vadd.f32 v6, v17;
	v9 =	vadd.f32 v9, v18  }
0x131: {  	v17 =	vld [tilespmem:s1+$0x130F0];
	v7 =	vadd.f32 v15, v7;
	v10 =	vadd.f32 v10, v19  }
0x132: {  	v15 =	vld [tilespmem:s1+$0x13160];
	v12 =	vadd.f32 v12, v20;
	v3 =	vadd.f32 v14, v3  }
0x133: {  	v14 =	vld [tilespmem:s1+$0x13170];
	v4 =	vadd.f32 v16, v4;
	v7 =	vadd.f32 v8, v7  }
0x134: {  	v8 =	vld [tilespmem:s1+$0x131E0];
	v6 =	vmul.f32 $4.999999890e-03, v6;
	v0 =	vadd.f32 v22, v0;
	v3 =	vadd.f32 v13, v3  }
0x135: {  	v13 =	vld [tilespmem:s1+$0x131F0];
	v4 =	vadd.f32 v21, v4;
	v7 =	vadd.f32 v11, v7  }
0x136: {  	[tilespmem:s30+$0x19080] =	vst v6;
	v6 =	vmul.f32 $4.999999890e-03, v10;
	v0 =	vadd.f32 v17, v0;
	v3 =	vadd.f32 v5, v3  }
0x137: {  	v5 =	vmul.f32 $4.999999890e-03, v9;
	v4 =	vadd.f32 v15, v4;
	v1 =	vadd.f32 v1, v7  }
0x138: {  	[tilespmem:s30+$0x190A0] =	vst v6;
	v0 =	vadd.f32 v14, v0;
	v2 =	vadd.f32 v2, v3;
	v3 =	vmul.f32 $4.999999890e-03, v12  }
0x139: {  	[tilespmem:s30+$0x19090] =	vst v5;
	v4 =	vadd.f32 v8, v4;
	v1 =	vmul.f32 $4.999999890e-03, v1  }
0x13a: {  	v0 =	vadd.f32 v13, v0;
	[tilespmem:s30+$0x190B0] =	vst v3;
	v2 =	vmul.f32 $4.999999890e-03, v2  }
0x13b: {  	[tilespmem:s30+$0x190C0] =	vst v1;
	v1 =	vmul.f32 $4.999999890e-03, v4  }
0x13c: {  	[tilespmem:s30+$0x190D0] =	vst v2;
	v0 =	vmul.f32 $4.999999890e-03, v0  }
0x13d: {  	[tilespmem:s30+$0x190E0] =	vst v1  }
0x13e: {  	s0 =	sadd.s32 $0x320, s31;
	[tilespmem:s30+$0x190F0] =	vst v0  }
0x13f: {  	[tilespmem:s13], [sflag:$0x2] =	stream.indirect.gather [hbm4b:s2+s8], $0x80, s0, s8, $0xb8;
	[tilespmem:$0x1D000] =	vst v63  }
0x140: {  	s1 =	sadd.s32 $0x388, s31  }
0x141: {  	[tilespmem:s15], [sflag:$0x5] =	stream.indirect.gather [hbm4b:s2+s10], $0x80, s1, s10, $0xb8;
	[tilespmem:$0x1D000] =	vst v63  }
0x142: {  	_ =	swait.ge [sflag:s24], $0x3400  }
0x143: {  	[sflag:s24] =	ssyncset.done $0x0  }
0x144: {  	s1 =	simm.s32 $0x0;
	[sflag:s24] =	ssyncadd.s32 $0xFFFFCC00  }
0x145: {  	v5 =	vld [tilespmem:s1+$0xCD80]  }
0x146: {  	v7 =	vld [tilespmem:s1+$0xCD90]  }
0x147: {  	v8 =	vld [tilespmem:s1+$0xCDA0]  }
0x148: {  	v13 =	vld [tilespmem:s1+$0xCDB0]  }
0x149: {  	v0 =	vld [tilespmem:s1+$0xCDC0]  }
0x14a: {  	v3 =	vld [tilespmem:s1+$0xCDD0]  }
0x14b: {  	v20 =	vld [tilespmem:s1+$0xCD00]  }
0x14c: {  	v23 =	vld [tilespmem:s1+$0xCD10]  }
0x14d: {  	v11 =	vld [tilespmem:s1+$0xCD20]  }
0x14e: {  	v21 =	vld [tilespmem:s1+$0xCD30]  }
0x14f: {  	v4 =	vld [tilespmem:s1+$0xCD40]  }
0x150: {  	v1 =	vld [tilespmem:s1+$0xCC80]  }
0x151: {  	v2 =	vld [tilespmem:s1+$0xCC90]  }
0x152: {  	v6 =	vld [tilespmem:s1+$0xCC00]  }
0x153: {  	v9 =	vld [tilespmem:s1+$0xCC10]  }
0x154: {  	v10 =	vld [tilespmem:s1+$0xCC20]  }
0x155: {  	v12 =	vld [tilespmem:s1+$0xCC30]  }
0x156: {  	v16 =	vld [tilespmem:s1+$0xCCA0]  }
0x157: {  	v17 =	vld [tilespmem:s1+$0xCCB0]  }
0x158: {  	v15 =	vimm.f32 $0.0e+00;
	v14 =	vld [tilespmem:s1+$0xCD50]  }
0x159: {  	v25 =	vld [tilespmem:s1+$0xCCC0];
	v6 =	vadd.f32 v6, v15  }
0x15a: {  	v26 =	vld [tilespmem:s1+$0xCCD0];
	v9 =	vadd.f32 v9, v15;
	v10 =	vadd.f32 v10, v15  }
0x15b: {  	v27 =	vld [tilespmem:s1+$0xCC40];
	v12 =	vadd.f32 v12, v15;
	v30 =	vadd.f32 v1, v6  }
0x15c: {  	v18 =	vimm.f32 $0.0e+00;
	v28 =	vld [tilespmem:s1+$0xCC50];
	v31 =	vadd.f32 v2, v9;
	v32 =	vadd.f32 v16, v10  }
0x15d: {  	s0 =	simm.s32 $0x800;
	v29 =	vld [tilespmem:s1+$0xCC60];
	v33 =	vadd.f32 v17, v12;
	v16 =	vimm.f32 $0.0e+00;
	v17 =	vimm.f32 $0.0e+00  }
.LBB2_11:
0x15e: {  	p0 =	sne.s32 s0, $0xC800;
	v1 =	vld [tilespmem:s1+$0xCC70];
	v2 =	vadd.f32 v20, v30;
	v6 =	vadd.f32 v23, v31  }
0x15f: {  	v9 =	vld [tilespmem:s1+$0xCCE0];
	v10 =	vadd.f32 v11, v32;
	v11 =	vadd.f32 v21, v33  }
0x160: {  	v12 =	vld [tilespmem:s1+$0xCCF0];
	v2 =	vadd.f32 v5, v2;
	v6 =	vadd.f32 v7, v6  }
0x161: {  	v19 =	vld [tilespmem:s1+$0xCD60];
	v10 =	vadd.f32 v8, v10;
	v22 =	vadd.f32 v13, v11  }
0x162: {  	v5 =	vadd.f32 v27, v15;
	v7 =	vadd.f32 v28, v18;
	v11 =	vld [tilespmem:s1+$0xCD70]  }
0x163: {  	v8 =	vadd.f32 v29, v16;
	v1 =	vadd.f32 v1, v17;
	v16 =	vld [tilespmem:s1+$0xCDE0]  }
0x164: {  	v13 =	vadd.f32 v25, v5;
	v15 =	vadd.f32 v26, v7;
	v17 =	vld [tilespmem:s1+$0xCDF0];
	s1 =	sshra.s32 s0, $0x2  }
0x165: {  	v9 =	vadd.f32 v9, v8;
	v5 =	vld [tilespmem:s1+$0xCD80];
	v1 =	vadd.f32 v12, v1  }
0x166: {  	v4 =	vadd.f32 v4, v13;
	v12 =	vadd.f32 v14, v15;
	v7 =	vld [tilespmem:s1+$0xCD90]  }
0x167: {  	v9 =	vadd.f32 v19, v9;
	v8 =	vld [tilespmem:s1+$0xCDA0];
	v1 =	vadd.f32 v11, v1  }
0x168: {  	v15 =	vadd.f32 v0, v4;
	v18 =	vadd.f32 v3, v12;
	v13 =	vld [tilespmem:s1+$0xCDB0]  }
0x169: {  	v16 =	vadd.f32 v16, v9;
	v0 =	vld [tilespmem:s1+$0xCDC0];
	v17 =	vadd.f32 v17, v1  }
0x16a: {  	v3 =	vld [tilespmem:s1+$0xCDD0]  }
0x16b: {  	v20 =	vld [tilespmem:s1+$0xCD00]  }
0x16c: {  	v23 =	vld [tilespmem:s1+$0xCD10]  }
0x16d: {  	v11 =	vld [tilespmem:s1+$0xCD20]  }
0x16e: {  	v21 =	vld [tilespmem:s1+$0xCD30]  }
0x16f: {  	v4 =	vld [tilespmem:s1+$0xCD40]  }
0x170: {  	v14 =	vld [tilespmem:s1+$0xCD50]  }
0x171: {  	v1 =	vld [tilespmem:s1+$0xCC80]  }
0x172: {  	v9 =	vld [tilespmem:s1+$0xCC90]  }
0x173: {  	v12 =	vld [tilespmem:s1+$0xCC00]  }
0x174: {  	v19 =	vld [tilespmem:s1+$0xCC10]  }
0x175: {  	v24 =	vld [tilespmem:s1+$0xCC20]  }
0x176: {  	v27 =	vld [tilespmem:s1+$0xCC30]  }
0x177: {  	v32 =	vld [tilespmem:s1+$0xCCA0]  }
0x178: {  	v33 =	vld [tilespmem:s1+$0xCCB0]  }
.Ltmp4:
0x179: {  	v25 =	vld [tilespmem:s1+$0xCCC0];
	(pc) =	sbr.rel @p0 .LBB2_11-.Ltmp4, $4  }
0x17a: {  	v2 =	vadd.f32 v12, v2;
	v6 =	vadd.f32 v19, v6;
	v26 =	vld [tilespmem:s1+$0xCCD0]  }
0x17b: {  	v10 =	vadd.f32 v24, v10;
	v12 =	vadd.f32 v27, v22;
	v27 =	vld [tilespmem:s1+$0xCC40]  }
0x17c: {  	v30 =	vadd.f32 v1, v2;
	v31 =	vadd.f32 v9, v6;
	v28 =	vld [tilespmem:s1+$0xCC50]  }
0x17d: {  	s0 =	sadd.s32 $0x800, s0;
	v32 =	vadd.f32 v32, v10;
	v29 =	vld [tilespmem:s1+$0xCC60];
	v33 =	vadd.f32 v33, v12  }
0x17e: {  	v34 =	vld [tilespmem:s1+$0xCC70]  }
0x17f: {  	v35 =	vld [tilespmem:s1+$0xCCE0]  }
0x180: {  	v36 =	vld [tilespmem:s1+$0xCCF0]  }
0x181: {  	v37 =	vld [tilespmem:s1+$0xCD60]  }
0x182: {  	v38 =	vld [tilespmem:s1+$0xCD70]  }
0x183: {  	v39 =	vld [tilespmem:s1+$0xCDE0]  }
0x184: {  	v40 =	vld [tilespmem:s1+$0xCDF0];
	_ =	swait.ge [sflag:s25], $0x3000  }
0x185: {  	[sflag:s25] =	ssyncset.done $0x0  }
0x186: {  	s1 =	simm.s32 $0x0;
	[sflag:s25] =	ssyncadd.s32 $0xFFFFD000  }
0x187: {  	v6 =	vld [tilespmem:s1+$0x16180]  }
0x188: {  	v9 =	vld [tilespmem:s1+$0x16190]  }
0x189: {  	v10 =	vld [tilespmem:s1+$0x161A0]  }
0x18a: {  	v12 =	vld [tilespmem:s1+$0x161B0]  }
0x18b: {  	v1 =	vld [tilespmem:s1+$0x161C0]  }
0x18c: {  	v2 =	vld [tilespmem:s1+$0x161D0]  }
0x18d: {  	v22 =	vld [tilespmem:s1+$0x16100]  }
0x18e: {  	v24 =	vld [tilespmem:s1+$0x16110]  }
0x18f: {  	v19 =	vld [tilespmem:s1+$0x16120]  }
0x190: {  	v30 =	vadd.f32 v20, v30;
	v23 =	vadd.f32 v23, v31;
	v20 =	vld [tilespmem:s1+$0x16130]  }
0x191: {  	v61 =	vadd.f32 v11, v32;
	v21 =	vadd.f32 v21, v33;
	v11 =	vld [tilespmem:s1+$0x16140]  }
0x192: {  	v30 =	vadd.f32 v5, v30;
	v23 =	vadd.f32 v7, v23;
	v5 =	vld [tilespmem:s1+$0x16150]  }
0x193: {  	v7 =	vadd.f32 v27, v15;
	v31 =	vadd.f32 v8, v61;
	v62 =	vld [tilespmem:s1+$0x16080]  }
0x194: {  	v21 =	vadd.f32 v13, v21;
	v8 =	vadd.f32 v28, v18;
	v18 =	vld [tilespmem:s1+$0x16090]  }
0x195: {  	v13 =	vadd.f32 v29, v16;
	v16 =	vld [tilespmem:s1+$0x16000];
	v7 =	vadd.f32 v25, v7  }
0x196: {  	v25 =	vld [tilespmem:s1+$0x16020];
	v15 =	vadd.f32 v34, v17;
	v8 =	vadd.f32 v26, v8  }
0x197: {  	v17 =	vld [tilespmem:s1+$0x16010];
	v13 =	vadd.f32 v35, v13;
	v4 =	vadd.f32 v4, v7  }
0x198: {  	v15 =	vadd.f32 v36, v15;
	v8 =	vadd.f32 v14, v8;
	v14 =	vld [tilespmem:s1+$0x16030]  }
0x199: {  	v27 =	vld [tilespmem:s1+$0x160B0];
	v13 =	vadd.f32 v37, v13;
	v7 =	vadd.f32 v0, v4  }
0x19a: {  	v26 =	vld [tilespmem:s1+$0x160A0];
	v15 =	vadd.f32 v38, v15;
	v3 =	vadd.f32 v3, v8  }
0x19b: {  	v8 =	vld [tilespmem:s1+$0x160C0];
	v16 =	vadd.f32 v16, v30;
	v25 =	vadd.f32 v25, v31  }
0x19c: {  	v4 =	vadd.f32 v39, v13;
	v23 =	vadd.f32 v17, v23;
	v13 =	vld [tilespmem:s1+$0x160D0]  }
0x19d: {  	v0 =	vadd.f32 v40, v15;
	v15 =	vld [tilespmem:s1+$0x16040];
	v63 =	vadd.f32 v14, v21  }
0x19e: {  	v17 =	vadd.f32 v62, v16;
	v16 =	vld [tilespmem:s1+$0x16060];
	v18 =	vadd.f32 v18, v23  }
0x19f: {  	s0 =	simm.s32 $0x800;
	v14 =	vld [tilespmem:s1+$0x16050];
	v21 =	vadd.f32 v26, v25;
	v23 =	vadd.f32 v27, v63  }
.LBB2_13:
0x1a0: {  	p0 =	sne.s32 s0, $0xB800;
	v25 =	vld [tilespmem:s1+$0x16070];
	v17 =	vadd.f32 v22, v17;
	v18 =	vadd.f32 v24, v18  }
0x1a1: {  	v22 =	vld [tilespmem:s1+$0x160E0];
	v19 =	vadd.f32 v19, v21;
	v20 =	vadd.f32 v20, v23  }
0x1a2: {  	v21 =	vld [tilespmem:s1+$0x160F0];
	v17 =	vadd.f32 v6, v17;
	v18 =	vadd.f32 v9, v18  }
0x1a3: {  	v23 =	vld [tilespmem:s1+$0x16160];
	v26 =	vadd.f32 v10, v19;
	v27 =	vadd.f32 v12, v20  }
0x1a4: {  	v6 =	vadd.f32 v15, v7;
	v3 =	vadd.f32 v14, v3;
	v7 =	vld [tilespmem:s1+$0x16170]  }
0x1a5: {  	v4 =	vadd.f32 v16, v4;
	v0 =	vadd.f32 v25, v0;
	v14 =	vld [tilespmem:s1+$0x161E0]  }
0x1a6: {  	v8 =	vadd.f32 v8, v6;
	v3 =	vadd.f32 v13, v3;
	v13 =	vld [tilespmem:s1+$0x161F0];
	s1 =	sshra.s32 s0, $0x2  }
0x1a7: {  	v4 =	vadd.f32 v22, v4;
	v6 =	vld [tilespmem:s1+$0x16180];
	v0 =	vadd.f32 v21, v0  }
0x1a8: {  	v8 =	vadd.f32 v11, v8;
	v3 =	vadd.f32 v5, v3;
	v9 =	vld [tilespmem:s1+$0x16190]  }
0x1a9: {  	v4 =	vadd.f32 v23, v4;
	v10 =	vld [tilespmem:s1+$0x161A0];
	v0 =	vadd.f32 v7, v0  }
0x1aa: {  	v7 =	vadd.f32 v1, v8;
	v3 =	vadd.f32 v2, v3;
	v12 =	vld [tilespmem:s1+$0x161B0]  }
0x1ab: {  	v4 =	vadd.f32 v14, v4;
	v1 =	vld [tilespmem:s1+$0x161C0];
	v0 =	vadd.f32 v13, v0  }
0x1ac: {  	v2 =	vld [tilespmem:s1+$0x161D0]  }
0x1ad: {  	v22 =	vld [tilespmem:s1+$0x16100]  }
0x1ae: {  	v24 =	vld [tilespmem:s1+$0x16110]  }
0x1af: {  	v19 =	vld [tilespmem:s1+$0x16120]  }
0x1b0: {  	v20 =	vld [tilespmem:s1+$0x16130]  }
0x1b1: {  	v11 =	vld [tilespmem:s1+$0x16140]  }
0x1b2: {  	v5 =	vld [tilespmem:s1+$0x16150]  }
0x1b3: {  	v16 =	vld [tilespmem:s1+$0x16080]  }
0x1b4: {  	v21 =	vld [tilespmem:s1+$0x16090]  }
0x1b5: {  	v13 =	vld [tilespmem:s1+$0x16000]  }
0x1b6: {  	v14 =	vld [tilespmem:s1+$0x16010]  }
0x1b7: {  	v15 =	vld [tilespmem:s1+$0x16020]  }
0x1b8: {  	v23 =	vld [tilespmem:s1+$0x16030]  }
0x1b9: {  	v25 =	vld [tilespmem:s1+$0x160A0]  }
0x1ba: {  	v28 =	vld [tilespmem:s1+$0x160B0]  }
.Ltmp5:
0x1bb: {  	v8 =	vld [tilespmem:s1+$0x160C0];
	(pc) =	sbr.rel @p0 .LBB2_13-.Ltmp5, $4  }
0x1bc: {  	v17 =	vadd.f32 v13, v17;
	v18 =	vadd.f32 v14, v18;
	v13 =	vld [tilespmem:s1+$0x160D0]  }
0x1bd: {  	v26 =	vadd.f32 v15, v26;
	v23 =	vadd.f32 v23, v27;
	v15 =	vld [tilespmem:s1+$0x16040]  }
0x1be: {  	v17 =	vadd.f32 v16, v17;
	v18 =	vadd.f32 v21, v18;
	v14 =	vld [tilespmem:s1+$0x16050]  }
0x1bf: {  	s0 =	sadd.s32 $0x800, s0;
	v21 =	vadd.f32 v25, v26;
	v16 =	vld [tilespmem:s1+$0x16060];
	v23 =	vadd.f32 v28, v23  }
0x1c0: {  	v17 =	vadd.f32 v22, v17;
	v18 =	vadd.f32 v24, v18  }
0x1c1: {  	v53 =	vld [tilespmem:s1+$0x16070];
	v19 =	vadd.f32 v19, v21;
	v20 =	vadd.f32 v20, v23  }
0x1c2: {  	v54 =	vld [tilespmem:s1+$0x160E0];
	v6 =	vadd.f32 v6, v17;
	v9 =	vadd.f32 v9, v18  }
0x1c3: {  	v55 =	vld [tilespmem:s1+$0x160F0];
	v7 =	vadd.f32 v15, v7;
	v10 =	vadd.f32 v10, v19  }
0x1c4: {  	v56 =	vld [tilespmem:s1+$0x16160];
	v12 =	vadd.f32 v12, v20;
	v3 =	vadd.f32 v14, v3  }
0x1c5: {  	v57 =	vld [tilespmem:s1+$0x16170];
	v4 =	vadd.f32 v16, v4;
	v7 =	vadd.f32 v8, v7  }
0x1c6: {  	v58 =	vld [tilespmem:s1+$0x161E0];
	v0 =	vadd.f32 v53, v0;
	v3 =	vadd.f32 v13, v3  }
0x1c7: {  	v59 =	vld [tilespmem:s1+$0x161F0];
	v6 =	vmul.f32 $4.999999890e-03, v6;
	v4 =	vadd.f32 v54, v4;
	v7 =	vadd.f32 v11, v7  }
0x1c8: {  	v60 =	vmul.f32 $4.999999890e-03, v9;
	v0 =	vadd.f32 v55, v0;
	v3 =	vadd.f32 v5, v3  }
0x1c9: {  	v61 =	vmul.f32 $4.999999890e-03, v10;
	[tilespmem:s30+$0x19100] =	vst v6;
	v4 =	vadd.f32 v56, v4;
	v1 =	vadd.f32 v1, v7  }
0x1ca: {  	v62 =	vmul.f32 $4.999999890e-03, v12;
	[tilespmem:s30+$0x19110] =	vst v60;
	v0 =	vadd.f32 v57, v0;
	v2 =	vadd.f32 v2, v3  }
0x1cb: {  	p0 =	seq.s32 s29, $0x29;
	[tilespmem:s30+$0x19120] =	vst v61;
	v4 =	vadd.f32 v58, v4;
	v1 =	vmul.f32 $4.999999890e-03, v1  }
.Ltmp6:
0x1cc: {  	[tilespmem:s30+$0x19130] =	vst v62;
	v0 =	vadd.f32 v59, v0;
	v2 =	vmul.f32 $4.999999890e-03, v2;
	(pc) =	sbr.rel @p0 .LBB2_16-.Ltmp6, $4  }
0x1cd: {  	[tilespmem:s30+$0x19140] =	vst v1;
	v63 =	vmul.f32 $4.999999890e-03, v4  }
0x1ce: {  	[tilespmem:s30+$0x19150] =	vst v2;
	v0 =	vmul.f32 $4.999999890e-03, v0  }
0x1cf: {  	[tilespmem:s30+$0x19160] =	vst v63  }
0x1d0: {  	[tilespmem:s30+$0x19170] =	vst v0  }
.Ltmp7:
0x1d1: {  	(pc) =	sbr.rel .LBB2_2-.Ltmp7, $4  }
0x1d2: {  	s0 =	sadd.s32 $0x3E8, s31  }
0x1d3: {  	[tilespmem:s17], [sflag:$0x3] =	stream.indirect.gather [hbm4b:s2+s8], $0x80, s0, s8, $0xb8;
	[tilespmem:$0x1D000] =	vst v63  }
0x1d4: {  	s31 =	sadd.s32 $0x450, s31;
	s29 =	sadd.s32 $0x1, s29  }
0x1d5: {  	[tilespmem:s19], [sflag:$0x6] =	stream.indirect.gather [hbm4b:s2+s10], $0x80, s31, s10, $0xb8;
	[tilespmem:$0x1D000] =	vst v63  }
.LBB2_16:
0x1d6: {  	_ =	swait.ge [sflag:s20], $0x3400  }
0x1d7: {  	[sflag:s20] =	ssyncset.done $0x0  }
0x1d8: {  	s1 =	simm.s32 $0x0;
	[sflag:s20] =	ssyncadd.s32 $0xFFFFCC00  }
0x1d9: {  	v5 =	vld [tilespmem:s1+$0x6580]  }
0x1da: {  	v7 =	vld [tilespmem:s1+$0x6590]  }
0x1db: {  	v8 =	vld [tilespmem:s1+$0x65A0]  }
0x1dc: {  	v13 =	vld [tilespmem:s1+$0x65B0]  }
0x1dd: {  	v0 =	vld [tilespmem:s1+$0x65C0]  }
0x1de: {  	v3 =	vld [tilespmem:s1+$0x65D0]  }
0x1df: {  	v20 =	vld [tilespmem:s1+$0x6500]  }
0x1e0: {  	v23 =	vld [tilespmem:s1+$0x6510]  }
0x1e1: {  	v11 =	vld [tilespmem:s1+$0x6520]  }
0x1e2: {  	v21 =	vld [tilespmem:s1+$0x6530]  }
0x1e3: {  	v4 =	vld [tilespmem:s1+$0x6540]  }
0x1e4: {  	v1 =	vld [tilespmem:s1+$0x6480]  }
0x1e5: {  	v2 =	vld [tilespmem:s1+$0x6490]  }
0x1e6: {  	v6 =	vld [tilespmem:s1+$0x6400]  }
0x1e7: {  	v9 =	vld [tilespmem:s1+$0x6410]  }
0x1e8: {  	v10 =	vld [tilespmem:s1+$0x6420]  }
0x1e9: {  	v12 =	vld [tilespmem:s1+$0x6430]  }
0x1ea: {  	v16 =	vld [tilespmem:s1+$0x64A0]  }
0x1eb: {  	v17 =	vld [tilespmem:s1+$0x64B0]  }
0x1ec: {  	v15 =	vimm.f32 $0.0e+00;
	v14 =	vld [tilespmem:s1+$0x6550]  }
0x1ed: {  	v25 =	vld [tilespmem:s1+$0x64C0];
	v6 =	vadd.f32 v6, v15  }
0x1ee: {  	v26 =	vld [tilespmem:s1+$0x64D0];
	v9 =	vadd.f32 v9, v15;
	v10 =	vadd.f32 v10, v15  }
0x1ef: {  	v27 =	vld [tilespmem:s1+$0x6440];
	v12 =	vadd.f32 v12, v15;
	v30 =	vadd.f32 v1, v6  }
0x1f0: {  	v18 =	vimm.f32 $0.0e+00;
	v28 =	vld [tilespmem:s1+$0x6450];
	v31 =	vadd.f32 v2, v9;
	v32 =	vadd.f32 v16, v10  }
0x1f1: {  	s0 =	simm.s32 $0x800;
	v29 =	vld [tilespmem:s1+$0x6460];
	v33 =	vadd.f32 v17, v12;
	v16 =	vimm.f32 $0.0e+00;
	v17 =	vimm.f32 $0.0e+00  }
.LBB2_17:
0x1f2: {  	p0 =	sne.s32 s0, $0xC800;
	v1 =	vld [tilespmem:s1+$0x6470];
	v2 =	vadd.f32 v20, v30;
	v6 =	vadd.f32 v23, v31  }
0x1f3: {  	v9 =	vld [tilespmem:s1+$0x64E0];
	v10 =	vadd.f32 v11, v32;
	v11 =	vadd.f32 v21, v33  }
0x1f4: {  	v12 =	vld [tilespmem:s1+$0x64F0];
	v2 =	vadd.f32 v5, v2;
	v6 =	vadd.f32 v7, v6  }
0x1f5: {  	v19 =	vld [tilespmem:s1+$0x6560];
	v10 =	vadd.f32 v8, v10;
	v22 =	vadd.f32 v13, v11  }
0x1f6: {  	v5 =	vadd.f32 v27, v15;
	v7 =	vadd.f32 v28, v18;
	v11 =	vld [tilespmem:s1+$0x6570]  }
0x1f7: {  	v8 =	vadd.f32 v29, v16;
	v1 =	vadd.f32 v1, v17;
	v16 =	vld [tilespmem:s1+$0x65E0]  }
0x1f8: {  	v13 =	vadd.f32 v25, v5;
	v15 =	vadd.f32 v26, v7;
	v17 =	vld [tilespmem:s1+$0x65F0];
	s1 =	sshra.s32 s0, $0x2  }
0x1f9: {  	v9 =	vadd.f32 v9, v8;
	v5 =	vld [tilespmem:s1+$0x6580];
	v1 =	vadd.f32 v12, v1  }
0x1fa: {  	v4 =	vadd.f32 v4, v13;
	v12 =	vadd.f32 v14, v15;
	v7 =	vld [tilespmem:s1+$0x6590]  }
0x1fb: {  	v9 =	vadd.f32 v19, v9;
	v8 =	vld [tilespmem:s1+$0x65A0];
	v1 =	vadd.f32 v11, v1  }
0x1fc: {  	v15 =	vadd.f32 v0, v4;
	v18 =	vadd.f32 v3, v12;
	v13 =	vld [tilespmem:s1+$0x65B0]  }
0x1fd: {  	v16 =	vadd.f32 v16, v9;
	v0 =	vld [tilespmem:s1+$0x65C0];
	v17 =	vadd.f32 v17, v1  }
0x1fe: {  	v3 =	vld [tilespmem:s1+$0x65D0]  }
0x1ff: {  	v20 =	vld [tilespmem:s1+$0x6500]  }
0x200: {  	v23 =	vld [tilespmem:s1+$0x6510]  }
0x201: {  	v11 =	vld [tilespmem:s1+$0x6520]  }
0x202: {  	v21 =	vld [tilespmem:s1+$0x6530]  }
0x203: {  	v4 =	vld [tilespmem:s1+$0x6540]  }
0x204: {  	v14 =	vld [tilespmem:s1+$0x6550]  }
0x205: {  	v1 =	vld [tilespmem:s1+$0x6480]  }
0x206: {  	v9 =	vld [tilespmem:s1+$0x6490]  }
0x207: {  	v12 =	vld [tilespmem:s1+$0x6400]  }
0x208: {  	v19 =	vld [tilespmem:s1+$0x6410]  }
0x209: {  	v24 =	vld [tilespmem:s1+$0x6420]  }
0x20a: {  	v27 =	vld [tilespmem:s1+$0x6430]  }
0x20b: {  	v32 =	vld [tilespmem:s1+$0x64A0]  }
0x20c: {  	v33 =	vld [tilespmem:s1+$0x64B0]  }
.Ltmp8:
0x20d: {  	v25 =	vld [tilespmem:s1+$0x64C0];
	(pc) =	sbr.rel @p0 .LBB2_17-.Ltmp8, $4  }
0x20e: {  	v2 =	vadd.f32 v12, v2;
	v6 =	vadd.f32 v19, v6;
	v26 =	vld [tilespmem:s1+$0x64D0]  }
0x20f: {  	v10 =	vadd.f32 v24, v10;
	v12 =	vadd.f32 v27, v22;
	v27 =	vld [tilespmem:s1+$0x6440]  }
0x210: {  	v30 =	vadd.f32 v1, v2;
	v31 =	vadd.f32 v9, v6;
	v28 =	vld [tilespmem:s1+$0x6450]  }
0x211: {  	s0 =	sadd.s32 $0x800, s0;
	v32 =	vadd.f32 v32, v10;
	v29 =	vld [tilespmem:s1+$0x6460];
	v33 =	vadd.f32 v33, v12  }
0x212: {  	v34 =	vld [tilespmem:s1+$0x6470]  }
0x213: {  	v35 =	vld [tilespmem:s1+$0x64E0]  }
0x214: {  	v36 =	vld [tilespmem:s1+$0x64F0]  }
0x215: {  	v37 =	vld [tilespmem:s1+$0x6560]  }
0x216: {  	v38 =	vld [tilespmem:s1+$0x6570]  }
0x217: {  	v39 =	vld [tilespmem:s1+$0x65E0]  }
0x218: {  	v40 =	vld [tilespmem:s1+$0x65F0];
	_ =	swait.ge [sflag:s21], $0x3000  }
0x219: {  	[sflag:s21] =	ssyncset.done $0x0  }
0x21a: {  	s1 =	simm.s32 $0x0;
	[sflag:s21] =	ssyncadd.s32 $0xFFFFD000  }
0x21b: {  	v6 =	vld [tilespmem:s1+$0x10180]  }
0x21c: {  	v9 =	vld [tilespmem:s1+$0x10190]  }
0x21d: {  	v10 =	vld [tilespmem:s1+$0x101A0]  }
0x21e: {  	v12 =	vld [tilespmem:s1+$0x101B0]  }
0x21f: {  	v1 =	vld [tilespmem:s1+$0x101C0]  }
0x220: {  	v2 =	vld [tilespmem:s1+$0x101D0]  }
0x221: {  	v22 =	vld [tilespmem:s1+$0x10100]  }
0x222: {  	v24 =	vld [tilespmem:s1+$0x10110]  }
0x223: {  	v19 =	vld [tilespmem:s1+$0x10120]  }
0x224: {  	v30 =	vadd.f32 v20, v30;
	v23 =	vadd.f32 v23, v31;
	v20 =	vld [tilespmem:s1+$0x10130]  }
0x225: {  	v61 =	vadd.f32 v11, v32;
	v21 =	vadd.f32 v21, v33;
	v11 =	vld [tilespmem:s1+$0x10140]  }
0x226: {  	v30 =	vadd.f32 v5, v30;
	v23 =	vadd.f32 v7, v23;
	v5 =	vld [tilespmem:s1+$0x10150]  }
0x227: {  	v7 =	vadd.f32 v27, v15;
	v31 =	vadd.f32 v8, v61;
	v62 =	vld [tilespmem:s1+$0x10080]  }
0x228: {  	v21 =	vadd.f32 v13, v21;
	v8 =	vadd.f32 v28, v18;
	v18 =	vld [tilespmem:s1+$0x10090]  }
0x229: {  	v13 =	vadd.f32 v29, v16;
	v16 =	vld [tilespmem:s1+$0x10000];
	v7 =	vadd.f32 v25, v7  }
0x22a: {  	v25 =	vld [tilespmem:s1+$0x10020];
	v15 =	vadd.f32 v34, v17;
	v8 =	vadd.f32 v26, v8  }
0x22b: {  	v17 =	vld [tilespmem:s1+$0x10010];
	v13 =	vadd.f32 v35, v13;
	v4 =	vadd.f32 v4, v7  }
0x22c: {  	v15 =	vadd.f32 v36, v15;
	v8 =	vadd.f32 v14, v8;
	v14 =	vld [tilespmem:s1+$0x10030]  }
0x22d: {  	v27 =	vld [tilespmem:s1+$0x100B0];
	v13 =	vadd.f32 v37, v13;
	v7 =	vadd.f32 v0, v4  }
0x22e: {  	v26 =	vld [tilespmem:s1+$0x100A0];
	v15 =	vadd.f32 v38, v15;
	v3 =	vadd.f32 v3, v8  }
0x22f: {  	v8 =	vld [tilespmem:s1+$0x100C0];
	v16 =	vadd.f32 v16, v30;
	v25 =	vadd.f32 v25, v31  }
0x230: {  	v4 =	vadd.f32 v39, v13;
	v23 =	vadd.f32 v17, v23;
	v13 =	vld [tilespmem:s1+$0x100D0]  }
0x231: {  	v0 =	vadd.f32 v40, v15;
	v15 =	vld [tilespmem:s1+$0x10040];
	v63 =	vadd.f32 v14, v21  }
0x232: {  	v17 =	vadd.f32 v62, v16;
	v16 =	vld [tilespmem:s1+$0x10060];
	v18 =	vadd.f32 v18, v23  }
0x233: {  	s0 =	simm.s32 $0x800;
	v14 =	vld [tilespmem:s1+$0x10050];
	v21 =	vadd.f32 v26, v25;
	v23 =	vadd.f32 v27, v63  }
.LBB2_19:
0x234: {  	p0 =	sne.s32 s0, $0xB800;
	v25 =	vld [tilespmem:s1+$0x10070];
	v17 =	vadd.f32 v22, v17;
	v18 =	vadd.f32 v24, v18  }
0x235: {  	v22 =	vld [tilespmem:s1+$0x100E0];
	v19 =	vadd.f32 v19, v21;
	v20 =	vadd.f32 v20, v23  }
0x236: {  	v21 =	vld [tilespmem:s1+$0x100F0];
	v17 =	vadd.f32 v6, v17;
	v18 =	vadd.f32 v9, v18  }
0x237: {  	v23 =	vld [tilespmem:s1+$0x10160];
	v26 =	vadd.f32 v10, v19;
	v27 =	vadd.f32 v12, v20  }
0x238: {  	v6 =	vadd.f32 v15, v7;
	v3 =	vadd.f32 v14, v3;
	v7 =	vld [tilespmem:s1+$0x10170]  }
0x239: {  	v4 =	vadd.f32 v16, v4;
	v0 =	vadd.f32 v25, v0;
	v14 =	vld [tilespmem:s1+$0x101E0]  }
0x23a: {  	v8 =	vadd.f32 v8, v6;
	v3 =	vadd.f32 v13, v3;
	v13 =	vld [tilespmem:s1+$0x101F0];
	s1 =	sshra.s32 s0, $0x2  }
0x23b: {  	v4 =	vadd.f32 v22, v4;
	v6 =	vld [tilespmem:s1+$0x10180];
	v0 =	vadd.f32 v21, v0  }
0x23c: {  	v8 =	vadd.f32 v11, v8;
	v3 =	vadd.f32 v5, v3;
	v9 =	vld [tilespmem:s1+$0x10190]  }
0x23d: {  	v4 =	vadd.f32 v23, v4;
	v10 =	vld [tilespmem:s1+$0x101A0];
	v0 =	vadd.f32 v7, v0  }
0x23e: {  	v7 =	vadd.f32 v1, v8;
	v3 =	vadd.f32 v2, v3;
	v12 =	vld [tilespmem:s1+$0x101B0]  }
0x23f: {  	v4 =	vadd.f32 v14, v4;
	v1 =	vld [tilespmem:s1+$0x101C0];
	v0 =	vadd.f32 v13, v0  }
0x240: {  	v2 =	vld [tilespmem:s1+$0x101D0]  }
0x241: {  	v22 =	vld [tilespmem:s1+$0x10100]  }
0x242: {  	v24 =	vld [tilespmem:s1+$0x10110]  }
0x243: {  	v19 =	vld [tilespmem:s1+$0x10120]  }
0x244: {  	v20 =	vld [tilespmem:s1+$0x10130]  }
0x245: {  	v11 =	vld [tilespmem:s1+$0x10140]  }
0x246: {  	v5 =	vld [tilespmem:s1+$0x10150]  }
0x247: {  	v16 =	vld [tilespmem:s1+$0x10080]  }
0x248: {  	v21 =	vld [tilespmem:s1+$0x10090]  }
0x249: {  	v13 =	vld [tilespmem:s1+$0x10000]  }
0x24a: {  	v14 =	vld [tilespmem:s1+$0x10010]  }
0x24b: {  	v15 =	vld [tilespmem:s1+$0x10020]  }
0x24c: {  	v23 =	vld [tilespmem:s1+$0x10030]  }
0x24d: {  	v25 =	vld [tilespmem:s1+$0x100A0]  }
0x24e: {  	v28 =	vld [tilespmem:s1+$0x100B0]  }
.Ltmp9:
0x24f: {  	v8 =	vld [tilespmem:s1+$0x100C0];
	(pc) =	sbr.rel @p0 .LBB2_19-.Ltmp9, $4  }
0x250: {  	v17 =	vadd.f32 v13, v17;
	v18 =	vadd.f32 v14, v18;
	v13 =	vld [tilespmem:s1+$0x100D0]  }
0x251: {  	v26 =	vadd.f32 v15, v26;
	v23 =	vadd.f32 v23, v27;
	v15 =	vld [tilespmem:s1+$0x10040]  }
0x252: {  	v17 =	vadd.f32 v16, v17;
	v18 =	vadd.f32 v21, v18;
	v14 =	vld [tilespmem:s1+$0x10050]  }
0x253: {  	s0 =	sadd.s32 $0x800, s0;
	v21 =	vadd.f32 v25, v26;
	v16 =	vld [tilespmem:s1+$0x10060];
	v23 =	vadd.f32 v28, v23  }
0x254: {  	v17 =	vadd.f32 v22, v17;
	v18 =	vadd.f32 v24, v18  }
0x255: {  	v22 =	vld [tilespmem:s1+$0x10070];
	v19 =	vadd.f32 v19, v21;
	v20 =	vadd.f32 v20, v23  }
0x256: {  	v21 =	vld [tilespmem:s1+$0x100E0];
	v6 =	vadd.f32 v6, v17;
	v9 =	vadd.f32 v9, v18  }
0x257: {  	v17 =	vld [tilespmem:s1+$0x100F0];
	v7 =	vadd.f32 v15, v7;
	v10 =	vadd.f32 v10, v19  }
0x258: {  	v15 =	vld [tilespmem:s1+$0x10160];
	v12 =	vadd.f32 v12, v20;
	v3 =	vadd.f32 v14, v3  }
0x259: {  	v14 =	vld [tilespmem:s1+$0x10170];
	v4 =	vadd.f32 v16, v4;
	v7 =	vadd.f32 v8, v7  }
0x25a: {  	v8 =	vld [tilespmem:s1+$0x101E0];
	v6 =	vmul.f32 $4.999999890e-03, v6;
	v0 =	vadd.f32 v22, v0;
	v3 =	vadd.f32 v13, v3  }
0x25b: {  	v13 =	vld [tilespmem:s1+$0x101F0];
	v4 =	vadd.f32 v21, v4;
	v7 =	vadd.f32 v11, v7  }
0x25c: {  	[tilespmem:$0x1CF00] =	vst v6;
	v6 =	vmul.f32 $4.999999890e-03, v10;
	v0 =	vadd.f32 v17, v0;
	v3 =	vadd.f32 v5, v3  }
0x25d: {  	v5 =	vmul.f32 $4.999999890e-03, v9;
	v4 =	vadd.f32 v15, v4;
	v1 =	vadd.f32 v1, v7  }
0x25e: {  	[tilespmem:$0x1CF20] =	vst v6;
	v0 =	vadd.f32 v14, v0;
	v2 =	vadd.f32 v2, v3;
	v3 =	vmul.f32 $4.999999890e-03, v12  }
0x25f: {  	[tilespmem:$0x1CF10] =	vst v5;
	v4 =	vadd.f32 v8, v4;
	v1 =	vmul.f32 $4.999999890e-03, v1  }
0x260: {  	v0 =	vadd.f32 v13, v0;
	[tilespmem:$0x1CF30] =	vst v3;
	v2 =	vmul.f32 $4.999999890e-03, v2  }
0x261: {  	[tilespmem:$0x1CF40] =	vst v1;
	v1 =	vmul.f32 $4.999999890e-03, v4  }
0x262: {  	[tilespmem:$0x1CF50] =	vst v2;
	v0 =	vmul.f32 $4.999999890e-03, v0  }
0x263: {  	[tilespmem:$0x1CF60] =	vst v1  }
0x264: {  	[tilespmem:$0x1CF70] =	vst v0  }
0x265: {  	_ =	swait.ge [sflag:s22], $0x3400  }
0x266: {  	[sflag:s22] =	ssyncset.done $0x0  }
0x267: {  	s1 =	simm.s32 $0x0;
	[sflag:s22] =	ssyncadd.s32 $0xFFFFCC00  }
0x268: {  	v5 =	vld [tilespmem:s1+$0x9980]  }
0x269: {  	v7 =	vld [tilespmem:s1+$0x9990]  }
0x26a: {  	v8 =	vld [tilespmem:s1+$0x99A0]  }
0x26b: {  	v13 =	vld [tilespmem:s1+$0x99B0]  }
0x26c: {  	v0 =	vld [tilespmem:s1+$0x99C0]  }
0x26d: {  	v3 =	vld [tilespmem:s1+$0x99D0]  }
0x26e: {  	v20 =	vld [tilespmem:s1+$0x9900]  }
0x26f: {  	v23 =	vld [tilespmem:s1+$0x9910]  }
0x270: {  	v11 =	vld [tilespmem:s1+$0x9920]  }
0x271: {  	v21 =	vld [tilespmem:s1+$0x9930]  }
0x272: {  	v4 =	vld [tilespmem:s1+$0x9940]  }
0x273: {  	v1 =	vld [tilespmem:s1+$0x9880]  }
0x274: {  	v2 =	vld [tilespmem:s1+$0x9890]  }
0x275: {  	v6 =	vld [tilespmem:s1+$0x9800]  }
0x276: {  	v9 =	vld [tilespmem:s1+$0x9810]  }
0x277: {  	v10 =	vld [tilespmem:s1+$0x9820]  }
0x278: {  	v12 =	vld [tilespmem:s1+$0x9830]  }
0x279: {  	v16 =	vld [tilespmem:s1+$0x98A0]  }
0x27a: {  	v17 =	vld [tilespmem:s1+$0x98B0]  }
0x27b: {  	v15 =	vimm.f32 $0.0e+00;
	v14 =	vld [tilespmem:s1+$0x9950]  }
0x27c: {  	v25 =	vld [tilespmem:s1+$0x98C0];
	v6 =	vadd.f32 v6, v15  }
0x27d: {  	v26 =	vld [tilespmem:s1+$0x98D0];
	v9 =	vadd.f32 v9, v15;
	v10 =	vadd.f32 v10, v15  }
0x27e: {  	v27 =	vld [tilespmem:s1+$0x9840];
	v12 =	vadd.f32 v12, v15;
	v30 =	vadd.f32 v1, v6  }
0x27f: {  	v18 =	vimm.f32 $0.0e+00;
	v28 =	vld [tilespmem:s1+$0x9850];
	v31 =	vadd.f32 v2, v9;
	v32 =	vadd.f32 v16, v10  }
0x280: {  	s0 =	simm.s32 $0x800;
	v29 =	vld [tilespmem:s1+$0x9860];
	v33 =	vadd.f32 v17, v12;
	v16 =	vimm.f32 $0.0e+00;
	v17 =	vimm.f32 $0.0e+00  }
.LBB2_21:
0x281: {  	p0 =	sne.s32 s0, $0xC800;
	v1 =	vld [tilespmem:s1+$0x9870];
	v2 =	vadd.f32 v20, v30;
	v6 =	vadd.f32 v23, v31  }
0x282: {  	v9 =	vld [tilespmem:s1+$0x98E0];
	v10 =	vadd.f32 v11, v32;
	v11 =	vadd.f32 v21, v33  }
0x283: {  	v12 =	vld [tilespmem:s1+$0x98F0];
	v2 =	vadd.f32 v5, v2;
	v6 =	vadd.f32 v7, v6  }
0x284: {  	v19 =	vld [tilespmem:s1+$0x9960];
	v10 =	vadd.f32 v8, v10;
	v22 =	vadd.f32 v13, v11  }
0x285: {  	v5 =	vadd.f32 v27, v15;
	v7 =	vadd.f32 v28, v18;
	v11 =	vld [tilespmem:s1+$0x9970]  }
0x286: {  	v8 =	vadd.f32 v29, v16;
	v1 =	vadd.f32 v1, v17;
	v16 =	vld [tilespmem:s1+$0x99E0]  }
0x287: {  	v13 =	vadd.f32 v25, v5;
	v15 =	vadd.f32 v26, v7;
	v17 =	vld [tilespmem:s1+$0x99F0];
	s1 =	sshra.s32 s0, $0x2  }
0x288: {  	v9 =	vadd.f32 v9, v8;
	v5 =	vld [tilespmem:s1+$0x9980];
	v1 =	vadd.f32 v12, v1  }
0x289: {  	v4 =	vadd.f32 v4, v13;
	v12 =	vadd.f32 v14, v15;
	v7 =	vld [tilespmem:s1+$0x9990]  }
0x28a: {  	v9 =	vadd.f32 v19, v9;
	v8 =	vld [tilespmem:s1+$0x99A0];
	v1 =	vadd.f32 v11, v1  }
0x28b: {  	v15 =	vadd.f32 v0, v4;
	v18 =	vadd.f32 v3, v12;
	v13 =	vld [tilespmem:s1+$0x99B0]  }
0x28c: {  	v16 =	vadd.f32 v16, v9;
	v0 =	vld [tilespmem:s1+$0x99C0];
	v17 =	vadd.f32 v17, v1  }
0x28d: {  	v3 =	vld [tilespmem:s1+$0x99D0]  }
0x28e: {  	v20 =	vld [tilespmem:s1+$0x9900]  }
0x28f: {  	v23 =	vld [tilespmem:s1+$0x9910]  }
0x290: {  	v11 =	vld [tilespmem:s1+$0x9920]  }
0x291: {  	v21 =	vld [tilespmem:s1+$0x9930]  }
0x292: {  	v4 =	vld [tilespmem:s1+$0x9940]  }
0x293: {  	v14 =	vld [tilespmem:s1+$0x9950]  }
0x294: {  	v1 =	vld [tilespmem:s1+$0x9880]  }
0x295: {  	v9 =	vld [tilespmem:s1+$0x9890]  }
0x296: {  	v12 =	vld [tilespmem:s1+$0x9800]  }
0x297: {  	v19 =	vld [tilespmem:s1+$0x9810]  }
0x298: {  	v24 =	vld [tilespmem:s1+$0x9820]  }
0x299: {  	v27 =	vld [tilespmem:s1+$0x9830]  }
0x29a: {  	v32 =	vld [tilespmem:s1+$0x98A0]  }
0x29b: {  	v33 =	vld [tilespmem:s1+$0x98B0]  }
.Ltmp10:
0x29c: {  	v25 =	vld [tilespmem:s1+$0x98C0];
	(pc) =	sbr.rel @p0 .LBB2_21-.Ltmp10, $4  }
0x29d: {  	v2 =	vadd.f32 v12, v2;
	v6 =	vadd.f32 v19, v6;
	v26 =	vld [tilespmem:s1+$0x98D0]  }
0x29e: {  	v10 =	vadd.f32 v24, v10;
	v12 =	vadd.f32 v27, v22;
	v27 =	vld [tilespmem:s1+$0x9840]  }
0x29f: {  	v30 =	vadd.f32 v1, v2;
	v31 =	vadd.f32 v9, v6;
	v28 =	vld [tilespmem:s1+$0x9850]  }
0x2a0: {  	s0 =	sadd.s32 $0x800, s0;
	v32 =	vadd.f32 v32, v10;
	v29 =	vld [tilespmem:s1+$0x9860];
	v33 =	vadd.f32 v33, v12  }
0x2a1: {  	v34 =	vld [tilespmem:s1+$0x9870]  }
0x2a2: {  	v35 =	vld [tilespmem:s1+$0x98E0]  }
0x2a3: {  	v36 =	vld [tilespmem:s1+$0x98F0]  }
0x2a4: {  	v37 =	vld [tilespmem:s1+$0x9960]  }
0x2a5: {  	v38 =	vld [tilespmem:s1+$0x9970]  }
0x2a6: {  	v39 =	vld [tilespmem:s1+$0x99E0]  }
0x2a7: {  	v40 =	vld [tilespmem:s1+$0x99F0];
	_ =	swait.ge [sflag:s23], $0x3000  }
0x2a8: {  	[sflag:s23] =	ssyncset.done $0x0  }
0x2a9: {  	s1 =	simm.s32 $0x0;
	[sflag:s23] =	ssyncadd.s32 $0xFFFFD000  }
0x2aa: {  	v6 =	vld [tilespmem:s1+$0x13180]  }
0x2ab: {  	v9 =	vld [tilespmem:s1+$0x13190]  }
0x2ac: {  	v10 =	vld [tilespmem:s1+$0x131A0]  }
0x2ad: {  	v12 =	vld [tilespmem:s1+$0x131B0]  }
0x2ae: {  	v1 =	vld [tilespmem:s1+$0x131C0]  }
0x2af: {  	v2 =	vld [tilespmem:s1+$0x131D0]  }
0x2b0: {  	v22 =	vld [tilespmem:s1+$0x13100]  }
0x2b1: {  	v24 =	vld [tilespmem:s1+$0x13110]  }
0x2b2: {  	v19 =	vld [tilespmem:s1+$0x13120]  }
0x2b3: {  	v30 =	vadd.f32 v20, v30;
	v23 =	vadd.f32 v23, v31;
	v20 =	vld [tilespmem:s1+$0x13130]  }
0x2b4: {  	v61 =	vadd.f32 v11, v32;
	v21 =	vadd.f32 v21, v33;
	v11 =	vld [tilespmem:s1+$0x13140]  }
0x2b5: {  	v30 =	vadd.f32 v5, v30;
	v23 =	vadd.f32 v7, v23;
	v5 =	vld [tilespmem:s1+$0x13150]  }
0x2b6: {  	v7 =	vadd.f32 v27, v15;
	v31 =	vadd.f32 v8, v61;
	v62 =	vld [tilespmem:s1+$0x13080]  }
0x2b7: {  	v21 =	vadd.f32 v13, v21;
	v8 =	vadd.f32 v28, v18;
	v18 =	vld [tilespmem:s1+$0x13090]  }
0x2b8: {  	v13 =	vadd.f32 v29, v16;
	v16 =	vld [tilespmem:s1+$0x13000];
	v7 =	vadd.f32 v25, v7  }
0x2b9: {  	v25 =	vld [tilespmem:s1+$0x13020];
	v15 =	vadd.f32 v34, v17;
	v8 =	vadd.f32 v26, v8  }
0x2ba: {  	v17 =	vld [tilespmem:s1+$0x13010];
	v13 =	vadd.f32 v35, v13;
	v4 =	vadd.f32 v4, v7  }
0x2bb: {  	v15 =	vadd.f32 v36, v15;
	v8 =	vadd.f32 v14, v8;
	v14 =	vld [tilespmem:s1+$0x13030]  }
0x2bc: {  	v27 =	vld [tilespmem:s1+$0x130B0];
	v13 =	vadd.f32 v37, v13;
	v7 =	vadd.f32 v0, v4  }
0x2bd: {  	v26 =	vld [tilespmem:s1+$0x130A0];
	v15 =	vadd.f32 v38, v15;
	v3 =	vadd.f32 v3, v8  }
0x2be: {  	v8 =	vld [tilespmem:s1+$0x130C0];
	v16 =	vadd.f32 v16, v30;
	v25 =	vadd.f32 v25, v31  }
0x2bf: {  	v4 =	vadd.f32 v39, v13;
	v23 =	vadd.f32 v17, v23;
	v13 =	vld [tilespmem:s1+$0x130D0]  }
0x2c0: {  	v0 =	vadd.f32 v40, v15;
	v15 =	vld [tilespmem:s1+$0x13040];
	v63 =	vadd.f32 v14, v21  }
0x2c1: {  	v17 =	vadd.f32 v62, v16;
	v16 =	vld [tilespmem:s1+$0x13060];
	v18 =	vadd.f32 v18, v23  }
0x2c2: {  	s0 =	simm.s32 $0x800;
	v14 =	vld [tilespmem:s1+$0x13050];
	v21 =	vadd.f32 v26, v25;
	v23 =	vadd.f32 v27, v63  }
.LBB2_23:
0x2c3: {  	p0 =	sne.s32 s0, $0xB800;
	v25 =	vld [tilespmem:s1+$0x13070];
	v17 =	vadd.f32 v22, v17;
	v18 =	vadd.f32 v24, v18  }
0x2c4: {  	v22 =	vld [tilespmem:s1+$0x130E0];
	v19 =	vadd.f32 v19, v21;
	v20 =	vadd.f32 v20, v23  }
0x2c5: {  	v21 =	vld [tilespmem:s1+$0x130F0];
	v17 =	vadd.f32 v6, v17;
	v18 =	vadd.f32 v9, v18  }
0x2c6: {  	v23 =	vld [tilespmem:s1+$0x13160];
	v26 =	vadd.f32 v10, v19;
	v27 =	vadd.f32 v12, v20  }
0x2c7: {  	v6 =	vadd.f32 v15, v7;
	v3 =	vadd.f32 v14, v3;
	v7 =	vld [tilespmem:s1+$0x13170]  }
0x2c8: {  	v4 =	vadd.f32 v16, v4;
	v0 =	vadd.f32 v25, v0;
	v14 =	vld [tilespmem:s1+$0x131E0]  }
0x2c9: {  	v8 =	vadd.f32 v8, v6;
	v3 =	vadd.f32 v13, v3;
	v13 =	vld [tilespmem:s1+$0x131F0];
	s1 =	sshra.s32 s0, $0x2  }
0x2ca: {  	v4 =	vadd.f32 v22, v4;
	v6 =	vld [tilespmem:s1+$0x13180];
	v0 =	vadd.f32 v21, v0  }
0x2cb: {  	v8 =	vadd.f32 v11, v8;
	v3 =	vadd.f32 v5, v3;
	v9 =	vld [tilespmem:s1+$0x13190]  }
0x2cc: {  	v4 =	vadd.f32 v23, v4;
	v10 =	vld [tilespmem:s1+$0x131A0];
	v0 =	vadd.f32 v7, v0  }
0x2cd: {  	v7 =	vadd.f32 v1, v8;
	v3 =	vadd.f32 v2, v3;
	v12 =	vld [tilespmem:s1+$0x131B0]  }
0x2ce: {  	v4 =	vadd.f32 v14, v4;
	v1 =	vld [tilespmem:s1+$0x131C0];
	v0 =	vadd.f32 v13, v0  }
0x2cf: {  	v2 =	vld [tilespmem:s1+$0x131D0]  }
0x2d0: {  	v22 =	vld [tilespmem:s1+$0x13100]  }
0x2d1: {  	v24 =	vld [tilespmem:s1+$0x13110]  }
0x2d2: {  	v19 =	vld [tilespmem:s1+$0x13120]  }
0x2d3: {  	v20 =	vld [tilespmem:s1+$0x13130]  }
0x2d4: {  	v11 =	vld [tilespmem:s1+$0x13140]  }
0x2d5: {  	v5 =	vld [tilespmem:s1+$0x13150]  }
0x2d6: {  	v16 =	vld [tilespmem:s1+$0x13080]  }
0x2d7: {  	v21 =	vld [tilespmem:s1+$0x13090]  }
0x2d8: {  	v13 =	vld [tilespmem:s1+$0x13000]  }
0x2d9: {  	v14 =	vld [tilespmem:s1+$0x13010]  }
0x2da: {  	v15 =	vld [tilespmem:s1+$0x13020]  }
0x2db: {  	v23 =	vld [tilespmem:s1+$0x13030]  }
0x2dc: {  	v25 =	vld [tilespmem:s1+$0x130A0]  }
0x2dd: {  	v28 =	vld [tilespmem:s1+$0x130B0]  }
.Ltmp11:
0x2de: {  	v8 =	vld [tilespmem:s1+$0x130C0];
	(pc) =	sbr.rel @p0 .LBB2_23-.Ltmp11, $4  }
0x2df: {  	v17 =	vadd.f32 v13, v17;
	v18 =	vadd.f32 v14, v18;
	v13 =	vld [tilespmem:s1+$0x130D0]  }
0x2e0: {  	v26 =	vadd.f32 v15, v26;
	v23 =	vadd.f32 v23, v27;
	v15 =	vld [tilespmem:s1+$0x13040]  }
0x2e1: {  	v17 =	vadd.f32 v16, v17;
	v18 =	vadd.f32 v21, v18;
	v14 =	vld [tilespmem:s1+$0x13050]  }
0x2e2: {  	s0 =	sadd.s32 $0x800, s0;
	v21 =	vadd.f32 v25, v26;
	v16 =	vld [tilespmem:s1+$0x13060];
	v23 =	vadd.f32 v28, v23  }
0x2e3: {  	v17 =	vadd.f32 v22, v17;
	v18 =	vadd.f32 v24, v18  }
0x2e4: {  	v53 =	vld [tilespmem:s1+$0x13070];
	v19 =	vadd.f32 v19, v21;
	v20 =	vadd.f32 v20, v23  }
0x2e5: {  	v54 =	vld [tilespmem:s1+$0x130E0];
	v6 =	vadd.f32 v6, v17;
	v9 =	vadd.f32 v9, v18  }
0x2e6: {  	v55 =	vld [tilespmem:s1+$0x130F0];
	v7 =	vadd.f32 v15, v7;
	v10 =	vadd.f32 v10, v19  }
0x2e7: {  	v56 =	vld [tilespmem:s1+$0x13160];
	v12 =	vadd.f32 v12, v20;
	v3 =	vadd.f32 v14, v3  }
0x2e8: {  	v57 =	vld [tilespmem:s1+$0x13170];
	v4 =	vadd.f32 v16, v4;
	v7 =	vadd.f32 v8, v7  }
0x2e9: {  	v58 =	vld [tilespmem:s1+$0x131E0];
	v0 =	vadd.f32 v53, v0;
	v3 =	vadd.f32 v13, v3  }
0x2ea: {  	v59 =	vld [tilespmem:s1+$0x131F0];
	v6 =	vmul.f32 $4.999999890e-03, v6;
	v4 =	vadd.f32 v54, v4;
	v7 =	vadd.f32 v11, v7  }
0x2eb: {  	v60 =	vmul.f32 $4.999999890e-03, v9;
	v0 =	vadd.f32 v55, v0;
	v3 =	vadd.f32 v5, v3  }
0x2ec: {  	v61 =	vmul.f32 $4.999999890e-03, v10;
	[tilespmem:$0x1CF80] =	vst v6;
	v4 =	vadd.f32 v56, v4;
	v1 =	vadd.f32 v1, v7  }
0x2ed: {  	v62 =	vmul.f32 $4.999999890e-03, v12;
	[tilespmem:$0x1CF90] =	vst v60;
	v0 =	vadd.f32 v57, v0;
	v2 =	vadd.f32 v2, v3  }
0x2ee: {  	[tilespmem:$0x1CFA0] =	vst v61;
	v4 =	vadd.f32 v58, v4;
	v1 =	vmul.f32 $4.999999890e-03, v1  }
0x2ef: {  	[tilespmem:$0x1CFB0] =	vst v62;
	v0 =	vadd.f32 v59, v0;
	v2 =	vmul.f32 $4.999999890e-03, v2  }
0x2f0: {  	[tilespmem:$0x1CFC0] =	vst v1;
	v63 =	vmul.f32 $4.999999890e-03, v4  }
0x2f1: {  	s28 =	sadd.s32 $0x1, s28;
	[tilespmem:$0x1CFD0] =	vst v2;
	v0 =	vmul.f32 $4.999999890e-03, v0  }
0x2f2: {  	p0 =	sne.s32 s28, s6;
	[tilespmem:$0x1CFE0] =	vst v63  }
.Ltmp12:
0x2f3: {  	[tilespmem:$0x1CFF0] =	vst v0;
	(pc) =	sbr.rel @p0 .LBB2_1-.Ltmp12, $4  }
0x2f4: {  	[hbm4b:s5+s3] =	stream.linear.scatter [tilespmem:s26], [sflag:$0x7], $0x4000, $0x38;
	[tilespmem:$0x1D000] =	vst v63  }
0x2f5: {  	_ =	swait.ge [sflag:s7], $0x4000  }
0x2f6: {  	[sflag:s7] =	ssyncset.done $0x0  }
0x2f7: {  	[sflag:s7] =	ssyncadd.s32 $0xFFFFC000  }
0x2f8: {  	_ =	sfence.sel $0x180000  }
0x2f9: {  	[bflag:$0x0] =	sbarrier.arrive $0xFFFF  }
0x2fa: {  	_ =	strace $0x90000047  }
0x2fb: {  	s0 =	stileid.u32;
	[bflag:$0x2] =	sbarrier.arrive $0xFFFF  }
0x2fc: {  	p0 =	sne.s32 s0, $0x0;
	s0 =	rddreg [dreg:$0x2]  }
0x2fd: {  	s0 =	sadd.s32 @!p0 $0x100000, s0  }
0x2fe: {  	[sflag:s0] =	ssyncadd.tile.s32 @!p0 $0x1;
	_ =	shalt  }
.Lfunc_end2:
_tile_overlayer_lowered:
.L_overlay_start_2:
0x2ff: {  	(tag) =	ssettag $0x2  }
0x300: {  	s0 =	rddreg [dreg:$0x0];
	s2 =	stileid.u32  }
0x301: {  	s1 =	rddreg [dreg:$0x1];
	p0 =	sne.s32 s2, $0x0  }
0x302: {  	s3 =	rddreg [dreg:$0x2];
	[bflag:$0x3] =	sbarrier.arrive $0xFFFF;
	s2 =	simm.s32 @!p0 $0x1C07  }
0x303: {  	[timem:s3], [sflag:s2] =	dma.local @!p0 [hbm:s0], s1  }
0x304: {  	s0 =	simm.s32 @!p0 $0x7  }
0x305: {  	_ =	swait.ge @!p0 [sflag:s0], s1  }
0x306: {  	s1 =	ssub.s32 @!p0 $0x0, s1;
	[sflag:s0] =	ssyncset.done @!p0 $0x0  }
0x307: {  	[sflag:s0] =	ssyncadd.s32 @!p0 s1  }
0x308: {  	[bflag:$0x3] =	sbarrier.arrive $0xFFFF  }
0x309: {  	_ =	shalt  }

</sc_bundles>
